<compile_context>
chip_gen: v7x
topology: tpu7x:2x2x1
jax: 0.10.2.dev20260603
libtpu: 0.0.44.dev20260713+nightly
codegen_flags: <defaults>
</compile_context>

<pallas_src>
import functools

import jax
import jax.numpy as jnp
from jax import lax
from jax.experimental import pallas as pl
from jax.experimental.pallas import tpu as pltpu
from jax.experimental.pallas import tpu_sc as plsc

NPOINT = 512
RADIUS = 0.2
NSAMPLE = 32
CF = 48


def _fps_body(xs_ref, ys_ref, zs_ref,
              nx_ref, ny_ref, nz_ref,
              qx_ref, qy_ref, qz_ref, p2_ref,
              qcx_ref, qcy_ref, qcz_ref, qc2_ref,
              dist_ref):
    B, N = xs_ref.shape
    xs = xs_ref[...]
    ys = ys_ref[...]
    zs = zs_ref[...]
    iota = lax.broadcasted_iota(jnp.int32, (B, N), 1)
    iota_s = lax.broadcasted_iota(jnp.int32, (B, NPOINT), 1)
    dist_ref[...] = jnp.full((B, N), 1e10, dtype=jnp.float32)

    def body(i, carry):
        far, cxs, cys, czs = carry
        oh = iota == far[:, None]
        cx = jnp.sum(jnp.where(oh, xs, 0.0), axis=1)
        cy = jnp.sum(jnp.where(oh, ys, 0.0), axis=1)
        cz = jnp.sum(jnp.where(oh, zs, 0.0), axis=1)
        sel = iota_s == i
        cxs = jnp.where(sel, cx[:, None], cxs)
        cys = jnp.where(sel, cy[:, None], cys)
        czs = jnp.where(sel, cz[:, None], czs)
        dx = xs - cx[:, None]
        dy = ys - cy[:, None]
        dz = zs - cz[:, None]
        dd = (dx * dx + dy * dy) + dz * dz
        nd = jnp.minimum(dist_ref[...], dd)
        dist_ref[...] = nd
        m = jnp.max(nd, axis=1, keepdims=True)
        far = jnp.min(jnp.where(nd == m, iota, N), axis=1).astype(jnp.int32)
        return (far, cxs, cys, czs)

    zero_s = jnp.zeros((B, NPOINT), jnp.float32)
    _, cxs, cys, czs = lax.fori_loop(
        0, NPOINT, body,
        (jnp.zeros((B,), jnp.int32), zero_s, zero_s, zero_s))
    nx_ref[...] = cxs
    ny_ref[...] = cys
    nz_ref[...] = czs

    qx_ref[...] = xs.astype(jnp.bfloat16).astype(jnp.float32)
    qy_ref[...] = ys.astype(jnp.bfloat16).astype(jnp.float32)
    qz_ref[...] = zs.astype(jnp.bfloat16).astype(jnp.float32)
    p2_ref[...] = (xs * xs + ys * ys) + zs * zs

    nx = nx_ref[...]
    ny = ny_ref[...]
    nz = nz_ref[...]
    qcx_ref[...] = nx.astype(jnp.bfloat16).astype(jnp.float32)
    qcy_ref[...] = ny.astype(jnp.bfloat16).astype(jnp.float32)
    qcz_ref[...] = nz.astype(jnp.bfloat16).astype(jnp.float32)
    qc2_ref[...] = (nx * nx + ny * ny) + nz * nz


def _run_fps(xs, ys, zs):
    B, N = xs.shape
    S = NPOINT
    f32 = jnp.float32
    outs = [
        jax.ShapeDtypeStruct((B, S), f32),
        jax.ShapeDtypeStruct((B, S), f32),
        jax.ShapeDtypeStruct((B, S), f32),
        jax.ShapeDtypeStruct((B, N), f32),
        jax.ShapeDtypeStruct((B, N), f32),
        jax.ShapeDtypeStruct((B, N), f32),
        jax.ShapeDtypeStruct((B, N), f32),
        jax.ShapeDtypeStruct((B, S), f32),
        jax.ShapeDtypeStruct((B, S), f32),
        jax.ShapeDtypeStruct((B, S), f32),
        jax.ShapeDtypeStruct((B, S), f32),
    ]
    return pl.pallas_call(
        _fps_body,
        out_shape=outs,
        scratch_shapes=[pltpu.VMEM((B, N), f32)],
    )(xs, ys, zs)


_NBUF = 4
_GROUPS = 4


def _sc_body(qx_hbm, qy_hbm, qz_hbm, p2_hbm,
             qcx_hbm, qcy_hbm, qcz_hbm, qc2_hbm,
             nx_hbm, ny_hbm, nz_hbm, feat_hbm,
             out_hbm,
             qxb, qyb, qzb, p2b,
             cxb, cyb, czb, c2b, rxb, ryb, rzb,
             idxbig, idxg, rows, gsem, wsem):
    B, N = 4, 8192
    S = NPOINT
    NC = 2
    L = 16
    thr = jnp.float32(RADIUS ** 2)

    wid = lax.axis_index("s") * NC + lax.axis_index("c")
    rows_per_w = (B * S) // 32
    w_per_b = S // rows_per_w
    b = wid // w_per_b
    j = wid % w_per_b
    boff = b * N

    pltpu.sync_copy(qx_hbm.at[b], qxb)
    pltpu.sync_copy(qy_hbm.at[b], qyb)
    pltpu.sync_copy(qz_hbm.at[b], qzb)
    pltpu.sync_copy(p2_hbm.at[b], p2b)
    s0 = j * rows_per_w
    pltpu.sync_copy(qcx_hbm.at[b, pl.ds(s0, rows_per_w)], cxb)
    pltpu.sync_copy(qcy_hbm.at[b, pl.ds(s0, rows_per_w)], cyb)
    pltpu.sync_copy(qcz_hbm.at[b, pl.ds(s0, rows_per_w)], czb)
    pltpu.sync_copy(qc2_hbm.at[b, pl.ds(s0, rows_per_w)], c2b)
    pltpu.sync_copy(nx_hbm.at[b, pl.ds(s0, rows_per_w)], rxb)
    pltpu.sync_copy(ny_hbm.at[b, pl.ds(s0, rows_per_w)], ryb)
    pltpu.sync_copy(nz_hbm.at[b, pl.ds(s0, rows_per_w)], rzb)

    iota = lax.iota(jnp.int32, L)

    def scan_row(i, bb):
        iv = jnp.full((L,), i, jnp.int32)
        bx = plsc.load_gather(cxb, [iv])
        by = plsc.load_gather(cyb, [iv])
        bz = plsc.load_gather(czb, [iv])
        bc2 = plsc.load_gather(c2b, [iv])

        def cond(carry):
            base, count = carry
            return jnp.logical_and(count < NSAMPLE, base < N)

        def step(carry):
            base, count = carry
            off = count
            for g in range(_GROUPS):
                bb_ = base + g * L
                px = qxb[pl.ds(bb_, L)]
                py = qyb[pl.ds(bb_, L)]
                pz = qzb[pl.ds(bb_, L)]
                p2v = p2b[pl.ds(bb_, L)]
                mm = (bx * px + by * py) + bz * pz
                dd = (-2.0 * mm + bc2) + p2v
                m = dd <= thr
                idxvals = (boff + bb_) + iota
                plsc.store_compressed(idxbig.at[pl.ds(off, L)], idxvals,
                                      mask=m)
                pc = plsc.all_reduce_population_count(m)[0]
                off = off + pc
            return (base + _GROUPS * L, off)

        _, count = lax.while_loop(cond, step, (jnp.int32(0), jnp.int32(0)))

        firstv = plsc.load_gather(idxbig, [jnp.zeros((L,), jnp.int32)])
        for h in range(0, NSAMPLE, L):
            sl = iota + h
            plsc.store_scatter(idxbig, [sl], firstv, mask=sl >= count)
            idxg[bb][pl.ds(h, L)] = idxbig[pl.ds(h, L)]

    def center_row(i, bb):
        iv = jnp.full((L,), i, jnp.int32)
        rbx = plsc.load_gather(rxb, [iv])
        rby = plsc.load_gather(ryb, [iv])
        rbz = plsc.load_gather(rzb, [iv])
        cvec = (jnp.where(iota == 0, rbx, 0.0)
                + jnp.where(iota == 1, rby, 0.0)
                + jnp.where(iota == 2, rbz, 0.0))
        for jj in range(NSAMPLE):
            jv = jnp.full((L,), jj, jnp.int32)
            v = plsc.load_gather(rows[bb], [jv, iota])
            plsc.store_scatter(rows[bb], [jv, iota], v - cvec)

    def grow(i):
        return (b * S + j) + 8 * i

    def outer(k, _):
        for bb in range(_NBUF):
            i = k * _NBUF + bb

            @pl.when(k > 0)
            def _():
                pltpu.make_async_copy(rows[bb], out_hbm.at[grow(i)],
                                      wsem[bb]).wait()

            scan_row(i, bb)
            pltpu.async_copy(feat_hbm.at[idxg[bb]], rows[bb], gsem[bb])

            pb = (bb - 1) % _NBUF
            ip = i - 1

            @pl.when(ip >= 0)
            def _():
                pltpu.make_async_copy(feat_hbm.at[idxg[pb]], rows[pb],
                                      gsem[pb]).wait()
                center_row(ip, pb)
                pltpu.async_copy(rows[pb], out_hbm.at[grow(ip)], wsem[pb])
        return 0

    nouter = rows_per_w // _NBUF
    lax.fori_loop(0, nouter, outer, 0)

    last = rows_per_w - 1
    lb = _NBUF - 1
    pltpu.make_async_copy(feat_hbm.at[idxg[lb]], rows[lb], gsem[lb]).wait()
    center_row(last, lb)
    pltpu.async_copy(rows[lb], out_hbm.at[grow(last)], wsem[lb])
    for bb in range(_NBUF):
        pltpu.make_async_copy(rows[bb], out_hbm.at[0], wsem[bb]).wait()


def _run_sc(qx, qy, qz, p2, qcx, qcy, qcz, qc2, nx, ny, nz, feat2d):
    B, N = qx.shape
    S = NPOINT
    f32 = jnp.float32
    i32 = jnp.int32
    rows_per_w = (B * S) // 32
    mesh = plsc.VectorSubcoreMesh(core_axis_name="c", subcore_axis_name="s")
    grouped = pl.kernel(
        _sc_body,
        out_type=jax.ShapeDtypeStruct((B * S, NSAMPLE, CF), f32),
        mesh=mesh,
        compiler_params=pltpu.CompilerParams(needs_layout_passes=False,
                                              use_tc_tiling_on_sc=False),
        scratch_types=[
            pltpu.VMEM((N,), f32), pltpu.VMEM((N,), f32),
            pltpu.VMEM((N,), f32), pltpu.VMEM((N,), f32),
            pltpu.VMEM((rows_per_w,), f32), pltpu.VMEM((rows_per_w,), f32),
            pltpu.VMEM((rows_per_w,), f32), pltpu.VMEM((rows_per_w,), f32),
            pltpu.VMEM((rows_per_w,), f32), pltpu.VMEM((rows_per_w,), f32),
            pltpu.VMEM((rows_per_w,), f32),
            pltpu.VMEM((128,), i32),
            [pltpu.VMEM((NSAMPLE,), i32) for _ in range(_NBUF)],
            [pltpu.VMEM((NSAMPLE, CF), f32) for _ in range(_NBUF)],
            [pltpu.SemaphoreType.DMA for _ in range(_NBUF)],
            [pltpu.SemaphoreType.DMA for _ in range(_NBUF)],
        ],
    )(qx, qy, qz, p2, qcx, qcy, qcz, qc2, nx, ny, nz, feat2d)
    return grouped


_MLP_CHUNK = 8192


def _bn_scale_shift(stats, g, be, cnt):
    eps = jnp.float32(1e-5)
    mean = stats[0:1, :] / cnt
    var = stats[1:2, :] / cnt - (stats[0:1, :] / cnt) ** 2
    scale = g[None, :] / jnp.sqrt(var + eps)
    shift = be[None, :] - mean * scale
    return scale, shift


def _layer_body(pre_norm, M, x_ref, ps_ref, pg_ref, pb_ref, w_ref, b_ref,
                y_ref, stats_ref):
    i = pl.program_id(0)
    x = x_ref[...]
    if pre_norm:
        scale, shift = _bn_scale_shift(ps_ref[...], pg_ref[...], pb_ref[...],
                                       jnp.float32(M))
        x = jnp.maximum(x * scale + shift, 0.0)
    y = jnp.dot(x.astype(jnp.bfloat16), w_ref[...].astype(jnp.bfloat16),
                preferred_element_type=jnp.float32) + b_ref[...][None, :]
    y_ref[...] = y
    s = jnp.concatenate([jnp.sum(y, axis=0, keepdims=True),
                         jnp.sum(y * y, axis=0, keepdims=True)], axis=0)

    @pl.when(i == 0)
    def _():
        stats_ref[...] = jnp.zeros_like(stats_ref)
    stats_ref[...] += s


def _run_layer(x, w, b, prev=None):
    M, Cin = x.shape
    Co = w.shape[1]
    f32 = jnp.float32
    nchunk = M // _MLP_CHUNK
    pre_norm = prev is not None
    if prev is None:
        prev = (jnp.zeros((2, Cin), f32), jnp.zeros((Cin,), f32),
                jnp.zeros((Cin,), f32))
    ps, pg, pb = prev
    grid = (nchunk,)
    y, stats = pl.pallas_call(
        functools.partial(_layer_body, pre_norm, M),
        grid=grid,
        in_specs=[
            pl.BlockSpec((_MLP_CHUNK, Cin), lambda i: (i, 0)),
            pl.BlockSpec((2, Cin), lambda i: (0, 0)),
            pl.BlockSpec((Cin,), lambda i: (0,)),
            pl.BlockSpec((Cin,), lambda i: (0,)),
            pl.BlockSpec((Cin, Co), lambda i: (0, 0)),
            pl.BlockSpec((Co,), lambda i: (0,)),
        ],
        out_specs=[
            pl.BlockSpec((_MLP_CHUNK, Co), lambda i: (i, 0)),
            pl.BlockSpec((2, Co), lambda i: (0, 0)),
        ],
        out_shape=[
            jax.ShapeDtypeStruct((M, Co), f32),
            jax.ShapeDtypeStruct((2, Co), f32),
        ],
    )(x, ps, pg, pb, w, b)
    return y, stats


def _pool_body(M, y_ref, ps_ref, pg_ref, pb_ref, out_ref):
    scale, shift = _bn_scale_shift(ps_ref[...], pg_ref[...], pb_ref[...],
                                   jnp.float32(M))
    z = jnp.maximum(y_ref[...] * scale + shift, 0.0)
    npc = z.shape[0] // NSAMPLE
    out_ref[...] = jnp.max(z.reshape(npc, NSAMPLE, z.shape[1]), axis=1)


def _run_pool(y, stats, g, be):
    M, Co = y.shape
    f32 = jnp.float32
    nchunk = M // _MLP_CHUNK
    npc = _MLP_CHUNK // NSAMPLE
    return pl.pallas_call(
        functools.partial(_pool_body, M),
        grid=(nchunk,),
        in_specs=[
            pl.BlockSpec((_MLP_CHUNK, Co), lambda i: (i, 0)),
            pl.BlockSpec((2, Co), lambda i: (0, 0)),
            pl.BlockSpec((Co,), lambda i: (0,)),
            pl.BlockSpec((Co,), lambda i: (0,)),
        ],
        out_specs=pl.BlockSpec((npc, Co), lambda i: (i, 0)),
        out_shape=jax.ShapeDtypeStruct((M // NSAMPLE, Co), f32),
    )(y, stats, g, be)


def _run_mlp(g2d, w0p, b0, g0, be0, w1p, b1, g1, be1, w2p, b2, g2, be2):
    y0, s0 = _run_layer(g2d, w0p, b0)
    y1, s1 = _run_layer(y0, w1p, b1, prev=(s0, g0, be0))
    y2, s2 = _run_layer(y1, w2p, b2, prev=(s1, g1, be1))
    return _run_pool(y2, s2, g2, be2)


def kernel(xyz, points, W0, b0, gamma0, beta0, W1, b1, gamma1, beta1,
           W2, b2, gamma2, beta2):
    B, N, _ = xyz.shape
    S = NPOINT
    xs = xyz[:, :, 0]
    ys = xyz[:, :, 1]
    zs = xyz[:, :, 2]

    (nx, ny, nz, qx, qy, qz, p2,
     qcx, qcy, qcz, qc2) = _run_fps(xs, ys, zs)

    C = points.shape[-1]
    feat = jnp.concatenate(
        [xyz, points,
         jnp.zeros((B, N, CF - 3 - C), jnp.float32)], axis=-1)
    feat2d = feat.reshape(B * N, CF)

    def _il(a):
        return a.reshape(B, S // 8, 8).transpose(0, 2, 1).reshape(B, S)

    grouped = _run_sc(qx, qy, qz, p2, _il(qcx), _il(qcy), _il(qcz), _il(qc2),
                      _il(nx), _il(ny), _il(nz), feat2d)
    g2d = grouped.reshape(B * S * NSAMPLE, CF)

    w0p = jnp.zeros((CF, W0.shape[0]), jnp.float32).at[:3 + C].set(W0.T)
    w1p = W1.T
    w2p = W2.T

    nf2d = _run_mlp(g2d, w0p, b0, gamma0, beta0, w1p, b1, gamma1, beta1,
                    w2p, b2, gamma2, beta2)

    new_xyz = jnp.stack([nx, ny, nz], axis=-1)
    new_features = nf2d.reshape(B, S, W2.shape[0])
    return (new_xyz, new_features)

# --- scband reference (transcript-rebuilt; emitter-appended) ---
"""Pipeline reference for scband-point-net-set-abstraction-3143916061381 (READ-ONLY COPY).

The authoritative reference and input builder live on the scoring server;
editing this copy changes nothing except your own understanding.
"""

import jax, jax.numpy as jnp
import numpy as np

NPOINT = 512
RADIUS = 0.2
NSAMPLE = 32

def farthest_point_sample(xyz, npoint):
    B, N, _ = xyz.shape
    bidx = jnp.arange(B)
    def body(i, state):
        centroids, distance, farthest = state
        centroids = centroids.at[:, i].set(farthest)
        centroid = xyz[bidx, farthest][:, None, :]
        dist = jnp.sum((xyz - centroid) ** 2, axis=-1)
        distance = jnp.minimum(distance, dist)
        farthest = jnp.argmax(distance, axis=-1).astype(jnp.int32)
        return (centroids, distance, farthest)
    init = (jnp.zeros((B, npoint), jnp.int32),
            jnp.full((B, N), 1e10, dtype=jnp.float32),
            jnp.zeros((B,), jnp.int32))
    centroids, _, _ = jax.lax.fori_loop(0, npoint, body, init)
    return centroids

def index_points(points, idx):
    return jax.vmap(lambda p, i: p[i])(points, idx)

def square_distance(src, dst):
    dist = -2.0 * jnp.matmul(src, jnp.transpose(dst, (0, 2, 1)))
    dist = dist + jnp.sum(src ** 2, axis=-1)[:, :, None]
    dist = dist + jnp.sum(dst ** 2, axis=-1)[:, None, :]
    return dist

def query_ball_point(radius, nsample, xyz, new_xyz):
    B, N, _ = xyz.shape
    S = new_xyz.shape[1]
    group_idx = jnp.broadcast_to(jnp.arange(N, dtype=jnp.int32)[None, None, :], (B, S, N))
    sqrdists = square_distance(new_xyz, xyz)
    group_idx = jnp.where(sqrdists > radius ** 2, jnp.int32(N), group_idx)
    group_idx = jnp.sort(group_idx, axis=-1)[:, :, :nsample]
    group_first = jnp.broadcast_to(group_idx[:, :, :1], group_idx.shape)
    group_idx = jnp.where(group_idx == N, group_first, group_idx)
    return group_idx

def mlp_apply(x, params):
    # x: (B, C, S, K); Conv2d 1x1 + BatchNorm2d (training-mode batch stats) + ReLU
    for (W, b, gamma, beta) in params:
        x = jnp.einsum('bcsk,oc->bosk', x, W) + b[None, :, None, None]
        mean = jnp.mean(x, axis=(0, 2, 3), keepdims=True)
        var = jnp.var(x, axis=(0, 2, 3), keepdims=True)
        x = (x - mean) / jnp.sqrt(var + 1e-5)
        x = x * gamma[None, :, None, None] + beta[None, :, None, None]
        x = jnp.maximum(x, 0.0)
    return x

def setup_inputs(seed: int = 0):
    key = jax.random.key(seed)
    ks = jax.random.split(key, 8)
    B, N, C = 4, 8192, 32
    xyz = jax.random.uniform(ks[0], (B, N, 3), dtype=jnp.float32)
    points = jax.random.normal(ks[1], (B, N, C), dtype=jnp.float32)
    dims = [C + 3, 32, 32, 64]
    inp = {'xyz': xyz, 'points': points}
    for li in range(3):
        cin, cout = dims[li], dims[li + 1]
        inp['W%d' % li] = jax.random.normal(ks[2 + li], (cout, cin), dtype=jnp.float32) * (1.0 / np.sqrt(cin))
        inp['b%d' % li] = jnp.zeros((cout,), jnp.float32)
        inp['gamma%d' % li] = jnp.ones((cout,), jnp.float32)
        inp['beta%d' % li] = jnp.zeros((cout,), jnp.float32)
    return inp

def reference(xyz, points, W0, b0, gamma0, beta0, W1, b1, gamma1, beta1, W2, b2, gamma2, beta2):
    fps_idx = farthest_point_sample(xyz, NPOINT)
    new_xyz = index_points(xyz, fps_idx)
    group_idx = query_ball_point(RADIUS, NSAMPLE, xyz, new_xyz)
    grouped_xyz = index_points(xyz, group_idx)
    grouped_xyz_norm = grouped_xyz - new_xyz[:, :, None, :]
    grouped_points = index_points(points, group_idx)
    new_features = jnp.concatenate([grouped_xyz_norm, grouped_points], axis=-1)
    new_features = jnp.transpose(new_features, (0, 3, 1, 2))
    params = [(W0, b0, gamma0, beta0), (W1, b1, gamma1, beta1), (W2, b2, gamma2, beta2)]
    new_features = mlp_apply(new_features, params)
    new_features = jnp.max(new_features, axis=-1)
    new_features = jnp.transpose(new_features, (0, 2, 1))
    return (new_xyz, new_features)

if __name__ == "__main__":
    import jax
    _d = setup_inputs()
    print(jax.jit(kernel)(*tuple(_d.values())))

</pallas_src>

<mosaic_0001>
#map = affine_map<(d0, d1) -> (0, 0)>
#map1 = affine_map<(d0, d1) -> (0, 0, 0)>
module attributes {stable_mosaic.version = 14 : i64} {
  func.func @_sc_body(%arg0: i32, %arg1: i32, %arg2: memref<4x8192xf32, #tpu.memory_space<hbm>>, %arg3: memref<4x8192xf32, #tpu.memory_space<hbm>>, %arg4: memref<4x8192xf32, #tpu.memory_space<hbm>>, %arg5: memref<4x8192xf32, #tpu.memory_space<hbm>>, %arg6: memref<4x512xf32, #tpu.memory_space<hbm>>, %arg7: memref<4x512xf32, #tpu.memory_space<hbm>>, %arg8: memref<4x512xf32, #tpu.memory_space<hbm>>, %arg9: memref<4x512xf32, #tpu.memory_space<hbm>>, %arg10: memref<4x512xf32, #tpu.memory_space<hbm>>, %arg11: memref<4x512xf32, #tpu.memory_space<hbm>>, %arg12: memref<4x512xf32, #tpu.memory_space<hbm>>, %arg13: memref<32768x48xf32, #tpu.memory_space<hbm>>, %arg14: memref<2048x32x48xf32, #tpu.memory_space<hbm>>, %arg15: memref<8192xf32, #tpu.memory_space<vmem>>, %arg16: memref<8192xf32, #tpu.memory_space<vmem>>, %arg17: memref<8192xf32, #tpu.memory_space<vmem>>, %arg18: memref<8192xf32, #tpu.memory_space<vmem>>, %arg19: memref<64xf32, #tpu.memory_space<vmem>>, %arg20: memref<64xf32, #tpu.memory_space<vmem>>, %arg21: memref<64xf32, #tpu.memory_space<vmem>>, %arg22: memref<64xf32, #tpu.memory_space<vmem>>, %arg23: memref<64xf32, #tpu.memory_space<vmem>>, %arg24: memref<64xf32, #tpu.memory_space<vmem>>, %arg25: memref<64xf32, #tpu.memory_space<vmem>>, %arg26: memref<128xi32, #tpu.memory_space<vmem>>, %arg27: memref<32xi32, #tpu.memory_space<vmem>>, %arg28: memref<32xi32, #tpu.memory_space<vmem>>, %arg29: memref<32xi32, #tpu.memory_space<vmem>>, %arg30: memref<32xi32, #tpu.memory_space<vmem>>, %arg31: memref<32x48xf32, #tpu.memory_space<vmem>>, %arg32: memref<32x48xf32, #tpu.memory_space<vmem>>, %arg33: memref<32x48xf32, #tpu.memory_space<vmem>>, %arg34: memref<32x48xf32, #tpu.memory_space<vmem>>, %arg35: memref<!tpu.dma_semaphore, #tpu.memory_space<semaphore_mem>>, %arg36: memref<!tpu.dma_semaphore, #tpu.memory_space<semaphore_mem>>, %arg37: memref<!tpu.dma_semaphore, #tpu.memory_space<semaphore_mem>>, %arg38: memref<!tpu.dma_semaphore, #tpu.memory_space<semaphore_mem>>, %arg39: memref<!tpu.dma_semaphore, #tpu.memory_space<semaphore_mem>>, %arg40: memref<!tpu.dma_semaphore, #tpu.memory_space<semaphore_mem>>, %arg41: memref<!tpu.dma_semaphore, #tpu.memory_space<semaphore_mem>>, %arg42: memref<!tpu.dma_semaphore, #tpu.memory_space<semaphore_mem>>) attributes {dimension_semantics = [#tpu.dimension_semantics<core_parallel>, #tpu.dimension_semantics<subcore_parallel>], iteration_bounds = array<i64: 2, 16>, scalar_prefetch = 0 : i64, scratch_operands = 28 : i64, tpu.core_type = #tpu.core_type<sc_vector_subcore>, window_params = [{transform_indices = #map}, {transform_indices = #map}, {transform_indices = #map}, {transform_indices = #map}, {transform_indices = #map}, {transform_indices = #map}, {transform_indices = #map}, {transform_indices = #map}, {transform_indices = #map}, {transform_indices = #map}, {transform_indices = #map}, {transform_indices = #map}, {transform_indices = #map1}]} {
    %mul3A = arith.constant 2 : i32
    %mul3A_0 = arith.muli %arg1, %mul3A : i32
    %add3A = arith.addi %mul3A_0, %arg0 : i32
    %jit3A = arith.constant 8 : i32
    %div3A = arith.divsi %add3A, %jit3A : i32
    %sign3A = arith.constant 0 : i32
    %sign3A_1 = arith.cmpi sgt, %add3A, %sign3A : i32
    %sign3A_2 = arith.extui %sign3A_1 : i1 to i32
    %sign3A_3 = arith.constant 0 : i32
    %sign3A_4 = arith.cmpi slt, %add3A, %sign3A_3 : i32
    %sign3A_5 = arith.extui %sign3A_4 : i1 to i32
    %sign3A_6 = arith.subi %sign3A_2, %sign3A_5 : i32
    %sign3A_7 = arith.constant 0 : i32
    %sign3A_8 = arith.cmpi sgt, %jit3A, %sign3A_7 : i32
    %sign3A_9 = arith.extui %sign3A_8 : i1 to i32
    %sign3A_10 = arith.constant 0 : i32
    %sign3A_11 = arith.cmpi slt, %jit3A, %sign3A_10 : i32
    %sign3A_12 = arith.extui %sign3A_11 : i1 to i32
    %sign3A_13 = arith.subi %sign3A_9, %sign3A_12 : i32
    %ne3A = arith.cmpi ne, %sign3A_6, %sign3A_13 : i32
    %rem3A = arith.remsi %add3A, %jit3A : i32
    %ne3A_14 = arith.constant 0 : i32
    %ne3A_15 = arith.cmpi ne, %rem3A, %ne3A_14 : i32
    %and3A = arith.andi %ne3A, %ne3A_15 : i1
    %sub3A = arith.constant 1 : i32
    %sub3A_16 = arith.subi %div3A, %sub3A : i32
    %select_n3A = arith.select %and3A, %sub3A_16, %div3A : i32
    %jit3A_17 = arith.constant 8 : i32
    %eq3A = arith.constant 0 : i32
    %eq3A_18 = arith.cmpi eq, %jit3A_17, %eq3A : i32
    %jit3A_19 = arith.constant 1 : i32
    %select_n3A_20 = arith.select %eq3A_18, %jit3A_19, %jit3A_17 : i32
    %rem3A_21 = arith.remsi %add3A, %select_n3A_20 : i32
    %ne3A_22 = arith.constant 0 : i32
    %ne3A_23 = arith.cmpi ne, %rem3A_21, %ne3A_22 : i32
    %lt3A = arith.constant 0 : i32
    %lt3A_24 = arith.cmpi slt, %rem3A_21, %lt3A : i32
    %lt3A_25 = arith.constant 0 : i32
    %lt3A_26 = arith.cmpi slt, %select_n3A_20, %lt3A_25 : i32
    %ne3A_27 = arith.xori %lt3A_24, %lt3A_26 : i1
    %and3A_28 = arith.andi %ne3A_27, %ne3A_23 : i1
    %add3A_29 = arith.addi %rem3A_21, %select_n3A_20 : i32
    %select_n3A_30 = arith.select %and3A_28, %add3A_29, %rem3A_21 : i32
    %mul3A_31 = arith.constant 8192 : i32
    %mul3A_32 = arith.muli %select_n3A, %mul3A_31 : i32
    "tpu.region"() ({
      %run_scoped3A = tpu.sem_alloc : memref<!tpu.dma_semaphore, #tpu.memory_space<semaphore_mem>>
      %dma_start3A_243 = arith.constant 0 : i32
      %dma_start3A_244 = tpu.memref_slice %arg2[%select_n3A, %dma_start3A_243] : memref<4x8192xf32, #tpu.memory_space<hbm>> -> memref<1x8192xf32, #tpu.memory_space<hbm>>
      %dma_start3A_245 = tpu.memref_squeeze %dma_start3A_244 : memref<1x8192xf32, #tpu.memory_space<hbm>> -> memref<8192xf32, #tpu.memory_space<hbm>>
      %dma_start3A_246 = arith.constant 0 : i32
      %dma_start3A_247 = tpu.memref_slice %arg2[%select_n3A, %dma_start3A_246] : memref<4x8192xf32, #tpu.memory_space<hbm>> -> memref<1x8192xf32, #tpu.memory_space<hbm>>
      %dma_start3A_248 = tpu.memref_squeeze %dma_start3A_247 : memref<1x8192xf32, #tpu.memory_space<hbm>> -> memref<8192xf32, #tpu.memory_space<hbm>>
      tpu.enqueue_dma source(%dma_start3A_248 : memref<8192xf32, #tpu.memory_space<hbm>>) target(%arg15 : memref<8192xf32, #tpu.memory_space<vmem>>) target_semaphore(%run_scoped3A : memref<!tpu.dma_semaphore, #tpu.memory_space<semaphore_mem>>)
      %dma_wait3A_249 = arith.constant 0 : i32
      %dma_wait3A_250 = tpu.memref_slice %arg2[%select_n3A, %dma_wait3A_249] : memref<4x8192xf32, #tpu.memory_space<hbm>> -> memref<1x8192xf32, #tpu.memory_space<hbm>>
      %dma_wait3A_251 = tpu.memref_squeeze %dma_wait3A_250 : memref<1x8192xf32, #tpu.memory_space<hbm>> -> memref<8192xf32, #tpu.memory_space<hbm>>
      %dma_wait3A_252 = arith.constant 0 : i32
      %dma_wait3A_253 = tpu.memref_slice %arg2[%select_n3A, %dma_wait3A_252] : memref<4x8192xf32, #tpu.memory_space<hbm>> -> memref<1x8192xf32, #tpu.memory_space<hbm>>
      %dma_wait3A_254 = tpu.memref_squeeze %dma_wait3A_253 : memref<1x8192xf32, #tpu.memory_space<hbm>> -> memref<8192xf32, #tpu.memory_space<hbm>>
      tpu.wait_dma2 semaphore(%run_scoped3A : memref<!tpu.dma_semaphore, #tpu.memory_space<semaphore_mem>>) src(%dma_wait3A_254 : memref<8192xf32, #tpu.memory_space<hbm>>) dst(%arg15 : memref<8192xf32, #tpu.memory_space<vmem>>)
      tpu.yield
    }) : () -> ()
    "tpu.region"() ({
      %run_scoped3A = tpu.sem_alloc : memref<!tpu.dma_semaphore, #tpu.memory_space<semaphore_mem>>
      %dma_start3A_243 = arith.constant 0 : i32
      %dma_start3A_244 = tpu.memref_slice %arg3[%select_n3A, %dma_start3A_243] : memref<4x8192xf32, #tpu.memory_space<hbm>> -> memref<1x8192xf32, #tpu.memory_space<hbm>>
      %dma_start3A_245 = tpu.memref_squeeze %dma_start3A_244 : memref<1x8192xf32, #tpu.memory_space<hbm>> -> memref<8192xf32, #tpu.memory_space<hbm>>
      %dma_start3A_246 = arith.constant 0 : i32
      %dma_start3A_247 = tpu.memref_slice %arg3[%select_n3A, %dma_start3A_246] : memref<4x8192xf32, #tpu.memory_space<hbm>> -> memref<1x8192xf32, #tpu.memory_space<hbm>>
      %dma_start3A_248 = tpu.memref_squeeze %dma_start3A_247 : memref<1x8192xf32, #tpu.memory_space<hbm>> -> memref<8192xf32, #tpu.memory_space<hbm>>
      tpu.enqueue_dma source(%dma_start3A_248 : memref<8192xf32, #tpu.memory_space<hbm>>) target(%arg16 : memref<8192xf32, #tpu.memory_space<vmem>>) target_semaphore(%run_scoped3A : memref<!tpu.dma_semaphore, #tpu.memory_space<semaphore_mem>>)
      %dma_wait3A_249 = arith.constant 0 : i32
      %dma_wait3A_250 = tpu.memref_slice %arg3[%select_n3A, %dma_wait3A_249] : memref<4x8192xf32, #tpu.memory_space<hbm>> -> memref<1x8192xf32, #tpu.memory_space<hbm>>
      %dma_wait3A_251 = tpu.memref_squeeze %dma_wait3A_250 : memref<1x8192xf32, #tpu.memory_space<hbm>> -> memref<8192xf32, #tpu.memory_space<hbm>>
      %dma_wait3A_252 = arith.constant 0 : i32
      %dma_wait3A_253 = tpu.memref_slice %arg3[%select_n3A, %dma_wait3A_252] : memref<4x8192xf32, #tpu.memory_space<hbm>> -> memref<1x8192xf32, #tpu.memory_space<hbm>>
      %dma_wait3A_254 = tpu.memref_squeeze %dma_wait3A_253 : memref<1x8192xf32, #tpu.memory_space<hbm>> -> memref<8192xf32, #tpu.memory_space<hbm>>
      tpu.wait_dma2 semaphore(%run_scoped3A : memref<!tpu.dma_semaphore, #tpu.memory_space<semaphore_mem>>) src(%dma_wait3A_254 : memref<8192xf32, #tpu.memory_space<hbm>>) dst(%arg16 : memref<8192xf32, #tpu.memory_space<vmem>>)
      tpu.yield
    }) : () -> ()
    "tpu.region"() ({
      %run_scoped3A = tpu.sem_alloc : memref<!tpu.dma_semaphore, #tpu.memory_space<semaphore_mem>>
      %dma_start3A_243 = arith.constant 0 : i32
      %dma_start3A_244 = tpu.memref_slice %arg4[%select_n3A, %dma_start3A_243] : memref<4x8192xf32, #tpu.memory_space<hbm>> -> memref<1x8192xf32, #tpu.memory_space<hbm>>
      %dma_start3A_245 = tpu.memref_squeeze %dma_start3A_244 : memref<1x8192xf32, #tpu.memory_space<hbm>> -> memref<8192xf32, #tpu.memory_space<hbm>>
      %dma_start3A_246 = arith.constant 0 : i32
      %dma_start3A_247 = tpu.memref_slice %arg4[%select_n3A, %dma_start3A_246] : memref<4x8192xf32, #tpu.memory_space<hbm>> -> memref<1x8192xf32, #tpu.memory_space<hbm>>
      %dma_start3A_248 = tpu.memref_squeeze %dma_start3A_247 : memref<1x8192xf32, #tpu.memory_space<hbm>> -> memref<8192xf32, #tpu.memory_space<hbm>>
      tpu.enqueue_dma source(%dma_start3A_248 : memref<8192xf32, #tpu.memory_space<hbm>>) target(%arg17 : memref<8192xf32, #tpu.memory_space<vmem>>) target_semaphore(%run_scoped3A : memref<!tpu.dma_semaphore, #tpu.memory_space<semaphore_mem>>)
      %dma_wait3A_249 = arith.constant 0 : i32
      %dma_wait3A_250 = tpu.memref_slice %arg4[%select_n3A, %dma_wait3A_249] : memref<4x8192xf32, #tpu.memory_space<hbm>> -> memref<1x8192xf32, #tpu.memory_space<hbm>>
      %dma_wait3A_251 = tpu.memref_squeeze %dma_wait3A_250 : memref<1x8192xf32, #tpu.memory_space<hbm>> -> memref<8192xf32, #tpu.memory_space<hbm>>
      %dma_wait3A_252 = arith.constant 0 : i32
      %dma_wait3A_253 = tpu.memref_slice %arg4[%select_n3A, %dma_wait3A_252] : memref<4x8192xf32, #tpu.memory_space<hbm>> -> memref<1x8192xf32, #tpu.memory_space<hbm>>
      %dma_wait3A_254 = tpu.memref_squeeze %dma_wait3A_253 : memref<1x8192xf32, #tpu.memory_space<hbm>> -> memref<8192xf32, #tpu.memory_space<hbm>>
      tpu.wait_dma2 semaphore(%run_scoped3A : memref<!tpu.dma_semaphore, #tpu.memory_space<semaphore_mem>>) src(%dma_wait3A_254 : memref<8192xf32, #tpu.memory_space<hbm>>) dst(%arg17 : memref<8192xf32, #tpu.memory_space<vmem>>)
      tpu.yield
    }) : () -> ()
    "tpu.region"() ({
      %run_scoped3A = tpu.sem_alloc : memref<!tpu.dma_semaphore, #tpu.memory_space<semaphore_mem>>
      %dma_start3A_243 = arith.constant 0 : i32
      %dma_start3A_244 = tpu.memref_slice %arg5[%select_n3A, %dma_start3A_243] : memref<4x8192xf32, #tpu.memory_space<hbm>> -> memref<1x8192xf32, #tpu.memory_space<hbm>>
      %dma_start3A_245 = tpu.memref_squeeze %dma_start3A_244 : memref<1x8192xf32, #tpu.memory_space<hbm>> -> memref<8192xf32, #tpu.memory_space<hbm>>
      %dma_start3A_246 = arith.constant 0 : i32
      %dma_start3A_247 = tpu.memref_slice %arg5[%select_n3A, %dma_start3A_246] : memref<4x8192xf32, #tpu.memory_space<hbm>> -> memref<1x8192xf32, #tpu.memory_space<hbm>>
      %dma_start3A_248 = tpu.memref_squeeze %dma_start3A_247 : memref<1x8192xf32, #tpu.memory_space<hbm>> -> memref<8192xf32, #tpu.memory_space<hbm>>
      tpu.enqueue_dma source(%dma_start3A_248 : memref<8192xf32, #tpu.memory_space<hbm>>) target(%arg18 : memref<8192xf32, #tpu.memory_space<vmem>>) target_semaphore(%run_scoped3A : memref<!tpu.dma_semaphore, #tpu.memory_space<semaphore_mem>>)
      %dma_wait3A_249 = arith.constant 0 : i32
      %dma_wait3A_250 = tpu.memref_slice %arg5[%select_n3A, %dma_wait3A_249] : memref<4x8192xf32, #tpu.memory_space<hbm>> -> memref<1x8192xf32, #tpu.memory_space<hbm>>
      %dma_wait3A_251 = tpu.memref_squeeze %dma_wait3A_250 : memref<1x8192xf32, #tpu.memory_space<hbm>> -> memref<8192xf32, #tpu.memory_space<hbm>>
      %dma_wait3A_252 = arith.constant 0 : i32
      %dma_wait3A_253 = tpu.memref_slice %arg5[%select_n3A, %dma_wait3A_252] : memref<4x8192xf32, #tpu.memory_space<hbm>> -> memref<1x8192xf32, #tpu.memory_space<hbm>>
      %dma_wait3A_254 = tpu.memref_squeeze %dma_wait3A_253 : memref<1x8192xf32, #tpu.memory_space<hbm>> -> memref<8192xf32, #tpu.memory_space<hbm>>
      tpu.wait_dma2 semaphore(%run_scoped3A : memref<!tpu.dma_semaphore, #tpu.memory_space<semaphore_mem>>) src(%dma_wait3A_254 : memref<8192xf32, #tpu.memory_space<hbm>>) dst(%arg18 : memref<8192xf32, #tpu.memory_space<vmem>>)
      tpu.yield
    }) : () -> ()
    %mul3A_33 = arith.constant 64 : i32
    %mul3A_34 = arith.muli %select_n3A_30, %mul3A_33 : i32
    "tpu.region"() ({
      %run_scoped3A = tpu.sem_alloc : memref<!tpu.dma_semaphore, #tpu.memory_space<semaphore_mem>>
      %dma_start3A_243 = tpu.memref_slice %arg6[%select_n3A, %mul3A_34] : memref<4x512xf32, #tpu.memory_space<hbm>> -> memref<1x64xf32, #tpu.memory_space<hbm>>
      %dma_start3A_244 = tpu.memref_squeeze %dma_start3A_243 : memref<1x64xf32, #tpu.memory_space<hbm>> -> memref<64xf32, #tpu.memory_space<hbm>>
      %dma_start3A_245 = tpu.memref_slice %arg6[%select_n3A, %mul3A_34] : memref<4x512xf32, #tpu.memory_space<hbm>> -> memref<1x64xf32, #tpu.memory_space<hbm>>
      %dma_start3A_246 = tpu.memref_squeeze %dma_start3A_245 : memref<1x64xf32, #tpu.memory_space<hbm>> -> memref<64xf32, #tpu.memory_space<hbm>>
      tpu.enqueue_dma source(%dma_start3A_246 : memref<64xf32, #tpu.memory_space<hbm>>) target(%arg19 : memref<64xf32, #tpu.memory_space<vmem>>) target_semaphore(%run_scoped3A : memref<!tpu.dma_semaphore, #tpu.memory_space<semaphore_mem>>)
      %dma_wait3A_247 = tpu.memref_slice %arg6[%select_n3A, %mul3A_34] : memref<4x512xf32, #tpu.memory_space<hbm>> -> memref<1x64xf32, #tpu.memory_space<hbm>>
      %dma_wait3A_248 = tpu.memref_squeeze %dma_wait3A_247 : memref<1x64xf32, #tpu.memory_space<hbm>> -> memref<64xf32, #tpu.memory_space<hbm>>
      %dma_wait3A_249 = tpu.memref_slice %arg6[%select_n3A, %mul3A_34] : memref<4x512xf32, #tpu.memory_space<hbm>> -> memref<1x64xf32, #tpu.memory_space<hbm>>
      %dma_wait3A_250 = tpu.memref_squeeze %dma_wait3A_249 : memref<1x64xf32, #tpu.memory_space<hbm>> -> memref<64xf32, #tpu.memory_space<hbm>>
      tpu.wait_dma2 semaphore(%run_scoped3A : memref<!tpu.dma_semaphore, #tpu.memory_space<semaphore_mem>>) src(%dma_wait3A_250 : memref<64xf32, #tpu.memory_space<hbm>>) dst(%arg19 : memref<64xf32, #tpu.memory_space<vmem>>)
      tpu.yield
    }) : () -> ()
    "tpu.region"() ({
      %run_scoped3A = tpu.sem_alloc : memref<!tpu.dma_semaphore, #tpu.memory_space<semaphore_mem>>
      %dma_start3A_243 = tpu.memref_slice %arg7[%select_n3A, %mul3A_34] : memref<4x512xf32, #tpu.memory_space<hbm>> -> memref<1x64xf32, #tpu.memory_space<hbm>>
      %dma_start3A_244 = tpu.memref_squeeze %dma_start3A_243 : memref<1x64xf32, #tpu.memory_space<hbm>> -> memref<64xf32, #tpu.memory_space<hbm>>
      %dma_start3A_245 = tpu.memref_slice %arg7[%select_n3A, %mul3A_34] : memref<4x512xf32, #tpu.memory_space<hbm>> -> memref<1x64xf32, #tpu.memory_space<hbm>>
      %dma_start3A_246 = tpu.memref_squeeze %dma_start3A_245 : memref<1x64xf32, #tpu.memory_space<hbm>> -> memref<64xf32, #tpu.memory_space<hbm>>
      tpu.enqueue_dma source(%dma_start3A_246 : memref<64xf32, #tpu.memory_space<hbm>>) target(%arg20 : memref<64xf32, #tpu.memory_space<vmem>>) target_semaphore(%run_scoped3A : memref<!tpu.dma_semaphore, #tpu.memory_space<semaphore_mem>>)
      %dma_wait3A_247 = tpu.memref_slice %arg7[%select_n3A, %mul3A_34] : memref<4x512xf32, #tpu.memory_space<hbm>> -> memref<1x64xf32, #tpu.memory_space<hbm>>
      %dma_wait3A_248 = tpu.memref_squeeze %dma_wait3A_247 : memref<1x64xf32, #tpu.memory_space<hbm>> -> memref<64xf32, #tpu.memory_space<hbm>>
      %dma_wait3A_249 = tpu.memref_slice %arg7[%select_n3A, %mul3A_34] : memref<4x512xf32, #tpu.memory_space<hbm>> -> memref<1x64xf32, #tpu.memory_space<hbm>>
      %dma_wait3A_250 = tpu.memref_squeeze %dma_wait3A_249 : memref<1x64xf32, #tpu.memory_space<hbm>> -> memref<64xf32, #tpu.memory_space<hbm>>
      tpu.wait_dma2 semaphore(%run_scoped3A : memref<!tpu.dma_semaphore, #tpu.memory_space<semaphore_mem>>) src(%dma_wait3A_250 : memref<64xf32, #tpu.memory_space<hbm>>) dst(%arg20 : memref<64xf32, #tpu.memory_space<vmem>>)
      tpu.yield
    }) : () -> ()
    "tpu.region"() ({
      %run_scoped3A = tpu.sem_alloc : memref<!tpu.dma_semaphore, #tpu.memory_space<semaphore_mem>>
      %dma_start3A_243 = tpu.memref_slice %arg8[%select_n3A, %mul3A_34] : memref<4x512xf32, #tpu.memory_space<hbm>> -> memref<1x64xf32, #tpu.memory_space<hbm>>
      %dma_start3A_244 = tpu.memref_squeeze %dma_start3A_243 : memref<1x64xf32, #tpu.memory_space<hbm>> -> memref<64xf32, #tpu.memory_space<hbm>>
      %dma_start3A_245 = tpu.memref_slice %arg8[%select_n3A, %mul3A_34] : memref<4x512xf32, #tpu.memory_space<hbm>> -> memref<1x64xf32, #tpu.memory_space<hbm>>
      %dma_start3A_246 = tpu.memref_squeeze %dma_start3A_245 : memref<1x64xf32, #tpu.memory_space<hbm>> -> memref<64xf32, #tpu.memory_space<hbm>>
      tpu.enqueue_dma source(%dma_start3A_246 : memref<64xf32, #tpu.memory_space<hbm>>) target(%arg21 : memref<64xf32, #tpu.memory_space<vmem>>) target_semaphore(%run_scoped3A : memref<!tpu.dma_semaphore, #tpu.memory_space<semaphore_mem>>)
      %dma_wait3A_247 = tpu.memref_slice %arg8[%select_n3A, %mul3A_34] : memref<4x512xf32, #tpu.memory_space<hbm>> -> memref<1x64xf32, #tpu.memory_space<hbm>>
      %dma_wait3A_248 = tpu.memref_squeeze %dma_wait3A_247 : memref<1x64xf32, #tpu.memory_space<hbm>> -> memref<64xf32, #tpu.memory_space<hbm>>
      %dma_wait3A_249 = tpu.memref_slice %arg8[%select_n3A, %mul3A_34] : memref<4x512xf32, #tpu.memory_space<hbm>> -> memref<1x64xf32, #tpu.memory_space<hbm>>
      %dma_wait3A_250 = tpu.memref_squeeze %dma_wait3A_249 : memref<1x64xf32, #tpu.memory_space<hbm>> -> memref<64xf32, #tpu.memory_space<hbm>>
      tpu.wait_dma2 semaphore(%run_scoped3A : memref<!tpu.dma_semaphore, #tpu.memory_space<semaphore_mem>>) src(%dma_wait3A_250 : memref<64xf32, #tpu.memory_space<hbm>>) dst(%arg21 : memref<64xf32, #tpu.memory_space<vmem>>)
      tpu.yield
    }) : () -> ()
    "tpu.region"() ({
      %run_scoped3A = tpu.sem_alloc : memref<!tpu.dma_semaphore, #tpu.memory_space<semaphore_mem>>
      %dma_start3A_243 = tpu.memref_slice %arg9[%select_n3A, %mul3A_34] : memref<4x512xf32, #tpu.memory_space<hbm>> -> memref<1x64xf32, #tpu.memory_space<hbm>>
      %dma_start3A_244 = tpu.memref_squeeze %dma_start3A_243 : memref<1x64xf32, #tpu.memory_space<hbm>> -> memref<64xf32, #tpu.memory_space<hbm>>
      %dma_start3A_245 = tpu.memref_slice %arg9[%select_n3A, %mul3A_34] : memref<4x512xf32, #tpu.memory_space<hbm>> -> memref<1x64xf32, #tpu.memory_space<hbm>>
      %dma_start3A_246 = tpu.memref_squeeze %dma_start3A_245 : memref<1x64xf32, #tpu.memory_space<hbm>> -> memref<64xf32, #tpu.memory_space<hbm>>
      tpu.enqueue_dma source(%dma_start3A_246 : memref<64xf32, #tpu.memory_space<hbm>>) target(%arg22 : memref<64xf32, #tpu.memory_space<vmem>>) target_semaphore(%run_scoped3A : memref<!tpu.dma_semaphore, #tpu.memory_space<semaphore_mem>>)
      %dma_wait3A_247 = tpu.memref_slice %arg9[%select_n3A, %mul3A_34] : memref<4x512xf32, #tpu.memory_space<hbm>> -> memref<1x64xf32, #tpu.memory_space<hbm>>
      %dma_wait3A_248 = tpu.memref_squeeze %dma_wait3A_247 : memref<1x64xf32, #tpu.memory_space<hbm>> -> memref<64xf32, #tpu.memory_space<hbm>>
      %dma_wait3A_249 = tpu.memref_slice %arg9[%select_n3A, %mul3A_34] : memref<4x512xf32, #tpu.memory_space<hbm>> -> memref<1x64xf32, #tpu.memory_space<hbm>>
      %dma_wait3A_250 = tpu.memref_squeeze %dma_wait3A_249 : memref<1x64xf32, #tpu.memory_space<hbm>> -> memref<64xf32, #tpu.memory_space<hbm>>
      tpu.wait_dma2 semaphore(%run_scoped3A : memref<!tpu.dma_semaphore, #tpu.memory_space<semaphore_mem>>) src(%dma_wait3A_250 : memref<64xf32, #tpu.memory_space<hbm>>) dst(%arg22 : memref<64xf32, #tpu.memory_space<vmem>>)
      tpu.yield
    }) : () -> ()
    "tpu.region"() ({
      %run_scoped3A = tpu.sem_alloc : memref<!tpu.dma_semaphore, #tpu.memory_space<semaphore_mem>>
      %dma_start3A_243 = tpu.memref_slice %arg10[%select_n3A, %mul3A_34] : memref<4x512xf32, #tpu.memory_space<hbm>> -> memref<1x64xf32, #tpu.memory_space<hbm>>
      %dma_start3A_244 = tpu.memref_squeeze %dma_start3A_243 : memref<1x64xf32, #tpu.memory_space<hbm>> -> memref<64xf32, #tpu.memory_space<hbm>>
      %dma_start3A_245 = tpu.memref_slice %arg10[%select_n3A, %mul3A_34] : memref<4x512xf32, #tpu.memory_space<hbm>> -> memref<1x64xf32, #tpu.memory_space<hbm>>
      %dma_start3A_246 = tpu.memref_squeeze %dma_start3A_245 : memref<1x64xf32, #tpu.memory_space<hbm>> -> memref<64xf32, #tpu.memory_space<hbm>>
      tpu.enqueue_dma source(%dma_start3A_246 : memref<64xf32, #tpu.memory_space<hbm>>) target(%arg23 : memref<64xf32, #tpu.memory_space<vmem>>) target_semaphore(%run_scoped3A : memref<!tpu.dma_semaphore, #tpu.memory_space<semaphore_mem>>)
      %dma_wait3A_247 = tpu.memref_slice %arg10[%select_n3A, %mul3A_34] : memref<4x512xf32, #tpu.memory_space<hbm>> -> memref<1x64xf32, #tpu.memory_space<hbm>>
      %dma_wait3A_248 = tpu.memref_squeeze %dma_wait3A_247 : memref<1x64xf32, #tpu.memory_space<hbm>> -> memref<64xf32, #tpu.memory_space<hbm>>
      %dma_wait3A_249 = tpu.memref_slice %arg10[%select_n3A, %mul3A_34] : memref<4x512xf32, #tpu.memory_space<hbm>> -> memref<1x64xf32, #tpu.memory_space<hbm>>
      %dma_wait3A_250 = tpu.memref_squeeze %dma_wait3A_249 : memref<1x64xf32, #tpu.memory_space<hbm>> -> memref<64xf32, #tpu.memory_space<hbm>>
      tpu.wait_dma2 semaphore(%run_scoped3A : memref<!tpu.dma_semaphore, #tpu.memory_space<semaphore_mem>>) src(%dma_wait3A_250 : memref<64xf32, #tpu.memory_space<hbm>>) dst(%arg23 : memref<64xf32, #tpu.memory_space<vmem>>)
      tpu.yield
    }) : () -> ()
    "tpu.region"() ({
      %run_scoped3A = tpu.sem_alloc : memref<!tpu.dma_semaphore, #tpu.memory_space<semaphore_mem>>
      %dma_start3A_243 = tpu.memref_slice %arg11[%select_n3A, %mul3A_34] : memref<4x512xf32, #tpu.memory_space<hbm>> -> memref<1x64xf32, #tpu.memory_space<hbm>>
      %dma_start3A_244 = tpu.memref_squeeze %dma_start3A_243 : memref<1x64xf32, #tpu.memory_space<hbm>> -> memref<64xf32, #tpu.memory_space<hbm>>
      %dma_start3A_245 = tpu.memref_slice %arg11[%select_n3A, %mul3A_34] : memref<4x512xf32, #tpu.memory_space<hbm>> -> memref<1x64xf32, #tpu.memory_space<hbm>>
      %dma_start3A_246 = tpu.memref_squeeze %dma_start3A_245 : memref<1x64xf32, #tpu.memory_space<hbm>> -> memref<64xf32, #tpu.memory_space<hbm>>
      tpu.enqueue_dma source(%dma_start3A_246 : memref<64xf32, #tpu.memory_space<hbm>>) target(%arg24 : memref<64xf32, #tpu.memory_space<vmem>>) target_semaphore(%run_scoped3A : memref<!tpu.dma_semaphore, #tpu.memory_space<semaphore_mem>>)
      %dma_wait3A_247 = tpu.memref_slice %arg11[%select_n3A, %mul3A_34] : memref<4x512xf32, #tpu.memory_space<hbm>> -> memref<1x64xf32, #tpu.memory_space<hbm>>
      %dma_wait3A_248 = tpu.memref_squeeze %dma_wait3A_247 : memref<1x64xf32, #tpu.memory_space<hbm>> -> memref<64xf32, #tpu.memory_space<hbm>>
      %dma_wait3A_249 = tpu.memref_slice %arg11[%select_n3A, %mul3A_34] : memref<4x512xf32, #tpu.memory_space<hbm>> -> memref<1x64xf32, #tpu.memory_space<hbm>>
      %dma_wait3A_250 = tpu.memref_squeeze %dma_wait3A_249 : memref<1x64xf32, #tpu.memory_space<hbm>> -> memref<64xf32, #tpu.memory_space<hbm>>
      tpu.wait_dma2 semaphore(%run_scoped3A : memref<!tpu.dma_semaphore, #tpu.memory_space<semaphore_mem>>) src(%dma_wait3A_250 : memref<64xf32, #tpu.memory_space<hbm>>) dst(%arg24 : memref<64xf32, #tpu.memory_space<vmem>>)
      tpu.yield
    }) : () -> ()
    "tpu.region"() ({
      %run_scoped3A = tpu.sem_alloc : memref<!tpu.dma_semaphore, #tpu.memory_space<semaphore_mem>>
      %dma_start3A_243 = tpu.memref_slice %arg12[%select_n3A, %mul3A_34] : memref<4x512xf32, #tpu.memory_space<hbm>> -> memref<1x64xf32, #tpu.memory_space<hbm>>
      %dma_start3A_244 = tpu.memref_squeeze %dma_start3A_243 : memref<1x64xf32, #tpu.memory_space<hbm>> -> memref<64xf32, #tpu.memory_space<hbm>>
      %dma_start3A_245 = tpu.memref_slice %arg12[%select_n3A, %mul3A_34] : memref<4x512xf32, #tpu.memory_space<hbm>> -> memref<1x64xf32, #tpu.memory_space<hbm>>
      %dma_start3A_246 = tpu.memref_squeeze %dma_start3A_245 : memref<1x64xf32, #tpu.memory_space<hbm>> -> memref<64xf32, #tpu.memory_space<hbm>>
      tpu.enqueue_dma source(%dma_start3A_246 : memref<64xf32, #tpu.memory_space<hbm>>) target(%arg25 : memref<64xf32, #tpu.memory_space<vmem>>) target_semaphore(%run_scoped3A : memref<!tpu.dma_semaphore, #tpu.memory_space<semaphore_mem>>)
      %dma_wait3A_247 = tpu.memref_slice %arg12[%select_n3A, %mul3A_34] : memref<4x512xf32, #tpu.memory_space<hbm>> -> memref<1x64xf32, #tpu.memory_space<hbm>>
      %dma_wait3A_248 = tpu.memref_squeeze %dma_wait3A_247 : memref<1x64xf32, #tpu.memory_space<hbm>> -> memref<64xf32, #tpu.memory_space<hbm>>
      %dma_wait3A_249 = tpu.memref_slice %arg12[%select_n3A, %mul3A_34] : memref<4x512xf32, #tpu.memory_space<hbm>> -> memref<1x64xf32, #tpu.memory_space<hbm>>
      %dma_wait3A_250 = tpu.memref_squeeze %dma_wait3A_249 : memref<1x64xf32, #tpu.memory_space<hbm>> -> memref<64xf32, #tpu.memory_space<hbm>>
      tpu.wait_dma2 semaphore(%run_scoped3A : memref<!tpu.dma_semaphore, #tpu.memory_space<semaphore_mem>>) src(%dma_wait3A_250 : memref<64xf32, #tpu.memory_space<hbm>>) dst(%arg25 : memref<64xf32, #tpu.memory_space<vmem>>)
      tpu.yield
    }) : () -> ()
    %iota3A = tpu.iota {dimensions = array<i32: 0>} : vector<16xi32>
    %scan3A = arith.constant 4.000000e-02 : f32
    %scan3A_35 = arith.constant 0 : i32
    %scan3A_36 = arith.constant 0 : i32
    %scan3A_37 = arith.constant 16 : i32
    %scan3A_38 = arith.addi %scan3A_36, %scan3A_37 : i32
    %scan3A_39 = arith.constant 1 : i32
    %scan3A_40 = scf.for %scan3A_243 = %scan3A_36 to %scan3A_38 step %scan3A_39 iter_args(%scan3A_244 = %scan3A_35) -> (i32)  : i32 {
      %mul3A_245 = arith.constant 4 : i32
      %mul3A_246 = arith.muli %scan3A_243, %mul3A_245 : i32
      %add3A_247 = arith.constant 0 : i32
      %add3A_248 = arith.addi %mul3A_246, %add3A_247 : i32
      %gt3A = arith.constant 0 : i32
      %gt3A_249 = arith.cmpi sgt, %scan3A_243, %gt3A : i32
      %convert_element_type3A = arith.extui %gt3A_249 : i1 to i32
      %cond3A = arith.constant 0 : i32
      %cond3A_250 = arith.cmpi ne, %convert_element_type3A, %cond3A : i32
      scf.if %cond3A_250 {
        %mul3A_431 = arith.constant 512 : i32
        %mul3A_432 = arith.muli %select_n3A, %mul3A_431 : i32
        %add3A_433 = arith.addi %mul3A_432, %select_n3A_30 : i32
        %mul3A_434 = arith.constant 8 : i32
        %mul3A_435 = arith.muli %mul3A_434, %add3A_248 : i32
        %add3A_436 = arith.addi %add3A_433, %mul3A_435 : i32
        %dma_wait3A_437 = arith.constant 0 : i32
        %dma_wait3A_438 = arith.constant 0 : i32
        %dma_wait3A_439 = tpu.memref_slice %arg14[%add3A_436, %dma_wait3A_437, %dma_wait3A_438] : memref<2048x32x48xf32, #tpu.memory_space<hbm>> -> memref<1x32x48xf32, #tpu.memory_space<hbm>>
        %dma_wait3A_440 = tpu.memref_squeeze %dma_wait3A_439 : memref<1x32x48xf32, #tpu.memory_space<hbm>> -> memref<32x48xf32, #tpu.memory_space<hbm>>
        %dma_wait3A_441 = arith.constant 0 : i32
        %dma_wait3A_442 = arith.constant 0 : i32
        %dma_wait3A_443 = tpu.memref_slice %arg14[%add3A_436, %dma_wait3A_441, %dma_wait3A_442] : memref<2048x32x48xf32, #tpu.memory_space<hbm>> -> memref<1x32x48xf32, #tpu.memory_space<hbm>>
        %dma_wait3A_444 = tpu.memref_squeeze %dma_wait3A_443 : memref<1x32x48xf32, #tpu.memory_space<hbm>> -> memref<32x48xf32, #tpu.memory_space<hbm>>
        tpu.wait_dma2 semaphore(%arg39 : memref<!tpu.dma_semaphore, #tpu.memory_space<semaphore_mem>>) src(%arg31 : memref<32x48xf32, #tpu.memory_space<vmem>>) dst(%dma_wait3A_444 : memref<32x48xf32, #tpu.memory_space<hbm>>)
      } else {
      }
      %broadcast_in_dim3A_251 = vector.broadcast %add3A_248 : i32 to vector<16xi32>
      %gather3A_252 = tpu.vector_load_idx %arg19[%broadcast_in_dim3A_251] : memref<64xf32, #tpu.memory_space<vmem>>[vector<16xi32>], vector<16xf32>,
      %gather3A_253 = tpu.vector_load_idx %arg20[%broadcast_in_dim3A_251] : memref<64xf32, #tpu.memory_space<vmem>>[vector<16xi32>], vector<16xf32>,
      %gather3A_254 = tpu.vector_load_idx %arg21[%broadcast_in_dim3A_251] : memref<64xf32, #tpu.memory_space<vmem>>[vector<16xi32>], vector<16xf32>,
      %gather3A_255 = tpu.vector_load_idx %arg22[%broadcast_in_dim3A_251] : memref<64xf32, #tpu.memory_space<vmem>>[vector<16xi32>], vector<16xf32>,
      %while3A = arith.constant 0 : i32
      %while3A_256 = arith.constant 0 : i32
      %while3A_257:2 = scf.while (%while3A_431 = %while3A, %while3A_432 = %while3A_256) : (i32, i32) -> (i32, i32) {
        %lt3A_433 = arith.constant 32 : i32
        %lt3A_434 = arith.cmpi slt, %while3A_432, %lt3A_433 : i32
        %lt3A_435 = arith.constant 8192 : i32
        %lt3A_436 = arith.cmpi slt, %while3A_431, %lt3A_435 : i32
        %and3A_437 = arith.andi %lt3A_434, %lt3A_436 : i1
        scf.condition(%and3A_437) %while3A_431, %while3A_432 : i32, i32
      } do {
      ^bb0(%while3A_431: i32, %while3A_432: i32):
        %add3A_433 = arith.constant 0 : i32
        %add3A_434 = arith.addi %while3A_431, %add3A_433 : i32
        %get3A_435 = arith.index_cast %add3A_434 : i32 to index
        %get3A_436 = tpu.vector_load %arg15[%get3A_435] {strides = array<i32>} : memref<8192xf32, #tpu.memory_space<vmem>>, vector<16xf32>,
        %get3A_437 = arith.index_cast %add3A_434 : i32 to index
        %get3A_438 = tpu.vector_load %arg16[%get3A_437] {strides = array<i32>} : memref<8192xf32, #tpu.memory_space<vmem>>, vector<16xf32>,
        %get3A_439 = arith.index_cast %add3A_434 : i32 to index
        %get3A_440 = tpu.vector_load %arg17[%get3A_439] {strides = array<i32>} : memref<8192xf32, #tpu.memory_space<vmem>>, vector<16xf32>,
        %get3A_441 = arith.index_cast %add3A_434 : i32 to index
        %get3A_442 = tpu.vector_load %arg18[%get3A_441] {strides = array<i32>} : memref<8192xf32, #tpu.memory_space<vmem>>, vector<16xf32>,
        %mul3A_443 = arith.mulf %gather3A_252, %get3A_436 : vector<16xf32>
        %mul3A_444 = arith.mulf %gather3A_253, %get3A_438 : vector<16xf32>
        %add3A_445 = arith.addf %mul3A_443, %mul3A_444 : vector<16xf32>
        %mul3A_446 = arith.mulf %gather3A_254, %get3A_440 : vector<16xf32>
        %add3A_447 = arith.addf %add3A_445, %mul3A_446 : vector<16xf32>
        %mul3A_448 = arith.constant -2.000000e+00 : f32
        %mul3A_449 = vector.broadcast %mul3A_448 : f32 to vector<16xf32>
        %mul3A_450 = arith.mulf %mul3A_449, %add3A_447 : vector<16xf32>
        %add3A_451 = arith.addf %mul3A_450, %gather3A_255 : vector<16xf32>
        %add3A_452 = arith.addf %add3A_451, %get3A_442 : vector<16xf32>
        %le3A = vector.broadcast %scan3A : f32 to vector<16xf32>
        %le3A_453 = arith.cmpf ole, %add3A_452, %le3A : vector<16xf32>
        %add3A_454 = arith.addi %mul3A_32, %add3A_434 : i32
        %add3A_455 = vector.broadcast %add3A_454 : i32 to vector<16xi32>
        %add3A_456 = arith.addi %add3A_455, %iota3A : vector<16xi32>
        %swap3A_457 = arith.index_cast %while3A_432 : i32 to index
        %swap3A_458 = tpu.vector_load %arg26[%swap3A_457] masked %le3A_453 {strides = array<i32>} : memref<128xi32, #tpu.memory_space<vmem>>, vector<16xi32>, vector<16xi1>
        tpu.vector_store %arg26[%swap3A_457], %add3A_456 masked %le3A_453 {strides = array<i32>} : memref<128xi32, #tpu.memory_space<vmem>>, vector<16xi32>, vector<16xi1>
        %all_reduce_population_count3A = tpu.all_reduce %le3A_453 {dim = 0 : i64, kind = #tpu.reduction_kind<sum>} : vector<16xi1> -> vector<16xi32>
        %slice3A = vector.extract_strided_slice %all_reduce_population_count3A {offsets = [0], sizes = [1], strides = [1]} : vector<16xi32> to vector<1xi32>
        %squeeze3A = vector.extract %slice3A[0] : i32 from vector<1xi32>
        %add3A_459 = arith.addi %while3A_432, %squeeze3A : i32
        %add3A_460 = arith.constant 16 : i32
        %add3A_461 = arith.addi %while3A_431, %add3A_460 : i32
        %get3A_462 = arith.index_cast %add3A_461 : i32 to index
        %get3A_463 = tpu.vector_load %arg15[%get3A_462] {strides = array<i32>} : memref<8192xf32, #tpu.memory_space<vmem>>, vector<16xf32>,
        %get3A_464 = arith.index_cast %add3A_461 : i32 to index
        %get3A_465 = tpu.vector_load %arg16[%get3A_464] {strides = array<i32>} : memref<8192xf32, #tpu.memory_space<vmem>>, vector<16xf32>,
        %get3A_466 = arith.index_cast %add3A_461 : i32 to index
        %get3A_467 = tpu.vector_load %arg17[%get3A_466] {strides = array<i32>} : memref<8192xf32, #tpu.memory_space<vmem>>, vector<16xf32>,
        %get3A_468 = arith.index_cast %add3A_461 : i32 to index
        %get3A_469 = tpu.vector_load %arg18[%get3A_468] {strides = array<i32>} : memref<8192xf32, #tpu.memory_space<vmem>>, vector<16xf32>,
        %mul3A_470 = arith.mulf %gather3A_252, %get3A_463 : vector<16xf32>
        %mul3A_471 = arith.mulf %gather3A_253, %get3A_465 : vector<16xf32>
        %add3A_472 = arith.addf %mul3A_470, %mul3A_471 : vector<16xf32>
        %mul3A_473 = arith.mulf %gather3A_254, %get3A_467 : vector<16xf32>
        %add3A_474 = arith.addf %add3A_472, %mul3A_473 : vector<16xf32>
        %mul3A_475 = arith.constant -2.000000e+00 : f32
        %mul3A_476 = vector.broadcast %mul3A_475 : f32 to vector<16xf32>
        %mul3A_477 = arith.mulf %mul3A_476, %add3A_474 : vector<16xf32>
        %add3A_478 = arith.addf %mul3A_477, %gather3A_255 : vector<16xf32>
        %add3A_479 = arith.addf %add3A_478, %get3A_469 : vector<16xf32>
        %le3A_480 = vector.broadcast %scan3A : f32 to vector<16xf32>
        %le3A_481 = arith.cmpf ole, %add3A_479, %le3A_480 : vector<16xf32>
        %add3A_482 = arith.addi %mul3A_32, %add3A_461 : i32
        %add3A_483 = vector.broadcast %add3A_482 : i32 to vector<16xi32>
        %add3A_484 = arith.addi %add3A_483, %iota3A : vector<16xi32>
        %swap3A_485 = arith.index_cast %add3A_459 : i32 to index
        %swap3A_486 = tpu.vector_load %arg26[%swap3A_485] masked %le3A_481 {strides = array<i32>} : memref<128xi32, #tpu.memory_space<vmem>>, vector<16xi32>, vector<16xi1>
        tpu.vector_store %arg26[%swap3A_485], %add3A_484 masked %le3A_481 {strides = array<i32>} : memref<128xi32, #tpu.memory_space<vmem>>, vector<16xi32>, vector<16xi1>
        %all_reduce_population_count3A_487 = tpu.all_reduce %le3A_481 {dim = 0 : i64, kind = #tpu.reduction_kind<sum>} : vector<16xi1> -> vector<16xi32>
        %slice3A_488 = vector.extract_strided_slice %all_reduce_population_count3A_487 {offsets = [0], sizes = [1], strides = [1]} : vector<16xi32> to vector<1xi32>
        %squeeze3A_489 = vector.extract %slice3A_488[0] : i32 from vector<1xi32>
        %add3A_490 = arith.addi %add3A_459, %squeeze3A_489 : i32
        %add3A_491 = arith.constant 32 : i32
        %add3A_492 = arith.addi %while3A_431, %add3A_491 : i32
        %get3A_493 = arith.index_cast %add3A_492 : i32 to index
        %get3A_494 = tpu.vector_load %arg15[%get3A_493] {strides = array<i32>} : memref<8192xf32, #tpu.memory_space<vmem>>, vector<16xf32>,
        %get3A_495 = arith.index_cast %add3A_492 : i32 to index
        %get3A_496 = tpu.vector_load %arg16[%get3A_495] {strides = array<i32>} : memref<8192xf32, #tpu.memory_space<vmem>>, vector<16xf32>,
        %get3A_497 = arith.index_cast %add3A_492 : i32 to index
        %get3A_498 = tpu.vector_load %arg17[%get3A_497] {strides = array<i32>} : memref<8192xf32, #tpu.memory_space<vmem>>, vector<16xf32>,
        %get3A_499 = arith.index_cast %add3A_492 : i32 to index
        %get3A_500 = tpu.vector_load %arg18[%get3A_499] {strides = array<i32>} : memref<8192xf32, #tpu.memory_space<vmem>>, vector<16xf32>,
        %mul3A_501 = arith.mulf %gather3A_252, %get3A_494 : vector<16xf32>
        %mul3A_502 = arith.mulf %gather3A_253, %get3A_496 : vector<16xf32>
        %add3A_503 = arith.addf %mul3A_501, %mul3A_502 : vector<16xf32>
        %mul3A_504 = arith.mulf %gather3A_254, %get3A_498 : vector<16xf32>
        %add3A_505 = arith.addf %add3A_503, %mul3A_504 : vector<16xf32>
        %mul3A_506 = arith.constant -2.000000e+00 : f32
        %mul3A_507 = vector.broadcast %mul3A_506 : f32 to vector<16xf32>
        %mul3A_508 = arith.mulf %mul3A_507, %add3A_505 : vector<16xf32>
        %add3A_509 = arith.addf %mul3A_508, %gather3A_255 : vector<16xf32>
        %add3A_510 = arith.addf %add3A_509, %get3A_500 : vector<16xf32>
        %le3A_511 = vector.broadcast %scan3A : f32 to vector<16xf32>
        %le3A_512 = arith.cmpf ole, %add3A_510, %le3A_511 : vector<16xf32>
        %add3A_513 = arith.addi %mul3A_32, %add3A_492 : i32
        %add3A_514 = vector.broadcast %add3A_513 : i32 to vector<16xi32>
        %add3A_515 = arith.addi %add3A_514, %iota3A : vector<16xi32>
        %swap3A_516 = arith.index_cast %add3A_490 : i32 to index
        %swap3A_517 = tpu.vector_load %arg26[%swap3A_516] masked %le3A_512 {strides = array<i32>} : memref<128xi32, #tpu.memory_space<vmem>>, vector<16xi32>, vector<16xi1>
        tpu.vector_store %arg26[%swap3A_516], %add3A_515 masked %le3A_512 {strides = array<i32>} : memref<128xi32, #tpu.memory_space<vmem>>, vector<16xi32>, vector<16xi1>
        %all_reduce_population_count3A_518 = tpu.all_reduce %le3A_512 {dim = 0 : i64, kind = #tpu.reduction_kind<sum>} : vector<16xi1> -> vector<16xi32>
        %slice3A_519 = vector.extract_strided_slice %all_reduce_population_count3A_518 {offsets = [0], sizes = [1], strides = [1]} : vector<16xi32> to vector<1xi32>
        %squeeze3A_520 = vector.extract %slice3A_519[0] : i32 from vector<1xi32>
        %add3A_521 = arith.addi %add3A_490, %squeeze3A_520 : i32
        %add3A_522 = arith.constant 48 : i32
        %add3A_523 = arith.addi %while3A_431, %add3A_522 : i32
        %get3A_524 = arith.index_cast %add3A_523 : i32 to index
        %get3A_525 = tpu.vector_load %arg15[%get3A_524] {strides = array<i32>} : memref<8192xf32, #tpu.memory_space<vmem>>, vector<16xf32>,
        %get3A_526 = arith.index_cast %add3A_523 : i32 to index
        %get3A_527 = tpu.vector_load %arg16[%get3A_526] {strides = array<i32>} : memref<8192xf32, #tpu.memory_space<vmem>>, vector<16xf32>,
        %get3A_528 = arith.index_cast %add3A_523 : i32 to index
        %get3A_529 = tpu.vector_load %arg17[%get3A_528] {strides = array<i32>} : memref<8192xf32, #tpu.memory_space<vmem>>, vector<16xf32>,
        %get3A_530 = arith.index_cast %add3A_523 : i32 to index
        %get3A_531 = tpu.vector_load %arg18[%get3A_530] {strides = array<i32>} : memref<8192xf32, #tpu.memory_space<vmem>>, vector<16xf32>,
        %mul3A_532 = arith.mulf %gather3A_252, %get3A_525 : vector<16xf32>
        %mul3A_533 = arith.mulf %gather3A_253, %get3A_527 : vector<16xf32>
        %add3A_534 = arith.addf %mul3A_532, %mul3A_533 : vector<16xf32>
        %mul3A_535 = arith.mulf %gather3A_254, %get3A_529 : vector<16xf32>
        %add3A_536 = arith.addf %add3A_534, %mul3A_535 : vector<16xf32>
        %mul3A_537 = arith.constant -2.000000e+00 : f32
        %mul3A_538 = vector.broadcast %mul3A_537 : f32 to vector<16xf32>
        %mul3A_539 = arith.mulf %mul3A_538, %add3A_536 : vector<16xf32>
        %add3A_540 = arith.addf %mul3A_539, %gather3A_255 : vector<16xf32>
        %add3A_541 = arith.addf %add3A_540, %get3A_531 : vector<16xf32>
        %le3A_542 = vector.broadcast %scan3A : f32 to vector<16xf32>
        %le3A_543 = arith.cmpf ole, %add3A_541, %le3A_542 : vector<16xf32>
        %add3A_544 = arith.addi %mul3A_32, %add3A_523 : i32
        %add3A_545 = vector.broadcast %add3A_544 : i32 to vector<16xi32>
        %add3A_546 = arith.addi %add3A_545, %iota3A : vector<16xi32>
        %swap3A_547 = arith.index_cast %add3A_521 : i32 to index
        %swap3A_548 = tpu.vector_load %arg26[%swap3A_547] masked %le3A_543 {strides = array<i32>} : memref<128xi32, #tpu.memory_space<vmem>>, vector<16xi32>, vector<16xi1>
        tpu.vector_store %arg26[%swap3A_547], %add3A_546 masked %le3A_543 {strides = array<i32>} : memref<128xi32, #tpu.memory_space<vmem>>, vector<16xi32>, vector<16xi1>
        %all_reduce_population_count3A_549 = tpu.all_reduce %le3A_543 {dim = 0 : i64, kind = #tpu.reduction_kind<sum>} : vector<16xi1> -> vector<16xi32>
        %slice3A_550 = vector.extract_strided_slice %all_reduce_population_count3A_549 {offsets = [0], sizes = [1], strides = [1]} : vector<16xi32> to vector<1xi32>
        %squeeze3A_551 = vector.extract %slice3A_550[0] : i32 from vector<1xi32>
        %add3A_552 = arith.addi %add3A_521, %squeeze3A_551 : i32
        %add3A_553 = arith.constant 64 : i32
        %add3A_554 = arith.addi %while3A_431, %add3A_553 : i32
        scf.yield %add3A_554, %add3A_552 : i32, i32
      }
      %broadcast_in_dim3A_258 = arith.constant 0 : i32
      %broadcast_in_dim3A_259 = vector.broadcast %broadcast_in_dim3A_258 : i32 to vector<16xi32>
      %gather3A_260 = tpu.vector_load_idx %arg26[%broadcast_in_dim3A_259] : memref<128xi32, #tpu.memory_space<vmem>>[vector<16xi32>], vector<16xi32>,
      %add3A_261 = arith.constant 0 : i32
      %add3A_262 = vector.broadcast %add3A_261 : i32 to vector<16xi32>
      %add3A_263 = arith.addi %iota3A, %add3A_262 : vector<16xi32>
      %ge3A = vector.broadcast %while3A_257#1 : i32 to vector<16xi32>
      %ge3A_264 = arith.cmpi sge, %add3A_263, %ge3A : vector<16xi32>
      tpu.vector_store_idx %arg26[%add3A_263], %gather3A_260 masked %ge3A_264 : memref<128xi32, #tpu.memory_space<vmem>>[vector<16xi32>], vector<16xi32>, vector<16xi1>
      %get3A = arith.constant 0 : index
      %get3A_265 = tpu.vector_load %arg26[%get3A] {strides = array<i32>} : memref<128xi32, #tpu.memory_space<vmem>>, vector<16xi32>,
      %swap3A = arith.constant 0 : index
      %swap3A_266 = tpu.vector_load %arg27[%swap3A] {strides = array<i32>} : memref<32xi32, #tpu.memory_space<vmem>>, vector<16xi32>,
      tpu.vector_store %arg27[%swap3A], %get3A_265 {strides = array<i32>} : memref<32xi32, #tpu.memory_space<vmem>>, vector<16xi32>,
      %add3A_267 = arith.constant 16 : i32
      %add3A_268 = vector.broadcast %add3A_267 : i32 to vector<16xi32>
      %add3A_269 = arith.addi %iota3A, %add3A_268 : vector<16xi32>
      %ge3A_270 = vector.broadcast %while3A_257#1 : i32 to vector<16xi32>
      %ge3A_271 = arith.cmpi sge, %add3A_269, %ge3A_270 : vector<16xi32>
      tpu.vector_store_idx %arg26[%add3A_269], %gather3A_260 masked %ge3A_271 : memref<128xi32, #tpu.memory_space<vmem>>[vector<16xi32>], vector<16xi32>, vector<16xi1>
      %get3A_272 = arith.constant 16 : index
      %get3A_273 = tpu.vector_load %arg26[%get3A_272] {strides = array<i32>} : memref<128xi32, #tpu.memory_space<vmem>>, vector<16xi32>,
      %swap3A_274 = arith.constant 16 : index
      %swap3A_275 = tpu.vector_load %arg27[%swap3A_274] {strides = array<i32>} : memref<32xi32, #tpu.memory_space<vmem>>, vector<16xi32>,
      tpu.vector_store %arg27[%swap3A_274], %get3A_273 {strides = array<i32>} : memref<32xi32, #tpu.memory_space<vmem>>, vector<16xi32>,
      %dma_start3A_276 = arith.constant 0 : i32
      %dma_start3A_277 = arith.constant 0 : i32
      %dma_start3A_278 = tpu.memref_slice %arg13[%dma_start3A_276, %dma_start3A_277] : memref<32768x48xf32, #tpu.memory_space<hbm>> -> memref<32768x48xf32, #tpu.memory_space<hbm>>
      tpu.enqueue_indirect_dma source(%dma_start3A_278 : memref<32768x48xf32, #tpu.memory_space<hbm>>) target(%arg31 : memref<32x48xf32, #tpu.memory_space<vmem>>) offsets(%arg27 : memref<32xi32, #tpu.memory_space<vmem>>) semaphore(%arg35 : memref<!tpu.dma_semaphore, #tpu.memory_space<semaphore_mem>>)
      %sub3A_279 = arith.constant 1 : i32
      %sub3A_280 = arith.subi %add3A_248, %sub3A_279 : i32
      %ge3A_281 = arith.constant 0 : i32
      %ge3A_282 = arith.cmpi sge, %sub3A_280, %ge3A_281 : i32
      %convert_element_type3A_283 = arith.extui %ge3A_282 : i1 to i32
      %cond3A_284 = arith.constant 0 : i32
      %cond3A_285 = arith.cmpi ne, %convert_element_type3A_283, %cond3A_284 : i32
      scf.if %cond3A_285 {
        %dma_wait3A_431 = arith.constant 0 : i32
        %dma_wait3A_432 = arith.constant 0 : i32
        %dma_wait3A_433 = tpu.memref_slice %arg13[%dma_wait3A_431, %dma_wait3A_432] : memref<32768x48xf32, #tpu.memory_space<hbm>> -> memref<32768x48xf32, #tpu.memory_space<hbm>>
        tpu.wait_indirect_dma semaphore(%arg38 : memref<!tpu.dma_semaphore, #tpu.memory_space<semaphore_mem>>) src(%dma_wait3A_433 : memref<32768x48xf32, #tpu.memory_space<hbm>>) dst(%arg34 : memref<32x48xf32, #tpu.memory_space<vmem>>)
        %broadcast_in_dim3A_434 = vector.broadcast %sub3A_280 : i32 to vector<16xi32>
        %gather3A_435 = tpu.vector_load_idx %arg23[%broadcast_in_dim3A_434] : memref<64xf32, #tpu.memory_space<vmem>>[vector<16xi32>], vector<16xf32>,
        %gather3A_436 = tpu.vector_load_idx %arg24[%broadcast_in_dim3A_434] : memref<64xf32, #tpu.memory_space<vmem>>[vector<16xi32>], vector<16xf32>,
        %gather3A_437 = tpu.vector_load_idx %arg25[%broadcast_in_dim3A_434] : memref<64xf32, #tpu.memory_space<vmem>>[vector<16xi32>], vector<16xf32>,
        %eq3A_438 = arith.constant 0 : i32
        %eq3A_439 = vector.broadcast %eq3A_438 : i32 to vector<16xi32>
        %eq3A_440 = arith.cmpi eq, %iota3A, %eq3A_439 : vector<16xi32>
        %jit3A_441 = arith.constant 0.000000e+00 : f32
        %broadcast_in_dim3A_442 = vector.broadcast %jit3A_441 : f32 to vector<16xf32>
        %select_n3A_443 = arith.select %eq3A_440, %gather3A_435, %broadcast_in_dim3A_442 : vector<16xi1>, vector<16xf32>
        %eq3A_444 = arith.constant 1 : i32
        %eq3A_445 = vector.broadcast %eq3A_444 : i32 to vector<16xi32>
        %eq3A_446 = arith.cmpi eq, %iota3A, %eq3A_445 : vector<16xi32>
        %jit3A_447 = arith.constant 0.000000e+00 : f32
        %broadcast_in_dim3A_448 = vector.broadcast %jit3A_447 : f32 to vector<16xf32>
        %select_n3A_449 = arith.select %eq3A_446, %gather3A_436, %broadcast_in_dim3A_448 : vector<16xi1>, vector<16xf32>
        %add3A_450 = arith.addf %select_n3A_443, %select_n3A_449 : vector<16xf32>
        %eq3A_451 = arith.constant 2 : i32
        %eq3A_452 = vector.broadcast %eq3A_451 : i32 to vector<16xi32>
        %eq3A_453 = arith.cmpi eq, %iota3A, %eq3A_452 : vector<16xi32>
        %jit3A_454 = arith.constant 0.000000e+00 : f32
        %broadcast_in_dim3A_455 = vector.broadcast %jit3A_454 : f32 to vector<16xf32>
        %select_n3A_456 = arith.select %eq3A_453, %gather3A_437, %broadcast_in_dim3A_455 : vector<16xi1>, vector<16xf32>
        %add3A_457 = arith.addf %add3A_450, %select_n3A_456 : vector<16xf32>
        %broadcast_in_dim3A_458 = arith.constant 0 : i32
        %broadcast_in_dim3A_459 = vector.broadcast %broadcast_in_dim3A_458 : i32 to vector<16xi32>
        %gather3A_460 = tpu.vector_load_idx %arg34[%broadcast_in_dim3A_459, %iota3A] : memref<32x48xf32, #tpu.memory_space<vmem>>[vector<16xi32>, vector<16xi32>], vector<16xf32>,
        %sub3A_461 = arith.subf %gather3A_460, %add3A_457 : vector<16xf32>
        tpu.vector_store_idx %arg34[%broadcast_in_dim3A_459, %iota3A], %sub3A_461 : memref<32x48xf32, #tpu.memory_space<vmem>>[vector<16xi32>, vector<16xi32>], vector<16xf32>,
        %broadcast_in_dim3A_462 = arith.constant 1 : i32
        %broadcast_in_dim3A_463 = vector.broadcast %broadcast_in_dim3A_462 : i32 to vector<16xi32>
        %gather3A_464 = tpu.vector_load_idx %arg34[%broadcast_in_dim3A_463, %iota3A] : memref<32x48xf32, #tpu.memory_space<vmem>>[vector<16xi32>, vector<16xi32>], vector<16xf32>,
        %sub3A_465 = arith.subf %gather3A_464, %add3A_457 : vector<16xf32>
        tpu.vector_store_idx %arg34[%broadcast_in_dim3A_463, %iota3A], %sub3A_465 : memref<32x48xf32, #tpu.memory_space<vmem>>[vector<16xi32>, vector<16xi32>], vector<16xf32>,
        %broadcast_in_dim3A_466 = arith.constant 2 : i32
        %broadcast_in_dim3A_467 = vector.broadcast %broadcast_in_dim3A_466 : i32 to vector<16xi32>
        %gather3A_468 = tpu.vector_load_idx %arg34[%broadcast_in_dim3A_467, %iota3A] : memref<32x48xf32, #tpu.memory_space<vmem>>[vector<16xi32>, vector<16xi32>], vector<16xf32>,
        %sub3A_469 = arith.subf %gather3A_468, %add3A_457 : vector<16xf32>
        tpu.vector_store_idx %arg34[%broadcast_in_dim3A_467, %iota3A], %sub3A_469 : memref<32x48xf32, #tpu.memory_space<vmem>>[vector<16xi32>, vector<16xi32>], vector<16xf32>,
        %broadcast_in_dim3A_470 = arith.constant 3 : i32
        %broadcast_in_dim3A_471 = vector.broadcast %broadcast_in_dim3A_470 : i32 to vector<16xi32>
        %gather3A_472 = tpu.vector_load_idx %arg34[%broadcast_in_dim3A_471, %iota3A] : memref<32x48xf32, #tpu.memory_space<vmem>>[vector<16xi32>, vector<16xi32>], vector<16xf32>,
        %sub3A_473 = arith.subf %gather3A_472, %add3A_457 : vector<16xf32>
        tpu.vector_store_idx %arg34[%broadcast_in_dim3A_471, %iota3A], %sub3A_473 : memref<32x48xf32, #tpu.memory_space<vmem>>[vector<16xi32>, vector<16xi32>], vector<16xf32>,
        %broadcast_in_dim3A_474 = arith.constant 4 : i32
        %broadcast_in_dim3A_475 = vector.broadcast %broadcast_in_dim3A_474 : i32 to vector<16xi32>
        %gather3A_476 = tpu.vector_load_idx %arg34[%broadcast_in_dim3A_475, %iota3A] : memref<32x48xf32, #tpu.memory_space<vmem>>[vector<16xi32>, vector<16xi32>], vector<16xf32>,
        %sub3A_477 = arith.subf %gather3A_476, %add3A_457 : vector<16xf32>
        tpu.vector_store_idx %arg34[%broadcast_in_dim3A_475, %iota3A], %sub3A_477 : memref<32x48xf32, #tpu.memory_space<vmem>>[vector<16xi32>, vector<16xi32>], vector<16xf32>,
        %broadcast_in_dim3A_478 = arith.constant 5 : i32
        %broadcast_in_dim3A_479 = vector.broadcast %broadcast_in_dim3A_478 : i32 to vector<16xi32>
        %gather3A_480 = tpu.vector_load_idx %arg34[%broadcast_in_dim3A_479, %iota3A] : memref<32x48xf32, #tpu.memory_space<vmem>>[vector<16xi32>, vector<16xi32>], vector<16xf32>,
        %sub3A_481 = arith.subf %gather3A_480, %add3A_457 : vector<16xf32>
        tpu.vector_store_idx %arg34[%broadcast_in_dim3A_479, %iota3A], %sub3A_481 : memref<32x48xf32, #tpu.memory_space<vmem>>[vector<16xi32>, vector<16xi32>], vector<16xf32>,
        %broadcast_in_dim3A_482 = arith.constant 6 : i32
        %broadcast_in_dim3A_483 = vector.broadcast %broadcast_in_dim3A_482 : i32 to vector<16xi32>
        %gather3A_484 = tpu.vector_load_idx %arg34[%broadcast_in_dim3A_483, %iota3A] : memref<32x48xf32, #tpu.memory_space<vmem>>[vector<16xi32>, vector<16xi32>], vector<16xf32>,
        %sub3A_485 = arith.subf %gather3A_484, %add3A_457 : vector<16xf32>
        tpu.vector_store_idx %arg34[%broadcast_in_dim3A_483, %iota3A], %sub3A_485 : memref<32x48xf32, #tpu.memory_space<vmem>>[vector<16xi32>, vector<16xi32>], vector<16xf32>,
        %broadcast_in_dim3A_486 = arith.constant 7 : i32
        %broadcast_in_dim3A_487 = vector.broadcast %broadcast_in_dim3A_486 : i32 to vector<16xi32>
        %gather3A_488 = tpu.vector_load_idx %arg34[%broadcast_in_dim3A_487, %iota3A] : memref<32x48xf32, #tpu.memory_space<vmem>>[vector<16xi32>, vector<16xi32>], vector<16xf32>,
        %sub3A_489 = arith.subf %gather3A_488, %add3A_457 : vector<16xf32>
        tpu.vector_store_idx %arg34[%broadcast_in_dim3A_487, %iota3A], %sub3A_489 : memref<32x48xf32, #tpu.memory_space<vmem>>[vector<16xi32>, vector<16xi32>], vector<16xf32>,
        %broadcast_in_dim3A_490 = arith.constant 8 : i32
        %broadcast_in_dim3A_491 = vector.broadcast %broadcast_in_dim3A_490 : i32 to vector<16xi32>
        %gather3A_492 = tpu.vector_load_idx %arg34[%broadcast_in_dim3A_491, %iota3A] : memref<32x48xf32, #tpu.memory_space<vmem>>[vector<16xi32>, vector<16xi32>], vector<16xf32>,
        %sub3A_493 = arith.subf %gather3A_492, %add3A_457 : vector<16xf32>
        tpu.vector_store_idx %arg34[%broadcast_in_dim3A_491, %iota3A], %sub3A_493 : memref<32x48xf32, #tpu.memory_space<vmem>>[vector<16xi32>, vector<16xi32>], vector<16xf32>,
        %broadcast_in_dim3A_494 = arith.constant 9 : i32
        %broadcast_in_dim3A_495 = vector.broadcast %broadcast_in_dim3A_494 : i32 to vector<16xi32>
        %gather3A_496 = tpu.vector_load_idx %arg34[%broadcast_in_dim3A_495, %iota3A] : memref<32x48xf32, #tpu.memory_space<vmem>>[vector<16xi32>, vector<16xi32>], vector<16xf32>,
        %sub3A_497 = arith.subf %gather3A_496, %add3A_457 : vector<16xf32>
        tpu.vector_store_idx %arg34[%broadcast_in_dim3A_495, %iota3A], %sub3A_497 : memref<32x48xf32, #tpu.memory_space<vmem>>[vector<16xi32>, vector<16xi32>], vector<16xf32>,
        %broadcast_in_dim3A_498 = arith.constant 10 : i32
        %broadcast_in_dim3A_499 = vector.broadcast %broadcast_in_dim3A_498 : i32 to vector<16xi32>
        %gather3A_500 = tpu.vector_load_idx %arg34[%broadcast_in_dim3A_499, %iota3A] : memref<32x48xf32, #tpu.memory_space<vmem>>[vector<16xi32>, vector<16xi32>], vector<16xf32>,
        %sub3A_501 = arith.subf %gather3A_500, %add3A_457 : vector<16xf32>
        tpu.vector_store_idx %arg34[%broadcast_in_dim3A_499, %iota3A], %sub3A_501 : memref<32x48xf32, #tpu.memory_space<vmem>>[vector<16xi32>, vector<16xi32>], vector<16xf32>,
        %broadcast_in_dim3A_502 = arith.constant 11 : i32
        %broadcast_in_dim3A_503 = vector.broadcast %broadcast_in_dim3A_502 : i32 to vector<16xi32>
        %gather3A_504 = tpu.vector_load_idx %arg34[%broadcast_in_dim3A_503, %iota3A] : memref<32x48xf32, #tpu.memory_space<vmem>>[vector<16xi32>, vector<16xi32>], vector<16xf32>,
        %sub3A_505 = arith.subf %gather3A_504, %add3A_457 : vector<16xf32>
        tpu.vector_store_idx %arg34[%broadcast_in_dim3A_503, %iota3A], %sub3A_505 : memref<32x48xf32, #tpu.memory_space<vmem>>[vector<16xi32>, vector<16xi32>], vector<16xf32>,
        %broadcast_in_dim3A_506 = arith.constant 12 : i32
        %broadcast_in_dim3A_507 = vector.broadcast %broadcast_in_dim3A_506 : i32 to vector<16xi32>
        %gather3A_508 = tpu.vector_load_idx %arg34[%broadcast_in_dim3A_507, %iota3A] : memref<32x48xf32, #tpu.memory_space<vmem>>[vector<16xi32>, vector<16xi32>], vector<16xf32>,
        %sub3A_509 = arith.subf %gather3A_508, %add3A_457 : vector<16xf32>
        tpu.vector_store_idx %arg34[%broadcast_in_dim3A_507, %iota3A], %sub3A_509 : memref<32x48xf32, #tpu.memory_space<vmem>>[vector<16xi32>, vector<16xi32>], vector<16xf32>,
        %broadcast_in_dim3A_510 = arith.constant 13 : i32
        %broadcast_in_dim3A_511 = vector.broadcast %broadcast_in_dim3A_510 : i32 to vector<16xi32>
        %gather3A_512 = tpu.vector_load_idx %arg34[%broadcast_in_dim3A_511, %iota3A] : memref<32x48xf32, #tpu.memory_space<vmem>>[vector<16xi32>, vector<16xi32>], vector<16xf32>,
        %sub3A_513 = arith.subf %gather3A_512, %add3A_457 : vector<16xf32>
        tpu.vector_store_idx %arg34[%broadcast_in_dim3A_511, %iota3A], %sub3A_513 : memref<32x48xf32, #tpu.memory_space<vmem>>[vector<16xi32>, vector<16xi32>], vector<16xf32>,
        %broadcast_in_dim3A_514 = arith.constant 14 : i32
        %broadcast_in_dim3A_515 = vector.broadcast %broadcast_in_dim3A_514 : i32 to vector<16xi32>
        %gather3A_516 = tpu.vector_load_idx %arg34[%broadcast_in_dim3A_515, %iota3A] : memref<32x48xf32, #tpu.memory_space<vmem>>[vector<16xi32>, vector<16xi32>], vector<16xf32>,
        %sub3A_517 = arith.subf %gather3A_516, %add3A_457 : vector<16xf32>
        tpu.vector_store_idx %arg34[%broadcast_in_dim3A_515, %iota3A], %sub3A_517 : memref<32x48xf32, #tpu.memory_space<vmem>>[vector<16xi32>, vector<16xi32>], vector<16xf32>,
        %broadcast_in_dim3A_518 = arith.constant 15 : i32
        %broadcast_in_dim3A_519 = vector.broadcast %broadcast_in_dim3A_518 : i32 to vector<16xi32>
        %gather3A_520 = tpu.vector_load_idx %arg34[%broadcast_in_dim3A_519, %iota3A] : memref<32x48xf32, #tpu.memory_space<vmem>>[vector<16xi32>, vector<16xi32>], vector<16xf32>,
        %sub3A_521 = arith.subf %gather3A_520, %add3A_457 : vector<16xf32>
        tpu.vector_store_idx %arg34[%broadcast_in_dim3A_519, %iota3A], %sub3A_521 : memref<32x48xf32, #tpu.memory_space<vmem>>[vector<16xi32>, vector<16xi32>], vector<16xf32>,
        %broadcast_in_dim3A_522 = arith.constant 16 : i32
        %broadcast_in_dim3A_523 = vector.broadcast %broadcast_in_dim3A_522 : i32 to vector<16xi32>
        %gather3A_524 = tpu.vector_load_idx %arg34[%broadcast_in_dim3A_523, %iota3A] : memref<32x48xf32, #tpu.memory_space<vmem>>[vector<16xi32>, vector<16xi32>], vector<16xf32>,
        %sub3A_525 = arith.subf %gather3A_524, %add3A_457 : vector<16xf32>
        tpu.vector_store_idx %arg34[%broadcast_in_dim3A_523, %iota3A], %sub3A_525 : memref<32x48xf32, #tpu.memory_space<vmem>>[vector<16xi32>, vector<16xi32>], vector<16xf32>,
        %broadcast_in_dim3A_526 = arith.constant 17 : i32
        %broadcast_in_dim3A_527 = vector.broadcast %broadcast_in_dim3A_526 : i32 to vector<16xi32>
        %gather3A_528 = tpu.vector_load_idx %arg34[%broadcast_in_dim3A_527, %iota3A] : memref<32x48xf32, #tpu.memory_space<vmem>>[vector<16xi32>, vector<16xi32>], vector<16xf32>,
        %sub3A_529 = arith.subf %gather3A_528, %add3A_457 : vector<16xf32>
        tpu.vector_store_idx %arg34[%broadcast_in_dim3A_527, %iota3A], %sub3A_529 : memref<32x48xf32, #tpu.memory_space<vmem>>[vector<16xi32>, vector<16xi32>], vector<16xf32>,
        %broadcast_in_dim3A_530 = arith.constant 18 : i32
        %broadcast_in_dim3A_531 = vector.broadcast %broadcast_in_dim3A_530 : i32 to vector<16xi32>
        %gather3A_532 = tpu.vector_load_idx %arg34[%broadcast_in_dim3A_531, %iota3A] : memref<32x48xf32, #tpu.memory_space<vmem>>[vector<16xi32>, vector<16xi32>], vector<16xf32>,
        %sub3A_533 = arith.subf %gather3A_532, %add3A_457 : vector<16xf32>
        tpu.vector_store_idx %arg34[%broadcast_in_dim3A_531, %iota3A], %sub3A_533 : memref<32x48xf32, #tpu.memory_space<vmem>>[vector<16xi32>, vector<16xi32>], vector<16xf32>,
        %broadcast_in_dim3A_534 = arith.constant 19 : i32
        %broadcast_in_dim3A_535 = vector.broadcast %broadcast_in_dim3A_534 : i32 to vector<16xi32>
        %gather3A_536 = tpu.vector_load_idx %arg34[%broadcast_in_dim3A_535, %iota3A] : memref<32x48xf32, #tpu.memory_space<vmem>>[vector<16xi32>, vector<16xi32>], vector<16xf32>,
        %sub3A_537 = arith.subf %gather3A_536, %add3A_457 : vector<16xf32>
        tpu.vector_store_idx %arg34[%broadcast_in_dim3A_535, %iota3A], %sub3A_537 : memref<32x48xf32, #tpu.memory_space<vmem>>[vector<16xi32>, vector<16xi32>], vector<16xf32>,
        %broadcast_in_dim3A_538 = arith.constant 20 : i32
        %broadcast_in_dim3A_539 = vector.broadcast %broadcast_in_dim3A_538 : i32 to vector<16xi32>
        %gather3A_540 = tpu.vector_load_idx %arg34[%broadcast_in_dim3A_539, %iota3A] : memref<32x48xf32, #tpu.memory_space<vmem>>[vector<16xi32>, vector<16xi32>], vector<16xf32>,
        %sub3A_541 = arith.subf %gather3A_540, %add3A_457 : vector<16xf32>
        tpu.vector_store_idx %arg34[%broadcast_in_dim3A_539, %iota3A], %sub3A_541 : memref<32x48xf32, #tpu.memory_space<vmem>>[vector<16xi32>, vector<16xi32>], vector<16xf32>,
        %broadcast_in_dim3A_542 = arith.constant 21 : i32
        %broadcast_in_dim3A_543 = vector.broadcast %broadcast_in_dim3A_542 : i32 to vector<16xi32>
        %gather3A_544 = tpu.vector_load_idx %arg34[%broadcast_in_dim3A_543, %iota3A] : memref<32x48xf32, #tpu.memory_space<vmem>>[vector<16xi32>, vector<16xi32>], vector<16xf32>,
        %sub3A_545 = arith.subf %gather3A_544, %add3A_457 : vector<16xf32>
        tpu.vector_store_idx %arg34[%broadcast_in_dim3A_543, %iota3A], %sub3A_545 : memref<32x48xf32, #tpu.memory_space<vmem>>[vector<16xi32>, vector<16xi32>], vector<16xf32>,
        %broadcast_in_dim3A_546 = arith.constant 22 : i32
        %broadcast_in_dim3A_547 = vector.broadcast %broadcast_in_dim3A_546 : i32 to vector<16xi32>
        %gather3A_548 = tpu.vector_load_idx %arg34[%broadcast_in_dim3A_547, %iota3A] : memref<32x48xf32, #tpu.memory_space<vmem>>[vector<16xi32>, vector<16xi32>], vector<16xf32>,
        %sub3A_549 = arith.subf %gather3A_548, %add3A_457 : vector<16xf32>
        tpu.vector_store_idx %arg34[%broadcast_in_dim3A_547, %iota3A], %sub3A_549 : memref<32x48xf32, #tpu.memory_space<vmem>>[vector<16xi32>, vector<16xi32>], vector<16xf32>,
        %broadcast_in_dim3A_550 = arith.constant 23 : i32
        %broadcast_in_dim3A_551 = vector.broadcast %broadcast_in_dim3A_550 : i32 to vector<16xi32>
        %gather3A_552 = tpu.vector_load_idx %arg34[%broadcast_in_dim3A_551, %iota3A] : memref<32x48xf32, #tpu.memory_space<vmem>>[vector<16xi32>, vector<16xi32>], vector<16xf32>,
        %sub3A_553 = arith.subf %gather3A_552, %add3A_457 : vector<16xf32>
        tpu.vector_store_idx %arg34[%broadcast_in_dim3A_551, %iota3A], %sub3A_553 : memref<32x48xf32, #tpu.memory_space<vmem>>[vector<16xi32>, vector<16xi32>], vector<16xf32>,
        %broadcast_in_dim3A_554 = arith.constant 24 : i32
        %broadcast_in_dim3A_555 = vector.broadcast %broadcast_in_dim3A_554 : i32 to vector<16xi32>
        %gather3A_556 = tpu.vector_load_idx %arg34[%broadcast_in_dim3A_555, %iota3A] : memref<32x48xf32, #tpu.memory_space<vmem>>[vector<16xi32>, vector<16xi32>], vector<16xf32>,
        %sub3A_557 = arith.subf %gather3A_556, %add3A_457 : vector<16xf32>
        tpu.vector_store_idx %arg34[%broadcast_in_dim3A_555, %iota3A], %sub3A_557 : memref<32x48xf32, #tpu.memory_space<vmem>>[vector<16xi32>, vector<16xi32>], vector<16xf32>,
        %broadcast_in_dim3A_558 = arith.constant 25 : i32
        %broadcast_in_dim3A_559 = vector.broadcast %broadcast_in_dim3A_558 : i32 to vector<16xi32>
        %gather3A_560 = tpu.vector_load_idx %arg34[%broadcast_in_dim3A_559, %iota3A] : memref<32x48xf32, #tpu.memory_space<vmem>>[vector<16xi32>, vector<16xi32>], vector<16xf32>,
        %sub3A_561 = arith.subf %gather3A_560, %add3A_457 : vector<16xf32>
        tpu.vector_store_idx %arg34[%broadcast_in_dim3A_559, %iota3A], %sub3A_561 : memref<32x48xf32, #tpu.memory_space<vmem>>[vector<16xi32>, vector<16xi32>], vector<16xf32>,
        %broadcast_in_dim3A_562 = arith.constant 26 : i32
        %broadcast_in_dim3A_563 = vector.broadcast %broadcast_in_dim3A_562 : i32 to vector<16xi32>
        %gather3A_564 = tpu.vector_load_idx %arg34[%broadcast_in_dim3A_563, %iota3A] : memref<32x48xf32, #tpu.memory_space<vmem>>[vector<16xi32>, vector<16xi32>], vector<16xf32>,
        %sub3A_565 = arith.subf %gather3A_564, %add3A_457 : vector<16xf32>
        tpu.vector_store_idx %arg34[%broadcast_in_dim3A_563, %iota3A], %sub3A_565 : memref<32x48xf32, #tpu.memory_space<vmem>>[vector<16xi32>, vector<16xi32>], vector<16xf32>,
        %broadcast_in_dim3A_566 = arith.constant 27 : i32
        %broadcast_in_dim3A_567 = vector.broadcast %broadcast_in_dim3A_566 : i32 to vector<16xi32>
        %gather3A_568 = tpu.vector_load_idx %arg34[%broadcast_in_dim3A_567, %iota3A] : memref<32x48xf32, #tpu.memory_space<vmem>>[vector<16xi32>, vector<16xi32>], vector<16xf32>,
        %sub3A_569 = arith.subf %gather3A_568, %add3A_457 : vector<16xf32>
        tpu.vector_store_idx %arg34[%broadcast_in_dim3A_567, %iota3A], %sub3A_569 : memref<32x48xf32, #tpu.memory_space<vmem>>[vector<16xi32>, vector<16xi32>], vector<16xf32>,
        %broadcast_in_dim3A_570 = arith.constant 28 : i32
        %broadcast_in_dim3A_571 = vector.broadcast %broadcast_in_dim3A_570 : i32 to vector<16xi32>
        %gather3A_572 = tpu.vector_load_idx %arg34[%broadcast_in_dim3A_571, %iota3A] : memref<32x48xf32, #tpu.memory_space<vmem>>[vector<16xi32>, vector<16xi32>], vector<16xf32>,
        %sub3A_573 = arith.subf %gather3A_572, %add3A_457 : vector<16xf32>
        tpu.vector_store_idx %arg34[%broadcast_in_dim3A_571, %iota3A], %sub3A_573 : memref<32x48xf32, #tpu.memory_space<vmem>>[vector<16xi32>, vector<16xi32>], vector<16xf32>,
        %broadcast_in_dim3A_574 = arith.constant 29 : i32
        %broadcast_in_dim3A_575 = vector.broadcast %broadcast_in_dim3A_574 : i32 to vector<16xi32>
        %gather3A_576 = tpu.vector_load_idx %arg34[%broadcast_in_dim3A_575, %iota3A] : memref<32x48xf32, #tpu.memory_space<vmem>>[vector<16xi32>, vector<16xi32>], vector<16xf32>,
        %sub3A_577 = arith.subf %gather3A_576, %add3A_457 : vector<16xf32>
        tpu.vector_store_idx %arg34[%broadcast_in_dim3A_575, %iota3A], %sub3A_577 : memref<32x48xf32, #tpu.memory_space<vmem>>[vector<16xi32>, vector<16xi32>], vector<16xf32>,
        %broadcast_in_dim3A_578 = arith.constant 30 : i32
        %broadcast_in_dim3A_579 = vector.broadcast %broadcast_in_dim3A_578 : i32 to vector<16xi32>
        %gather3A_580 = tpu.vector_load_idx %arg34[%broadcast_in_dim3A_579, %iota3A] : memref<32x48xf32, #tpu.memory_space<vmem>>[vector<16xi32>, vector<16xi32>], vector<16xf32>,
        %sub3A_581 = arith.subf %gather3A_580, %add3A_457 : vector<16xf32>
        tpu.vector_store_idx %arg34[%broadcast_in_dim3A_579, %iota3A], %sub3A_581 : memref<32x48xf32, #tpu.memory_space<vmem>>[vector<16xi32>, vector<16xi32>], vector<16xf32>,
        %broadcast_in_dim3A_582 = arith.constant 31 : i32
        %broadcast_in_dim3A_583 = vector.broadcast %broadcast_in_dim3A_582 : i32 to vector<16xi32>
        %gather3A_584 = tpu.vector_load_idx %arg34[%broadcast_in_dim3A_583, %iota3A] : memref<32x48xf32, #tpu.memory_space<vmem>>[vector<16xi32>, vector<16xi32>], vector<16xf32>,
        %sub3A_585 = arith.subf %gather3A_584, %add3A_457 : vector<16xf32>
        tpu.vector_store_idx %arg34[%broadcast_in_dim3A_583, %iota3A], %sub3A_585 : memref<32x48xf32, #tpu.memory_space<vmem>>[vector<16xi32>, vector<16xi32>], vector<16xf32>,
        %mul3A_586 = arith.constant 512 : i32
        %mul3A_587 = arith.muli %select_n3A, %mul3A_586 : i32
        %add3A_588 = arith.addi %mul3A_587, %select_n3A_30 : i32
        %mul3A_589 = arith.constant 8 : i32
        %mul3A_590 = arith.muli %mul3A_589, %sub3A_280 : i32
        %add3A_591 = arith.addi %add3A_588, %mul3A_590 : i32
        %dma_start3A_592 = arith.constant 0 : i32
        %dma_start3A_593 = arith.constant 0 : i32
        %dma_start3A_594 = tpu.memref_slice %arg14[%add3A_591, %dma_start3A_592, %dma_start3A_593] : memref<2048x32x48xf32, #tpu.memory_space<hbm>> -> memref<1x32x48xf32, #tpu.memory_space<hbm>>
        %dma_start3A_595 = tpu.memref_squeeze %dma_start3A_594 : memref<1x32x48xf32, #tpu.memory_space<hbm>> -> memref<32x48xf32, #tpu.memory_space<hbm>>
        %dma_start3A_596 = arith.constant 0 : i32
        %dma_start3A_597 = arith.constant 0 : i32
        %dma_start3A_598 = tpu.memref_slice %arg14[%add3A_591, %dma_start3A_596, %dma_start3A_597] : memref<2048x32x48xf32, #tpu.memory_space<hbm>> -> memref<1x32x48xf32, #tpu.memory_space<hbm>>
        %dma_start3A_599 = tpu.memref_squeeze %dma_start3A_598 : memref<1x32x48xf32, #tpu.memory_space<hbm>> -> memref<32x48xf32, #tpu.memory_space<hbm>>
        tpu.enqueue_dma source(%arg34 : memref<32x48xf32, #tpu.memory_space<vmem>>) target(%dma_start3A_599 : memref<32x48xf32, #tpu.memory_space<hbm>>) target_semaphore(%arg42 : memref<!tpu.dma_semaphore, #tpu.memory_space<semaphore_mem>>)
      } else {
      }
      %mul3A_286 = arith.constant 4 : i32
      %mul3A_287 = arith.muli %scan3A_243, %mul3A_286 : i32
      %add3A_288 = arith.constant 1 : i32
      %add3A_289 = arith.addi %mul3A_287, %add3A_288 : i32
      %gt3A_290 = arith.constant 0 : i32
      %gt3A_291 = arith.cmpi sgt, %scan3A_243, %gt3A_290 : i32
      %convert_element_type3A_292 = arith.extui %gt3A_291 : i1 to i32
      %cond3A_293 = arith.constant 0 : i32
      %cond3A_294 = arith.cmpi ne, %convert_element_type3A_292, %cond3A_293 : i32
      scf.if %cond3A_294 {
        %mul3A_431 = arith.constant 512 : i32
        %mul3A_432 = arith.muli %select_n3A, %mul3A_431 : i32
        %add3A_433 = arith.addi %mul3A_432, %select_n3A_30 : i32
        %mul3A_434 = arith.constant 8 : i32
        %mul3A_435 = arith.muli %mul3A_434, %add3A_289 : i32
        %add3A_436 = arith.addi %add3A_433, %mul3A_435 : i32
        %dma_wait3A_437 = arith.constant 0 : i32
        %dma_wait3A_438 = arith.constant 0 : i32
        %dma_wait3A_439 = tpu.memref_slice %arg14[%add3A_436, %dma_wait3A_437, %dma_wait3A_438] : memref<2048x32x48xf32, #tpu.memory_space<hbm>> -> memref<1x32x48xf32, #tpu.memory_space<hbm>>
        %dma_wait3A_440 = tpu.memref_squeeze %dma_wait3A_439 : memref<1x32x48xf32, #tpu.memory_space<hbm>> -> memref<32x48xf32, #tpu.memory_space<hbm>>
        %dma_wait3A_441 = arith.constant 0 : i32
        %dma_wait3A_442 = arith.constant 0 : i32
        %dma_wait3A_443 = tpu.memref_slice %arg14[%add3A_436, %dma_wait3A_441, %dma_wait3A_442] : memref<2048x32x48xf32, #tpu.memory_space<hbm>> -> memref<1x32x48xf32, #tpu.memory_space<hbm>>
        %dma_wait3A_444 = tpu.memref_squeeze %dma_wait3A_443 : memref<1x32x48xf32, #tpu.memory_space<hbm>> -> memref<32x48xf32, #tpu.memory_space<hbm>>
        tpu.wait_dma2 semaphore(%arg40 : memref<!tpu.dma_semaphore, #tpu.memory_space<semaphore_mem>>) src(%arg32 : memref<32x48xf32, #tpu.memory_space<vmem>>) dst(%dma_wait3A_444 : memref<32x48xf32, #tpu.memory_space<hbm>>)
      } else {
      }
      %broadcast_in_dim3A_295 = vector.broadcast %add3A_289 : i32 to vector<16xi32>
      %gather3A_296 = tpu.vector_load_idx %arg19[%broadcast_in_dim3A_295] : memref<64xf32, #tpu.memory_space<vmem>>[vector<16xi32>], vector<16xf32>,
      %gather3A_297 = tpu.vector_load_idx %arg20[%broadcast_in_dim3A_295] : memref<64xf32, #tpu.memory_space<vmem>>[vector<16xi32>], vector<16xf32>,
      %gather3A_298 = tpu.vector_load_idx %arg21[%broadcast_in_dim3A_295] : memref<64xf32, #tpu.memory_space<vmem>>[vector<16xi32>], vector<16xf32>,
      %gather3A_299 = tpu.vector_load_idx %arg22[%broadcast_in_dim3A_295] : memref<64xf32, #tpu.memory_space<vmem>>[vector<16xi32>], vector<16xf32>,
      %while3A_300 = arith.constant 0 : i32
      %while3A_301 = arith.constant 0 : i32
      %while3A_302:2 = scf.while (%while3A_431 = %while3A_300, %while3A_432 = %while3A_301) : (i32, i32) -> (i32, i32) {
        %lt3A_433 = arith.constant 32 : i32
        %lt3A_434 = arith.cmpi slt, %while3A_432, %lt3A_433 : i32
        %lt3A_435 = arith.constant 8192 : i32
        %lt3A_436 = arith.cmpi slt, %while3A_431, %lt3A_435 : i32
        %and3A_437 = arith.andi %lt3A_434, %lt3A_436 : i1
        scf.condition(%and3A_437) %while3A_431, %while3A_432 : i32, i32
      } do {
      ^bb0(%while3A_431: i32, %while3A_432: i32):
        %add3A_433 = arith.constant 0 : i32
        %add3A_434 = arith.addi %while3A_431, %add3A_433 : i32
        %get3A_435 = arith.index_cast %add3A_434 : i32 to index
        %get3A_436 = tpu.vector_load %arg15[%get3A_435] {strides = array<i32>} : memref<8192xf32, #tpu.memory_space<vmem>>, vector<16xf32>,
        %get3A_437 = arith.index_cast %add3A_434 : i32 to index
        %get3A_438 = tpu.vector_load %arg16[%get3A_437] {strides = array<i32>} : memref<8192xf32, #tpu.memory_space<vmem>>, vector<16xf32>,
        %get3A_439 = arith.index_cast %add3A_434 : i32 to index
        %get3A_440 = tpu.vector_load %arg17[%get3A_439] {strides = array<i32>} : memref<8192xf32, #tpu.memory_space<vmem>>, vector<16xf32>,
        %get3A_441 = arith.index_cast %add3A_434 : i32 to index
        %get3A_442 = tpu.vector_load %arg18[%get3A_441] {strides = array<i32>} : memref<8192xf32, #tpu.memory_space<vmem>>, vector<16xf32>,
        %mul3A_443 = arith.mulf %gather3A_296, %get3A_436 : vector<16xf32>
        %mul3A_444 = arith.mulf %gather3A_297, %get3A_438 : vector<16xf32>
        %add3A_445 = arith.addf %mul3A_443, %mul3A_444 : vector<16xf32>
        %mul3A_446 = arith.mulf %gather3A_298, %get3A_440 : vector<16xf32>
        %add3A_447 = arith.addf %add3A_445, %mul3A_446 : vector<16xf32>
        %mul3A_448 = arith.constant -2.000000e+00 : f32
        %mul3A_449 = vector.broadcast %mul3A_448 : f32 to vector<16xf32>
        %mul3A_450 = arith.mulf %mul3A_449, %add3A_447 : vector<16xf32>
        %add3A_451 = arith.addf %mul3A_450, %gather3A_299 : vector<16xf32>
        %add3A_452 = arith.addf %add3A_451, %get3A_442 : vector<16xf32>
        %le3A = vector.broadcast %scan3A : f32 to vector<16xf32>
        %le3A_453 = arith.cmpf ole, %add3A_452, %le3A : vector<16xf32>
        %add3A_454 = arith.addi %mul3A_32, %add3A_434 : i32
        %add3A_455 = vector.broadcast %add3A_454 : i32 to vector<16xi32>
        %add3A_456 = arith.addi %add3A_455, %iota3A : vector<16xi32>
        %swap3A_457 = arith.index_cast %while3A_432 : i32 to index
        %swap3A_458 = tpu.vector_load %arg26[%swap3A_457] masked %le3A_453 {strides = array<i32>} : memref<128xi32, #tpu.memory_space<vmem>>, vector<16xi32>, vector<16xi1>
        tpu.vector_store %arg26[%swap3A_457], %add3A_456 masked %le3A_453 {strides = array<i32>} : memref<128xi32, #tpu.memory_space<vmem>>, vector<16xi32>, vector<16xi1>
        %all_reduce_population_count3A = tpu.all_reduce %le3A_453 {dim = 0 : i64, kind = #tpu.reduction_kind<sum>} : vector<16xi1> -> vector<16xi32>
        %slice3A = vector.extract_strided_slice %all_reduce_population_count3A {offsets = [0], sizes = [1], strides = [1]} : vector<16xi32> to vector<1xi32>
        %squeeze3A = vector.extract %slice3A[0] : i32 from vector<1xi32>
        %add3A_459 = arith.addi %while3A_432, %squeeze3A : i32
        %add3A_460 = arith.constant 16 : i32
        %add3A_461 = arith.addi %while3A_431, %add3A_460 : i32
        %get3A_462 = arith.index_cast %add3A_461 : i32 to index
        %get3A_463 = tpu.vector_load %arg15[%get3A_462] {strides = array<i32>} : memref<8192xf32, #tpu.memory_space<vmem>>, vector<16xf32>,
        %get3A_464 = arith.index_cast %add3A_461 : i32 to index
        %get3A_465 = tpu.vector_load %arg16[%get3A_464] {strides = array<i32>} : memref<8192xf32, #tpu.memory_space<vmem>>, vector<16xf32>,
        %get3A_466 = arith.index_cast %add3A_461 : i32 to index
        %get3A_467 = tpu.vector_load %arg17[%get3A_466] {strides = array<i32>} : memref<8192xf32, #tpu.memory_space<vmem>>, vector<16xf32>,
        %get3A_468 = arith.index_cast %add3A_461 : i32 to index
        %get3A_469 = tpu.vector_load %arg18[%get3A_468] {strides = array<i32>} : memref<8192xf32, #tpu.memory_space<vmem>>, vector<16xf32>,
        %mul3A_470 = arith.mulf %gather3A_296, %get3A_463 : vector<16xf32>
        %mul3A_471 = arith.mulf %gather3A_297, %get3A_465 : vector<16xf32>
        %add3A_472 = arith.addf %mul3A_470, %mul3A_471 : vector<16xf32>
        %mul3A_473 = arith.mulf %gather3A_298, %get3A_467 : vector<16xf32>
        %add3A_474 = arith.addf %add3A_472, %mul3A_473 : vector<16xf32>
        %mul3A_475 = arith.constant -2.000000e+00 : f32
        %mul3A_476 = vector.broadcast %mul3A_475 : f32 to vector<16xf32>
        %mul3A_477 = arith.mulf %mul3A_476, %add3A_474 : vector<16xf32>
        %add3A_478 = arith.addf %mul3A_477, %gather3A_299 : vector<16xf32>
        %add3A_479 = arith.addf %add3A_478, %get3A_469 : vector<16xf32>
        %le3A_480 = vector.broadcast %scan3A : f32 to vector<16xf32>
        %le3A_481 = arith.cmpf ole, %add3A_479, %le3A_480 : vector<16xf32>
        %add3A_482 = arith.addi %mul3A_32, %add3A_461 : i32
        %add3A_483 = vector.broadcast %add3A_482 : i32 to vector<16xi32>
        %add3A_484 = arith.addi %add3A_483, %iota3A : vector<16xi32>
        %swap3A_485 = arith.index_cast %add3A_459 : i32 to index
        %swap3A_486 = tpu.vector_load %arg26[%swap3A_485] masked %le3A_481 {strides = array<i32>} : memref<128xi32, #tpu.memory_space<vmem>>, vector<16xi32>, vector<16xi1>
        tpu.vector_store %arg26[%swap3A_485], %add3A_484 masked %le3A_481 {strides = array<i32>} : memref<128xi32, #tpu.memory_space<vmem>>, vector<16xi32>, vector<16xi1>
        %all_reduce_population_count3A_487 = tpu.all_reduce %le3A_481 {dim = 0 : i64, kind = #tpu.reduction_kind<sum>} : vector<16xi1> -> vector<16xi32>
        %slice3A_488 = vector.extract_strided_slice %all_reduce_population_count3A_487 {offsets = [0], sizes = [1], strides = [1]} : vector<16xi32> to vector<1xi32>
        %squeeze3A_489 = vector.extract %slice3A_488[0] : i32 from vector<1xi32>
        %add3A_490 = arith.addi %add3A_459, %squeeze3A_489 : i32
        %add3A_491 = arith.constant 32 : i32
        %add3A_492 = arith.addi %while3A_431, %add3A_491 : i32
        %get3A_493 = arith.index_cast %add3A_492 : i32 to index
        %get3A_494 = tpu.vector_load %arg15[%get3A_493] {strides = array<i32>} : memref<8192xf32, #tpu.memory_space<vmem>>, vector<16xf32>,
        %get3A_495 = arith.index_cast %add3A_492 : i32 to index
        %get3A_496 = tpu.vector_load %arg16[%get3A_495] {strides = array<i32>} : memref<8192xf32, #tpu.memory_space<vmem>>, vector<16xf32>,
        %get3A_497 = arith.index_cast %add3A_492 : i32 to index
        %get3A_498 = tpu.vector_load %arg17[%get3A_497] {strides = array<i32>} : memref<8192xf32, #tpu.memory_space<vmem>>, vector<16xf32>,
        %get3A_499 = arith.index_cast %add3A_492 : i32 to index
        %get3A_500 = tpu.vector_load %arg18[%get3A_499] {strides = array<i32>} : memref<8192xf32, #tpu.memory_space<vmem>>, vector<16xf32>,
        %mul3A_501 = arith.mulf %gather3A_296, %get3A_494 : vector<16xf32>
        %mul3A_502 = arith.mulf %gather3A_297, %get3A_496 : vector<16xf32>
        %add3A_503 = arith.addf %mul3A_501, %mul3A_502 : vector<16xf32>
        %mul3A_504 = arith.mulf %gather3A_298, %get3A_498 : vector<16xf32>
        %add3A_505 = arith.addf %add3A_503, %mul3A_504 : vector<16xf32>
        %mul3A_506 = arith.constant -2.000000e+00 : f32
        %mul3A_507 = vector.broadcast %mul3A_506 : f32 to vector<16xf32>
        %mul3A_508 = arith.mulf %mul3A_507, %add3A_505 : vector<16xf32>
        %add3A_509 = arith.addf %mul3A_508, %gather3A_299 : vector<16xf32>
        %add3A_510 = arith.addf %add3A_509, %get3A_500 : vector<16xf32>
        %le3A_511 = vector.broadcast %scan3A : f32 to vector<16xf32>
        %le3A_512 = arith.cmpf ole, %add3A_510, %le3A_511 : vector<16xf32>
        %add3A_513 = arith.addi %mul3A_32, %add3A_492 : i32
        %add3A_514 = vector.broadcast %add3A_513 : i32 to vector<16xi32>
        %add3A_515 = arith.addi %add3A_514, %iota3A : vector<16xi32>
        %swap3A_516 = arith.index_cast %add3A_490 : i32 to index
        %swap3A_517 = tpu.vector_load %arg26[%swap3A_516] masked %le3A_512 {strides = array<i32>} : memref<128xi32, #tpu.memory_space<vmem>>, vector<16xi32>, vector<16xi1>
        tpu.vector_store %arg26[%swap3A_516], %add3A_515 masked %le3A_512 {strides = array<i32>} : memref<128xi32, #tpu.memory_space<vmem>>, vector<16xi32>, vector<16xi1>
        %all_reduce_population_count3A_518 = tpu.all_reduce %le3A_512 {dim = 0 : i64, kind = #tpu.reduction_kind<sum>} : vector<16xi1> -> vector<16xi32>
        %slice3A_519 = vector.extract_strided_slice %all_reduce_population_count3A_518 {offsets = [0], sizes = [1], strides = [1]} : vector<16xi32> to vector<1xi32>
        %squeeze3A_520 = vector.extract %slice3A_519[0] : i32 from vector<1xi32>
        %add3A_521 = arith.addi %add3A_490, %squeeze3A_520 : i32
        %add3A_522 = arith.constant 48 : i32
        %add3A_523 = arith.addi %while3A_431, %add3A_522 : i32
        %get3A_524 = arith.index_cast %add3A_523 : i32 to index
        %get3A_525 = tpu.vector_load %arg15[%get3A_524] {strides = array<i32>} : memref<8192xf32, #tpu.memory_space<vmem>>, vector<16xf32>,
        %get3A_526 = arith.index_cast %add3A_523 : i32 to index
        %get3A_527 = tpu.vector_load %arg16[%get3A_526] {strides = array<i32>} : memref<8192xf32, #tpu.memory_space<vmem>>, vector<16xf32>,
        %get3A_528 = arith.index_cast %add3A_523 : i32 to index
        %get3A_529 = tpu.vector_load %arg17[%get3A_528] {strides = array<i32>} : memref<8192xf32, #tpu.memory_space<vmem>>, vector<16xf32>,
        %get3A_530 = arith.index_cast %add3A_523 : i32 to index
        %get3A_531 = tpu.vector_load %arg18[%get3A_530] {strides = array<i32>} : memref<8192xf32, #tpu.memory_space<vmem>>, vector<16xf32>,
        %mul3A_532 = arith.mulf %gather3A_296, %get3A_525 : vector<16xf32>
        %mul3A_533 = arith.mulf %gather3A_297, %get3A_527 : vector<16xf32>
        %add3A_534 = arith.addf %mul3A_532, %mul3A_533 : vector<16xf32>
        %mul3A_535 = arith.mulf %gather3A_298, %get3A_529 : vector<16xf32>
        %add3A_536 = arith.addf %add3A_534, %mul3A_535 : vector<16xf32>
        %mul3A_537 = arith.constant -2.000000e+00 : f32
        %mul3A_538 = vector.broadcast %mul3A_537 : f32 to vector<16xf32>
        %mul3A_539 = arith.mulf %mul3A_538, %add3A_536 : vector<16xf32>
        %add3A_540 = arith.addf %mul3A_539, %gather3A_299 : vector<16xf32>
        %add3A_541 = arith.addf %add3A_540, %get3A_531 : vector<16xf32>
        %le3A_542 = vector.broadcast %scan3A : f32 to vector<16xf32>
        %le3A_543 = arith.cmpf ole, %add3A_541, %le3A_542 : vector<16xf32>
        %add3A_544 = arith.addi %mul3A_32, %add3A_523 : i32
        %add3A_545 = vector.broadcast %add3A_544 : i32 to vector<16xi32>
        %add3A_546 = arith.addi %add3A_545, %iota3A : vector<16xi32>
        %swap3A_547 = arith.index_cast %add3A_521 : i32 to index
        %swap3A_548 = tpu.vector_load %arg26[%swap3A_547] masked %le3A_543 {strides = array<i32>} : memref<128xi32, #tpu.memory_space<vmem>>, vector<16xi32>, vector<16xi1>
        tpu.vector_store %arg26[%swap3A_547], %add3A_546 masked %le3A_543 {strides = array<i32>} : memref<128xi32, #tpu.memory_space<vmem>>, vector<16xi32>, vector<16xi1>
        %all_reduce_population_count3A_549 = tpu.all_reduce %le3A_543 {dim = 0 : i64, kind = #tpu.reduction_kind<sum>} : vector<16xi1> -> vector<16xi32>
        %slice3A_550 = vector.extract_strided_slice %all_reduce_population_count3A_549 {offsets = [0], sizes = [1], strides = [1]} : vector<16xi32> to vector<1xi32>
        %squeeze3A_551 = vector.extract %slice3A_550[0] : i32 from vector<1xi32>
        %add3A_552 = arith.addi %add3A_521, %squeeze3A_551 : i32
        %add3A_553 = arith.constant 64 : i32
        %add3A_554 = arith.addi %while3A_431, %add3A_553 : i32
        scf.yield %add3A_554, %add3A_552 : i32, i32
      }
      %broadcast_in_dim3A_303 = arith.constant 0 : i32
      %broadcast_in_dim3A_304 = vector.broadcast %broadcast_in_dim3A_303 : i32 to vector<16xi32>
      %gather3A_305 = tpu.vector_load_idx %arg26[%broadcast_in_dim3A_304] : memref<128xi32, #tpu.memory_space<vmem>>[vector<16xi32>], vector<16xi32>,
      %add3A_306 = arith.constant 0 : i32
      %add3A_307 = vector.broadcast %add3A_306 : i32 to vector<16xi32>
      %add3A_308 = arith.addi %iota3A, %add3A_307 : vector<16xi32>
      %ge3A_309 = vector.broadcast %while3A_302#1 : i32 to vector<16xi32>
      %ge3A_310 = arith.cmpi sge, %add3A_308, %ge3A_309 : vector<16xi32>
      tpu.vector_store_idx %arg26[%add3A_308], %gather3A_305 masked %ge3A_310 : memref<128xi32, #tpu.memory_space<vmem>>[vector<16xi32>], vector<16xi32>, vector<16xi1>
      %get3A_311 = arith.constant 0 : index
      %get3A_312 = tpu.vector_load %arg26[%get3A_311] {strides = array<i32>} : memref<128xi32, #tpu.memory_space<vmem>>, vector<16xi32>,
      %swap3A_313 = arith.constant 0 : index
      %swap3A_314 = tpu.vector_load %arg28[%swap3A_313] {strides = array<i32>} : memref<32xi32, #tpu.memory_space<vmem>>, vector<16xi32>,
      tpu.vector_store %arg28[%swap3A_313], %get3A_312 {strides = array<i32>} : memref<32xi32, #tpu.memory_space<vmem>>, vector<16xi32>,
      %add3A_315 = arith.constant 16 : i32
      %add3A_316 = vector.broadcast %add3A_315 : i32 to vector<16xi32>
      %add3A_317 = arith.addi %iota3A, %add3A_316 : vector<16xi32>
      %ge3A_318 = vector.broadcast %while3A_302#1 : i32 to vector<16xi32>
      %ge3A_319 = arith.cmpi sge, %add3A_317, %ge3A_318 : vector<16xi32>
      tpu.vector_store_idx %arg26[%add3A_317], %gather3A_305 masked %ge3A_319 : memref<128xi32, #tpu.memory_space<vmem>>[vector<16xi32>], vector<16xi32>, vector<16xi1>
      %get3A_320 = arith.constant 16 : index
      %get3A_321 = tpu.vector_load %arg26[%get3A_320] {strides = array<i32>} : memref<128xi32, #tpu.memory_space<vmem>>, vector<16xi32>,
      %swap3A_322 = arith.constant 16 : index
      %swap3A_323 = tpu.vector_load %arg28[%swap3A_322] {strides = array<i32>} : memref<32xi32, #tpu.memory_space<vmem>>, vector<16xi32>,
      tpu.vector_store %arg28[%swap3A_322], %get3A_321 {strides = array<i32>} : memref<32xi32, #tpu.memory_space<vmem>>, vector<16xi32>,
      %dma_start3A_324 = arith.constant 0 : i32
      %dma_start3A_325 = arith.constant 0 : i32
      %dma_start3A_326 = tpu.memref_slice %arg13[%dma_start3A_324, %dma_start3A_325] : memref<32768x48xf32, #tpu.memory_space<hbm>> -> memref<32768x48xf32, #tpu.memory_space<hbm>>
      tpu.enqueue_indirect_dma source(%dma_start3A_326 : memref<32768x48xf32, #tpu.memory_space<hbm>>) target(%arg32 : memref<32x48xf32, #tpu.memory_space<vmem>>) offsets(%arg28 : memref<32xi32, #tpu.memory_space<vmem>>) semaphore(%arg36 : memref<!tpu.dma_semaphore, #tpu.memory_space<semaphore_mem>>)
      %sub3A_327 = arith.constant 1 : i32
      %sub3A_328 = arith.subi %add3A_289, %sub3A_327 : i32
      %ge3A_329 = arith.constant 0 : i32
      %ge3A_330 = arith.cmpi sge, %sub3A_328, %ge3A_329 : i32
      %convert_element_type3A_331 = arith.extui %ge3A_330 : i1 to i32
      %cond3A_332 = arith.constant 0 : i32
      %cond3A_333 = arith.cmpi ne, %convert_element_type3A_331, %cond3A_332 : i32
      scf.if %cond3A_333 {
        %dma_wait3A_431 = arith.constant 0 : i32
        %dma_wait3A_432 = arith.constant 0 : i32
        %dma_wait3A_433 = tpu.memref_slice %arg13[%dma_wait3A_431, %dma_wait3A_432] : memref<32768x48xf32, #tpu.memory_space<hbm>> -> memref<32768x48xf32, #tpu.memory_space<hbm>>
        tpu.wait_indirect_dma semaphore(%arg35 : memref<!tpu.dma_semaphore, #tpu.memory_space<semaphore_mem>>) src(%dma_wait3A_433 : memref<32768x48xf32, #tpu.memory_space<hbm>>) dst(%arg31 : memref<32x48xf32, #tpu.memory_space<vmem>>)
        %broadcast_in_dim3A_434 = vector.broadcast %sub3A_328 : i32 to vector<16xi32>
        %gather3A_435 = tpu.vector_load_idx %arg23[%broadcast_in_dim3A_434] : memref<64xf32, #tpu.memory_space<vmem>>[vector<16xi32>], vector<16xf32>,
        %gather3A_436 = tpu.vector_load_idx %arg24[%broadcast_in_dim3A_434] : memref<64xf32, #tpu.memory_space<vmem>>[vector<16xi32>], vector<16xf32>,
        %gather3A_437 = tpu.vector_load_idx %arg25[%broadcast_in_dim3A_434] : memref<64xf32, #tpu.memory_space<vmem>>[vector<16xi32>], vector<16xf32>,
        %eq3A_438 = arith.constant 0 : i32
        %eq3A_439 = vector.broadcast %eq3A_438 : i32 to vector<16xi32>
        %eq3A_440 = arith.cmpi eq, %iota3A, %eq3A_439 : vector<16xi32>
        %jit3A_441 = arith.constant 0.000000e+00 : f32
        %broadcast_in_dim3A_442 = vector.broadcast %jit3A_441 : f32 to vector<16xf32>
        %select_n3A_443 = arith.select %eq3A_440, %gather3A_435, %broadcast_in_dim3A_442 : vector<16xi1>, vector<16xf32>
        %eq3A_444 = arith.constant 1 : i32
        %eq3A_445 = vector.broadcast %eq3A_444 : i32 to vector<16xi32>
        %eq3A_446 = arith.cmpi eq, %iota3A, %eq3A_445 : vector<16xi32>
        %jit3A_447 = arith.constant 0.000000e+00 : f32
        %broadcast_in_dim3A_448 = vector.broadcast %jit3A_447 : f32 to vector<16xf32>
        %select_n3A_449 = arith.select %eq3A_446, %gather3A_436, %broadcast_in_dim3A_448 : vector<16xi1>, vector<16xf32>
        %add3A_450 = arith.addf %select_n3A_443, %select_n3A_449 : vector<16xf32>
        %eq3A_451 = arith.constant 2 : i32
        %eq3A_452 = vector.broadcast %eq3A_451 : i32 to vector<16xi32>
        %eq3A_453 = arith.cmpi eq, %iota3A, %eq3A_452 : vector<16xi32>
        %jit3A_454 = arith.constant 0.000000e+00 : f32
        %broadcast_in_dim3A_455 = vector.broadcast %jit3A_454 : f32 to vector<16xf32>
        %select_n3A_456 = arith.select %eq3A_453, %gather3A_437, %broadcast_in_dim3A_455 : vector<16xi1>, vector<16xf32>
        %add3A_457 = arith.addf %add3A_450, %select_n3A_456 : vector<16xf32>
        %broadcast_in_dim3A_458 = arith.constant 0 : i32
        %broadcast_in_dim3A_459 = vector.broadcast %broadcast_in_dim3A_458 : i32 to vector<16xi32>
        %gather3A_460 = tpu.vector_load_idx %arg31[%broadcast_in_dim3A_459, %iota3A] : memref<32x48xf32, #tpu.memory_space<vmem>>[vector<16xi32>, vector<16xi32>], vector<16xf32>,
        %sub3A_461 = arith.subf %gather3A_460, %add3A_457 : vector<16xf32>
        tpu.vector_store_idx %arg31[%broadcast_in_dim3A_459, %iota3A], %sub3A_461 : memref<32x48xf32, #tpu.memory_space<vmem>>[vector<16xi32>, vector<16xi32>], vector<16xf32>,
        %broadcast_in_dim3A_462 = arith.constant 1 : i32
        %broadcast_in_dim3A_463 = vector.broadcast %broadcast_in_dim3A_462 : i32 to vector<16xi32>
        %gather3A_464 = tpu.vector_load_idx %arg31[%broadcast_in_dim3A_463, %iota3A] : memref<32x48xf32, #tpu.memory_space<vmem>>[vector<16xi32>, vector<16xi32>], vector<16xf32>,
        %sub3A_465 = arith.subf %gather3A_464, %add3A_457 : vector<16xf32>
        tpu.vector_store_idx %arg31[%broadcast_in_dim3A_463, %iota3A], %sub3A_465 : memref<32x48xf32, #tpu.memory_space<vmem>>[vector<16xi32>, vector<16xi32>], vector<16xf32>,
        %broadcast_in_dim3A_466 = arith.constant 2 : i32
        %broadcast_in_dim3A_467 = vector.broadcast %broadcast_in_dim3A_466 : i32 to vector<16xi32>
        %gather3A_468 = tpu.vector_load_idx %arg31[%broadcast_in_dim3A_467, %iota3A] : memref<32x48xf32, #tpu.memory_space<vmem>>[vector<16xi32>, vector<16xi32>], vector<16xf32>,
        %sub3A_469 = arith.subf %gather3A_468, %add3A_457 : vector<16xf32>
        tpu.vector_store_idx %arg31[%broadcast_in_dim3A_467, %iota3A], %sub3A_469 : memref<32x48xf32, #tpu.memory_space<vmem>>[vector<16xi32>, vector<16xi32>], vector<16xf32>,
        %broadcast_in_dim3A_470 = arith.constant 3 : i32
        %broadcast_in_dim3A_471 = vector.broadcast %broadcast_in_dim3A_470 : i32 to vector<16xi32>
        %gather3A_472 = tpu.vector_load_idx %arg31[%broadcast_in_dim3A_471, %iota3A] : memref<32x48xf32, #tpu.memory_space<vmem>>[vector<16xi32>, vector<16xi32>], vector<16xf32>,
        %sub3A_473 = arith.subf %gather3A_472, %add3A_457 : vector<16xf32>
        tpu.vector_store_idx %arg31[%broadcast_in_dim3A_471, %iota3A], %sub3A_473 : memref<32x48xf32, #tpu.memory_space<vmem>>[vector<16xi32>, vector<16xi32>], vector<16xf32>,
        %broadcast_in_dim3A_474 = arith.constant 4 : i32
        %broadcast_in_dim3A_475 = vector.broadcast %broadcast_in_dim3A_474 : i32 to vector<16xi32>
        %gather3A_476 = tpu.vector_load_idx %arg31[%broadcast_in_dim3A_475, %iota3A] : memref<32x48xf32, #tpu.memory_space<vmem>>[vector<16xi32>, vector<16xi32>], vector<16xf32>,
        %sub3A_477 = arith.subf %gather3A_476, %add3A_457 : vector<16xf32>
        tpu.vector_store_idx %arg31[%broadcast_in_dim3A_475, %iota3A], %sub3A_477 : memref<32x48xf32, #tpu.memory_space<vmem>>[vector<16xi32>, vector<16xi32>], vector<16xf32>,
        %broadcast_in_dim3A_478 = arith.constant 5 : i32
        %broadcast_in_dim3A_479 = vector.broadcast %broadcast_in_dim3A_478 : i32 to vector<16xi32>
        %gather3A_480 = tpu.vector_load_idx %arg31[%broadcast_in_dim3A_479, %iota3A] : memref<32x48xf32, #tpu.memory_space<vmem>>[vector<16xi32>, vector<16xi32>], vector<16xf32>,
        %sub3A_481 = arith.subf %gather3A_480, %add3A_457 : vector<16xf32>
        tpu.vector_store_idx %arg31[%broadcast_in_dim3A_479, %iota3A], %sub3A_481 : memref<32x48xf32, #tpu.memory_space<vmem>>[vector<16xi32>, vector<16xi32>], vector<16xf32>,
        %broadcast_in_dim3A_482 = arith.constant 6 : i32
        %broadcast_in_dim3A_483 = vector.broadcast %broadcast_in_dim3A_482 : i32 to vector<16xi32>
        %gather3A_484 = tpu.vector_load_idx %arg31[%broadcast_in_dim3A_483, %iota3A] : memref<32x48xf32, #tpu.memory_space<vmem>>[vector<16xi32>, vector<16xi32>], vector<16xf32>,
        %sub3A_485 = arith.subf %gather3A_484, %add3A_457 : vector<16xf32>
        tpu.vector_store_idx %arg31[%broadcast_in_dim3A_483, %iota3A], %sub3A_485 : memref<32x48xf32, #tpu.memory_space<vmem>>[vector<16xi32>, vector<16xi32>], vector<16xf32>,
        %broadcast_in_dim3A_486 = arith.constant 7 : i32
        %broadcast_in_dim3A_487 = vector.broadcast %broadcast_in_dim3A_486 : i32 to vector<16xi32>
        %gather3A_488 = tpu.vector_load_idx %arg31[%broadcast_in_dim3A_487, %iota3A] : memref<32x48xf32, #tpu.memory_space<vmem>>[vector<16xi32>, vector<16xi32>], vector<16xf32>,
        %sub3A_489 = arith.subf %gather3A_488, %add3A_457 : vector<16xf32>
        tpu.vector_store_idx %arg31[%broadcast_in_dim3A_487, %iota3A], %sub3A_489 : memref<32x48xf32, #tpu.memory_space<vmem>>[vector<16xi32>, vector<16xi32>], vector<16xf32>,
        %broadcast_in_dim3A_490 = arith.constant 8 : i32
        %broadcast_in_dim3A_491 = vector.broadcast %broadcast_in_dim3A_490 : i32 to vector<16xi32>
        %gather3A_492 = tpu.vector_load_idx %arg31[%broadcast_in_dim3A_491, %iota3A] : memref<32x48xf32, #tpu.memory_space<vmem>>[vector<16xi32>, vector<16xi32>], vector<16xf32>,
        %sub3A_493 = arith.subf %gather3A_492, %add3A_457 : vector<16xf32>
        tpu.vector_store_idx %arg31[%broadcast_in_dim3A_491, %iota3A], %sub3A_493 : memref<32x48xf32, #tpu.memory_space<vmem>>[vector<16xi32>, vector<16xi32>], vector<16xf32>,
        %broadcast_in_dim3A_494 = arith.constant 9 : i32
        %broadcast_in_dim3A_495 = vector.broadcast %broadcast_in_dim3A_494 : i32 to vector<16xi32>
        %gather3A_496 = tpu.vector_load_idx %arg31[%broadcast_in_dim3A_495, %iota3A] : memref<32x48xf32, #tpu.memory_space<vmem>>[vector<16xi32>, vector<16xi32>], vector<16xf32>,
        %sub3A_497 = arith.subf %gather3A_496, %add3A_457 : vector<16xf32>
        tpu.vector_store_idx %arg31[%broadcast_in_dim3A_495, %iota3A], %sub3A_497 : memref<32x48xf32, #tpu.memory_space<vmem>>[vector<16xi32>, vector<16xi32>], vector<16xf32>,
        %broadcast_in_dim3A_498 = arith.constant 10 : i32
        %broadcast_in_dim3A_499 = vector.broadcast %broadcast_in_dim3A_498 : i32 to vector<16xi32>
        %gather3A_500 = tpu.vector_load_idx %arg31[%broadcast_in_dim3A_499, %iota3A] : memref<32x48xf32, #tpu.memory_space<vmem>>[vector<16xi32>, vector<16xi32>], vector<16xf32>,
        %sub3A_501 = arith.subf %gather3A_500, %add3A_457 : vector<16xf32>
        tpu.vector_store_idx %arg31[%broadcast_in_dim3A_499, %iota3A], %sub3A_501 : memref<32x48xf32, #tpu.memory_space<vmem>>[vector<16xi32>, vector<16xi32>], vector<16xf32>,
        %broadcast_in_dim3A_502 = arith.constant 11 : i32
        %broadcast_in_dim3A_503 = vector.broadcast %broadcast_in_dim3A_502 : i32 to vector<16xi32>
        %gather3A_504 = tpu.vector_load_idx %arg31[%broadcast_in_dim3A_503, %iota3A] : memref<32x48xf32, #tpu.memory_space<vmem>>[vector<16xi32>, vector<16xi32>], vector<16xf32>,
        %sub3A_505 = arith.subf %gather3A_504, %add3A_457 : vector<16xf32>
        tpu.vector_store_idx %arg31[%broadcast_in_dim3A_503, %iota3A], %sub3A_505 : memref<32x48xf32, #tpu.memory_space<vmem>>[vector<16xi32>, vector<16xi32>], vector<16xf32>,
        %broadcast_in_dim3A_506 = arith.constant 12 : i32
        %broadcast_in_dim3A_507 = vector.broadcast %broadcast_in_dim3A_506 : i32 to vector<16xi32>
        %gather3A_508 = tpu.vector_load_idx %arg31[%broadcast_in_dim3A_507, %iota3A] : memref<32x48xf32, #tpu.memory_space<vmem>>[vector<16xi32>, vector<16xi32>], vector<16xf32>,
        %sub3A_509 = arith.subf %gather3A_508, %add3A_457 : vector<16xf32>
        tpu.vector_store_idx %arg31[%broadcast_in_dim3A_507, %iota3A], %sub3A_509 : memref<32x48xf32, #tpu.memory_space<vmem>>[vector<16xi32>, vector<16xi32>], vector<16xf32>,
        %broadcast_in_dim3A_510 = arith.constant 13 : i32
        %broadcast_in_dim3A_511 = vector.broadcast %broadcast_in_dim3A_510 : i32 to vector<16xi32>
        %gather3A_512 = tpu.vector_load_idx %arg31[%broadcast_in_dim3A_511, %iota3A] : memref<32x48xf32, #tpu.memory_space<vmem>>[vector<16xi32>, vector<16xi32>], vector<16xf32>,
        %sub3A_513 = arith.subf %gather3A_512, %add3A_457 : vector<16xf32>
        tpu.vector_store_idx %arg31[%broadcast_in_dim3A_511, %iota3A], %sub3A_513 : memref<32x48xf32, #tpu.memory_space<vmem>>[vector<16xi32>, vector<16xi32>], vector<16xf32>,
        %broadcast_in_dim3A_514 = arith.constant 14 : i32
        %broadcast_in_dim3A_515 = vector.broadcast %broadcast_in_dim3A_514 : i32 to vector<16xi32>
        %gather3A_516 = tpu.vector_load_idx %arg31[%broadcast_in_dim3A_515, %iota3A] : memref<32x48xf32, #tpu.memory_space<vmem>>[vector<16xi32>, vector<16xi32>], vector<16xf32>,
        %sub3A_517 = arith.subf %gather3A_516, %add3A_457 : vector<16xf32>
        tpu.vector_store_idx %arg31[%broadcast_in_dim3A_515, %iota3A], %sub3A_517 : memref<32x48xf32, #tpu.memory_space<vmem>>[vector<16xi32>, vector<16xi32>], vector<16xf32>,
        %broadcast_in_dim3A_518 = arith.constant 15 : i32
        %broadcast_in_dim3A_519 = vector.broadcast %broadcast_in_dim3A_518 : i32 to vector<16xi32>
        %gather3A_520 = tpu.vector_load_idx %arg31[%broadcast_in_dim3A_519, %iota3A] : memref<32x48xf32, #tpu.memory_space<vmem>>[vector<16xi32>, vector<16xi32>], vector<16xf32>,
        %sub3A_521 = arith.subf %gather3A_520, %add3A_457 : vector<16xf32>
        tpu.vector_store_idx %arg31[%broadcast_in_dim3A_519, %iota3A], %sub3A_521 : memref<32x48xf32, #tpu.memory_space<vmem>>[vector<16xi32>, vector<16xi32>], vector<16xf32>,
        %broadcast_in_dim3A_522 = arith.constant 16 : i32
        %broadcast_in_dim3A_523 = vector.broadcast %broadcast_in_dim3A_522 : i32 to vector<16xi32>
        %gather3A_524 = tpu.vector_load_idx %arg31[%broadcast_in_dim3A_523, %iota3A] : memref<32x48xf32, #tpu.memory_space<vmem>>[vector<16xi32>, vector<16xi32>], vector<16xf32>,
        %sub3A_525 = arith.subf %gather3A_524, %add3A_457 : vector<16xf32>
        tpu.vector_store_idx %arg31[%broadcast_in_dim3A_523, %iota3A], %sub3A_525 : memref<32x48xf32, #tpu.memory_space<vmem>>[vector<16xi32>, vector<16xi32>], vector<16xf32>,
        %broadcast_in_dim3A_526 = arith.constant 17 : i32
        %broadcast_in_dim3A_527 = vector.broadcast %broadcast_in_dim3A_526 : i32 to vector<16xi32>
        %gather3A_528 = tpu.vector_load_idx %arg31[%broadcast_in_dim3A_527, %iota3A] : memref<32x48xf32, #tpu.memory_space<vmem>>[vector<16xi32>, vector<16xi32>], vector<16xf32>,
        %sub3A_529 = arith.subf %gather3A_528, %add3A_457 : vector<16xf32>
        tpu.vector_store_idx %arg31[%broadcast_in_dim3A_527, %iota3A], %sub3A_529 : memref<32x48xf32, #tpu.memory_space<vmem>>[vector<16xi32>, vector<16xi32>], vector<16xf32>,
        %broadcast_in_dim3A_530 = arith.constant 18 : i32
        %broadcast_in_dim3A_531 = vector.broadcast %broadcast_in_dim3A_530 : i32 to vector<16xi32>
        %gather3A_532 = tpu.vector_load_idx %arg31[%broadcast_in_dim3A_531, %iota3A] : memref<32x48xf32, #tpu.memory_space<vmem>>[vector<16xi32>, vector<16xi32>], vector<16xf32>,
        %sub3A_533 = arith.subf %gather3A_532, %add3A_457 : vector<16xf32>
        tpu.vector_store_idx %arg31[%broadcast_in_dim3A_531, %iota3A], %sub3A_533 : memref<32x48xf32, #tpu.memory_space<vmem>>[vector<16xi32>, vector<16xi32>], vector<16xf32>,
        %broadcast_in_dim3A_534 = arith.constant 19 : i32
        %broadcast_in_dim3A_535 = vector.broadcast %broadcast_in_dim3A_534 : i32 to vector<16xi32>
        %gather3A_536 = tpu.vector_load_idx %arg31[%broadcast_in_dim3A_535, %iota3A] : memref<32x48xf32, #tpu.memory_space<vmem>>[vector<16xi32>, vector<16xi32>], vector<16xf32>,
        %sub3A_537 = arith.subf %gather3A_536, %add3A_457 : vector<16xf32>
        tpu.vector_store_idx %arg31[%broadcast_in_dim3A_535, %iota3A], %sub3A_537 : memref<32x48xf32, #tpu.memory_space<vmem>>[vector<16xi32>, vector<16xi32>], vector<16xf32>,
        %broadcast_in_dim3A_538 = arith.constant 20 : i32
        %broadcast_in_dim3A_539 = vector.broadcast %broadcast_in_dim3A_538 : i32 to vector<16xi32>
        %gather3A_540 = tpu.vector_load_idx %arg31[%broadcast_in_dim3A_539, %iota3A] : memref<32x48xf32, #tpu.memory_space<vmem>>[vector<16xi32>, vector<16xi32>], vector<16xf32>,
        %sub3A_541 = arith.subf %gather3A_540, %add3A_457 : vector<16xf32>
        tpu.vector_store_idx %arg31[%broadcast_in_dim3A_539, %iota3A], %sub3A_541 : memref<32x48xf32, #tpu.memory_space<vmem>>[vector<16xi32>, vector<16xi32>], vector<16xf32>,
        %broadcast_in_dim3A_542 = arith.constant 21 : i32
        %broadcast_in_dim3A_543 = vector.broadcast %broadcast_in_dim3A_542 : i32 to vector<16xi32>
        %gather3A_544 = tpu.vector_load_idx %arg31[%broadcast_in_dim3A_543, %iota3A] : memref<32x48xf32, #tpu.memory_space<vmem>>[vector<16xi32>, vector<16xi32>], vector<16xf32>,
        %sub3A_545 = arith.subf %gather3A_544, %add3A_457 : vector<16xf32>
        tpu.vector_store_idx %arg31[%broadcast_in_dim3A_543, %iota3A], %sub3A_545 : memref<32x48xf32, #tpu.memory_space<vmem>>[vector<16xi32>, vector<16xi32>], vector<16xf32>,
        %broadcast_in_dim3A_546 = arith.constant 22 : i32
        %broadcast_in_dim3A_547 = vector.broadcast %broadcast_in_dim3A_546 : i32 to vector<16xi32>
        %gather3A_548 = tpu.vector_load_idx %arg31[%broadcast_in_dim3A_547, %iota3A] : memref<32x48xf32, #tpu.memory_space<vmem>>[vector<16xi32>, vector<16xi32>], vector<16xf32>,
        %sub3A_549 = arith.subf %gather3A_548, %add3A_457 : vector<16xf32>
        tpu.vector_store_idx %arg31[%broadcast_in_dim3A_547, %iota3A], %sub3A_549 : memref<32x48xf32, #tpu.memory_space<vmem>>[vector<16xi32>, vector<16xi32>], vector<16xf32>,
        %broadcast_in_dim3A_550 = arith.constant 23 : i32
        %broadcast_in_dim3A_551 = vector.broadcast %broadcast_in_dim3A_550 : i32 to vector<16xi32>
        %gather3A_552 = tpu.vector_load_idx %arg31[%broadcast_in_dim3A_551, %iota3A] : memref<32x48xf32, #tpu.memory_space<vmem>>[vector<16xi32>, vector<16xi32>], vector<16xf32>,
        %sub3A_553 = arith.subf %gather3A_552, %add3A_457 : vector<16xf32>
        tpu.vector_store_idx %arg31[%broadcast_in_dim3A_551, %iota3A], %sub3A_553 : memref<32x48xf32, #tpu.memory_space<vmem>>[vector<16xi32>, vector<16xi32>], vector<16xf32>,
        %broadcast_in_dim3A_554 = arith.constant 24 : i32
        %broadcast_in_dim3A_555 = vector.broadcast %broadcast_in_dim3A_554 : i32 to vector<16xi32>
        %gather3A_556 = tpu.vector_load_idx %arg31[%broadcast_in_dim3A_555, %iota3A] : memref<32x48xf32, #tpu.memory_space<vmem>>[vector<16xi32>, vector<16xi32>], vector<16xf32>,
        %sub3A_557 = arith.subf %gather3A_556, %add3A_457 : vector<16xf32>
        tpu.vector_store_idx %arg31[%broadcast_in_dim3A_555, %iota3A], %sub3A_557 : memref<32x48xf32, #tpu.memory_space<vmem>>[vector<16xi32>, vector<16xi32>], vector<16xf32>,
        %broadcast_in_dim3A_558 = arith.constant 25 : i32
        %broadcast_in_dim3A_559 = vector.broadcast %broadcast_in_dim3A_558 : i32 to vector<16xi32>
        %gather3A_560 = tpu.vector_load_idx %arg31[%broadcast_in_dim3A_559, %iota3A] : memref<32x48xf32, #tpu.memory_space<vmem>>[vector<16xi32>, vector<16xi32>], vector<16xf32>,
        %sub3A_561 = arith.subf %gather3A_560, %add3A_457 : vector<16xf32>
        tpu.vector_store_idx %arg31[%broadcast_in_dim3A_559, %iota3A], %sub3A_561 : memref<32x48xf32, #tpu.memory_space<vmem>>[vector<16xi32>, vector<16xi32>], vector<16xf32>,
        %broadcast_in_dim3A_562 = arith.constant 26 : i32
        %broadcast_in_dim3A_563 = vector.broadcast %broadcast_in_dim3A_562 : i32 to vector<16xi32>
        %gather3A_564 = tpu.vector_load_idx %arg31[%broadcast_in_dim3A_563, %iota3A] : memref<32x48xf32, #tpu.memory_space<vmem>>[vector<16xi32>, vector<16xi32>], vector<16xf32>,
        %sub3A_565 = arith.subf %gather3A_564, %add3A_457 : vector<16xf32>
        tpu.vector_store_idx %arg31[%broadcast_in_dim3A_563, %iota3A], %sub3A_565 : memref<32x48xf32, #tpu.memory_space<vmem>>[vector<16xi32>, vector<16xi32>], vector<16xf32>,
        %broadcast_in_dim3A_566 = arith.constant 27 : i32
        %broadcast_in_dim3A_567 = vector.broadcast %broadcast_in_dim3A_566 : i32 to vector<16xi32>
        %gather3A_568 = tpu.vector_load_idx %arg31[%broadcast_in_dim3A_567, %iota3A] : memref<32x48xf32, #tpu.memory_space<vmem>>[vector<16xi32>, vector<16xi32>], vector<16xf32>,
        %sub3A_569 = arith.subf %gather3A_568, %add3A_457 : vector<16xf32>
        tpu.vector_store_idx %arg31[%broadcast_in_dim3A_567, %iota3A], %sub3A_569 : memref<32x48xf32, #tpu.memory_space<vmem>>[vector<16xi32>, vector<16xi32>], vector<16xf32>,
        %broadcast_in_dim3A_570 = arith.constant 28 : i32
        %broadcast_in_dim3A_571 = vector.broadcast %broadcast_in_dim3A_570 : i32 to vector<16xi32>
        %gather3A_572 = tpu.vector_load_idx %arg31[%broadcast_in_dim3A_571, %iota3A] : memref<32x48xf32, #tpu.memory_space<vmem>>[vector<16xi32>, vector<16xi32>], vector<16xf32>,
        %sub3A_573 = arith.subf %gather3A_572, %add3A_457 : vector<16xf32>
        tpu.vector_store_idx %arg31[%broadcast_in_dim3A_571, %iota3A], %sub3A_573 : memref<32x48xf32, #tpu.memory_space<vmem>>[vector<16xi32>, vector<16xi32>], vector<16xf32>,
        %broadcast_in_dim3A_574 = arith.constant 29 : i32
        %broadcast_in_dim3A_575 = vector.broadcast %broadcast_in_dim3A_574 : i32 to vector<16xi32>
        %gather3A_576 = tpu.vector_load_idx %arg31[%broadcast_in_dim3A_575, %iota3A] : memref<32x48xf32, #tpu.memory_space<vmem>>[vector<16xi32>, vector<16xi32>], vector<16xf32>,
        %sub3A_577 = arith.subf %gather3A_576, %add3A_457 : vector<16xf32>
        tpu.vector_store_idx %arg31[%broadcast_in_dim3A_575, %iota3A], %sub3A_577 : memref<32x48xf32, #tpu.memory_space<vmem>>[vector<16xi32>, vector<16xi32>], vector<16xf32>,
        %broadcast_in_dim3A_578 = arith.constant 30 : i32
        %broadcast_in_dim3A_579 = vector.broadcast %broadcast_in_dim3A_578 : i32 to vector<16xi32>
        %gather3A_580 = tpu.vector_load_idx %arg31[%broadcast_in_dim3A_579, %iota3A] : memref<32x48xf32, #tpu.memory_space<vmem>>[vector<16xi32>, vector<16xi32>], vector<16xf32>,
        %sub3A_581 = arith.subf %gather3A_580, %add3A_457 : vector<16xf32>
        tpu.vector_store_idx %arg31[%broadcast_in_dim3A_579, %iota3A], %sub3A_581 : memref<32x48xf32, #tpu.memory_space<vmem>>[vector<16xi32>, vector<16xi32>], vector<16xf32>,
        %broadcast_in_dim3A_582 = arith.constant 31 : i32
        %broadcast_in_dim3A_583 = vector.broadcast %broadcast_in_dim3A_582 : i32 to vector<16xi32>
        %gather3A_584 = tpu.vector_load_idx %arg31[%broadcast_in_dim3A_583, %iota3A] : memref<32x48xf32, #tpu.memory_space<vmem>>[vector<16xi32>, vector<16xi32>], vector<16xf32>,
        %sub3A_585 = arith.subf %gather3A_584, %add3A_457 : vector<16xf32>
        tpu.vector_store_idx %arg31[%broadcast_in_dim3A_583, %iota3A], %sub3A_585 : memref<32x48xf32, #tpu.memory_space<vmem>>[vector<16xi32>, vector<16xi32>], vector<16xf32>,
        %mul3A_586 = arith.constant 512 : i32
        %mul3A_587 = arith.muli %select_n3A, %mul3A_586 : i32
        %add3A_588 = arith.addi %mul3A_587, %select_n3A_30 : i32
        %mul3A_589 = arith.constant 8 : i32
        %mul3A_590 = arith.muli %mul3A_589, %sub3A_328 : i32
        %add3A_591 = arith.addi %add3A_588, %mul3A_590 : i32
        %dma_start3A_592 = arith.constant 0 : i32
        %dma_start3A_593 = arith.constant 0 : i32
        %dma_start3A_594 = tpu.memref_slice %arg14[%add3A_591, %dma_start3A_592, %dma_start3A_593] : memref<2048x32x48xf32, #tpu.memory_space<hbm>> -> memref<1x32x48xf32, #tpu.memory_space<hbm>>
        %dma_start3A_595 = tpu.memref_squeeze %dma_start3A_594 : memref<1x32x48xf32, #tpu.memory_space<hbm>> -> memref<32x48xf32, #tpu.memory_space<hbm>>
        %dma_start3A_596 = arith.constant 0 : i32
        %dma_start3A_597 = arith.constant 0 : i32
        %dma_start3A_598 = tpu.memref_slice %arg14[%add3A_591, %dma_start3A_596, %dma_start3A_597] : memref<2048x32x48xf32, #tpu.memory_space<hbm>> -> memref<1x32x48xf32, #tpu.memory_space<hbm>>
        %dma_start3A_599 = tpu.memref_squeeze %dma_start3A_598 : memref<1x32x48xf32, #tpu.memory_space<hbm>> -> memref<32x48xf32, #tpu.memory_space<hbm>>
        tpu.enqueue_dma source(%arg31 : memref<32x48xf32, #tpu.memory_space<vmem>>) target(%dma_start3A_599 : memref<32x48xf32, #tpu.memory_space<hbm>>) target_semaphore(%arg39 : memref<!tpu.dma_semaphore, #tpu.memory_space<semaphore_mem>>)
      } else {
      }
      %mul3A_334 = arith.constant 4 : i32
      %mul3A_335 = arith.muli %scan3A_243, %mul3A_334 : i32
      %add3A_336 = arith.constant 2 : i32
      %add3A_337 = arith.addi %mul3A_335, %add3A_336 : i32
      %gt3A_338 = arith.constant 0 : i32
      %gt3A_339 = arith.cmpi sgt, %scan3A_243, %gt3A_338 : i32
      %convert_element_type3A_340 = arith.extui %gt3A_339 : i1 to i32
      %cond3A_341 = arith.constant 0 : i32
      %cond3A_342 = arith.cmpi ne, %convert_element_type3A_340, %cond3A_341 : i32
      scf.if %cond3A_342 {
        %mul3A_431 = arith.constant 512 : i32
        %mul3A_432 = arith.muli %select_n3A, %mul3A_431 : i32
        %add3A_433 = arith.addi %mul3A_432, %select_n3A_30 : i32
        %mul3A_434 = arith.constant 8 : i32
        %mul3A_435 = arith.muli %mul3A_434, %add3A_337 : i32
        %add3A_436 = arith.addi %add3A_433, %mul3A_435 : i32
        %dma_wait3A_437 = arith.constant 0 : i32
        %dma_wait3A_438 = arith.constant 0 : i32
        %dma_wait3A_439 = tpu.memref_slice %arg14[%add3A_436, %dma_wait3A_437, %dma_wait3A_438] : memref<2048x32x48xf32, #tpu.memory_space<hbm>> -> memref<1x32x48xf32, #tpu.memory_space<hbm>>
        %dma_wait3A_440 = tpu.memref_squeeze %dma_wait3A_439 : memref<1x32x48xf32, #tpu.memory_space<hbm>> -> memref<32x48xf32, #tpu.memory_space<hbm>>
        %dma_wait3A_441 = arith.constant 0 : i32
        %dma_wait3A_442 = arith.constant 0 : i32
        %dma_wait3A_443 = tpu.memref_slice %arg14[%add3A_436, %dma_wait3A_441, %dma_wait3A_442] : memref<2048x32x48xf32, #tpu.memory_space<hbm>> -> memref<1x32x48xf32, #tpu.memory_space<hbm>>
        %dma_wait3A_444 = tpu.memref_squeeze %dma_wait3A_443 : memref<1x32x48xf32, #tpu.memory_space<hbm>> -> memref<32x48xf32, #tpu.memory_space<hbm>>
        tpu.wait_dma2 semaphore(%arg41 : memref<!tpu.dma_semaphore, #tpu.memory_space<semaphore_mem>>) src(%arg33 : memref<32x48xf32, #tpu.memory_space<vmem>>) dst(%dma_wait3A_444 : memref<32x48xf32, #tpu.memory_space<hbm>>)
      } else {
      }
      %broadcast_in_dim3A_343 = vector.broadcast %add3A_337 : i32 to vector<16xi32>
      %gather3A_344 = tpu.vector_load_idx %arg19[%broadcast_in_dim3A_343] : memref<64xf32, #tpu.memory_space<vmem>>[vector<16xi32>], vector<16xf32>,
      %gather3A_345 = tpu.vector_load_idx %arg20[%broadcast_in_dim3A_343] : memref<64xf32, #tpu.memory_space<vmem>>[vector<16xi32>], vector<16xf32>,
      %gather3A_346 = tpu.vector_load_idx %arg21[%broadcast_in_dim3A_343] : memref<64xf32, #tpu.memory_space<vmem>>[vector<16xi32>], vector<16xf32>,
      %gather3A_347 = tpu.vector_load_idx %arg22[%broadcast_in_dim3A_343] : memref<64xf32, #tpu.memory_space<vmem>>[vector<16xi32>], vector<16xf32>,
      %while3A_348 = arith.constant 0 : i32
      %while3A_349 = arith.constant 0 : i32
      %while3A_350:2 = scf.while (%while3A_431 = %while3A_348, %while3A_432 = %while3A_349) : (i32, i32) -> (i32, i32) {
        %lt3A_433 = arith.constant 32 : i32
        %lt3A_434 = arith.cmpi slt, %while3A_432, %lt3A_433 : i32
        %lt3A_435 = arith.constant 8192 : i32
        %lt3A_436 = arith.cmpi slt, %while3A_431, %lt3A_435 : i32
        %and3A_437 = arith.andi %lt3A_434, %lt3A_436 : i1
        scf.condition(%and3A_437) %while3A_431, %while3A_432 : i32, i32
      } do {
      ^bb0(%while3A_431: i32, %while3A_432: i32):
        %add3A_433 = arith.constant 0 : i32
        %add3A_434 = arith.addi %while3A_431, %add3A_433 : i32
        %get3A_435 = arith.index_cast %add3A_434 : i32 to index
        %get3A_436 = tpu.vector_load %arg15[%get3A_435] {strides = array<i32>} : memref<8192xf32, #tpu.memory_space<vmem>>, vector<16xf32>,
        %get3A_437 = arith.index_cast %add3A_434 : i32 to index
        %get3A_438 = tpu.vector_load %arg16[%get3A_437] {strides = array<i32>} : memref<8192xf32, #tpu.memory_space<vmem>>, vector<16xf32>,
        %get3A_439 = arith.index_cast %add3A_434 : i32 to index
        %get3A_440 = tpu.vector_load %arg17[%get3A_439] {strides = array<i32>} : memref<8192xf32, #tpu.memory_space<vmem>>, vector<16xf32>,
        %get3A_441 = arith.index_cast %add3A_434 : i32 to index
        %get3A_442 = tpu.vector_load %arg18[%get3A_441] {strides = array<i32>} : memref<8192xf32, #tpu.memory_space<vmem>>, vector<16xf32>,
        %mul3A_443 = arith.mulf %gather3A_344, %get3A_436 : vector<16xf32>
        %mul3A_444 = arith.mulf %gather3A_345, %get3A_438 : vector<16xf32>
        %add3A_445 = arith.addf %mul3A_443, %mul3A_444 : vector<16xf32>
        %mul3A_446 = arith.mulf %gather3A_346, %get3A_440 : vector<16xf32>
        %add3A_447 = arith.addf %add3A_445, %mul3A_446 : vector<16xf32>
        %mul3A_448 = arith.constant -2.000000e+00 : f32
        %mul3A_449 = vector.broadcast %mul3A_448 : f32 to vector<16xf32>
        %mul3A_450 = arith.mulf %mul3A_449, %add3A_447 : vector<16xf32>
        %add3A_451 = arith.addf %mul3A_450, %gather3A_347 : vector<16xf32>
        %add3A_452 = arith.addf %add3A_451, %get3A_442 : vector<16xf32>
        %le3A = vector.broadcast %scan3A : f32 to vector<16xf32>
        %le3A_453 = arith.cmpf ole, %add3A_452, %le3A : vector<16xf32>
        %add3A_454 = arith.addi %mul3A_32, %add3A_434 : i32
        %add3A_455 = vector.broadcast %add3A_454 : i32 to vector<16xi32>
        %add3A_456 = arith.addi %add3A_455, %iota3A : vector<16xi32>
        %swap3A_457 = arith.index_cast %while3A_432 : i32 to index
        %swap3A_458 = tpu.vector_load %arg26[%swap3A_457] masked %le3A_453 {strides = array<i32>} : memref<128xi32, #tpu.memory_space<vmem>>, vector<16xi32>, vector<16xi1>
        tpu.vector_store %arg26[%swap3A_457], %add3A_456 masked %le3A_453 {strides = array<i32>} : memref<128xi32, #tpu.memory_space<vmem>>, vector<16xi32>, vector<16xi1>
        %all_reduce_population_count3A = tpu.all_reduce %le3A_453 {dim = 0 : i64, kind = #tpu.reduction_kind<sum>} : vector<16xi1> -> vector<16xi32>
        %slice3A = vector.extract_strided_slice %all_reduce_population_count3A {offsets = [0], sizes = [1], strides = [1]} : vector<16xi32> to vector<1xi32>
        %squeeze3A = vector.extract %slice3A[0] : i32 from vector<1xi32>
        %add3A_459 = arith.addi %while3A_432, %squeeze3A : i32
        %add3A_460 = arith.constant 16 : i32
        %add3A_461 = arith.addi %while3A_431, %add3A_460 : i32
        %get3A_462 = arith.index_cast %add3A_461 : i32 to index
        %get3A_463 = tpu.vector_load %arg15[%get3A_462] {strides = array<i32>} : memref<8192xf32, #tpu.memory_space<vmem>>, vector<16xf32>,
        %get3A_464 = arith.index_cast %add3A_461 : i32 to index
        %get3A_465 = tpu.vector_load %arg16[%get3A_464] {strides = array<i32>} : memref<8192xf32, #tpu.memory_space<vmem>>, vector<16xf32>,
        %get3A_466 = arith.index_cast %add3A_461 : i32 to index
        %get3A_467 = tpu.vector_load %arg17[%get3A_466] {strides = array<i32>} : memref<8192xf32, #tpu.memory_space<vmem>>, vector<16xf32>,
        %get3A_468 = arith.index_cast %add3A_461 : i32 to index
        %get3A_469 = tpu.vector_load %arg18[%get3A_468] {strides = array<i32>} : memref<8192xf32, #tpu.memory_space<vmem>>, vector<16xf32>,
        %mul3A_470 = arith.mulf %gather3A_344, %get3A_463 : vector<16xf32>
        %mul3A_471 = arith.mulf %gather3A_345, %get3A_465 : vector<16xf32>
        %add3A_472 = arith.addf %mul3A_470, %mul3A_471 : vector<16xf32>
        %mul3A_473 = arith.mulf %gather3A_346, %get3A_467 : vector<16xf32>
        %add3A_474 = arith.addf %add3A_472, %mul3A_473 : vector<16xf32>
        %mul3A_475 = arith.constant -2.000000e+00 : f32
        %mul3A_476 = vector.broadcast %mul3A_475 : f32 to vector<16xf32>
        %mul3A_477 = arith.mulf %mul3A_476, %add3A_474 : vector<16xf32>
        %add3A_478 = arith.addf %mul3A_477, %gather3A_347 : vector<16xf32>
        %add3A_479 = arith.addf %add3A_478, %get3A_469 : vector<16xf32>
        %le3A_480 = vector.broadcast %scan3A : f32 to vector<16xf32>
        %le3A_481 = arith.cmpf ole, %add3A_479, %le3A_480 : vector<16xf32>
        %add3A_482 = arith.addi %mul3A_32, %add3A_461 : i32
        %add3A_483 = vector.broadcast %add3A_482 : i32 to vector<16xi32>
        %add3A_484 = arith.addi %add3A_483, %iota3A : vector<16xi32>
        %swap3A_485 = arith.index_cast %add3A_459 : i32 to index
        %swap3A_486 = tpu.vector_load %arg26[%swap3A_485] masked %le3A_481 {strides = array<i32>} : memref<128xi32, #tpu.memory_space<vmem>>, vector<16xi32>, vector<16xi1>
        tpu.vector_store %arg26[%swap3A_485], %add3A_484 masked %le3A_481 {strides = array<i32>} : memref<128xi32, #tpu.memory_space<vmem>>, vector<16xi32>, vector<16xi1>
        %all_reduce_population_count3A_487 = tpu.all_reduce %le3A_481 {dim = 0 : i64, kind = #tpu.reduction_kind<sum>} : vector<16xi1> -> vector<16xi32>
        %slice3A_488 = vector.extract_strided_slice %all_reduce_population_count3A_487 {offsets = [0], sizes = [1], strides = [1]} : vector<16xi32> to vector<1xi32>
        %squeeze3A_489 = vector.extract %slice3A_488[0] : i32 from vector<1xi32>
        %add3A_490 = arith.addi %add3A_459, %squeeze3A_489 : i32
        %add3A_491 = arith.constant 32 : i32
        %add3A_492 = arith.addi %while3A_431, %add3A_491 : i32
        %get3A_493 = arith.index_cast %add3A_492 : i32 to index
        %get3A_494 = tpu.vector_load %arg15[%get3A_493] {strides = array<i32>} : memref<8192xf32, #tpu.memory_space<vmem>>, vector<16xf32>,
        %get3A_495 = arith.index_cast %add3A_492 : i32 to index
        %get3A_496 = tpu.vector_load %arg16[%get3A_495] {strides = array<i32>} : memref<8192xf32, #tpu.memory_space<vmem>>, vector<16xf32>,
        %get3A_497 = arith.index_cast %add3A_492 : i32 to index
        %get3A_498 = tpu.vector_load %arg17[%get3A_497] {strides = array<i32>} : memref<8192xf32, #tpu.memory_space<vmem>>, vector<16xf32>,
        %get3A_499 = arith.index_cast %add3A_492 : i32 to index
        %get3A_500 = tpu.vector_load %arg18[%get3A_499] {strides = array<i32>} : memref<8192xf32, #tpu.memory_space<vmem>>, vector<16xf32>,
        %mul3A_501 = arith.mulf %gather3A_344, %get3A_494 : vector<16xf32>
        %mul3A_502 = arith.mulf %gather3A_345, %get3A_496 : vector<16xf32>
        %add3A_503 = arith.addf %mul3A_501, %mul3A_502 : vector<16xf32>
        %mul3A_504 = arith.mulf %gather3A_346, %get3A_498 : vector<16xf32>
        %add3A_505 = arith.addf %add3A_503, %mul3A_504 : vector<16xf32>
        %mul3A_506 = arith.constant -2.000000e+00 : f32
        %mul3A_507 = vector.broadcast %mul3A_506 : f32 to vector<16xf32>
        %mul3A_508 = arith.mulf %mul3A_507, %add3A_505 : vector<16xf32>
        %add3A_509 = arith.addf %mul3A_508, %gather3A_347 : vector<16xf32>
        %add3A_510 = arith.addf %add3A_509, %get3A_500 : vector<16xf32>
        %le3A_511 = vector.broadcast %scan3A : f32 to vector<16xf32>
        %le3A_512 = arith.cmpf ole, %add3A_510, %le3A_511 : vector<16xf32>
        %add3A_513 = arith.addi %mul3A_32, %add3A_492 : i32
        %add3A_514 = vector.broadcast %add3A_513 : i32 to vector<16xi32>
        %add3A_515 = arith.addi %add3A_514, %iota3A : vector<16xi32>
        %swap3A_516 = arith.index_cast %add3A_490 : i32 to index
        %swap3A_517 = tpu.vector_load %arg26[%swap3A_516] masked %le3A_512 {strides = array<i32>} : memref<128xi32, #tpu.memory_space<vmem>>, vector<16xi32>, vector<16xi1>
        tpu.vector_store %arg26[%swap3A_516], %add3A_515 masked %le3A_512 {strides = array<i32>} : memref<128xi32, #tpu.memory_space<vmem>>, vector<16xi32>, vector<16xi1>
        %all_reduce_population_count3A_518 = tpu.all_reduce %le3A_512 {dim = 0 : i64, kind = #tpu.reduction_kind<sum>} : vector<16xi1> -> vector<16xi32>
        %slice3A_519 = vector.extract_strided_slice %all_reduce_population_count3A_518 {offsets = [0], sizes = [1], strides = [1]} : vector<16xi32> to vector<1xi32>
        %squeeze3A_520 = vector.extract %slice3A_519[0] : i32 from vector<1xi32>
        %add3A_521 = arith.addi %add3A_490, %squeeze3A_520 : i32
        %add3A_522 = arith.constant 48 : i32
        %add3A_523 = arith.addi %while3A_431, %add3A_522 : i32
        %get3A_524 = arith.index_cast %add3A_523 : i32 to index
        %get3A_525 = tpu.vector_load %arg15[%get3A_524] {strides = array<i32>} : memref<8192xf32, #tpu.memory_space<vmem>>, vector<16xf32>,
        %get3A_526 = arith.index_cast %add3A_523 : i32 to index
        %get3A_527 = tpu.vector_load %arg16[%get3A_526] {strides = array<i32>} : memref<8192xf32, #tpu.memory_space<vmem>>, vector<16xf32>,
        %get3A_528 = arith.index_cast %add3A_523 : i32 to index
        %get3A_529 = tpu.vector_load %arg17[%get3A_528] {strides = array<i32>} : memref<8192xf32, #tpu.memory_space<vmem>>, vector<16xf32>,
        %get3A_530 = arith.index_cast %add3A_523 : i32 to index
        %get3A_531 = tpu.vector_load %arg18[%get3A_530] {strides = array<i32>} : memref<8192xf32, #tpu.memory_space<vmem>>, vector<16xf32>,
        %mul3A_532 = arith.mulf %gather3A_344, %get3A_525 : vector<16xf32>
        %mul3A_533 = arith.mulf %gather3A_345, %get3A_527 : vector<16xf32>
        %add3A_534 = arith.addf %mul3A_532, %mul3A_533 : vector<16xf32>
        %mul3A_535 = arith.mulf %gather3A_346, %get3A_529 : vector<16xf32>
        %add3A_536 = arith.addf %add3A_534, %mul3A_535 : vector<16xf32>
        %mul3A_537 = arith.constant -2.000000e+00 : f32
        %mul3A_538 = vector.broadcast %mul3A_537 : f32 to vector<16xf32>
        %mul3A_539 = arith.mulf %mul3A_538, %add3A_536 : vector<16xf32>
        %add3A_540 = arith.addf %mul3A_539, %gather3A_347 : vector<16xf32>
        %add3A_541 = arith.addf %add3A_540, %get3A_531 : vector<16xf32>
        %le3A_542 = vector.broadcast %scan3A : f32 to vector<16xf32>
        %le3A_543 = arith.cmpf ole, %add3A_541, %le3A_542 : vector<16xf32>
        %add3A_544 = arith.addi %mul3A_32, %add3A_523 : i32
        %add3A_545 = vector.broadcast %add3A_544 : i32 to vector<16xi32>
        %add3A_546 = arith.addi %add3A_545, %iota3A : vector<16xi32>
        %swap3A_547 = arith.index_cast %add3A_521 : i32 to index
        %swap3A_548 = tpu.vector_load %arg26[%swap3A_547] masked %le3A_543 {strides = array<i32>} : memref<128xi32, #tpu.memory_space<vmem>>, vector<16xi32>, vector<16xi1>
        tpu.vector_store %arg26[%swap3A_547], %add3A_546 masked %le3A_543 {strides = array<i32>} : memref<128xi32, #tpu.memory_space<vmem>>, vector<16xi32>, vector<16xi1>
        %all_reduce_population_count3A_549 = tpu.all_reduce %le3A_543 {dim = 0 : i64, kind = #tpu.reduction_kind<sum>} : vector<16xi1> -> vector<16xi32>
        %slice3A_550 = vector.extract_strided_slice %all_reduce_population_count3A_549 {offsets = [0], sizes = [1], strides = [1]} : vector<16xi32> to vector<1xi32>
        %squeeze3A_551 = vector.extract %slice3A_550[0] : i32 from vector<1xi32>
        %add3A_552 = arith.addi %add3A_521, %squeeze3A_551 : i32
        %add3A_553 = arith.constant 64 : i32
        %add3A_554 = arith.addi %while3A_431, %add3A_553 : i32
        scf.yield %add3A_554, %add3A_552 : i32, i32
      }
      %broadcast_in_dim3A_351 = arith.constant 0 : i32
      %broadcast_in_dim3A_352 = vector.broadcast %broadcast_in_dim3A_351 : i32 to vector<16xi32>
      %gather3A_353 = tpu.vector_load_idx %arg26[%broadcast_in_dim3A_352] : memref<128xi32, #tpu.memory_space<vmem>>[vector<16xi32>], vector<16xi32>,
      %add3A_354 = arith.constant 0 : i32
      %add3A_355 = vector.broadcast %add3A_354 : i32 to vector<16xi32>
      %add3A_356 = arith.addi %iota3A, %add3A_355 : vector<16xi32>
      %ge3A_357 = vector.broadcast %while3A_350#1 : i32 to vector<16xi32>
      %ge3A_358 = arith.cmpi sge, %add3A_356, %ge3A_357 : vector<16xi32>
      tpu.vector_store_idx %arg26[%add3A_356], %gather3A_353 masked %ge3A_358 : memref<128xi32, #tpu.memory_space<vmem>>[vector<16xi32>], vector<16xi32>, vector<16xi1>
      %get3A_359 = arith.constant 0 : index
      %get3A_360 = tpu.vector_load %arg26[%get3A_359] {strides = array<i32>} : memref<128xi32, #tpu.memory_space<vmem>>, vector<16xi32>,
      %swap3A_361 = arith.constant 0 : index
      %swap3A_362 = tpu.vector_load %arg29[%swap3A_361] {strides = array<i32>} : memref<32xi32, #tpu.memory_space<vmem>>, vector<16xi32>,
      tpu.vector_store %arg29[%swap3A_361], %get3A_360 {strides = array<i32>} : memref<32xi32, #tpu.memory_space<vmem>>, vector<16xi32>,
      %add3A_363 = arith.constant 16 : i32
      %add3A_364 = vector.broadcast %add3A_363 : i32 to vector<16xi32>
      %add3A_365 = arith.addi %iota3A, %add3A_364 : vector<16xi32>
      %ge3A_366 = vector.broadcast %while3A_350#1 : i32 to vector<16xi32>
      %ge3A_367 = arith.cmpi sge, %add3A_365, %ge3A_366 : vector<16xi32>
      tpu.vector_store_idx %arg26[%add3A_365], %gather3A_353 masked %ge3A_367 : memref<128xi32, #tpu.memory_space<vmem>>[vector<16xi32>], vector<16xi32>, vector<16xi1>
      %get3A_368 = arith.constant 16 : index
      %get3A_369 = tpu.vector_load %arg26[%get3A_368] {strides = array<i32>} : memref<128xi32, #tpu.memory_space<vmem>>, vector<16xi32>,
      %swap3A_370 = arith.constant 16 : index
      %swap3A_371 = tpu.vector_load %arg29[%swap3A_370] {strides = array<i32>} : memref<32xi32, #tpu.memory_space<vmem>>, vector<16xi32>,
      tpu.vector_store %arg29[%swap3A_370], %get3A_369 {strides = array<i32>} : memref<32xi32, #tpu.memory_space<vmem>>, vector<16xi32>,
      %dma_start3A_372 = arith.constant 0 : i32
      %dma_start3A_373 = arith.constant 0 : i32
      %dma_start3A_374 = tpu.memref_slice %arg13[%dma_start3A_372, %dma_start3A_373] : memref<32768x48xf32, #tpu.memory_space<hbm>> -> memref<32768x48xf32, #tpu.memory_space<hbm>>
      tpu.enqueue_indirect_dma source(%dma_start3A_374 : memref<32768x48xf32, #tpu.memory_space<hbm>>) target(%arg33 : memref<32x48xf32, #tpu.memory_space<vmem>>) offsets(%arg29 : memref<32xi32, #tpu.memory_space<vmem>>) semaphore(%arg37 : memref<!tpu.dma_semaphore, #tpu.memory_space<semaphore_mem>>)
      %sub3A_375 = arith.constant 1 : i32
      %sub3A_376 = arith.subi %add3A_337, %sub3A_375 : i32
      %ge3A_377 = arith.constant 0 : i32
      %ge3A_378 = arith.cmpi sge, %sub3A_376, %ge3A_377 : i32
      %convert_element_type3A_379 = arith.extui %ge3A_378 : i1 to i32
      %cond3A_380 = arith.constant 0 : i32
      %cond3A_381 = arith.cmpi ne, %convert_element_type3A_379, %cond3A_380 : i32
      scf.if %cond3A_381 {
        %dma_wait3A_431 = arith.constant 0 : i32
        %dma_wait3A_432 = arith.constant 0 : i32
        %dma_wait3A_433 = tpu.memref_slice %arg13[%dma_wait3A_431, %dma_wait3A_432] : memref<32768x48xf32, #tpu.memory_space<hbm>> -> memref<32768x48xf32, #tpu.memory_space<hbm>>
        tpu.wait_indirect_dma semaphore(%arg36 : memref<!tpu.dma_semaphore, #tpu.memory_space<semaphore_mem>>) src(%dma_wait3A_433 : memref<32768x48xf32, #tpu.memory_space<hbm>>) dst(%arg32 : memref<32x48xf32, #tpu.memory_space<vmem>>)
        %broadcast_in_dim3A_434 = vector.broadcast %sub3A_376 : i32 to vector<16xi32>
        %gather3A_435 = tpu.vector_load_idx %arg23[%broadcast_in_dim3A_434] : memref<64xf32, #tpu.memory_space<vmem>>[vector<16xi32>], vector<16xf32>,
        %gather3A_436 = tpu.vector_load_idx %arg24[%broadcast_in_dim3A_434] : memref<64xf32, #tpu.memory_space<vmem>>[vector<16xi32>], vector<16xf32>,
        %gather3A_437 = tpu.vector_load_idx %arg25[%broadcast_in_dim3A_434] : memref<64xf32, #tpu.memory_space<vmem>>[vector<16xi32>], vector<16xf32>,
        %eq3A_438 = arith.constant 0 : i32
        %eq3A_439 = vector.broadcast %eq3A_438 : i32 to vector<16xi32>
        %eq3A_440 = arith.cmpi eq, %iota3A, %eq3A_439 : vector<16xi32>
        %jit3A_441 = arith.constant 0.000000e+00 : f32
        %broadcast_in_dim3A_442 = vector.broadcast %jit3A_441 : f32 to vector<16xf32>
        %select_n3A_443 = arith.select %eq3A_440, %gather3A_435, %broadcast_in_dim3A_442 : vector<16xi1>, vector<16xf32>
        %eq3A_444 = arith.constant 1 : i32
        %eq3A_445 = vector.broadcast %eq3A_444 : i32 to vector<16xi32>
        %eq3A_446 = arith.cmpi eq, %iota3A, %eq3A_445 : vector<16xi32>
        %jit3A_447 = arith.constant 0.000000e+00 : f32
        %broadcast_in_dim3A_448 = vector.broadcast %jit3A_447 : f32 to vector<16xf32>
        %select_n3A_449 = arith.select %eq3A_446, %gather3A_436, %broadcast_in_dim3A_448 : vector<16xi1>, vector<16xf32>
        %add3A_450 = arith.addf %select_n3A_443, %select_n3A_449 : vector<16xf32>
        %eq3A_451 = arith.constant 2 : i32
        %eq3A_452 = vector.broadcast %eq3A_451 : i32 to vector<16xi32>
        %eq3A_453 = arith.cmpi eq, %iota3A, %eq3A_452 : vector<16xi32>
        %jit3A_454 = arith.constant 0.000000e+00 : f32
        %broadcast_in_dim3A_455 = vector.broadcast %jit3A_454 : f32 to vector<16xf32>
        %select_n3A_456 = arith.select %eq3A_453, %gather3A_437, %broadcast_in_dim3A_455 : vector<16xi1>, vector<16xf32>
        %add3A_457 = arith.addf %add3A_450, %select_n3A_456 : vector<16xf32>
        %broadcast_in_dim3A_458 = arith.constant 0 : i32
        %broadcast_in_dim3A_459 = vector.broadcast %broadcast_in_dim3A_458 : i32 to vector<16xi32>
        %gather3A_460 = tpu.vector_load_idx %arg32[%broadcast_in_dim3A_459, %iota3A] : memref<32x48xf32, #tpu.memory_space<vmem>>[vector<16xi32>, vector<16xi32>], vector<16xf32>,
        %sub3A_461 = arith.subf %gather3A_460, %add3A_457 : vector<16xf32>
        tpu.vector_store_idx %arg32[%broadcast_in_dim3A_459, %iota3A], %sub3A_461 : memref<32x48xf32, #tpu.memory_space<vmem>>[vector<16xi32>, vector<16xi32>], vector<16xf32>,
        %broadcast_in_dim3A_462 = arith.constant 1 : i32
        %broadcast_in_dim3A_463 = vector.broadcast %broadcast_in_dim3A_462 : i32 to vector<16xi32>
        %gather3A_464 = tpu.vector_load_idx %arg32[%broadcast_in_dim3A_463, %iota3A] : memref<32x48xf32, #tpu.memory_space<vmem>>[vector<16xi32>, vector<16xi32>], vector<16xf32>,
        %sub3A_465 = arith.subf %gather3A_464, %add3A_457 : vector<16xf32>
        tpu.vector_store_idx %arg32[%broadcast_in_dim3A_463, %iota3A], %sub3A_465 : memref<32x48xf32, #tpu.memory_space<vmem>>[vector<16xi32>, vector<16xi32>], vector<16xf32>,
        %broadcast_in_dim3A_466 = arith.constant 2 : i32
        %broadcast_in_dim3A_467 = vector.broadcast %broadcast_in_dim3A_466 : i32 to vector<16xi32>
        %gather3A_468 = tpu.vector_load_idx %arg32[%broadcast_in_dim3A_467, %iota3A] : memref<32x48xf32, #tpu.memory_space<vmem>>[vector<16xi32>, vector<16xi32>], vector<16xf32>,
        %sub3A_469 = arith.subf %gather3A_468, %add3A_457 : vector<16xf32>
        tpu.vector_store_idx %arg32[%broadcast_in_dim3A_467, %iota3A], %sub3A_469 : memref<32x48xf32, #tpu.memory_space<vmem>>[vector<16xi32>, vector<16xi32>], vector<16xf32>,
        %broadcast_in_dim3A_470 = arith.constant 3 : i32
        %broadcast_in_dim3A_471 = vector.broadcast %broadcast_in_dim3A_470 : i32 to vector<16xi32>
        %gather3A_472 = tpu.vector_load_idx %arg32[%broadcast_in_dim3A_471, %iota3A] : memref<32x48xf32, #tpu.memory_space<vmem>>[vector<16xi32>, vector<16xi32>], vector<16xf32>,
        %sub3A_473 = arith.subf %gather3A_472, %add3A_457 : vector<16xf32>
        tpu.vector_store_idx %arg32[%broadcast_in_dim3A_471, %iota3A], %sub3A_473 : memref<32x48xf32, #tpu.memory_space<vmem>>[vector<16xi32>, vector<16xi32>], vector<16xf32>,
        %broadcast_in_dim3A_474 = arith.constant 4 : i32
        %broadcast_in_dim3A_475 = vector.broadcast %broadcast_in_dim3A_474 : i32 to vector<16xi32>
        %gather3A_476 = tpu.vector_load_idx %arg32[%broadcast_in_dim3A_475, %iota3A] : memref<32x48xf32, #tpu.memory_space<vmem>>[vector<16xi32>, vector<16xi32>], vector<16xf32>,
        %sub3A_477 = arith.subf %gather3A_476, %add3A_457 : vector<16xf32>
        tpu.vector_store_idx %arg32[%broadcast_in_dim3A_475, %iota3A], %sub3A_477 : memref<32x48xf32, #tpu.memory_space<vmem>>[vector<16xi32>, vector<16xi32>], vector<16xf32>,
        %broadcast_in_dim3A_478 = arith.constant 5 : i32
        %broadcast_in_dim3A_479 = vector.broadcast %broadcast_in_dim3A_478 : i32 to vector<16xi32>
        %gather3A_480 = tpu.vector_load_idx %arg32[%broadcast_in_dim3A_479, %iota3A] : memref<32x48xf32, #tpu.memory_space<vmem>>[vector<16xi32>, vector<16xi32>], vector<16xf32>,
        %sub3A_481 = arith.subf %gather3A_480, %add3A_457 : vector<16xf32>
        tpu.vector_store_idx %arg32[%broadcast_in_dim3A_479, %iota3A], %sub3A_481 : memref<32x48xf32, #tpu.memory_space<vmem>>[vector<16xi32>, vector<16xi32>], vector<16xf32>,
        %broadcast_in_dim3A_482 = arith.constant 6 : i32
        %broadcast_in_dim3A_483 = vector.broadcast %broadcast_in_dim3A_482 : i32 to vector<16xi32>
        %gather3A_484 = tpu.vector_load_idx %arg32[%broadcast_in_dim3A_483, %iota3A] : memref<32x48xf32, #tpu.memory_space<vmem>>[vector<16xi32>, vector<16xi32>], vector<16xf32>,
        %sub3A_485 = arith.subf %gather3A_484, %add3A_457 : vector<16xf32>
        tpu.vector_store_idx %arg32[%broadcast_in_dim3A_483, %iota3A], %sub3A_485 : memref<32x48xf32, #tpu.memory_space<vmem>>[vector<16xi32>, vector<16xi32>], vector<16xf32>,
        %broadcast_in_dim3A_486 = arith.constant 7 : i32
        %broadcast_in_dim3A_487 = vector.broadcast %broadcast_in_dim3A_486 : i32 to vector<16xi32>
        %gather3A_488 = tpu.vector_load_idx %arg32[%broadcast_in_dim3A_487, %iota3A] : memref<32x48xf32, #tpu.memory_space<vmem>>[vector<16xi32>, vector<16xi32>], vector<16xf32>,
        %sub3A_489 = arith.subf %gather3A_488, %add3A_457 : vector<16xf32>
        tpu.vector_store_idx %arg32[%broadcast_in_dim3A_487, %iota3A], %sub3A_489 : memref<32x48xf32, #tpu.memory_space<vmem>>[vector<16xi32>, vector<16xi32>], vector<16xf32>,
        %broadcast_in_dim3A_490 = arith.constant 8 : i32
        %broadcast_in_dim3A_491 = vector.broadcast %broadcast_in_dim3A_490 : i32 to vector<16xi32>
        %gather3A_492 = tpu.vector_load_idx %arg32[%broadcast_in_dim3A_491, %iota3A] : memref<32x48xf32, #tpu.memory_space<vmem>>[vector<16xi32>, vector<16xi32>], vector<16xf32>,
        %sub3A_493 = arith.subf %gather3A_492, %add3A_457 : vector<16xf32>
        tpu.vector_store_idx %arg32[%broadcast_in_dim3A_491, %iota3A], %sub3A_493 : memref<32x48xf32, #tpu.memory_space<vmem>>[vector<16xi32>, vector<16xi32>], vector<16xf32>,
        %broadcast_in_dim3A_494 = arith.constant 9 : i32
        %broadcast_in_dim3A_495 = vector.broadcast %broadcast_in_dim3A_494 : i32 to vector<16xi32>
        %gather3A_496 = tpu.vector_load_idx %arg32[%broadcast_in_dim3A_495, %iota3A] : memref<32x48xf32, #tpu.memory_space<vmem>>[vector<16xi32>, vector<16xi32>], vector<16xf32>,
        %sub3A_497 = arith.subf %gather3A_496, %add3A_457 : vector<16xf32>
        tpu.vector_store_idx %arg32[%broadcast_in_dim3A_495, %iota3A], %sub3A_497 : memref<32x48xf32, #tpu.memory_space<vmem>>[vector<16xi32>, vector<16xi32>], vector<16xf32>,
        %broadcast_in_dim3A_498 = arith.constant 10 : i32
        %broadcast_in_dim3A_499 = vector.broadcast %broadcast_in_dim3A_498 : i32 to vector<16xi32>
        %gather3A_500 = tpu.vector_load_idx %arg32[%broadcast_in_dim3A_499, %iota3A] : memref<32x48xf32, #tpu.memory_space<vmem>>[vector<16xi32>, vector<16xi32>], vector<16xf32>,
        %sub3A_501 = arith.subf %gather3A_500, %add3A_457 : vector<16xf32>
        tpu.vector_store_idx %arg32[%broadcast_in_dim3A_499, %iota3A], %sub3A_501 : memref<32x48xf32, #tpu.memory_space<vmem>>[vector<16xi32>, vector<16xi32>], vector<16xf32>,
        %broadcast_in_dim3A_502 = arith.constant 11 : i32
        %broadcast_in_dim3A_503 = vector.broadcast %broadcast_in_dim3A_502 : i32 to vector<16xi32>
        %gather3A_504 = tpu.vector_load_idx %arg32[%broadcast_in_dim3A_503, %iota3A] : memref<32x48xf32, #tpu.memory_space<vmem>>[vector<16xi32>, vector<16xi32>], vector<16xf32>,
        %sub3A_505 = arith.subf %gather3A_504, %add3A_457 : vector<16xf32>
        tpu.vector_store_idx %arg32[%broadcast_in_dim3A_503, %iota3A], %sub3A_505 : memref<32x48xf32, #tpu.memory_space<vmem>>[vector<16xi32>, vector<16xi32>], vector<16xf32>,
        %broadcast_in_dim3A_506 = arith.constant 12 : i32
        %broadcast_in_dim3A_507 = vector.broadcast %broadcast_in_dim3A_506 : i32 to vector<16xi32>
        %gather3A_508 = tpu.vector_load_idx %arg32[%broadcast_in_dim3A_507, %iota3A] : memref<32x48xf32, #tpu.memory_space<vmem>>[vector<16xi32>, vector<16xi32>], vector<16xf32>,
        %sub3A_509 = arith.subf %gather3A_508, %add3A_457 : vector<16xf32>
        tpu.vector_store_idx %arg32[%broadcast_in_dim3A_507, %iota3A], %sub3A_509 : memref<32x48xf32, #tpu.memory_space<vmem>>[vector<16xi32>, vector<16xi32>], vector<16xf32>,
        %broadcast_in_dim3A_510 = arith.constant 13 : i32
        %broadcast_in_dim3A_511 = vector.broadcast %broadcast_in_dim3A_510 : i32 to vector<16xi32>
        %gather3A_512 = tpu.vector_load_idx %arg32[%broadcast_in_dim3A_511, %iota3A] : memref<32x48xf32, #tpu.memory_space<vmem>>[vector<16xi32>, vector<16xi32>], vector<16xf32>,
        %sub3A_513 = arith.subf %gather3A_512, %add3A_457 : vector<16xf32>
        tpu.vector_store_idx %arg32[%broadcast_in_dim3A_511, %iota3A], %sub3A_513 : memref<32x48xf32, #tpu.memory_space<vmem>>[vector<16xi32>, vector<16xi32>], vector<16xf32>,
        %broadcast_in_dim3A_514 = arith.constant 14 : i32
        %broadcast_in_dim3A_515 = vector.broadcast %broadcast_in_dim3A_514 : i32 to vector<16xi32>
        %gather3A_516 = tpu.vector_load_idx %arg32[%broadcast_in_dim3A_515, %iota3A] : memref<32x48xf32, #tpu.memory_space<vmem>>[vector<16xi32>, vector<16xi32>], vector<16xf32>,
        %sub3A_517 = arith.subf %gather3A_516, %add3A_457 : vector<16xf32>
        tpu.vector_store_idx %arg32[%broadcast_in_dim3A_515, %iota3A], %sub3A_517 : memref<32x48xf32, #tpu.memory_space<vmem>>[vector<16xi32>, vector<16xi32>], vector<16xf32>,
        %broadcast_in_dim3A_518 = arith.constant 15 : i32
        %broadcast_in_dim3A_519 = vector.broadcast %broadcast_in_dim3A_518 : i32 to vector<16xi32>
        %gather3A_520 = tpu.vector_load_idx %arg32[%broadcast_in_dim3A_519, %iota3A] : memref<32x48xf32, #tpu.memory_space<vmem>>[vector<16xi32>, vector<16xi32>], vector<16xf32>,
        %sub3A_521 = arith.subf %gather3A_520, %add3A_457 : vector<16xf32>
        tpu.vector_store_idx %arg32[%broadcast_in_dim3A_519, %iota3A], %sub3A_521 : memref<32x48xf32, #tpu.memory_space<vmem>>[vector<16xi32>, vector<16xi32>], vector<16xf32>,
        %broadcast_in_dim3A_522 = arith.constant 16 : i32
        %broadcast_in_dim3A_523 = vector.broadcast %broadcast_in_dim3A_522 : i32 to vector<16xi32>
        %gather3A_524 = tpu.vector_load_idx %arg32[%broadcast_in_dim3A_523, %iota3A] : memref<32x48xf32, #tpu.memory_space<vmem>>[vector<16xi32>, vector<16xi32>], vector<16xf32>,
        %sub3A_525 = arith.subf %gather3A_524, %add3A_457 : vector<16xf32>
        tpu.vector_store_idx %arg32[%broadcast_in_dim3A_523, %iota3A], %sub3A_525 : memref<32x48xf32, #tpu.memory_space<vmem>>[vector<16xi32>, vector<16xi32>], vector<16xf32>,
        %broadcast_in_dim3A_526 = arith.constant 17 : i32
        %broadcast_in_dim3A_527 = vector.broadcast %broadcast_in_dim3A_526 : i32 to vector<16xi32>
        %gather3A_528 = tpu.vector_load_idx %arg32[%broadcast_in_dim3A_527, %iota3A] : memref<32x48xf32, #tpu.memory_space<vmem>>[vector<16xi32>, vector<16xi32>], vector<16xf32>,
        %sub3A_529 = arith.subf %gather3A_528, %add3A_457 : vector<16xf32>
        tpu.vector_store_idx %arg32[%broadcast_in_dim3A_527, %iota3A], %sub3A_529 : memref<32x48xf32, #tpu.memory_space<vmem>>[vector<16xi32>, vector<16xi32>], vector<16xf32>,
        %broadcast_in_dim3A_530 = arith.constant 18 : i32
        %broadcast_in_dim3A_531 = vector.broadcast %broadcast_in_dim3A_530 : i32 to vector<16xi32>
        %gather3A_532 = tpu.vector_load_idx %arg32[%broadcast_in_dim3A_531, %iota3A] : memref<32x48xf32, #tpu.memory_space<vmem>>[vector<16xi32>, vector<16xi32>], vector<16xf32>,
        %sub3A_533 = arith.subf %gather3A_532, %add3A_457 : vector<16xf32>
        tpu.vector_store_idx %arg32[%broadcast_in_dim3A_531, %iota3A], %sub3A_533 : memref<32x48xf32, #tpu.memory_space<vmem>>[vector<16xi32>, vector<16xi32>], vector<16xf32>,
        %broadcast_in_dim3A_534 = arith.constant 19 : i32
        %broadcast_in_dim3A_535 = vector.broadcast %broadcast_in_dim3A_534 : i32 to vector<16xi32>
        %gather3A_536 = tpu.vector_load_idx %arg32[%broadcast_in_dim3A_535, %iota3A] : memref<32x48xf32, #tpu.memory_space<vmem>>[vector<16xi32>, vector<16xi32>], vector<16xf32>,
        %sub3A_537 = arith.subf %gather3A_536, %add3A_457 : vector<16xf32>
        tpu.vector_store_idx %arg32[%broadcast_in_dim3A_535, %iota3A], %sub3A_537 : memref<32x48xf32, #tpu.memory_space<vmem>>[vector<16xi32>, vector<16xi32>], vector<16xf32>,
        %broadcast_in_dim3A_538 = arith.constant 20 : i32
        %broadcast_in_dim3A_539 = vector.broadcast %broadcast_in_dim3A_538 : i32 to vector<16xi32>
        %gather3A_540 = tpu.vector_load_idx %arg32[%broadcast_in_dim3A_539, %iota3A] : memref<32x48xf32, #tpu.memory_space<vmem>>[vector<16xi32>, vector<16xi32>], vector<16xf32>,
        %sub3A_541 = arith.subf %gather3A_540, %add3A_457 : vector<16xf32>
        tpu.vector_store_idx %arg32[%broadcast_in_dim3A_539, %iota3A], %sub3A_541 : memref<32x48xf32, #tpu.memory_space<vmem>>[vector<16xi32>, vector<16xi32>], vector<16xf32>,
        %broadcast_in_dim3A_542 = arith.constant 21 : i32
        %broadcast_in_dim3A_543 = vector.broadcast %broadcast_in_dim3A_542 : i32 to vector<16xi32>
        %gather3A_544 = tpu.vector_load_idx %arg32[%broadcast_in_dim3A_543, %iota3A] : memref<32x48xf32, #tpu.memory_space<vmem>>[vector<16xi32>, vector<16xi32>], vector<16xf32>,
        %sub3A_545 = arith.subf %gather3A_544, %add3A_457 : vector<16xf32>
        tpu.vector_store_idx %arg32[%broadcast_in_dim3A_543, %iota3A], %sub3A_545 : memref<32x48xf32, #tpu.memory_space<vmem>>[vector<16xi32>, vector<16xi32>], vector<16xf32>,
        %broadcast_in_dim3A_546 = arith.constant 22 : i32
        %broadcast_in_dim3A_547 = vector.broadcast %broadcast_in_dim3A_546 : i32 to vector<16xi32>
        %gather3A_548 = tpu.vector_load_idx %arg32[%broadcast_in_dim3A_547, %iota3A] : memref<32x48xf32, #tpu.memory_space<vmem>>[vector<16xi32>, vector<16xi32>], vector<16xf32>,
        %sub3A_549 = arith.subf %gather3A_548, %add3A_457 : vector<16xf32>
        tpu.vector_store_idx %arg32[%broadcast_in_dim3A_547, %iota3A], %sub3A_549 : memref<32x48xf32, #tpu.memory_space<vmem>>[vector<16xi32>, vector<16xi32>], vector<16xf32>,
        %broadcast_in_dim3A_550 = arith.constant 23 : i32
        %broadcast_in_dim3A_551 = vector.broadcast %broadcast_in_dim3A_550 : i32 to vector<16xi32>
        %gather3A_552 = tpu.vector_load_idx %arg32[%broadcast_in_dim3A_551, %iota3A] : memref<32x48xf32, #tpu.memory_space<vmem>>[vector<16xi32>, vector<16xi32>], vector<16xf32>,
        %sub3A_553 = arith.subf %gather3A_552, %add3A_457 : vector<16xf32>
        tpu.vector_store_idx %arg32[%broadcast_in_dim3A_551, %iota3A], %sub3A_553 : memref<32x48xf32, #tpu.memory_space<vmem>>[vector<16xi32>, vector<16xi32>], vector<16xf32>,
        %broadcast_in_dim3A_554 = arith.constant 24 : i32
        %broadcast_in_dim3A_555 = vector.broadcast %broadcast_in_dim3A_554 : i32 to vector<16xi32>
        %gather3A_556 = tpu.vector_load_idx %arg32[%broadcast_in_dim3A_555, %iota3A] : memref<32x48xf32, #tpu.memory_space<vmem>>[vector<16xi32>, vector<16xi32>], vector<16xf32>,
        %sub3A_557 = arith.subf %gather3A_556, %add3A_457 : vector<16xf32>
        tpu.vector_store_idx %arg32[%broadcast_in_dim3A_555, %iota3A], %sub3A_557 : memref<32x48xf32, #tpu.memory_space<vmem>>[vector<16xi32>, vector<16xi32>], vector<16xf32>,
        %broadcast_in_dim3A_558 = arith.constant 25 : i32
        %broadcast_in_dim3A_559 = vector.broadcast %broadcast_in_dim3A_558 : i32 to vector<16xi32>
        %gather3A_560 = tpu.vector_load_idx %arg32[%broadcast_in_dim3A_559, %iota3A] : memref<32x48xf32, #tpu.memory_space<vmem>>[vector<16xi32>, vector<16xi32>], vector<16xf32>,
        %sub3A_561 = arith.subf %gather3A_560, %add3A_457 : vector<16xf32>
        tpu.vector_store_idx %arg32[%broadcast_in_dim3A_559, %iota3A], %sub3A_561 : memref<32x48xf32, #tpu.memory_space<vmem>>[vector<16xi32>, vector<16xi32>], vector<16xf32>,
        %broadcast_in_dim3A_562 = arith.constant 26 : i32
        %broadcast_in_dim3A_563 = vector.broadcast %broadcast_in_dim3A_562 : i32 to vector<16xi32>
        %gather3A_564 = tpu.vector_load_idx %arg32[%broadcast_in_dim3A_563, %iota3A] : memref<32x48xf32, #tpu.memory_space<vmem>>[vector<16xi32>, vector<16xi32>], vector<16xf32>,
        %sub3A_565 = arith.subf %gather3A_564, %add3A_457 : vector<16xf32>
        tpu.vector_store_idx %arg32[%broadcast_in_dim3A_563, %iota3A], %sub3A_565 : memref<32x48xf32, #tpu.memory_space<vmem>>[vector<16xi32>, vector<16xi32>], vector<16xf32>,
        %broadcast_in_dim3A_566 = arith.constant 27 : i32
        %broadcast_in_dim3A_567 = vector.broadcast %broadcast_in_dim3A_566 : i32 to vector<16xi32>
        %gather3A_568 = tpu.vector_load_idx %arg32[%broadcast_in_dim3A_567, %iota3A] : memref<32x48xf32, #tpu.memory_space<vmem>>[vector<16xi32>, vector<16xi32>], vector<16xf32>,
        %sub3A_569 = arith.subf %gather3A_568, %add3A_457 : vector<16xf32>
        tpu.vector_store_idx %arg32[%broadcast_in_dim3A_567, %iota3A], %sub3A_569 : memref<32x48xf32, #tpu.memory_space<vmem>>[vector<16xi32>, vector<16xi32>], vector<16xf32>,
        %broadcast_in_dim3A_570 = arith.constant 28 : i32
        %broadcast_in_dim3A_571 = vector.broadcast %broadcast_in_dim3A_570 : i32 to vector<16xi32>
        %gather3A_572 = tpu.vector_load_idx %arg32[%broadcast_in_dim3A_571, %iota3A] : memref<32x48xf32, #tpu.memory_space<vmem>>[vector<16xi32>, vector<16xi32>], vector<16xf32>,
        %sub3A_573 = arith.subf %gather3A_572, %add3A_457 : vector<16xf32>
        tpu.vector_store_idx %arg32[%broadcast_in_dim3A_571, %iota3A], %sub3A_573 : memref<32x48xf32, #tpu.memory_space<vmem>>[vector<16xi32>, vector<16xi32>], vector<16xf32>,
        %broadcast_in_dim3A_574 = arith.constant 29 : i32
        %broadcast_in_dim3A_575 = vector.broadcast %broadcast_in_dim3A_574 : i32 to vector<16xi32>
        %gather3A_576 = tpu.vector_load_idx %arg32[%broadcast_in_dim3A_575, %iota3A] : memref<32x48xf32, #tpu.memory_space<vmem>>[vector<16xi32>, vector<16xi32>], vector<16xf32>,
        %sub3A_577 = arith.subf %gather3A_576, %add3A_457 : vector<16xf32>
        tpu.vector_store_idx %arg32[%broadcast_in_dim3A_575, %iota3A], %sub3A_577 : memref<32x48xf32, #tpu.memory_space<vmem>>[vector<16xi32>, vector<16xi32>], vector<16xf32>,
        %broadcast_in_dim3A_578 = arith.constant 30 : i32
        %broadcast_in_dim3A_579 = vector.broadcast %broadcast_in_dim3A_578 : i32 to vector<16xi32>
        %gather3A_580 = tpu.vector_load_idx %arg32[%broadcast_in_dim3A_579, %iota3A] : memref<32x48xf32, #tpu.memory_space<vmem>>[vector<16xi32>, vector<16xi32>], vector<16xf32>,
        %sub3A_581 = arith.subf %gather3A_580, %add3A_457 : vector<16xf32>
        tpu.vector_store_idx %arg32[%broadcast_in_dim3A_579, %iota3A], %sub3A_581 : memref<32x48xf32, #tpu.memory_space<vmem>>[vector<16xi32>, vector<16xi32>], vector<16xf32>,
        %broadcast_in_dim3A_582 = arith.constant 31 : i32
        %broadcast_in_dim3A_583 = vector.broadcast %broadcast_in_dim3A_582 : i32 to vector<16xi32>
        %gather3A_584 = tpu.vector_load_idx %arg32[%broadcast_in_dim3A_583, %iota3A] : memref<32x48xf32, #tpu.memory_space<vmem>>[vector<16xi32>, vector<16xi32>], vector<16xf32>,
        %sub3A_585 = arith.subf %gather3A_584, %add3A_457 : vector<16xf32>
        tpu.vector_store_idx %arg32[%broadcast_in_dim3A_583, %iota3A], %sub3A_585 : memref<32x48xf32, #tpu.memory_space<vmem>>[vector<16xi32>, vector<16xi32>], vector<16xf32>,
        %mul3A_586 = arith.constant 512 : i32
        %mul3A_587 = arith.muli %select_n3A, %mul3A_586 : i32
        %add3A_588 = arith.addi %mul3A_587, %select_n3A_30 : i32
        %mul3A_589 = arith.constant 8 : i32
        %mul3A_590 = arith.muli %mul3A_589, %sub3A_376 : i32
        %add3A_591 = arith.addi %add3A_588, %mul3A_590 : i32
        %dma_start3A_592 = arith.constant 0 : i32
        %dma_start3A_593 = arith.constant 0 : i32
        %dma_start3A_594 = tpu.memref_slice %arg14[%add3A_591, %dma_start3A_592, %dma_start3A_593] : memref<2048x32x48xf32, #tpu.memory_space<hbm>> -> memref<1x32x48xf32, #tpu.memory_space<hbm>>
        %dma_start3A_595 = tpu.memref_squeeze %dma_start3A_594 : memref<1x32x48xf32, #tpu.memory_space<hbm>> -> memref<32x48xf32, #tpu.memory_space<hbm>>
        %dma_start3A_596 = arith.constant 0 : i32
        %dma_start3A_597 = arith.constant 0 : i32
        %dma_start3A_598 = tpu.memref_slice %arg14[%add3A_591, %dma_start3A_596, %dma_start3A_597] : memref<2048x32x48xf32, #tpu.memory_space<hbm>> -> memref<1x32x48xf32, #tpu.memory_space<hbm>>
        %dma_start3A_599 = tpu.memref_squeeze %dma_start3A_598 : memref<1x32x48xf32, #tpu.memory_space<hbm>> -> memref<32x48xf32, #tpu.memory_space<hbm>>
        tpu.enqueue_dma source(%arg32 : memref<32x48xf32, #tpu.memory_space<vmem>>) target(%dma_start3A_599 : memref<32x48xf32, #tpu.memory_space<hbm>>) target_semaphore(%arg40 : memref<!tpu.dma_semaphore, #tpu.memory_space<semaphore_mem>>)
      } else {
      }
      %mul3A_382 = arith.constant 4 : i32
      %mul3A_383 = arith.muli %scan3A_243, %mul3A_382 : i32
      %add3A_384 = arith.constant 3 : i32
      %add3A_385 = arith.addi %mul3A_383, %add3A_384 : i32
      %gt3A_386 = arith.constant 0 : i32
      %gt3A_387 = arith.cmpi sgt, %scan3A_243, %gt3A_386 : i32
      %convert_element_type3A_388 = arith.extui %gt3A_387 : i1 to i32
      %cond3A_389 = arith.constant 0 : i32
      %cond3A_390 = arith.cmpi ne, %convert_element_type3A_388, %cond3A_389 : i32
      scf.if %cond3A_390 {
        %mul3A_431 = arith.constant 512 : i32
        %mul3A_432 = arith.muli %select_n3A, %mul3A_431 : i32
        %add3A_433 = arith.addi %mul3A_432, %select_n3A_30 : i32
        %mul3A_434 = arith.constant 8 : i32
        %mul3A_435 = arith.muli %mul3A_434, %add3A_385 : i32
        %add3A_436 = arith.addi %add3A_433, %mul3A_435 : i32
        %dma_wait3A_437 = arith.constant 0 : i32
        %dma_wait3A_438 = arith.constant 0 : i32
        %dma_wait3A_439 = tpu.memref_slice %arg14[%add3A_436, %dma_wait3A_437, %dma_wait3A_438] : memref<2048x32x48xf32, #tpu.memory_space<hbm>> -> memref<1x32x48xf32, #tpu.memory_space<hbm>>
        %dma_wait3A_440 = tpu.memref_squeeze %dma_wait3A_439 : memref<1x32x48xf32, #tpu.memory_space<hbm>> -> memref<32x48xf32, #tpu.memory_space<hbm>>
        %dma_wait3A_441 = arith.constant 0 : i32
        %dma_wait3A_442 = arith.constant 0 : i32
        %dma_wait3A_443 = tpu.memref_slice %arg14[%add3A_436, %dma_wait3A_441, %dma_wait3A_442] : memref<2048x32x48xf32, #tpu.memory_space<hbm>> -> memref<1x32x48xf32, #tpu.memory_space<hbm>>
        %dma_wait3A_444 = tpu.memref_squeeze %dma_wait3A_443 : memref<1x32x48xf32, #tpu.memory_space<hbm>> -> memref<32x48xf32, #tpu.memory_space<hbm>>
        tpu.wait_dma2 semaphore(%arg42 : memref<!tpu.dma_semaphore, #tpu.memory_space<semaphore_mem>>) src(%arg34 : memref<32x48xf32, #tpu.memory_space<vmem>>) dst(%dma_wait3A_444 : memref<32x48xf32, #tpu.memory_space<hbm>>)
      } else {
      }
      %broadcast_in_dim3A_391 = vector.broadcast %add3A_385 : i32 to vector<16xi32>
      %gather3A_392 = tpu.vector_load_idx %arg19[%broadcast_in_dim3A_391] : memref<64xf32, #tpu.memory_space<vmem>>[vector<16xi32>], vector<16xf32>,
      %gather3A_393 = tpu.vector_load_idx %arg20[%broadcast_in_dim3A_391] : memref<64xf32, #tpu.memory_space<vmem>>[vector<16xi32>], vector<16xf32>,
      %gather3A_394 = tpu.vector_load_idx %arg21[%broadcast_in_dim3A_391] : memref<64xf32, #tpu.memory_space<vmem>>[vector<16xi32>], vector<16xf32>,
      %gather3A_395 = tpu.vector_load_idx %arg22[%broadcast_in_dim3A_391] : memref<64xf32, #tpu.memory_space<vmem>>[vector<16xi32>], vector<16xf32>,
      %while3A_396 = arith.constant 0 : i32
      %while3A_397 = arith.constant 0 : i32
      %while3A_398:2 = scf.while (%while3A_431 = %while3A_396, %while3A_432 = %while3A_397) : (i32, i32) -> (i32, i32) {
        %lt3A_433 = arith.constant 32 : i32
        %lt3A_434 = arith.cmpi slt, %while3A_432, %lt3A_433 : i32
        %lt3A_435 = arith.constant 8192 : i32
        %lt3A_436 = arith.cmpi slt, %while3A_431, %lt3A_435 : i32
        %and3A_437 = arith.andi %lt3A_434, %lt3A_436 : i1
        scf.condition(%and3A_437) %while3A_431, %while3A_432 : i32, i32
      } do {
      ^bb0(%while3A_431: i32, %while3A_432: i32):
        %add3A_433 = arith.constant 0 : i32
        %add3A_434 = arith.addi %while3A_431, %add3A_433 : i32
        %get3A_435 = arith.index_cast %add3A_434 : i32 to index
        %get3A_436 = tpu.vector_load %arg15[%get3A_435] {strides = array<i32>} : memref<8192xf32, #tpu.memory_space<vmem>>, vector<16xf32>,
        %get3A_437 = arith.index_cast %add3A_434 : i32 to index
        %get3A_438 = tpu.vector_load %arg16[%get3A_437] {strides = array<i32>} : memref<8192xf32, #tpu.memory_space<vmem>>, vector<16xf32>,
        %get3A_439 = arith.index_cast %add3A_434 : i32 to index
        %get3A_440 = tpu.vector_load %arg17[%get3A_439] {strides = array<i32>} : memref<8192xf32, #tpu.memory_space<vmem>>, vector<16xf32>,
        %get3A_441 = arith.index_cast %add3A_434 : i32 to index
        %get3A_442 = tpu.vector_load %arg18[%get3A_441] {strides = array<i32>} : memref<8192xf32, #tpu.memory_space<vmem>>, vector<16xf32>,
        %mul3A_443 = arith.mulf %gather3A_392, %get3A_436 : vector<16xf32>
        %mul3A_444 = arith.mulf %gather3A_393, %get3A_438 : vector<16xf32>
        %add3A_445 = arith.addf %mul3A_443, %mul3A_444 : vector<16xf32>
        %mul3A_446 = arith.mulf %gather3A_394, %get3A_440 : vector<16xf32>
        %add3A_447 = arith.addf %add3A_445, %mul3A_446 : vector<16xf32>
        %mul3A_448 = arith.constant -2.000000e+00 : f32
        %mul3A_449 = vector.broadcast %mul3A_448 : f32 to vector<16xf32>
        %mul3A_450 = arith.mulf %mul3A_449, %add3A_447 : vector<16xf32>
        %add3A_451 = arith.addf %mul3A_450, %gather3A_395 : vector<16xf32>
        %add3A_452 = arith.addf %add3A_451, %get3A_442 : vector<16xf32>
        %le3A = vector.broadcast %scan3A : f32 to vector<16xf32>
        %le3A_453 = arith.cmpf ole, %add3A_452, %le3A : vector<16xf32>
        %add3A_454 = arith.addi %mul3A_32, %add3A_434 : i32
        %add3A_455 = vector.broadcast %add3A_454 : i32 to vector<16xi32>
        %add3A_456 = arith.addi %add3A_455, %iota3A : vector<16xi32>
        %swap3A_457 = arith.index_cast %while3A_432 : i32 to index
        %swap3A_458 = tpu.vector_load %arg26[%swap3A_457] masked %le3A_453 {strides = array<i32>} : memref<128xi32, #tpu.memory_space<vmem>>, vector<16xi32>, vector<16xi1>
        tpu.vector_store %arg26[%swap3A_457], %add3A_456 masked %le3A_453 {strides = array<i32>} : memref<128xi32, #tpu.memory_space<vmem>>, vector<16xi32>, vector<16xi1>
        %all_reduce_population_count3A = tpu.all_reduce %le3A_453 {dim = 0 : i64, kind = #tpu.reduction_kind<sum>} : vector<16xi1> -> vector<16xi32>
        %slice3A = vector.extract_strided_slice %all_reduce_population_count3A {offsets = [0], sizes = [1], strides = [1]} : vector<16xi32> to vector<1xi32>
        %squeeze3A = vector.extract %slice3A[0] : i32 from vector<1xi32>
        %add3A_459 = arith.addi %while3A_432, %squeeze3A : i32
        %add3A_460 = arith.constant 16 : i32
        %add3A_461 = arith.addi %while3A_431, %add3A_460 : i32
        %get3A_462 = arith.index_cast %add3A_461 : i32 to index
        %get3A_463 = tpu.vector_load %arg15[%get3A_462] {strides = array<i32>} : memref<8192xf32, #tpu.memory_space<vmem>>, vector<16xf32>,
        %get3A_464 = arith.index_cast %add3A_461 : i32 to index
        %get3A_465 = tpu.vector_load %arg16[%get3A_464] {strides = array<i32>} : memref<8192xf32, #tpu.memory_space<vmem>>, vector<16xf32>,
        %get3A_466 = arith.index_cast %add3A_461 : i32 to index
        %get3A_467 = tpu.vector_load %arg17[%get3A_466] {strides = array<i32>} : memref<8192xf32, #tpu.memory_space<vmem>>, vector<16xf32>,
        %get3A_468 = arith.index_cast %add3A_461 : i32 to index
        %get3A_469 = tpu.vector_load %arg18[%get3A_468] {strides = array<i32>} : memref<8192xf32, #tpu.memory_space<vmem>>, vector<16xf32>,
        %mul3A_470 = arith.mulf %gather3A_392, %get3A_463 : vector<16xf32>
        %mul3A_471 = arith.mulf %gather3A_393, %get3A_465 : vector<16xf32>
        %add3A_472 = arith.addf %mul3A_470, %mul3A_471 : vector<16xf32>
        %mul3A_473 = arith.mulf %gather3A_394, %get3A_467 : vector<16xf32>
        %add3A_474 = arith.addf %add3A_472, %mul3A_473 : vector<16xf32>
        %mul3A_475 = arith.constant -2.000000e+00 : f32
        %mul3A_476 = vector.broadcast %mul3A_475 : f32 to vector<16xf32>
        %mul3A_477 = arith.mulf %mul3A_476, %add3A_474 : vector<16xf32>
        %add3A_478 = arith.addf %mul3A_477, %gather3A_395 : vector<16xf32>
        %add3A_479 = arith.addf %add3A_478, %get3A_469 : vector<16xf32>
        %le3A_480 = vector.broadcast %scan3A : f32 to vector<16xf32>
        %le3A_481 = arith.cmpf ole, %add3A_479, %le3A_480 : vector<16xf32>
        %add3A_482 = arith.addi %mul3A_32, %add3A_461 : i32
        %add3A_483 = vector.broadcast %add3A_482 : i32 to vector<16xi32>
        %add3A_484 = arith.addi %add3A_483, %iota3A : vector<16xi32>
        %swap3A_485 = arith.index_cast %add3A_459 : i32 to index
        %swap3A_486 = tpu.vector_load %arg26[%swap3A_485] masked %le3A_481 {strides = array<i32>} : memref<128xi32, #tpu.memory_space<vmem>>, vector<16xi32>, vector<16xi1>
        tpu.vector_store %arg26[%swap3A_485], %add3A_484 masked %le3A_481 {strides = array<i32>} : memref<128xi32, #tpu.memory_space<vmem>>, vector<16xi32>, vector<16xi1>
        %all_reduce_population_count3A_487 = tpu.all_reduce %le3A_481 {dim = 0 : i64, kind = #tpu.reduction_kind<sum>} : vector<16xi1> -> vector<16xi32>
        %slice3A_488 = vector.extract_strided_slice %all_reduce_population_count3A_487 {offsets = [0], sizes = [1], strides = [1]} : vector<16xi32> to vector<1xi32>
        %squeeze3A_489 = vector.extract %slice3A_488[0] : i32 from vector<1xi32>
        %add3A_490 = arith.addi %add3A_459, %squeeze3A_489 : i32
        %add3A_491 = arith.constant 32 : i32
        %add3A_492 = arith.addi %while3A_431, %add3A_491 : i32
        %get3A_493 = arith.index_cast %add3A_492 : i32 to index
        %get3A_494 = tpu.vector_load %arg15[%get3A_493] {strides = array<i32>} : memref<8192xf32, #tpu.memory_space<vmem>>, vector<16xf32>,
        %get3A_495 = arith.index_cast %add3A_492 : i32 to index
        %get3A_496 = tpu.vector_load %arg16[%get3A_495] {strides = array<i32>} : memref<8192xf32, #tpu.memory_space<vmem>>, vector<16xf32>,
        %get3A_497 = arith.index_cast %add3A_492 : i32 to index
        %get3A_498 = tpu.vector_load %arg17[%get3A_497] {strides = array<i32>} : memref<8192xf32, #tpu.memory_space<vmem>>, vector<16xf32>,
        %get3A_499 = arith.index_cast %add3A_492 : i32 to index
        %get3A_500 = tpu.vector_load %arg18[%get3A_499] {strides = array<i32>} : memref<8192xf32, #tpu.memory_space<vmem>>, vector<16xf32>,
        %mul3A_501 = arith.mulf %gather3A_392, %get3A_494 : vector<16xf32>
        %mul3A_502 = arith.mulf %gather3A_393, %get3A_496 : vector<16xf32>
        %add3A_503 = arith.addf %mul3A_501, %mul3A_502 : vector<16xf32>
        %mul3A_504 = arith.mulf %gather3A_394, %get3A_498 : vector<16xf32>
        %add3A_505 = arith.addf %add3A_503, %mul3A_504 : vector<16xf32>
        %mul3A_506 = arith.constant -2.000000e+00 : f32
        %mul3A_507 = vector.broadcast %mul3A_506 : f32 to vector<16xf32>
        %mul3A_508 = arith.mulf %mul3A_507, %add3A_505 : vector<16xf32>
        %add3A_509 = arith.addf %mul3A_508, %gather3A_395 : vector<16xf32>
        %add3A_510 = arith.addf %add3A_509, %get3A_500 : vector<16xf32>
        %le3A_511 = vector.broadcast %scan3A : f32 to vector<16xf32>
        %le3A_512 = arith.cmpf ole, %add3A_510, %le3A_511 : vector<16xf32>
        %add3A_513 = arith.addi %mul3A_32, %add3A_492 : i32
        %add3A_514 = vector.broadcast %add3A_513 : i32 to vector<16xi32>
        %add3A_515 = arith.addi %add3A_514, %iota3A : vector<16xi32>
        %swap3A_516 = arith.index_cast %add3A_490 : i32 to index
        %swap3A_517 = tpu.vector_load %arg26[%swap3A_516] masked %le3A_512 {strides = array<i32>} : memref<128xi32, #tpu.memory_space<vmem>>, vector<16xi32>, vector<16xi1>
        tpu.vector_store %arg26[%swap3A_516], %add3A_515 masked %le3A_512 {strides = array<i32>} : memref<128xi32, #tpu.memory_space<vmem>>, vector<16xi32>, vector<16xi1>
        %all_reduce_population_count3A_518 = tpu.all_reduce %le3A_512 {dim = 0 : i64, kind = #tpu.reduction_kind<sum>} : vector<16xi1> -> vector<16xi32>
        %slice3A_519 = vector.extract_strided_slice %all_reduce_population_count3A_518 {offsets = [0], sizes = [1], strides = [1]} : vector<16xi32> to vector<1xi32>
        %squeeze3A_520 = vector.extract %slice3A_519[0] : i32 from vector<1xi32>
        %add3A_521 = arith.addi %add3A_490, %squeeze3A_520 : i32
        %add3A_522 = arith.constant 48 : i32
        %add3A_523 = arith.addi %while3A_431, %add3A_522 : i32
        %get3A_524 = arith.index_cast %add3A_523 : i32 to index
        %get3A_525 = tpu.vector_load %arg15[%get3A_524] {strides = array<i32>} : memref<8192xf32, #tpu.memory_space<vmem>>, vector<16xf32>,
        %get3A_526 = arith.index_cast %add3A_523 : i32 to index
        %get3A_527 = tpu.vector_load %arg16[%get3A_526] {strides = array<i32>} : memref<8192xf32, #tpu.memory_space<vmem>>, vector<16xf32>,
        %get3A_528 = arith.index_cast %add3A_523 : i32 to index
        %get3A_529 = tpu.vector_load %arg17[%get3A_528] {strides = array<i32>} : memref<8192xf32, #tpu.memory_space<vmem>>, vector<16xf32>,
        %get3A_530 = arith.index_cast %add3A_523 : i32 to index
        %get3A_531 = tpu.vector_load %arg18[%get3A_530] {strides = array<i32>} : memref<8192xf32, #tpu.memory_space<vmem>>, vector<16xf32>,
        %mul3A_532 = arith.mulf %gather3A_392, %get3A_525 : vector<16xf32>
        %mul3A_533 = arith.mulf %gather3A_393, %get3A_527 : vector<16xf32>
        %add3A_534 = arith.addf %mul3A_532, %mul3A_533 : vector<16xf32>
        %mul3A_535 = arith.mulf %gather3A_394, %get3A_529 : vector<16xf32>
        %add3A_536 = arith.addf %add3A_534, %mul3A_535 : vector<16xf32>
        %mul3A_537 = arith.constant -2.000000e+00 : f32
        %mul3A_538 = vector.broadcast %mul3A_537 : f32 to vector<16xf32>
        %mul3A_539 = arith.mulf %mul3A_538, %add3A_536 : vector<16xf32>
        %add3A_540 = arith.addf %mul3A_539, %gather3A_395 : vector<16xf32>
        %add3A_541 = arith.addf %add3A_540, %get3A_531 : vector<16xf32>
        %le3A_542 = vector.broadcast %scan3A : f32 to vector<16xf32>
        %le3A_543 = arith.cmpf ole, %add3A_541, %le3A_542 : vector<16xf32>
        %add3A_544 = arith.addi %mul3A_32, %add3A_523 : i32
        %add3A_545 = vector.broadcast %add3A_544 : i32 to vector<16xi32>
        %add3A_546 = arith.addi %add3A_545, %iota3A : vector<16xi32>
        %swap3A_547 = arith.index_cast %add3A_521 : i32 to index
        %swap3A_548 = tpu.vector_load %arg26[%swap3A_547] masked %le3A_543 {strides = array<i32>} : memref<128xi32, #tpu.memory_space<vmem>>, vector<16xi32>, vector<16xi1>
        tpu.vector_store %arg26[%swap3A_547], %add3A_546 masked %le3A_543 {strides = array<i32>} : memref<128xi32, #tpu.memory_space<vmem>>, vector<16xi32>, vector<16xi1>
        %all_reduce_population_count3A_549 = tpu.all_reduce %le3A_543 {dim = 0 : i64, kind = #tpu.reduction_kind<sum>} : vector<16xi1> -> vector<16xi32>
        %slice3A_550 = vector.extract_strided_slice %all_reduce_population_count3A_549 {offsets = [0], sizes = [1], strides = [1]} : vector<16xi32> to vector<1xi32>
        %squeeze3A_551 = vector.extract %slice3A_550[0] : i32 from vector<1xi32>
        %add3A_552 = arith.addi %add3A_521, %squeeze3A_551 : i32
        %add3A_553 = arith.constant 64 : i32
        %add3A_554 = arith.addi %while3A_431, %add3A_553 : i32
        scf.yield %add3A_554, %add3A_552 : i32, i32
      }
      %broadcast_in_dim3A_399 = arith.constant 0 : i32
      %broadcast_in_dim3A_400 = vector.broadcast %broadcast_in_dim3A_399 : i32 to vector<16xi32>
      %gather3A_401 = tpu.vector_load_idx %arg26[%broadcast_in_dim3A_400] : memref<128xi32, #tpu.memory_space<vmem>>[vector<16xi32>], vector<16xi32>,
      %add3A_402 = arith.constant 0 : i32
      %add3A_403 = vector.broadcast %add3A_402 : i32 to vector<16xi32>
      %add3A_404 = arith.addi %iota3A, %add3A_403 : vector<16xi32>
      %ge3A_405 = vector.broadcast %while3A_398#1 : i32 to vector<16xi32>
      %ge3A_406 = arith.cmpi sge, %add3A_404, %ge3A_405 : vector<16xi32>
      tpu.vector_store_idx %arg26[%add3A_404], %gather3A_401 masked %ge3A_406 : memref<128xi32, #tpu.memory_space<vmem>>[vector<16xi32>], vector<16xi32>, vector<16xi1>
      %get3A_407 = arith.constant 0 : index
      %get3A_408 = tpu.vector_load %arg26[%get3A_407] {strides = array<i32>} : memref<128xi32, #tpu.memory_space<vmem>>, vector<16xi32>,
      %swap3A_409 = arith.constant 0 : index
      %swap3A_410 = tpu.vector_load %arg30[%swap3A_409] {strides = array<i32>} : memref<32xi32, #tpu.memory_space<vmem>>, vector<16xi32>,
      tpu.vector_store %arg30[%swap3A_409], %get3A_408 {strides = array<i32>} : memref<32xi32, #tpu.memory_space<vmem>>, vector<16xi32>,
      %add3A_411 = arith.constant 16 : i32
      %add3A_412 = vector.broadcast %add3A_411 : i32 to vector<16xi32>
      %add3A_413 = arith.addi %iota3A, %add3A_412 : vector<16xi32>
      %ge3A_414 = vector.broadcast %while3A_398#1 : i32 to vector<16xi32>
      %ge3A_415 = arith.cmpi sge, %add3A_413, %ge3A_414 : vector<16xi32>
      tpu.vector_store_idx %arg26[%add3A_413], %gather3A_401 masked %ge3A_415 : memref<128xi32, #tpu.memory_space<vmem>>[vector<16xi32>], vector<16xi32>, vector<16xi1>
      %get3A_416 = arith.constant 16 : index
      %get3A_417 = tpu.vector_load %arg26[%get3A_416] {strides = array<i32>} : memref<128xi32, #tpu.memory_space<vmem>>, vector<16xi32>,
      %swap3A_418 = arith.constant 16 : index
      %swap3A_419 = tpu.vector_load %arg30[%swap3A_418] {strides = array<i32>} : memref<32xi32, #tpu.memory_space<vmem>>, vector<16xi32>,
      tpu.vector_store %arg30[%swap3A_418], %get3A_417 {strides = array<i32>} : memref<32xi32, #tpu.memory_space<vmem>>, vector<16xi32>,
      %dma_start3A_420 = arith.constant 0 : i32
      %dma_start3A_421 = arith.constant 0 : i32
      %dma_start3A_422 = tpu.memref_slice %arg13[%dma_start3A_420, %dma_start3A_421] : memref<32768x48xf32, #tpu.memory_space<hbm>> -> memref<32768x48xf32, #tpu.memory_space<hbm>>
      tpu.enqueue_indirect_dma source(%dma_start3A_422 : memref<32768x48xf32, #tpu.memory_space<hbm>>) target(%arg34 : memref<32x48xf32, #tpu.memory_space<vmem>>) offsets(%arg30 : memref<32xi32, #tpu.memory_space<vmem>>) semaphore(%arg38 : memref<!tpu.dma_semaphore, #tpu.memory_space<semaphore_mem>>)
      %sub3A_423 = arith.constant 1 : i32
      %sub3A_424 = arith.subi %add3A_385, %sub3A_423 : i32
      %ge3A_425 = arith.constant 0 : i32
      %ge3A_426 = arith.cmpi sge, %sub3A_424, %ge3A_425 : i32
      %convert_element_type3A_427 = arith.extui %ge3A_426 : i1 to i32
      %cond3A_428 = arith.constant 0 : i32
      %cond3A_429 = arith.cmpi ne, %convert_element_type3A_427, %cond3A_428 : i32
      scf.if %cond3A_429 {
        %dma_wait3A_431 = arith.constant 0 : i32
        %dma_wait3A_432 = arith.constant 0 : i32
        %dma_wait3A_433 = tpu.memref_slice %arg13[%dma_wait3A_431, %dma_wait3A_432] : memref<32768x48xf32, #tpu.memory_space<hbm>> -> memref<32768x48xf32, #tpu.memory_space<hbm>>
        tpu.wait_indirect_dma semaphore(%arg37 : memref<!tpu.dma_semaphore, #tpu.memory_space<semaphore_mem>>) src(%dma_wait3A_433 : memref<32768x48xf32, #tpu.memory_space<hbm>>) dst(%arg33 : memref<32x48xf32, #tpu.memory_space<vmem>>)
        %broadcast_in_dim3A_434 = vector.broadcast %sub3A_424 : i32 to vector<16xi32>
        %gather3A_435 = tpu.vector_load_idx %arg23[%broadcast_in_dim3A_434] : memref<64xf32, #tpu.memory_space<vmem>>[vector<16xi32>], vector<16xf32>,
        %gather3A_436 = tpu.vector_load_idx %arg24[%broadcast_in_dim3A_434] : memref<64xf32, #tpu.memory_space<vmem>>[vector<16xi32>], vector<16xf32>,
        %gather3A_437 = tpu.vector_load_idx %arg25[%broadcast_in_dim3A_434] : memref<64xf32, #tpu.memory_space<vmem>>[vector<16xi32>], vector<16xf32>,
        %eq3A_438 = arith.constant 0 : i32
        %eq3A_439 = vector.broadcast %eq3A_438 : i32 to vector<16xi32>
        %eq3A_440 = arith.cmpi eq, %iota3A, %eq3A_439 : vector<16xi32>
        %jit3A_441 = arith.constant 0.000000e+00 : f32
        %broadcast_in_dim3A_442 = vector.broadcast %jit3A_441 : f32 to vector<16xf32>
        %select_n3A_443 = arith.select %eq3A_440, %gather3A_435, %broadcast_in_dim3A_442 : vector<16xi1>, vector<16xf32>
        %eq3A_444 = arith.constant 1 : i32
        %eq3A_445 = vector.broadcast %eq3A_444 : i32 to vector<16xi32>
        %eq3A_446 = arith.cmpi eq, %iota3A, %eq3A_445 : vector<16xi32>
        %jit3A_447 = arith.constant 0.000000e+00 : f32
        %broadcast_in_dim3A_448 = vector.broadcast %jit3A_447 : f32 to vector<16xf32>
        %select_n3A_449 = arith.select %eq3A_446, %gather3A_436, %broadcast_in_dim3A_448 : vector<16xi1>, vector<16xf32>
        %add3A_450 = arith.addf %select_n3A_443, %select_n3A_449 : vector<16xf32>
        %eq3A_451 = arith.constant 2 : i32
        %eq3A_452 = vector.broadcast %eq3A_451 : i32 to vector<16xi32>
        %eq3A_453 = arith.cmpi eq, %iota3A, %eq3A_452 : vector<16xi32>
        %jit3A_454 = arith.constant 0.000000e+00 : f32
        %broadcast_in_dim3A_455 = vector.broadcast %jit3A_454 : f32 to vector<16xf32>
        %select_n3A_456 = arith.select %eq3A_453, %gather3A_437, %broadcast_in_dim3A_455 : vector<16xi1>, vector<16xf32>
        %add3A_457 = arith.addf %add3A_450, %select_n3A_456 : vector<16xf32>
        %broadcast_in_dim3A_458 = arith.constant 0 : i32
        %broadcast_in_dim3A_459 = vector.broadcast %broadcast_in_dim3A_458 : i32 to vector<16xi32>
        %gather3A_460 = tpu.vector_load_idx %arg33[%broadcast_in_dim3A_459, %iota3A] : memref<32x48xf32, #tpu.memory_space<vmem>>[vector<16xi32>, vector<16xi32>], vector<16xf32>,
        %sub3A_461 = arith.subf %gather3A_460, %add3A_457 : vector<16xf32>
        tpu.vector_store_idx %arg33[%broadcast_in_dim3A_459, %iota3A], %sub3A_461 : memref<32x48xf32, #tpu.memory_space<vmem>>[vector<16xi32>, vector<16xi32>], vector<16xf32>,
        %broadcast_in_dim3A_462 = arith.constant 1 : i32
        %broadcast_in_dim3A_463 = vector.broadcast %broadcast_in_dim3A_462 : i32 to vector<16xi32>
        %gather3A_464 = tpu.vector_load_idx %arg33[%broadcast_in_dim3A_463, %iota3A] : memref<32x48xf32, #tpu.memory_space<vmem>>[vector<16xi32>, vector<16xi32>], vector<16xf32>,
        %sub3A_465 = arith.subf %gather3A_464, %add3A_457 : vector<16xf32>
        tpu.vector_store_idx %arg33[%broadcast_in_dim3A_463, %iota3A], %sub3A_465 : memref<32x48xf32, #tpu.memory_space<vmem>>[vector<16xi32>, vector<16xi32>], vector<16xf32>,
        %broadcast_in_dim3A_466 = arith.constant 2 : i32
        %broadcast_in_dim3A_467 = vector.broadcast %broadcast_in_dim3A_466 : i32 to vector<16xi32>
        %gather3A_468 = tpu.vector_load_idx %arg33[%broadcast_in_dim3A_467, %iota3A] : memref<32x48xf32, #tpu.memory_space<vmem>>[vector<16xi32>, vector<16xi32>], vector<16xf32>,
        %sub3A_469 = arith.subf %gather3A_468, %add3A_457 : vector<16xf32>
        tpu.vector_store_idx %arg33[%broadcast_in_dim3A_467, %iota3A], %sub3A_469 : memref<32x48xf32, #tpu.memory_space<vmem>>[vector<16xi32>, vector<16xi32>], vector<16xf32>,
        %broadcast_in_dim3A_470 = arith.constant 3 : i32
        %broadcast_in_dim3A_471 = vector.broadcast %broadcast_in_dim3A_470 : i32 to vector<16xi32>
        %gather3A_472 = tpu.vector_load_idx %arg33[%broadcast_in_dim3A_471, %iota3A] : memref<32x48xf32, #tpu.memory_space<vmem>>[vector<16xi32>, vector<16xi32>], vector<16xf32>,
        %sub3A_473 = arith.subf %gather3A_472, %add3A_457 : vector<16xf32>
        tpu.vector_store_idx %arg33[%broadcast_in_dim3A_471, %iota3A], %sub3A_473 : memref<32x48xf32, #tpu.memory_space<vmem>>[vector<16xi32>, vector<16xi32>], vector<16xf32>,
        %broadcast_in_dim3A_474 = arith.constant 4 : i32
        %broadcast_in_dim3A_475 = vector.broadcast %broadcast_in_dim3A_474 : i32 to vector<16xi32>
        %gather3A_476 = tpu.vector_load_idx %arg33[%broadcast_in_dim3A_475, %iota3A] : memref<32x48xf32, #tpu.memory_space<vmem>>[vector<16xi32>, vector<16xi32>], vector<16xf32>,
        %sub3A_477 = arith.subf %gather3A_476, %add3A_457 : vector<16xf32>
        tpu.vector_store_idx %arg33[%broadcast_in_dim3A_475, %iota3A], %sub3A_477 : memref<32x48xf32, #tpu.memory_space<vmem>>[vector<16xi32>, vector<16xi32>], vector<16xf32>,
        %broadcast_in_dim3A_478 = arith.constant 5 : i32
        %broadcast_in_dim3A_479 = vector.broadcast %broadcast_in_dim3A_478 : i32 to vector<16xi32>
        %gather3A_480 = tpu.vector_load_idx %arg33[%broadcast_in_dim3A_479, %iota3A] : memref<32x48xf32, #tpu.memory_space<vmem>>[vector<16xi32>, vector<16xi32>], vector<16xf32>,
        %sub3A_481 = arith.subf %gather3A_480, %add3A_457 : vector<16xf32>
        tpu.vector_store_idx %arg33[%broadcast_in_dim3A_479, %iota3A], %sub3A_481 : memref<32x48xf32, #tpu.memory_space<vmem>>[vector<16xi32>, vector<16xi32>], vector<16xf32>,
        %broadcast_in_dim3A_482 = arith.constant 6 : i32
        %broadcast_in_dim3A_483 = vector.broadcast %broadcast_in_dim3A_482 : i32 to vector<16xi32>
        %gather3A_484 = tpu.vector_load_idx %arg33[%broadcast_in_dim3A_483, %iota3A] : memref<32x48xf32, #tpu.memory_space<vmem>>[vector<16xi32>, vector<16xi32>], vector<16xf32>,
        %sub3A_485 = arith.subf %gather3A_484, %add3A_457 : vector<16xf32>
        tpu.vector_store_idx %arg33[%broadcast_in_dim3A_483, %iota3A], %sub3A_485 : memref<32x48xf32, #tpu.memory_space<vmem>>[vector<16xi32>, vector<16xi32>], vector<16xf32>,
        %broadcast_in_dim3A_486 = arith.constant 7 : i32
        %broadcast_in_dim3A_487 = vector.broadcast %broadcast_in_dim3A_486 : i32 to vector<16xi32>
        %gather3A_488 = tpu.vector_load_idx %arg33[%broadcast_in_dim3A_487, %iota3A] : memref<32x48xf32, #tpu.memory_space<vmem>>[vector<16xi32>, vector<16xi32>], vector<16xf32>,
        %sub3A_489 = arith.subf %gather3A_488, %add3A_457 : vector<16xf32>
        tpu.vector_store_idx %arg33[%broadcast_in_dim3A_487, %iota3A], %sub3A_489 : memref<32x48xf32, #tpu.memory_space<vmem>>[vector<16xi32>, vector<16xi32>], vector<16xf32>,
        %broadcast_in_dim3A_490 = arith.constant 8 : i32
        %broadcast_in_dim3A_491 = vector.broadcast %broadcast_in_dim3A_490 : i32 to vector<16xi32>
        %gather3A_492 = tpu.vector_load_idx %arg33[%broadcast_in_dim3A_491, %iota3A] : memref<32x48xf32, #tpu.memory_space<vmem>>[vector<16xi32>, vector<16xi32>], vector<16xf32>,
        %sub3A_493 = arith.subf %gather3A_492, %add3A_457 : vector<16xf32>
        tpu.vector_store_idx %arg33[%broadcast_in_dim3A_491, %iota3A], %sub3A_493 : memref<32x48xf32, #tpu.memory_space<vmem>>[vector<16xi32>, vector<16xi32>], vector<16xf32>,
        %broadcast_in_dim3A_494 = arith.constant 9 : i32
        %broadcast_in_dim3A_495 = vector.broadcast %broadcast_in_dim3A_494 : i32 to vector<16xi32>
        %gather3A_496 = tpu.vector_load_idx %arg33[%broadcast_in_dim3A_495, %iota3A] : memref<32x48xf32, #tpu.memory_space<vmem>>[vector<16xi32>, vector<16xi32>], vector<16xf32>,
        %sub3A_497 = arith.subf %gather3A_496, %add3A_457 : vector<16xf32>
        tpu.vector_store_idx %arg33[%broadcast_in_dim3A_495, %iota3A], %sub3A_497 : memref<32x48xf32, #tpu.memory_space<vmem>>[vector<16xi32>, vector<16xi32>], vector<16xf32>,
        %broadcast_in_dim3A_498 = arith.constant 10 : i32
        %broadcast_in_dim3A_499 = vector.broadcast %broadcast_in_dim3A_498 : i32 to vector<16xi32>
        %gather3A_500 = tpu.vector_load_idx %arg33[%broadcast_in_dim3A_499, %iota3A] : memref<32x48xf32, #tpu.memory_space<vmem>>[vector<16xi32>, vector<16xi32>], vector<16xf32>,
        %sub3A_501 = arith.subf %gather3A_500, %add3A_457 : vector<16xf32>
        tpu.vector_store_idx %arg33[%broadcast_in_dim3A_499, %iota3A], %sub3A_501 : memref<32x48xf32, #tpu.memory_space<vmem>>[vector<16xi32>, vector<16xi32>], vector<16xf32>,
        %broadcast_in_dim3A_502 = arith.constant 11 : i32
        %broadcast_in_dim3A_503 = vector.broadcast %broadcast_in_dim3A_502 : i32 to vector<16xi32>
        %gather3A_504 = tpu.vector_load_idx %arg33[%broadcast_in_dim3A_503, %iota3A] : memref<32x48xf32, #tpu.memory_space<vmem>>[vector<16xi32>, vector<16xi32>], vector<16xf32>,
        %sub3A_505 = arith.subf %gather3A_504, %add3A_457 : vector<16xf32>
        tpu.vector_store_idx %arg33[%broadcast_in_dim3A_503, %iota3A], %sub3A_505 : memref<32x48xf32, #tpu.memory_space<vmem>>[vector<16xi32>, vector<16xi32>], vector<16xf32>,
        %broadcast_in_dim3A_506 = arith.constant 12 : i32
        %broadcast_in_dim3A_507 = vector.broadcast %broadcast_in_dim3A_506 : i32 to vector<16xi32>
        %gather3A_508 = tpu.vector_load_idx %arg33[%broadcast_in_dim3A_507, %iota3A] : memref<32x48xf32, #tpu.memory_space<vmem>>[vector<16xi32>, vector<16xi32>], vector<16xf32>,
        %sub3A_509 = arith.subf %gather3A_508, %add3A_457 : vector<16xf32>
        tpu.vector_store_idx %arg33[%broadcast_in_dim3A_507, %iota3A], %sub3A_509 : memref<32x48xf32, #tpu.memory_space<vmem>>[vector<16xi32>, vector<16xi32>], vector<16xf32>,
        %broadcast_in_dim3A_510 = arith.constant 13 : i32
        %broadcast_in_dim3A_511 = vector.broadcast %broadcast_in_dim3A_510 : i32 to vector<16xi32>
        %gather3A_512 = tpu.vector_load_idx %arg33[%broadcast_in_dim3A_511, %iota3A] : memref<32x48xf32, #tpu.memory_space<vmem>>[vector<16xi32>, vector<16xi32>], vector<16xf32>,
        %sub3A_513 = arith.subf %gather3A_512, %add3A_457 : vector<16xf32>
        tpu.vector_store_idx %arg33[%broadcast_in_dim3A_511, %iota3A], %sub3A_513 : memref<32x48xf32, #tpu.memory_space<vmem>>[vector<16xi32>, vector<16xi32>], vector<16xf32>,
        %broadcast_in_dim3A_514 = arith.constant 14 : i32
        %broadcast_in_dim3A_515 = vector.broadcast %broadcast_in_dim3A_514 : i32 to vector<16xi32>
        %gather3A_516 = tpu.vector_load_idx %arg33[%broadcast_in_dim3A_515, %iota3A] : memref<32x48xf32, #tpu.memory_space<vmem>>[vector<16xi32>, vector<16xi32>], vector<16xf32>,
        %sub3A_517 = arith.subf %gather3A_516, %add3A_457 : vector<16xf32>
        tpu.vector_store_idx %arg33[%broadcast_in_dim3A_515, %iota3A], %sub3A_517 : memref<32x48xf32, #tpu.memory_space<vmem>>[vector<16xi32>, vector<16xi32>], vector<16xf32>,
        %broadcast_in_dim3A_518 = arith.constant 15 : i32
        %broadcast_in_dim3A_519 = vector.broadcast %broadcast_in_dim3A_518 : i32 to vector<16xi32>
        %gather3A_520 = tpu.vector_load_idx %arg33[%broadcast_in_dim3A_519, %iota3A] : memref<32x48xf32, #tpu.memory_space<vmem>>[vector<16xi32>, vector<16xi32>], vector<16xf32>,
        %sub3A_521 = arith.subf %gather3A_520, %add3A_457 : vector<16xf32>
        tpu.vector_store_idx %arg33[%broadcast_in_dim3A_519, %iota3A], %sub3A_521 : memref<32x48xf32, #tpu.memory_space<vmem>>[vector<16xi32>, vector<16xi32>], vector<16xf32>,
        %broadcast_in_dim3A_522 = arith.constant 16 : i32
        %broadcast_in_dim3A_523 = vector.broadcast %broadcast_in_dim3A_522 : i32 to vector<16xi32>
        %gather3A_524 = tpu.vector_load_idx %arg33[%broadcast_in_dim3A_523, %iota3A] : memref<32x48xf32, #tpu.memory_space<vmem>>[vector<16xi32>, vector<16xi32>], vector<16xf32>,
        %sub3A_525 = arith.subf %gather3A_524, %add3A_457 : vector<16xf32>
        tpu.vector_store_idx %arg33[%broadcast_in_dim3A_523, %iota3A], %sub3A_525 : memref<32x48xf32, #tpu.memory_space<vmem>>[vector<16xi32>, vector<16xi32>], vector<16xf32>,
        %broadcast_in_dim3A_526 = arith.constant 17 : i32
        %broadcast_in_dim3A_527 = vector.broadcast %broadcast_in_dim3A_526 : i32 to vector<16xi32>
        %gather3A_528 = tpu.vector_load_idx %arg33[%broadcast_in_dim3A_527, %iota3A] : memref<32x48xf32, #tpu.memory_space<vmem>>[vector<16xi32>, vector<16xi32>], vector<16xf32>,
        %sub3A_529 = arith.subf %gather3A_528, %add3A_457 : vector<16xf32>
        tpu.vector_store_idx %arg33[%broadcast_in_dim3A_527, %iota3A], %sub3A_529 : memref<32x48xf32, #tpu.memory_space<vmem>>[vector<16xi32>, vector<16xi32>], vector<16xf32>,
        %broadcast_in_dim3A_530 = arith.constant 18 : i32
        %broadcast_in_dim3A_531 = vector.broadcast %broadcast_in_dim3A_530 : i32 to vector<16xi32>
        %gather3A_532 = tpu.vector_load_idx %arg33[%broadcast_in_dim3A_531, %iota3A] : memref<32x48xf32, #tpu.memory_space<vmem>>[vector<16xi32>, vector<16xi32>], vector<16xf32>,
        %sub3A_533 = arith.subf %gather3A_532, %add3A_457 : vector<16xf32>
        tpu.vector_store_idx %arg33[%broadcast_in_dim3A_531, %iota3A], %sub3A_533 : memref<32x48xf32, #tpu.memory_space<vmem>>[vector<16xi32>, vector<16xi32>], vector<16xf32>,
        %broadcast_in_dim3A_534 = arith.constant 19 : i32
        %broadcast_in_dim3A_535 = vector.broadcast %broadcast_in_dim3A_534 : i32 to vector<16xi32>
        %gather3A_536 = tpu.vector_load_idx %arg33[%broadcast_in_dim3A_535, %iota3A] : memref<32x48xf32, #tpu.memory_space<vmem>>[vector<16xi32>, vector<16xi32>], vector<16xf32>,
        %sub3A_537 = arith.subf %gather3A_536, %add3A_457 : vector<16xf32>
        tpu.vector_store_idx %arg33[%broadcast_in_dim3A_535, %iota3A], %sub3A_537 : memref<32x48xf32, #tpu.memory_space<vmem>>[vector<16xi32>, vector<16xi32>], vector<16xf32>,
        %broadcast_in_dim3A_538 = arith.constant 20 : i32
        %broadcast_in_dim3A_539 = vector.broadcast %broadcast_in_dim3A_538 : i32 to vector<16xi32>
        %gather3A_540 = tpu.vector_load_idx %arg33[%broadcast_in_dim3A_539, %iota3A] : memref<32x48xf32, #tpu.memory_space<vmem>>[vector<16xi32>, vector<16xi32>], vector<16xf32>,
        %sub3A_541 = arith.subf %gather3A_540, %add3A_457 : vector<16xf32>
        tpu.vector_store_idx %arg33[%broadcast_in_dim3A_539, %iota3A], %sub3A_541 : memref<32x48xf32, #tpu.memory_space<vmem>>[vector<16xi32>, vector<16xi32>], vector<16xf32>,
        %broadcast_in_dim3A_542 = arith.constant 21 : i32
        %broadcast_in_dim3A_543 = vector.broadcast %broadcast_in_dim3A_542 : i32 to vector<16xi32>
        %gather3A_544 = tpu.vector_load_idx %arg33[%broadcast_in_dim3A_543, %iota3A] : memref<32x48xf32, #tpu.memory_space<vmem>>[vector<16xi32>, vector<16xi32>], vector<16xf32>,
        %sub3A_545 = arith.subf %gather3A_544, %add3A_457 : vector<16xf32>
        tpu.vector_store_idx %arg33[%broadcast_in_dim3A_543, %iota3A], %sub3A_545 : memref<32x48xf32, #tpu.memory_space<vmem>>[vector<16xi32>, vector<16xi32>], vector<16xf32>,
        %broadcast_in_dim3A_546 = arith.constant 22 : i32
        %broadcast_in_dim3A_547 = vector.broadcast %broadcast_in_dim3A_546 : i32 to vector<16xi32>
        %gather3A_548 = tpu.vector_load_idx %arg33[%broadcast_in_dim3A_547, %iota3A] : memref<32x48xf32, #tpu.memory_space<vmem>>[vector<16xi32>, vector<16xi32>], vector<16xf32>,
        %sub3A_549 = arith.subf %gather3A_548, %add3A_457 : vector<16xf32>
        tpu.vector_store_idx %arg33[%broadcast_in_dim3A_547, %iota3A], %sub3A_549 : memref<32x48xf32, #tpu.memory_space<vmem>>[vector<16xi32>, vector<16xi32>], vector<16xf32>,
        %broadcast_in_dim3A_550 = arith.constant 23 : i32
        %broadcast_in_dim3A_551 = vector.broadcast %broadcast_in_dim3A_550 : i32 to vector<16xi32>
        %gather3A_552 = tpu.vector_load_idx %arg33[%broadcast_in_dim3A_551, %iota3A] : memref<32x48xf32, #tpu.memory_space<vmem>>[vector<16xi32>, vector<16xi32>], vector<16xf32>,
        %sub3A_553 = arith.subf %gather3A_552, %add3A_457 : vector<16xf32>
        tpu.vector_store_idx %arg33[%broadcast_in_dim3A_551, %iota3A], %sub3A_553 : memref<32x48xf32, #tpu.memory_space<vmem>>[vector<16xi32>, vector<16xi32>], vector<16xf32>,
        %broadcast_in_dim3A_554 = arith.constant 24 : i32
        %broadcast_in_dim3A_555 = vector.broadcast %broadcast_in_dim3A_554 : i32 to vector<16xi32>
        %gather3A_556 = tpu.vector_load_idx %arg33[%broadcast_in_dim3A_555, %iota3A] : memref<32x48xf32, #tpu.memory_space<vmem>>[vector<16xi32>, vector<16xi32>], vector<16xf32>,
        %sub3A_557 = arith.subf %gather3A_556, %add3A_457 : vector<16xf32>
        tpu.vector_store_idx %arg33[%broadcast_in_dim3A_555, %iota3A], %sub3A_557 : memref<32x48xf32, #tpu.memory_space<vmem>>[vector<16xi32>, vector<16xi32>], vector<16xf32>,
        %broadcast_in_dim3A_558 = arith.constant 25 : i32
        %broadcast_in_dim3A_559 = vector.broadcast %broadcast_in_dim3A_558 : i32 to vector<16xi32>
        %gather3A_560 = tpu.vector_load_idx %arg33[%broadcast_in_dim3A_559, %iota3A] : memref<32x48xf32, #tpu.memory_space<vmem>>[vector<16xi32>, vector<16xi32>], vector<16xf32>,
        %sub3A_561 = arith.subf %gather3A_560, %add3A_457 : vector<16xf32>
        tpu.vector_store_idx %arg33[%broadcast_in_dim3A_559, %iota3A], %sub3A_561 : memref<32x48xf32, #tpu.memory_space<vmem>>[vector<16xi32>, vector<16xi32>], vector<16xf32>,
        %broadcast_in_dim3A_562 = arith.constant 26 : i32
        %broadcast_in_dim3A_563 = vector.broadcast %broadcast_in_dim3A_562 : i32 to vector<16xi32>
        %gather3A_564 = tpu.vector_load_idx %arg33[%broadcast_in_dim3A_563, %iota3A] : memref<32x48xf32, #tpu.memory_space<vmem>>[vector<16xi32>, vector<16xi32>], vector<16xf32>,
        %sub3A_565 = arith.subf %gather3A_564, %add3A_457 : vector<16xf32>
        tpu.vector_store_idx %arg33[%broadcast_in_dim3A_563, %iota3A], %sub3A_565 : memref<32x48xf32, #tpu.memory_space<vmem>>[vector<16xi32>, vector<16xi32>], vector<16xf32>,
        %broadcast_in_dim3A_566 = arith.constant 27 : i32
        %broadcast_in_dim3A_567 = vector.broadcast %broadcast_in_dim3A_566 : i32 to vector<16xi32>
        %gather3A_568 = tpu.vector_load_idx %arg33[%broadcast_in_dim3A_567, %iota3A] : memref<32x48xf32, #tpu.memory_space<vmem>>[vector<16xi32>, vector<16xi32>], vector<16xf32>,
        %sub3A_569 = arith.subf %gather3A_568, %add3A_457 : vector<16xf32>
        tpu.vector_store_idx %arg33[%broadcast_in_dim3A_567, %iota3A], %sub3A_569 : memref<32x48xf32, #tpu.memory_space<vmem>>[vector<16xi32>, vector<16xi32>], vector<16xf32>,
        %broadcast_in_dim3A_570 = arith.constant 28 : i32
        %broadcast_in_dim3A_571 = vector.broadcast %broadcast_in_dim3A_570 : i32 to vector<16xi32>
        %gather3A_572 = tpu.vector_load_idx %arg33[%broadcast_in_dim3A_571, %iota3A] : memref<32x48xf32, #tpu.memory_space<vmem>>[vector<16xi32>, vector<16xi32>], vector<16xf32>,
        %sub3A_573 = arith.subf %gather3A_572, %add3A_457 : vector<16xf32>
        tpu.vector_store_idx %arg33[%broadcast_in_dim3A_571, %iota3A], %sub3A_573 : memref<32x48xf32, #tpu.memory_space<vmem>>[vector<16xi32>, vector<16xi32>], vector<16xf32>,
        %broadcast_in_dim3A_574 = arith.constant 29 : i32
        %broadcast_in_dim3A_575 = vector.broadcast %broadcast_in_dim3A_574 : i32 to vector<16xi32>
        %gather3A_576 = tpu.vector_load_idx %arg33[%broadcast_in_dim3A_575, %iota3A] : memref<32x48xf32, #tpu.memory_space<vmem>>[vector<16xi32>, vector<16xi32>], vector<16xf32>,
        %sub3A_577 = arith.subf %gather3A_576, %add3A_457 : vector<16xf32>
        tpu.vector_store_idx %arg33[%broadcast_in_dim3A_575, %iota3A], %sub3A_577 : memref<32x48xf32, #tpu.memory_space<vmem>>[vector<16xi32>, vector<16xi32>], vector<16xf32>,
        %broadcast_in_dim3A_578 = arith.constant 30 : i32
        %broadcast_in_dim3A_579 = vector.broadcast %broadcast_in_dim3A_578 : i32 to vector<16xi32>
        %gather3A_580 = tpu.vector_load_idx %arg33[%broadcast_in_dim3A_579, %iota3A] : memref<32x48xf32, #tpu.memory_space<vmem>>[vector<16xi32>, vector<16xi32>], vector<16xf32>,
        %sub3A_581 = arith.subf %gather3A_580, %add3A_457 : vector<16xf32>
        tpu.vector_store_idx %arg33[%broadcast_in_dim3A_579, %iota3A], %sub3A_581 : memref<32x48xf32, #tpu.memory_space<vmem>>[vector<16xi32>, vector<16xi32>], vector<16xf32>,
        %broadcast_in_dim3A_582 = arith.constant 31 : i32
        %broadcast_in_dim3A_583 = vector.broadcast %broadcast_in_dim3A_582 : i32 to vector<16xi32>
        %gather3A_584 = tpu.vector_load_idx %arg33[%broadcast_in_dim3A_583, %iota3A] : memref<32x48xf32, #tpu.memory_space<vmem>>[vector<16xi32>, vector<16xi32>], vector<16xf32>,
        %sub3A_585 = arith.subf %gather3A_584, %add3A_457 : vector<16xf32>
        tpu.vector_store_idx %arg33[%broadcast_in_dim3A_583, %iota3A], %sub3A_585 : memref<32x48xf32, #tpu.memory_space<vmem>>[vector<16xi32>, vector<16xi32>], vector<16xf32>,
        %mul3A_586 = arith.constant 512 : i32
        %mul3A_587 = arith.muli %select_n3A, %mul3A_586 : i32
        %add3A_588 = arith.addi %mul3A_587, %select_n3A_30 : i32
        %mul3A_589 = arith.constant 8 : i32
        %mul3A_590 = arith.muli %mul3A_589, %sub3A_424 : i32
        %add3A_591 = arith.addi %add3A_588, %mul3A_590 : i32
        %dma_start3A_592 = arith.constant 0 : i32
        %dma_start3A_593 = arith.constant 0 : i32
        %dma_start3A_594 = tpu.memref_slice %arg14[%add3A_591, %dma_start3A_592, %dma_start3A_593] : memref<2048x32x48xf32, #tpu.memory_space<hbm>> -> memref<1x32x48xf32, #tpu.memory_space<hbm>>
        %dma_start3A_595 = tpu.memref_squeeze %dma_start3A_594 : memref<1x32x48xf32, #tpu.memory_space<hbm>> -> memref<32x48xf32, #tpu.memory_space<hbm>>
        %dma_start3A_596 = arith.constant 0 : i32
        %dma_start3A_597 = arith.constant 0 : i32
        %dma_start3A_598 = tpu.memref_slice %arg14[%add3A_591, %dma_start3A_596, %dma_start3A_597] : memref<2048x32x48xf32, #tpu.memory_space<hbm>> -> memref<1x32x48xf32, #tpu.memory_space<hbm>>
        %dma_start3A_599 = tpu.memref_squeeze %dma_start3A_598 : memref<1x32x48xf32, #tpu.memory_space<hbm>> -> memref<32x48xf32, #tpu.memory_space<hbm>>
        tpu.enqueue_dma source(%arg33 : memref<32x48xf32, #tpu.memory_space<vmem>>) target(%dma_start3A_599 : memref<32x48xf32, #tpu.memory_space<hbm>>) target_semaphore(%arg41 : memref<!tpu.dma_semaphore, #tpu.memory_space<semaphore_mem>>)
      } else {
      }
      %scan3A_430 = arith.constant 0 : i32
      scf.yield %scan3A_430 : i32
    }
    %scan3A_41 = arith.constant 16 : i32
    %dma_wait3A = arith.constant 0 : i32
    %dma_wait3A_42 = arith.constant 0 : i32
    %dma_wait3A_43 = tpu.memref_slice %arg13[%dma_wait3A, %dma_wait3A_42] : memref<32768x48xf32, #tpu.memory_space<hbm>> -> memref<32768x48xf32, #tpu.memory_space<hbm>>
    tpu.wait_indirect_dma semaphore(%arg38 : memref<!tpu.dma_semaphore, #tpu.memory_space<semaphore_mem>>) src(%dma_wait3A_43 : memref<32768x48xf32, #tpu.memory_space<hbm>>) dst(%arg34 : memref<32x48xf32, #tpu.memory_space<vmem>>)
    %broadcast_in_dim3A = arith.constant 63 : i32
    %broadcast_in_dim3A_44 = vector.broadcast %broadcast_in_dim3A : i32 to vector<16xi32>
    %gather3A = tpu.vector_load_idx %arg23[%broadcast_in_dim3A_44] : memref<64xf32, #tpu.memory_space<vmem>>[vector<16xi32>], vector<16xf32>,
    %gather3A_45 = tpu.vector_load_idx %arg24[%broadcast_in_dim3A_44] : memref<64xf32, #tpu.memory_space<vmem>>[vector<16xi32>], vector<16xf32>,
    %gather3A_46 = tpu.vector_load_idx %arg25[%broadcast_in_dim3A_44] : memref<64xf32, #tpu.memory_space<vmem>>[vector<16xi32>], vector<16xf32>,
    %eq3A_47 = arith.constant 0 : i32
    %eq3A_48 = vector.broadcast %eq3A_47 : i32 to vector<16xi32>
    %eq3A_49 = arith.cmpi eq, %iota3A, %eq3A_48 : vector<16xi32>
    %jit3A_50 = arith.constant 0.000000e+00 : f32
    %broadcast_in_dim3A_51 = vector.broadcast %jit3A_50 : f32 to vector<16xf32>
    %select_n3A_52 = arith.select %eq3A_49, %gather3A, %broadcast_in_dim3A_51 : vector<16xi1>, vector<16xf32>
    %eq3A_53 = arith.constant 1 : i32
    %eq3A_54 = vector.broadcast %eq3A_53 : i32 to vector<16xi32>
    %eq3A_55 = arith.cmpi eq, %iota3A, %eq3A_54 : vector<16xi32>
    %jit3A_56 = arith.constant 0.000000e+00 : f32
    %broadcast_in_dim3A_57 = vector.broadcast %jit3A_56 : f32 to vector<16xf32>
    %select_n3A_58 = arith.select %eq3A_55, %gather3A_45, %broadcast_in_dim3A_57 : vector<16xi1>, vector<16xf32>
    %add3A_59 = arith.addf %select_n3A_52, %select_n3A_58 : vector<16xf32>
    %eq3A_60 = arith.constant 2 : i32
    %eq3A_61 = vector.broadcast %eq3A_60 : i32 to vector<16xi32>
    %eq3A_62 = arith.cmpi eq, %iota3A, %eq3A_61 : vector<16xi32>
    %jit3A_63 = arith.constant 0.000000e+00 : f32
    %broadcast_in_dim3A_64 = vector.broadcast %jit3A_63 : f32 to vector<16xf32>
    %select_n3A_65 = arith.select %eq3A_62, %gather3A_46, %broadcast_in_dim3A_64 : vector<16xi1>, vector<16xf32>
    %add3A_66 = arith.addf %add3A_59, %select_n3A_65 : vector<16xf32>
    %broadcast_in_dim3A_67 = arith.constant 0 : i32
    %broadcast_in_dim3A_68 = vector.broadcast %broadcast_in_dim3A_67 : i32 to vector<16xi32>
    %gather3A_69 = tpu.vector_load_idx %arg34[%broadcast_in_dim3A_68, %iota3A] : memref<32x48xf32, #tpu.memory_space<vmem>>[vector<16xi32>, vector<16xi32>], vector<16xf32>,
    %sub3A_70 = arith.subf %gather3A_69, %add3A_66 : vector<16xf32>
    tpu.vector_store_idx %arg34[%broadcast_in_dim3A_68, %iota3A], %sub3A_70 : memref<32x48xf32, #tpu.memory_space<vmem>>[vector<16xi32>, vector<16xi32>], vector<16xf32>,
    %broadcast_in_dim3A_71 = arith.constant 1 : i32
    %broadcast_in_dim3A_72 = vector.broadcast %broadcast_in_dim3A_71 : i32 to vector<16xi32>
    %gather3A_73 = tpu.vector_load_idx %arg34[%broadcast_in_dim3A_72, %iota3A] : memref<32x48xf32, #tpu.memory_space<vmem>>[vector<16xi32>, vector<16xi32>], vector<16xf32>,
    %sub3A_74 = arith.subf %gather3A_73, %add3A_66 : vector<16xf32>
    tpu.vector_store_idx %arg34[%broadcast_in_dim3A_72, %iota3A], %sub3A_74 : memref<32x48xf32, #tpu.memory_space<vmem>>[vector<16xi32>, vector<16xi32>], vector<16xf32>,
    %broadcast_in_dim3A_75 = arith.constant 2 : i32
    %broadcast_in_dim3A_76 = vector.broadcast %broadcast_in_dim3A_75 : i32 to vector<16xi32>
    %gather3A_77 = tpu.vector_load_idx %arg34[%broadcast_in_dim3A_76, %iota3A] : memref<32x48xf32, #tpu.memory_space<vmem>>[vector<16xi32>, vector<16xi32>], vector<16xf32>,
    %sub3A_78 = arith.subf %gather3A_77, %add3A_66 : vector<16xf32>
    tpu.vector_store_idx %arg34[%broadcast_in_dim3A_76, %iota3A], %sub3A_78 : memref<32x48xf32, #tpu.memory_space<vmem>>[vector<16xi32>, vector<16xi32>], vector<16xf32>,
    %broadcast_in_dim3A_79 = arith.constant 3 : i32
    %broadcast_in_dim3A_80 = vector.broadcast %broadcast_in_dim3A_79 : i32 to vector<16xi32>
    %gather3A_81 = tpu.vector_load_idx %arg34[%broadcast_in_dim3A_80, %iota3A] : memref<32x48xf32, #tpu.memory_space<vmem>>[vector<16xi32>, vector<16xi32>], vector<16xf32>,
    %sub3A_82 = arith.subf %gather3A_81, %add3A_66 : vector<16xf32>
    tpu.vector_store_idx %arg34[%broadcast_in_dim3A_80, %iota3A], %sub3A_82 : memref<32x48xf32, #tpu.memory_space<vmem>>[vector<16xi32>, vector<16xi32>], vector<16xf32>,
    %broadcast_in_dim3A_83 = arith.constant 4 : i32
    %broadcast_in_dim3A_84 = vector.broadcast %broadcast_in_dim3A_83 : i32 to vector<16xi32>
    %gather3A_85 = tpu.vector_load_idx %arg34[%broadcast_in_dim3A_84, %iota3A] : memref<32x48xf32, #tpu.memory_space<vmem>>[vector<16xi32>, vector<16xi32>], vector<16xf32>,
    %sub3A_86 = arith.subf %gather3A_85, %add3A_66 : vector<16xf32>
    tpu.vector_store_idx %arg34[%broadcast_in_dim3A_84, %iota3A], %sub3A_86 : memref<32x48xf32, #tpu.memory_space<vmem>>[vector<16xi32>, vector<16xi32>], vector<16xf32>,
    %broadcast_in_dim3A_87 = arith.constant 5 : i32
    %broadcast_in_dim3A_88 = vector.broadcast %broadcast_in_dim3A_87 : i32 to vector<16xi32>
    %gather3A_89 = tpu.vector_load_idx %arg34[%broadcast_in_dim3A_88, %iota3A] : memref<32x48xf32, #tpu.memory_space<vmem>>[vector<16xi32>, vector<16xi32>], vector<16xf32>,
    %sub3A_90 = arith.subf %gather3A_89, %add3A_66 : vector<16xf32>
    tpu.vector_store_idx %arg34[%broadcast_in_dim3A_88, %iota3A], %sub3A_90 : memref<32x48xf32, #tpu.memory_space<vmem>>[vector<16xi32>, vector<16xi32>], vector<16xf32>,
    %broadcast_in_dim3A_91 = arith.constant 6 : i32
    %broadcast_in_dim3A_92 = vector.broadcast %broadcast_in_dim3A_91 : i32 to vector<16xi32>
    %gather3A_93 = tpu.vector_load_idx %arg34[%broadcast_in_dim3A_92, %iota3A] : memref<32x48xf32, #tpu.memory_space<vmem>>[vector<16xi32>, vector<16xi32>], vector<16xf32>,
    %sub3A_94 = arith.subf %gather3A_93, %add3A_66 : vector<16xf32>
    tpu.vector_store_idx %arg34[%broadcast_in_dim3A_92, %iota3A], %sub3A_94 : memref<32x48xf32, #tpu.memory_space<vmem>>[vector<16xi32>, vector<16xi32>], vector<16xf32>,
    %broadcast_in_dim3A_95 = arith.constant 7 : i32
    %broadcast_in_dim3A_96 = vector.broadcast %broadcast_in_dim3A_95 : i32 to vector<16xi32>
    %gather3A_97 = tpu.vector_load_idx %arg34[%broadcast_in_dim3A_96, %iota3A] : memref<32x48xf32, #tpu.memory_space<vmem>>[vector<16xi32>, vector<16xi32>], vector<16xf32>,
    %sub3A_98 = arith.subf %gather3A_97, %add3A_66 : vector<16xf32>
    tpu.vector_store_idx %arg34[%broadcast_in_dim3A_96, %iota3A], %sub3A_98 : memref<32x48xf32, #tpu.memory_space<vmem>>[vector<16xi32>, vector<16xi32>], vector<16xf32>,
    %broadcast_in_dim3A_99 = arith.constant 8 : i32
    %broadcast_in_dim3A_100 = vector.broadcast %broadcast_in_dim3A_99 : i32 to vector<16xi32>
    %gather3A_101 = tpu.vector_load_idx %arg34[%broadcast_in_dim3A_100, %iota3A] : memref<32x48xf32, #tpu.memory_space<vmem>>[vector<16xi32>, vector<16xi32>], vector<16xf32>,
    %sub3A_102 = arith.subf %gather3A_101, %add3A_66 : vector<16xf32>
    tpu.vector_store_idx %arg34[%broadcast_in_dim3A_100, %iota3A], %sub3A_102 : memref<32x48xf32, #tpu.memory_space<vmem>>[vector<16xi32>, vector<16xi32>], vector<16xf32>,
    %broadcast_in_dim3A_103 = arith.constant 9 : i32
    %broadcast_in_dim3A_104 = vector.broadcast %broadcast_in_dim3A_103 : i32 to vector<16xi32>
    %gather3A_105 = tpu.vector_load_idx %arg34[%broadcast_in_dim3A_104, %iota3A] : memref<32x48xf32, #tpu.memory_space<vmem>>[vector<16xi32>, vector<16xi32>], vector<16xf32>,
    %sub3A_106 = arith.subf %gather3A_105, %add3A_66 : vector<16xf32>
    tpu.vector_store_idx %arg34[%broadcast_in_dim3A_104, %iota3A], %sub3A_106 : memref<32x48xf32, #tpu.memory_space<vmem>>[vector<16xi32>, vector<16xi32>], vector<16xf32>,
    %broadcast_in_dim3A_107 = arith.constant 10 : i32
    %broadcast_in_dim3A_108 = vector.broadcast %broadcast_in_dim3A_107 : i32 to vector<16xi32>
    %gather3A_109 = tpu.vector_load_idx %arg34[%broadcast_in_dim3A_108, %iota3A] : memref<32x48xf32, #tpu.memory_space<vmem>>[vector<16xi32>, vector<16xi32>], vector<16xf32>,
    %sub3A_110 = arith.subf %gather3A_109, %add3A_66 : vector<16xf32>
    tpu.vector_store_idx %arg34[%broadcast_in_dim3A_108, %iota3A], %sub3A_110 : memref<32x48xf32, #tpu.memory_space<vmem>>[vector<16xi32>, vector<16xi32>], vector<16xf32>,
    %broadcast_in_dim3A_111 = arith.constant 11 : i32
    %broadcast_in_dim3A_112 = vector.broadcast %broadcast_in_dim3A_111 : i32 to vector<16xi32>
    %gather3A_113 = tpu.vector_load_idx %arg34[%broadcast_in_dim3A_112, %iota3A] : memref<32x48xf32, #tpu.memory_space<vmem>>[vector<16xi32>, vector<16xi32>], vector<16xf32>,
    %sub3A_114 = arith.subf %gather3A_113, %add3A_66 : vector<16xf32>
    tpu.vector_store_idx %arg34[%broadcast_in_dim3A_112, %iota3A], %sub3A_114 : memref<32x48xf32, #tpu.memory_space<vmem>>[vector<16xi32>, vector<16xi32>], vector<16xf32>,
    %broadcast_in_dim3A_115 = arith.constant 12 : i32
    %broadcast_in_dim3A_116 = vector.broadcast %broadcast_in_dim3A_115 : i32 to vector<16xi32>
    %gather3A_117 = tpu.vector_load_idx %arg34[%broadcast_in_dim3A_116, %iota3A] : memref<32x48xf32, #tpu.memory_space<vmem>>[vector<16xi32>, vector<16xi32>], vector<16xf32>,
    %sub3A_118 = arith.subf %gather3A_117, %add3A_66 : vector<16xf32>
    tpu.vector_store_idx %arg34[%broadcast_in_dim3A_116, %iota3A], %sub3A_118 : memref<32x48xf32, #tpu.memory_space<vmem>>[vector<16xi32>, vector<16xi32>], vector<16xf32>,
    %broadcast_in_dim3A_119 = arith.constant 13 : i32
    %broadcast_in_dim3A_120 = vector.broadcast %broadcast_in_dim3A_119 : i32 to vector<16xi32>
    %gather3A_121 = tpu.vector_load_idx %arg34[%broadcast_in_dim3A_120, %iota3A] : memref<32x48xf32, #tpu.memory_space<vmem>>[vector<16xi32>, vector<16xi32>], vector<16xf32>,
    %sub3A_122 = arith.subf %gather3A_121, %add3A_66 : vector<16xf32>
    tpu.vector_store_idx %arg34[%broadcast_in_dim3A_120, %iota3A], %sub3A_122 : memref<32x48xf32, #tpu.memory_space<vmem>>[vector<16xi32>, vector<16xi32>], vector<16xf32>,
    %broadcast_in_dim3A_123 = arith.constant 14 : i32
    %broadcast_in_dim3A_124 = vector.broadcast %broadcast_in_dim3A_123 : i32 to vector<16xi32>
    %gather3A_125 = tpu.vector_load_idx %arg34[%broadcast_in_dim3A_124, %iota3A] : memref<32x48xf32, #tpu.memory_space<vmem>>[vector<16xi32>, vector<16xi32>], vector<16xf32>,
    %sub3A_126 = arith.subf %gather3A_125, %add3A_66 : vector<16xf32>
    tpu.vector_store_idx %arg34[%broadcast_in_dim3A_124, %iota3A], %sub3A_126 : memref<32x48xf32, #tpu.memory_space<vmem>>[vector<16xi32>, vector<16xi32>], vector<16xf32>,
    %broadcast_in_dim3A_127 = arith.constant 15 : i32
    %broadcast_in_dim3A_128 = vector.broadcast %broadcast_in_dim3A_127 : i32 to vector<16xi32>
    %gather3A_129 = tpu.vector_load_idx %arg34[%broadcast_in_dim3A_128, %iota3A] : memref<32x48xf32, #tpu.memory_space<vmem>>[vector<16xi32>, vector<16xi32>], vector<16xf32>,
    %sub3A_130 = arith.subf %gather3A_129, %add3A_66 : vector<16xf32>
    tpu.vector_store_idx %arg34[%broadcast_in_dim3A_128, %iota3A], %sub3A_130 : memref<32x48xf32, #tpu.memory_space<vmem>>[vector<16xi32>, vector<16xi32>], vector<16xf32>,
    %broadcast_in_dim3A_131 = arith.constant 16 : i32
    %broadcast_in_dim3A_132 = vector.broadcast %broadcast_in_dim3A_131 : i32 to vector<16xi32>
    %gather3A_133 = tpu.vector_load_idx %arg34[%broadcast_in_dim3A_132, %iota3A] : memref<32x48xf32, #tpu.memory_space<vmem>>[vector<16xi32>, vector<16xi32>], vector<16xf32>,
    %sub3A_134 = arith.subf %gather3A_133, %add3A_66 : vector<16xf32>
    tpu.vector_store_idx %arg34[%broadcast_in_dim3A_132, %iota3A], %sub3A_134 : memref<32x48xf32, #tpu.memory_space<vmem>>[vector<16xi32>, vector<16xi32>], vector<16xf32>,
    %broadcast_in_dim3A_135 = arith.constant 17 : i32
    %broadcast_in_dim3A_136 = vector.broadcast %broadcast_in_dim3A_135 : i32 to vector<16xi32>
    %gather3A_137 = tpu.vector_load_idx %arg34[%broadcast_in_dim3A_136, %iota3A] : memref<32x48xf32, #tpu.memory_space<vmem>>[vector<16xi32>, vector<16xi32>], vector<16xf32>,
    %sub3A_138 = arith.subf %gather3A_137, %add3A_66 : vector<16xf32>
    tpu.vector_store_idx %arg34[%broadcast_in_dim3A_136, %iota3A], %sub3A_138 : memref<32x48xf32, #tpu.memory_space<vmem>>[vector<16xi32>, vector<16xi32>], vector<16xf32>,
    %broadcast_in_dim3A_139 = arith.constant 18 : i32
    %broadcast_in_dim3A_140 = vector.broadcast %broadcast_in_dim3A_139 : i32 to vector<16xi32>
    %gather3A_141 = tpu.vector_load_idx %arg34[%broadcast_in_dim3A_140, %iota3A] : memref<32x48xf32, #tpu.memory_space<vmem>>[vector<16xi32>, vector<16xi32>], vector<16xf32>,
    %sub3A_142 = arith.subf %gather3A_141, %add3A_66 : vector<16xf32>
    tpu.vector_store_idx %arg34[%broadcast_in_dim3A_140, %iota3A], %sub3A_142 : memref<32x48xf32, #tpu.memory_space<vmem>>[vector<16xi32>, vector<16xi32>], vector<16xf32>,
    %broadcast_in_dim3A_143 = arith.constant 19 : i32
    %broadcast_in_dim3A_144 = vector.broadcast %broadcast_in_dim3A_143 : i32 to vector<16xi32>
    %gather3A_145 = tpu.vector_load_idx %arg34[%broadcast_in_dim3A_144, %iota3A] : memref<32x48xf32, #tpu.memory_space<vmem>>[vector<16xi32>, vector<16xi32>], vector<16xf32>,
    %sub3A_146 = arith.subf %gather3A_145, %add3A_66 : vector<16xf32>
    tpu.vector_store_idx %arg34[%broadcast_in_dim3A_144, %iota3A], %sub3A_146 : memref<32x48xf32, #tpu.memory_space<vmem>>[vector<16xi32>, vector<16xi32>], vector<16xf32>,
    %broadcast_in_dim3A_147 = arith.constant 20 : i32
    %broadcast_in_dim3A_148 = vector.broadcast %broadcast_in_dim3A_147 : i32 to vector<16xi32>
    %gather3A_149 = tpu.vector_load_idx %arg34[%broadcast_in_dim3A_148, %iota3A] : memref<32x48xf32, #tpu.memory_space<vmem>>[vector<16xi32>, vector<16xi32>], vector<16xf32>,
    %sub3A_150 = arith.subf %gather3A_149, %add3A_66 : vector<16xf32>
    tpu.vector_store_idx %arg34[%broadcast_in_dim3A_148, %iota3A], %sub3A_150 : memref<32x48xf32, #tpu.memory_space<vmem>>[vector<16xi32>, vector<16xi32>], vector<16xf32>,
    %broadcast_in_dim3A_151 = arith.constant 21 : i32
    %broadcast_in_dim3A_152 = vector.broadcast %broadcast_in_dim3A_151 : i32 to vector<16xi32>
    %gather3A_153 = tpu.vector_load_idx %arg34[%broadcast_in_dim3A_152, %iota3A] : memref<32x48xf32, #tpu.memory_space<vmem>>[vector<16xi32>, vector<16xi32>], vector<16xf32>,
    %sub3A_154 = arith.subf %gather3A_153, %add3A_66 : vector<16xf32>
    tpu.vector_store_idx %arg34[%broadcast_in_dim3A_152, %iota3A], %sub3A_154 : memref<32x48xf32, #tpu.memory_space<vmem>>[vector<16xi32>, vector<16xi32>], vector<16xf32>,
    %broadcast_in_dim3A_155 = arith.constant 22 : i32
    %broadcast_in_dim3A_156 = vector.broadcast %broadcast_in_dim3A_155 : i32 to vector<16xi32>
    %gather3A_157 = tpu.vector_load_idx %arg34[%broadcast_in_dim3A_156, %iota3A] : memref<32x48xf32, #tpu.memory_space<vmem>>[vector<16xi32>, vector<16xi32>], vector<16xf32>,
    %sub3A_158 = arith.subf %gather3A_157, %add3A_66 : vector<16xf32>
    tpu.vector_store_idx %arg34[%broadcast_in_dim3A_156, %iota3A], %sub3A_158 : memref<32x48xf32, #tpu.memory_space<vmem>>[vector<16xi32>, vector<16xi32>], vector<16xf32>,
    %broadcast_in_dim3A_159 = arith.constant 23 : i32
    %broadcast_in_dim3A_160 = vector.broadcast %broadcast_in_dim3A_159 : i32 to vector<16xi32>
    %gather3A_161 = tpu.vector_load_idx %arg34[%broadcast_in_dim3A_160, %iota3A] : memref<32x48xf32, #tpu.memory_space<vmem>>[vector<16xi32>, vector<16xi32>], vector<16xf32>,
    %sub3A_162 = arith.subf %gather3A_161, %add3A_66 : vector<16xf32>
    tpu.vector_store_idx %arg34[%broadcast_in_dim3A_160, %iota3A], %sub3A_162 : memref<32x48xf32, #tpu.memory_space<vmem>>[vector<16xi32>, vector<16xi32>], vector<16xf32>,
    %broadcast_in_dim3A_163 = arith.constant 24 : i32
    %broadcast_in_dim3A_164 = vector.broadcast %broadcast_in_dim3A_163 : i32 to vector<16xi32>
    %gather3A_165 = tpu.vector_load_idx %arg34[%broadcast_in_dim3A_164, %iota3A] : memref<32x48xf32, #tpu.memory_space<vmem>>[vector<16xi32>, vector<16xi32>], vector<16xf32>,
    %sub3A_166 = arith.subf %gather3A_165, %add3A_66 : vector<16xf32>
    tpu.vector_store_idx %arg34[%broadcast_in_dim3A_164, %iota3A], %sub3A_166 : memref<32x48xf32, #tpu.memory_space<vmem>>[vector<16xi32>, vector<16xi32>], vector<16xf32>,
    %broadcast_in_dim3A_167 = arith.constant 25 : i32
    %broadcast_in_dim3A_168 = vector.broadcast %broadcast_in_dim3A_167 : i32 to vector<16xi32>
    %gather3A_169 = tpu.vector_load_idx %arg34[%broadcast_in_dim3A_168, %iota3A] : memref<32x48xf32, #tpu.memory_space<vmem>>[vector<16xi32>, vector<16xi32>], vector<16xf32>,
    %sub3A_170 = arith.subf %gather3A_169, %add3A_66 : vector<16xf32>
    tpu.vector_store_idx %arg34[%broadcast_in_dim3A_168, %iota3A], %sub3A_170 : memref<32x48xf32, #tpu.memory_space<vmem>>[vector<16xi32>, vector<16xi32>], vector<16xf32>,
    %broadcast_in_dim3A_171 = arith.constant 26 : i32
    %broadcast_in_dim3A_172 = vector.broadcast %broadcast_in_dim3A_171 : i32 to vector<16xi32>
    %gather3A_173 = tpu.vector_load_idx %arg34[%broadcast_in_dim3A_172, %iota3A] : memref<32x48xf32, #tpu.memory_space<vmem>>[vector<16xi32>, vector<16xi32>], vector<16xf32>,
    %sub3A_174 = arith.subf %gather3A_173, %add3A_66 : vector<16xf32>
    tpu.vector_store_idx %arg34[%broadcast_in_dim3A_172, %iota3A], %sub3A_174 : memref<32x48xf32, #tpu.memory_space<vmem>>[vector<16xi32>, vector<16xi32>], vector<16xf32>,
    %broadcast_in_dim3A_175 = arith.constant 27 : i32
    %broadcast_in_dim3A_176 = vector.broadcast %broadcast_in_dim3A_175 : i32 to vector<16xi32>
    %gather3A_177 = tpu.vector_load_idx %arg34[%broadcast_in_dim3A_176, %iota3A] : memref<32x48xf32, #tpu.memory_space<vmem>>[vector<16xi32>, vector<16xi32>], vector<16xf32>,
    %sub3A_178 = arith.subf %gather3A_177, %add3A_66 : vector<16xf32>
    tpu.vector_store_idx %arg34[%broadcast_in_dim3A_176, %iota3A], %sub3A_178 : memref<32x48xf32, #tpu.memory_space<vmem>>[vector<16xi32>, vector<16xi32>], vector<16xf32>,
    %broadcast_in_dim3A_179 = arith.constant 28 : i32
    %broadcast_in_dim3A_180 = vector.broadcast %broadcast_in_dim3A_179 : i32 to vector<16xi32>
    %gather3A_181 = tpu.vector_load_idx %arg34[%broadcast_in_dim3A_180, %iota3A] : memref<32x48xf32, #tpu.memory_space<vmem>>[vector<16xi32>, vector<16xi32>], vector<16xf32>,
    %sub3A_182 = arith.subf %gather3A_181, %add3A_66 : vector<16xf32>
    tpu.vector_store_idx %arg34[%broadcast_in_dim3A_180, %iota3A], %sub3A_182 : memref<32x48xf32, #tpu.memory_space<vmem>>[vector<16xi32>, vector<16xi32>], vector<16xf32>,
    %broadcast_in_dim3A_183 = arith.constant 29 : i32
    %broadcast_in_dim3A_184 = vector.broadcast %broadcast_in_dim3A_183 : i32 to vector<16xi32>
    %gather3A_185 = tpu.vector_load_idx %arg34[%broadcast_in_dim3A_184, %iota3A] : memref<32x48xf32, #tpu.memory_space<vmem>>[vector<16xi32>, vector<16xi32>], vector<16xf32>,
    %sub3A_186 = arith.subf %gather3A_185, %add3A_66 : vector<16xf32>
    tpu.vector_store_idx %arg34[%broadcast_in_dim3A_184, %iota3A], %sub3A_186 : memref<32x48xf32, #tpu.memory_space<vmem>>[vector<16xi32>, vector<16xi32>], vector<16xf32>,
    %broadcast_in_dim3A_187 = arith.constant 30 : i32
    %broadcast_in_dim3A_188 = vector.broadcast %broadcast_in_dim3A_187 : i32 to vector<16xi32>
    %gather3A_189 = tpu.vector_load_idx %arg34[%broadcast_in_dim3A_188, %iota3A] : memref<32x48xf32, #tpu.memory_space<vmem>>[vector<16xi32>, vector<16xi32>], vector<16xf32>,
    %sub3A_190 = arith.subf %gather3A_189, %add3A_66 : vector<16xf32>
    tpu.vector_store_idx %arg34[%broadcast_in_dim3A_188, %iota3A], %sub3A_190 : memref<32x48xf32, #tpu.memory_space<vmem>>[vector<16xi32>, vector<16xi32>], vector<16xf32>,
    %broadcast_in_dim3A_191 = arith.constant 31 : i32
    %broadcast_in_dim3A_192 = vector.broadcast %broadcast_in_dim3A_191 : i32 to vector<16xi32>
    %gather3A_193 = tpu.vector_load_idx %arg34[%broadcast_in_dim3A_192, %iota3A] : memref<32x48xf32, #tpu.memory_space<vmem>>[vector<16xi32>, vector<16xi32>], vector<16xf32>,
    %sub3A_194 = arith.subf %gather3A_193, %add3A_66 : vector<16xf32>
    tpu.vector_store_idx %arg34[%broadcast_in_dim3A_192, %iota3A], %sub3A_194 : memref<32x48xf32, #tpu.memory_space<vmem>>[vector<16xi32>, vector<16xi32>], vector<16xf32>,
    %mul3A_195 = arith.constant 512 : i32
    %mul3A_196 = arith.muli %select_n3A, %mul3A_195 : i32
    %add3A_197 = arith.addi %mul3A_196, %select_n3A_30 : i32
    %add3A_198 = arith.constant 504 : i32
    %add3A_199 = arith.addi %add3A_197, %add3A_198 : i32
    %dma_start3A = arith.constant 0 : i32
    %dma_start3A_200 = arith.constant 0 : i32
    %dma_start3A_201 = tpu.memref_slice %arg14[%add3A_199, %dma_start3A, %dma_start3A_200] : memref<2048x32x48xf32, #tpu.memory_space<hbm>> -> memref<1x32x48xf32, #tpu.memory_space<hbm>>
    %dma_start3A_202 = tpu.memref_squeeze %dma_start3A_201 : memref<1x32x48xf32, #tpu.memory_space<hbm>> -> memref<32x48xf32, #tpu.memory_space<hbm>>
    %dma_start3A_203 = arith.constant 0 : i32
    %dma_start3A_204 = arith.constant 0 : i32
    %dma_start3A_205 = tpu.memref_slice %arg14[%add3A_199, %dma_start3A_203, %dma_start3A_204] : memref<2048x32x48xf32, #tpu.memory_space<hbm>> -> memref<1x32x48xf32, #tpu.memory_space<hbm>>
    %dma_start3A_206 = tpu.memref_squeeze %dma_start3A_205 : memref<1x32x48xf32, #tpu.memory_space<hbm>> -> memref<32x48xf32, #tpu.memory_space<hbm>>
    tpu.enqueue_dma source(%arg34 : memref<32x48xf32, #tpu.memory_space<vmem>>) target(%dma_start3A_206 : memref<32x48xf32, #tpu.memory_space<hbm>>) target_semaphore(%arg42 : memref<!tpu.dma_semaphore, #tpu.memory_space<semaphore_mem>>)
    %dma_wait3A_207 = arith.constant 0 : i32
    %dma_wait3A_208 = arith.constant 0 : i32
    %dma_wait3A_209 = arith.constant 0 : i32
    %dma_wait3A_210 = tpu.memref_slice %arg14[%dma_wait3A_207, %dma_wait3A_208, %dma_wait3A_209] : memref<2048x32x48xf32, #tpu.memory_space<hbm>> -> memref<1x32x48xf32, #tpu.memory_space<hbm>>
    %dma_wait3A_211 = tpu.memref_squeeze %dma_wait3A_210 : memref<1x32x48xf32, #tpu.memory_space<hbm>> -> memref<32x48xf32, #tpu.memory_space<hbm>>
    %dma_wait3A_212 = arith.constant 0 : i32
    %dma_wait3A_213 = arith.constant 0 : i32
    %dma_wait3A_214 = tpu.memref_slice %arg14[%dma_wait3A_207, %dma_wait3A_212, %dma_wait3A_213] : memref<2048x32x48xf32, #tpu.memory_space<hbm>> -> memref<1x32x48xf32, #tpu.memory_space<hbm>>
    %dma_wait3A_215 = tpu.memref_squeeze %dma_wait3A_214 : memref<1x32x48xf32, #tpu.memory_space<hbm>> -> memref<32x48xf32, #tpu.memory_space<hbm>>
    tpu.wait_dma2 semaphore(%arg39 : memref<!tpu.dma_semaphore, #tpu.memory_space<semaphore_mem>>) src(%arg31 : memref<32x48xf32, #tpu.memory_space<vmem>>) dst(%dma_wait3A_215 : memref<32x48xf32, #tpu.memory_space<hbm>>)
    %dma_wait3A_216 = arith.constant 0 : i32
    %dma_wait3A_217 = arith.constant 0 : i32
    %dma_wait3A_218 = arith.constant 0 : i32
    %dma_wait3A_219 = tpu.memref_slice %arg14[%dma_wait3A_216, %dma_wait3A_217, %dma_wait3A_218] : memref<2048x32x48xf32, #tpu.memory_space<hbm>> -> memref<1x32x48xf32, #tpu.memory_space<hbm>>
    %dma_wait3A_220 = tpu.memref_squeeze %dma_wait3A_219 : memref<1x32x48xf32, #tpu.memory_space<hbm>> -> memref<32x48xf32, #tpu.memory_space<hbm>>
    %dma_wait3A_221 = arith.constant 0 : i32
    %dma_wait3A_222 = arith.constant 0 : i32
    %dma_wait3A_223 = tpu.memref_slice %arg14[%dma_wait3A_216, %dma_wait3A_221, %dma_wait3A_222] : memref<2048x32x48xf32, #tpu.memory_space<hbm>> -> memref<1x32x48xf32, #tpu.memory_space<hbm>>
    %dma_wait3A_224 = tpu.memref_squeeze %dma_wait3A_223 : memref<1x32x48xf32, #tpu.memory_space<hbm>> -> memref<32x48xf32, #tpu.memory_space<hbm>>
    tpu.wait_dma2 semaphore(%arg40 : memref<!tpu.dma_semaphore, #tpu.memory_space<semaphore_mem>>) src(%arg32 : memref<32x48xf32, #tpu.memory_space<vmem>>) dst(%dma_wait3A_224 : memref<32x48xf32, #tpu.memory_space<hbm>>)
    %dma_wait3A_225 = arith.constant 0 : i32
    %dma_wait3A_226 = arith.constant 0 : i32
    %dma_wait3A_227 = arith.constant 0 : i32
    %dma_wait3A_228 = tpu.memref_slice %arg14[%dma_wait3A_225, %dma_wait3A_226, %dma_wait3A_227] : memref<2048x32x48xf32, #tpu.memory_space<hbm>> -> memref<1x32x48xf32, #tpu.memory_space<hbm>>
    %dma_wait3A_229 = tpu.memref_squeeze %dma_wait3A_228 : memref<1x32x48xf32, #tpu.memory_space<hbm>> -> memref<32x48xf32, #tpu.memory_space<hbm>>
    %dma_wait3A_230 = arith.constant 0 : i32
    %dma_wait3A_231 = arith.constant 0 : i32
    %dma_wait3A_232 = tpu.memref_slice %arg14[%dma_wait3A_225, %dma_wait3A_230, %dma_wait3A_231] : memref<2048x32x48xf32, #tpu.memory_space<hbm>> -> memref<1x32x48xf32, #tpu.memory_space<hbm>>
    %dma_wait3A_233 = tpu.memref_squeeze %dma_wait3A_232 : memref<1x32x48xf32, #tpu.memory_space<hbm>> -> memref<32x48xf32, #tpu.memory_space<hbm>>
    tpu.wait_dma2 semaphore(%arg41 : memref<!tpu.dma_semaphore, #tpu.memory_space<semaphore_mem>>) src(%arg33 : memref<32x48xf32, #tpu.memory_space<vmem>>) dst(%dma_wait3A_233 : memref<32x48xf32, #tpu.memory_space<hbm>>)
    %dma_wait3A_234 = arith.constant 0 : i32
    %dma_wait3A_235 = arith.constant 0 : i32
    %dma_wait3A_236 = arith.constant 0 : i32
    %dma_wait3A_237 = tpu.memref_slice %arg14[%dma_wait3A_234, %dma_wait3A_235, %dma_wait3A_236] : memref<2048x32x48xf32, #tpu.memory_space<hbm>> -> memref<1x32x48xf32, #tpu.memory_space<hbm>>
    %dma_wait3A_238 = tpu.memref_squeeze %dma_wait3A_237 : memref<1x32x48xf32, #tpu.memory_space<hbm>> -> memref<32x48xf32, #tpu.memory_space<hbm>>
    %dma_wait3A_239 = arith.constant 0 : i32
    %dma_wait3A_240 = arith.constant 0 : i32
    %dma_wait3A_241 = tpu.memref_slice %arg14[%dma_wait3A_234, %dma_wait3A_239, %dma_wait3A_240] : memref<2048x32x48xf32, #tpu.memory_space<hbm>> -> memref<1x32x48xf32, #tpu.memory_space<hbm>>
    %dma_wait3A_242 = tpu.memref_squeeze %dma_wait3A_241 : memref<1x32x48xf32, #tpu.memory_space<hbm>> -> memref<32x48xf32, #tpu.memory_space<hbm>>
    tpu.wait_dma2 semaphore(%arg42 : memref<!tpu.dma_semaphore, #tpu.memory_space<semaphore_mem>>) src(%arg34 : memref<32x48xf32, #tpu.memory_space<vmem>>) dst(%dma_wait3A_242 : memref<32x48xf32, #tpu.memory_space<hbm>>)
    return
  }
}

module attributes {stable_mosaic.version = 14 : i64} {
  func.func @_fps_body(%arg0: memref<4x8192xf32, #tpu.memory_space<vmem>>, %arg1: memref<4x8192xf32, #tpu.memory_space<vmem>>, %arg2: memref<4x8192xf32, #tpu.memory_space<vmem>>, %arg3: memref<4x512xf32, #tpu.memory_space<vmem>>, %arg4: memref<4x512xf32, #tpu.memory_space<vmem>>, %arg5: memref<4x512xf32, #tpu.memory_space<vmem>>, %arg6: memref<4x8192xf32, #tpu.memory_space<vmem>>, %arg7: memref<4x8192xf32, #tpu.memory_space<vmem>>, %arg8: memref<4x8192xf32, #tpu.memory_space<vmem>>, %arg9: memref<4x8192xf32, #tpu.memory_space<vmem>>, %arg10: memref<4x512xf32, #tpu.memory_space<vmem>>, %arg11: memref<4x512xf32, #tpu.memory_space<vmem>>, %arg12: memref<4x512xf32, #tpu.memory_space<vmem>>, %arg13: memref<4x512xf32, #tpu.memory_space<vmem>>, %arg14: memref<4x8192xf32, #tpu.memory_space<vmem>>) attributes {dimension_semantics = [], scalar_prefetch = 0 : i64, scratch_operands = 1 : i64, tpu.core_type = #tpu.core_type<tc>} {
    %get3A = arith.constant 0 : index
    %get3A_0 = arith.constant 0 : index
    %get3A_1 = vector.load %arg0[%get3A, %get3A_0] : memref<4x8192xf32, #tpu.memory_space<vmem>>, vector<4x8192xf32>
    %get3A_2 = arith.constant 0 : index
    %get3A_3 = arith.constant 0 : index
    %get3A_4 = vector.load %arg1[%get3A_2, %get3A_3] : memref<4x8192xf32, #tpu.memory_space<vmem>>, vector<4x8192xf32>
    %get3A_5 = arith.constant 0 : index
    %get3A_6 = arith.constant 0 : index
    %get3A_7 = vector.load %arg2[%get3A_5, %get3A_6] : memref<4x8192xf32, #tpu.memory_space<vmem>>, vector<4x8192xf32>
    %iota3A = tpu.iota {dimensions = array<i32: 1>} : vector<4x8192xi32>
    %iota3A_8 = tpu.iota {dimensions = array<i32: 1>} : vector<4x512xi32>
    %broadcast_in_dim3A = arith.constant 1.000000e+10 : f32
    %broadcast_in_dim3A_9 = vector.broadcast %broadcast_in_dim3A : f32 to vector<4x8192xf32>
    %swap3A = arith.constant 0 : index
    %swap3A_10 = arith.constant 0 : index
    %swap3A_11 = vector.load %arg14[%swap3A, %swap3A_10] : memref<4x8192xf32, #tpu.memory_space<vmem>>, vector<4x8192xf32>
    tpu.vector_store %arg14[%swap3A, %swap3A_10], %broadcast_in_dim3A_9 {strides = array<i32>} : memref<4x8192xf32, #tpu.memory_space<vmem>>, vector<4x8192xf32>,
    %broadcast_in_dim3A_12 = arith.constant 0.000000e+00 : f32
    %broadcast_in_dim3A_13 = vector.broadcast %broadcast_in_dim3A_12 : f32 to vector<4x512xf32>
    %broadcast_in_dim3A_14 = arith.constant 0 : i32
    %broadcast_in_dim3A_15 = vector.broadcast %broadcast_in_dim3A_14 : i32 to vector<4xi32>
    %scan3A = arith.constant 0 : i32
    %scan3A_16 = arith.constant 512 : i32
    %scan3A_17 = arith.addi %scan3A, %scan3A_16 : i32
    %scan3A_18 = arith.constant 1 : i32
    %scan3A_19:4 = scf.for %scan3A_82 = %scan3A to %scan3A_17 step %scan3A_18 iter_args(%scan3A_83 = %broadcast_in_dim3A_15, %scan3A_84 = %broadcast_in_dim3A_13, %scan3A_85 = %broadcast_in_dim3A_13, %scan3A_86 = %broadcast_in_dim3A_13) -> (vector<4xi32>, vector<4x512xf32>, vector<4x512xf32>, vector<4x512xf32>)  : i32 {
      %broadcast_in_dim3A_87 = vector.shape_cast %scan3A_83 : vector<4xi32> to vector<4x1xi32>
      %eq3A = vector.broadcast %broadcast_in_dim3A_87 : vector<4x1xi32> to vector<4x8192xi32>
      %eq3A_88 = arith.cmpi eq, %iota3A, %eq3A : vector<4x8192xi32>
      %jit3A = arith.constant 0.000000e+00 : f32
      %broadcast_in_dim3A_89 = vector.broadcast %jit3A : f32 to vector<4x8192xf32>
      %select_n3A = arith.select %eq3A_88, %get3A_1, %broadcast_in_dim3A_89 : vector<4x8192xi1>, vector<4x8192xf32>
      %reduce_sum3A = arith.constant dense<0.000000e+00> : vector<4xf32>
      %reduce_sum3A_90 = vector.multi_reduction <add>, %select_n3A, %reduce_sum3A [1] : vector<4x8192xf32> to vector<4xf32>
      %jit3A_91 = arith.constant 0.000000e+00 : f32
      %broadcast_in_dim3A_92 = vector.broadcast %jit3A_91 : f32 to vector<4x8192xf32>
      %select_n3A_93 = arith.select %eq3A_88, %get3A_4, %broadcast_in_dim3A_92 : vector<4x8192xi1>, vector<4x8192xf32>
      %reduce_sum3A_94 = arith.constant dense<0.000000e+00> : vector<4xf32>
      %reduce_sum3A_95 = vector.multi_reduction <add>, %select_n3A_93, %reduce_sum3A_94 [1] : vector<4x8192xf32> to vector<4xf32>
      %jit3A_96 = arith.constant 0.000000e+00 : f32
      %broadcast_in_dim3A_97 = vector.broadcast %jit3A_96 : f32 to vector<4x8192xf32>
      %select_n3A_98 = arith.select %eq3A_88, %get3A_7, %broadcast_in_dim3A_97 : vector<4x8192xi1>, vector<4x8192xf32>
      %reduce_sum3A_99 = arith.constant dense<0.000000e+00> : vector<4xf32>
      %reduce_sum3A_100 = vector.multi_reduction <add>, %select_n3A_98, %reduce_sum3A_99 [1] : vector<4x8192xf32> to vector<4xf32>
      %eq3A_101 = vector.broadcast %scan3A_82 : i32 to vector<4x512xi32>
      %eq3A_102 = arith.cmpi eq, %iota3A_8, %eq3A_101 : vector<4x512xi32>
      %broadcast_in_dim3A_103 = vector.shape_cast %reduce_sum3A_90 : vector<4xf32> to vector<4x1xf32>
      %broadcast_in_dim3A_104 = vector.shape_cast %broadcast_in_dim3A_103 : vector<4x1xf32> to vector<4x1xf32>
      %broadcast_in_dim3A_105 = vector.broadcast %broadcast_in_dim3A_104 : vector<4x1xf32> to vector<4x512xf32>
      %select_n3A_106 = arith.select %eq3A_102, %broadcast_in_dim3A_105, %scan3A_84 : vector<4x512xi1>, vector<4x512xf32>
      %broadcast_in_dim3A_107 = vector.shape_cast %reduce_sum3A_95 : vector<4xf32> to vector<4x1xf32>
      %broadcast_in_dim3A_108 = vector.shape_cast %broadcast_in_dim3A_107 : vector<4x1xf32> to vector<4x1xf32>
      %broadcast_in_dim3A_109 = vector.broadcast %broadcast_in_dim3A_108 : vector<4x1xf32> to vector<4x512xf32>
      %select_n3A_110 = arith.select %eq3A_102, %broadcast_in_dim3A_109, %scan3A_85 : vector<4x512xi1>, vector<4x512xf32>
      %broadcast_in_dim3A_111 = vector.shape_cast %reduce_sum3A_100 : vector<4xf32> to vector<4x1xf32>
      %broadcast_in_dim3A_112 = vector.shape_cast %broadcast_in_dim3A_111 : vector<4x1xf32> to vector<4x1xf32>
      %broadcast_in_dim3A_113 = vector.broadcast %broadcast_in_dim3A_112 : vector<4x1xf32> to vector<4x512xf32>
      %select_n3A_114 = arith.select %eq3A_102, %broadcast_in_dim3A_113, %scan3A_86 : vector<4x512xi1>, vector<4x512xf32>
      %broadcast_in_dim3A_115 = vector.shape_cast %reduce_sum3A_90 : vector<4xf32> to vector<4x1xf32>
      %sub3A = vector.broadcast %broadcast_in_dim3A_115 : vector<4x1xf32> to vector<4x8192xf32>
      %sub3A_116 = arith.subf %get3A_1, %sub3A : vector<4x8192xf32>
      %broadcast_in_dim3A_117 = vector.shape_cast %reduce_sum3A_95 : vector<4xf32> to vector<4x1xf32>
      %sub3A_118 = vector.broadcast %broadcast_in_dim3A_117 : vector<4x1xf32> to vector<4x8192xf32>
      %sub3A_119 = arith.subf %get3A_4, %sub3A_118 : vector<4x8192xf32>
      %broadcast_in_dim3A_120 = vector.shape_cast %reduce_sum3A_100 : vector<4xf32> to vector<4x1xf32>
      %sub3A_121 = vector.broadcast %broadcast_in_dim3A_120 : vector<4x1xf32> to vector<4x8192xf32>
      %sub3A_122 = arith.subf %get3A_7, %sub3A_121 : vector<4x8192xf32>
      %mul3A_123 = arith.mulf %sub3A_116, %sub3A_116 : vector<4x8192xf32>
      %mul3A_124 = arith.mulf %sub3A_119, %sub3A_119 : vector<4x8192xf32>
      %add3A_125 = arith.addf %mul3A_123, %mul3A_124 : vector<4x8192xf32>
      %mul3A_126 = arith.mulf %sub3A_122, %sub3A_122 : vector<4x8192xf32>
      %add3A_127 = arith.addf %add3A_125, %mul3A_126 : vector<4x8192xf32>
      %get3A_128 = arith.constant 0 : index
      %get3A_129 = arith.constant 0 : index
      %get3A_130 = vector.load %arg14[%get3A_128, %get3A_129] : memref<4x8192xf32, #tpu.memory_space<vmem>>, vector<4x8192xf32>
      %min3A = arith.minimumf %get3A_130, %add3A_127 : vector<4x8192xf32>
      %swap3A_131 = arith.constant 0 : index
      %swap3A_132 = arith.constant 0 : index
      %swap3A_133 = vector.load %arg14[%swap3A_131, %swap3A_132] : memref<4x8192xf32, #tpu.memory_space<vmem>>, vector<4x8192xf32>
      tpu.vector_store %arg14[%swap3A_131, %swap3A_132], %min3A {strides = array<i32>} : memref<4x8192xf32, #tpu.memory_space<vmem>>, vector<4x8192xf32>,
      %reduce_max3A = arith.constant dense<0xFF800000> : vector<4xf32>
      %reduce_max3A_134 = vector.multi_reduction <maximumf>, %min3A, %reduce_max3A [1] : vector<4x8192xf32> to vector<4xf32>
      %broadcast_in_dim3A_135 = vector.shape_cast %reduce_max3A_134 : vector<4xf32> to vector<4x1xf32>
      %eq3A_136 = vector.broadcast %broadcast_in_dim3A_135 : vector<4x1xf32> to vector<4x8192xf32>
      %eq3A_137 = arith.cmpf oeq, %min3A, %eq3A_136 : vector<4x8192xf32>
      %jit3A_138 = arith.constant 8192 : i32
      %broadcast_in_dim3A_139 = vector.broadcast %jit3A_138 : i32 to vector<4x8192xi32>
      %select_n3A_140 = arith.select %eq3A_137, %iota3A, %broadcast_in_dim3A_139 : vector<4x8192xi1>, vector<4x8192xi32>
      %reduce_min3A = arith.constant dense<2147483647> : vector<4xi32>
      %reduce_min3A_141 = vector.multi_reduction <minsi>, %select_n3A_140, %reduce_min3A [1] : vector<4x8192xi32> to vector<4xi32>
      scf.yield %reduce_min3A_141, %select_n3A_106, %select_n3A_110, %select_n3A_114 : vector<4xi32>, vector<4x512xf32>, vector<4x512xf32>, vector<4x512xf32>
    }
    %scan3A_20 = arith.constant 512 : i32
    %swap3A_21 = arith.constant 0 : index
    %swap3A_22 = arith.constant 0 : index
    %swap3A_23 = vector.load %arg3[%swap3A_21, %swap3A_22] : memref<4x512xf32, #tpu.memory_space<vmem>>, vector<4x512xf32>
    tpu.vector_store %arg3[%swap3A_21, %swap3A_22], %scan3A_19#1 {strides = array<i32>} : memref<4x512xf32, #tpu.memory_space<vmem>>, vector<4x512xf32>,
    %swap3A_24 = arith.constant 0 : index
    %swap3A_25 = arith.constant 0 : index
    %swap3A_26 = vector.load %arg4[%swap3A_24, %swap3A_25] : memref<4x512xf32, #tpu.memory_space<vmem>>, vector<4x512xf32>
    tpu.vector_store %arg4[%swap3A_24, %swap3A_25], %scan3A_19#2 {strides = array<i32>} : memref<4x512xf32, #tpu.memory_space<vmem>>, vector<4x512xf32>,
    %swap3A_27 = arith.constant 0 : index
    %swap3A_28 = arith.constant 0 : index
    %swap3A_29 = vector.load %arg5[%swap3A_27, %swap3A_28] : memref<4x512xf32, #tpu.memory_space<vmem>>, vector<4x512xf32>
    tpu.vector_store %arg5[%swap3A_27, %swap3A_28], %scan3A_19#3 {strides = array<i32>} : memref<4x512xf32, #tpu.memory_space<vmem>>, vector<4x512xf32>,
    %convert_element_type3A = arith.truncf %get3A_1 : vector<4x8192xf32> to vector<4x8192xbf16>
    %convert_element_type3A_30 = arith.extf %convert_element_type3A : vector<4x8192xbf16> to vector<4x8192xf32>
    %swap3A_31 = arith.constant 0 : index
    %swap3A_32 = arith.constant 0 : index
    %swap3A_33 = vector.load %arg6[%swap3A_31, %swap3A_32] : memref<4x8192xf32, #tpu.memory_space<vmem>>, vector<4x8192xf32>
    tpu.vector_store %arg6[%swap3A_31, %swap3A_32], %convert_element_type3A_30 {strides = array<i32>} : memref<4x8192xf32, #tpu.memory_space<vmem>>, vector<4x8192xf32>,
    %convert_element_type3A_34 = arith.truncf %get3A_4 : vector<4x8192xf32> to vector<4x8192xbf16>
    %convert_element_type3A_35 = arith.extf %convert_element_type3A_34 : vector<4x8192xbf16> to vector<4x8192xf32>
    %swap3A_36 = arith.constant 0 : index
    %swap3A_37 = arith.constant 0 : index
    %swap3A_38 = vector.load %arg7[%swap3A_36, %swap3A_37] : memref<4x8192xf32, #tpu.memory_space<vmem>>, vector<4x8192xf32>
    tpu.vector_store %arg7[%swap3A_36, %swap3A_37], %convert_element_type3A_35 {strides = array<i32>} : memref<4x8192xf32, #tpu.memory_space<vmem>>, vector<4x8192xf32>,
    %convert_element_type3A_39 = arith.truncf %get3A_7 : vector<4x8192xf32> to vector<4x8192xbf16>
    %convert_element_type3A_40 = arith.extf %convert_element_type3A_39 : vector<4x8192xbf16> to vector<4x8192xf32>
    %swap3A_41 = arith.constant 0 : index
    %swap3A_42 = arith.constant 0 : index
    %swap3A_43 = vector.load %arg8[%swap3A_41, %swap3A_42] : memref<4x8192xf32, #tpu.memory_space<vmem>>, vector<4x8192xf32>
    tpu.vector_store %arg8[%swap3A_41, %swap3A_42], %convert_element_type3A_40 {strides = array<i32>} : memref<4x8192xf32, #tpu.memory_space<vmem>>, vector<4x8192xf32>,
    %mul3A = arith.mulf %get3A_1, %get3A_1 : vector<4x8192xf32>
    %mul3A_44 = arith.mulf %get3A_4, %get3A_4 : vector<4x8192xf32>
    %add3A = arith.addf %mul3A, %mul3A_44 : vector<4x8192xf32>
    %mul3A_45 = arith.mulf %get3A_7, %get3A_7 : vector<4x8192xf32>
    %add3A_46 = arith.addf %add3A, %mul3A_45 : vector<4x8192xf32>
    %swap3A_47 = arith.constant 0 : index
    %swap3A_48 = arith.constant 0 : index
    %swap3A_49 = vector.load %arg9[%swap3A_47, %swap3A_48] : memref<4x8192xf32, #tpu.memory_space<vmem>>, vector<4x8192xf32>
    tpu.vector_store %arg9[%swap3A_47, %swap3A_48], %add3A_46 {strides = array<i32>} : memref<4x8192xf32, #tpu.memory_space<vmem>>, vector<4x8192xf32>,
    %get3A_50 = arith.constant 0 : index
    %get3A_51 = arith.constant 0 : index
    %get3A_52 = vector.load %arg3[%get3A_50, %get3A_51] : memref<4x512xf32, #tpu.memory_space<vmem>>, vector<4x512xf32>
    %get3A_53 = arith.constant 0 : index
    %get3A_54 = arith.constant 0 : index
    %get3A_55 = vector.load %arg4[%get3A_53, %get3A_54] : memref<4x512xf32, #tpu.memory_space<vmem>>, vector<4x512xf32>
    %get3A_56 = arith.constant 0 : index
    %get3A_57 = arith.constant 0 : index
    %get3A_58 = vector.load %arg5[%get3A_56, %get3A_57] : memref<4x512xf32, #tpu.memory_space<vmem>>, vector<4x512xf32>
    %convert_element_type3A_59 = arith.truncf %get3A_52 : vector<4x512xf32> to vector<4x512xbf16>
    %convert_element_type3A_60 = arith.extf %convert_element_type3A_59 : vector<4x512xbf16> to vector<4x512xf32>
    %swap3A_61 = arith.constant 0 : index
    %swap3A_62 = arith.constant 0 : index
    %swap3A_63 = vector.load %arg10[%swap3A_61, %swap3A_62] : memref<4x512xf32, #tpu.memory_space<vmem>>, vector<4x512xf32>
    tpu.vector_store %arg10[%swap3A_61, %swap3A_62], %convert_element_type3A_60 {strides = array<i32>} : memref<4x512xf32, #tpu.memory_space<vmem>>, vector<4x512xf32>,
    %convert_element_type3A_64 = arith.truncf %get3A_55 : vector<4x512xf32> to vector<4x512xbf16>
    %convert_element_type3A_65 = arith.extf %convert_element_type3A_64 : vector<4x512xbf16> to vector<4x512xf32>
    %swap3A_66 = arith.constant 0 : index
    %swap3A_67 = arith.constant 0 : index
    %swap3A_68 = vector.load %arg11[%swap3A_66, %swap3A_67] : memref<4x512xf32, #tpu.memory_space<vmem>>, vector<4x512xf32>
    tpu.vector_store %arg11[%swap3A_66, %swap3A_67], %convert_element_type3A_65 {strides = array<i32>} : memref<4x512xf32, #tpu.memory_space<vmem>>, vector<4x512xf32>,
    %convert_element_type3A_69 = arith.truncf %get3A_58 : vector<4x512xf32> to vector<4x512xbf16>
    %convert_element_type3A_70 = arith.extf %convert_element_type3A_69 : vector<4x512xbf16> to vector<4x512xf32>
    %swap3A_71 = arith.constant 0 : index
    %swap3A_72 = arith.constant 0 : index
    %swap3A_73 = vector.load %arg12[%swap3A_71, %swap3A_72] : memref<4x512xf32, #tpu.memory_space<vmem>>, vector<4x512xf32>
    tpu.vector_store %arg12[%swap3A_71, %swap3A_72], %convert_element_type3A_70 {strides = array<i32>} : memref<4x512xf32, #tpu.memory_space<vmem>>, vector<4x512xf32>,
    %mul3A_74 = arith.mulf %get3A_52, %get3A_52 : vector<4x512xf32>
    %mul3A_75 = arith.mulf %get3A_55, %get3A_55 : vector<4x512xf32>
    %add3A_76 = arith.addf %mul3A_74, %mul3A_75 : vector<4x512xf32>
    %mul3A_77 = arith.mulf %get3A_58, %get3A_58 : vector<4x512xf32>
    %add3A_78 = arith.addf %add3A_76, %mul3A_77 : vector<4x512xf32>
    %swap3A_79 = arith.constant 0 : index
    %swap3A_80 = arith.constant 0 : index
    %swap3A_81 = vector.load %arg13[%swap3A_79, %swap3A_80] : memref<4x512xf32, #tpu.memory_space<vmem>>, vector<4x512xf32>
    tpu.vector_store %arg13[%swap3A_79, %swap3A_80], %add3A_78 {strides = array<i32>} : memref<4x512xf32, #tpu.memory_space<vmem>>, vector<4x512xf32>,
    return
  }
}

module attributes {stable_mosaic.version = 14 : i64} {
  func.func @_layer_body(%arg0: i32, %arg1: memref<8192x48xf32, #tpu.memory_space<vmem>>, %arg2: memref<2x48xf32, #tpu.memory_space<vmem>>, %arg3: memref<48xf32, #tpu.memory_space<vmem>>, %arg4: memref<48xf32, #tpu.memory_space<vmem>>, %arg5: memref<48x32xf32, #tpu.memory_space<vmem>>, %arg6: memref<32xf32, #tpu.memory_space<vmem>>, %arg7: memref<8192x32xf32, #tpu.memory_space<vmem>>, %arg8: memref<2x32xf32, #tpu.memory_space<vmem>>) attributes {dimension_semantics = [#tpu.dimension_semantics<arbitrary>], iteration_bounds = array<i64: 8>, scalar_prefetch = 0 : i64, scratch_operands = 0 : i64, tpu.core_type = #tpu.core_type<tc>, window_params = [{transform_indices = @transform_0, window_bounds = array<i64: 8192, 48>}, {pipeline_mode = #tpu.pipeline_mode<synchronous>, transform_indices = @transform_1, window_bounds = array<i64: 2, 48>}, {pipeline_mode = #tpu.pipeline_mode<synchronous>, transform_indices = @transform_2, window_bounds = array<i64: 48>}, {pipeline_mode = #tpu.pipeline_mode<synchronous>, transform_indices = @transform_3, window_bounds = array<i64: 48>}, {pipeline_mode = #tpu.pipeline_mode<synchronous>, transform_indices = @transform_4, window_bounds = array<i64: 48, 32>}, {pipeline_mode = #tpu.pipeline_mode<synchronous>, transform_indices = @transform_5, window_bounds = array<i64: 32>}, {transform_indices = @transform_6, window_bounds = array<i64: 8192, 32>}, {pipeline_mode = #tpu.pipeline_mode<synchronous>, transform_indices = @transform_7, window_bounds = array<i64: 2, 32>}]} {
    %get3A = arith.constant 0 : index
    %get3A_0 = arith.constant 0 : index
    %get3A_1 = vector.load %arg1[%get3A, %get3A_0] : memref<8192x48xf32, #tpu.memory_space<vmem>>, vector<8192x48xf32>
    %convert_element_type3A = arith.truncf %get3A_1 : vector<8192x48xf32> to vector<8192x48xbf16>
    %get3A_2 = arith.constant 0 : index
    %get3A_3 = arith.constant 0 : index
    %get3A_4 = vector.load %arg5[%get3A_2, %get3A_3] : memref<48x32xf32, #tpu.memory_space<vmem>>, vector<48x32xf32>
    %convert_element_type3A_5 = arith.truncf %get3A_4 : vector<48x32xf32> to vector<48x32xbf16>
    %dot_general3A = arith.constant dense<0.000000e+00> : vector<8192x32xf32>
    %dot_general3A_6 = tpu.matmul %convert_element_type3A, %convert_element_type3A_5, %dot_general3A {dimension_numbers = #tpu.dot_dimension_numbers<[1], [0], [0], [1], [0, 0, 1, 1], [], []>, transpose_lhs_hint = false} : vector<8192x48xbf16>, vector<48x32xbf16>, vector<8192x32xf32> -> vector<8192x32xf32>
    %get3A_7 = arith.constant 0 : index
    %get3A_8 = vector.load %arg6[%get3A_7] : memref<32xf32, #tpu.memory_space<vmem>>, vector<32xf32>
    %broadcast_in_dim3A = vector.shape_cast %get3A_8 : vector<32xf32> to vector<1x32xf32>
    %add3A = vector.broadcast %broadcast_in_dim3A : vector<1x32xf32> to vector<8192x32xf32>
    %add3A_9 = arith.addf %dot_general3A_6, %add3A : vector<8192x32xf32>
    %swap3A = arith.constant 0 : index
    %swap3A_10 = arith.constant 0 : index
    %swap3A_11 = vector.load %arg7[%swap3A, %swap3A_10] : memref<8192x32xf32, #tpu.memory_space<vmem>>, vector<8192x32xf32>
    tpu.vector_store %arg7[%swap3A, %swap3A_10], %add3A_9 {strides = array<i32>} : memref<8192x32xf32, #tpu.memory_space<vmem>>, vector<8192x32xf32>,
    %reduce_sum3A = arith.constant dense<0.000000e+00> : vector<32xf32>
    %reduce_sum3A_12 = vector.multi_reduction <add>, %add3A_9, %reduce_sum3A [0] : vector<8192x32xf32> to vector<32xf32>
    %broadcast_in_dim3A_13 = vector.shape_cast %reduce_sum3A_12 : vector<32xf32> to vector<1x32xf32>
    %mul3A = arith.mulf %add3A_9, %add3A_9 : vector<8192x32xf32>
    %reduce_sum3A_14 = arith.constant dense<0.000000e+00> : vector<32xf32>
    %reduce_sum3A_15 = vector.multi_reduction <add>, %mul3A, %reduce_sum3A_14 [0] : vector<8192x32xf32> to vector<32xf32>
    %broadcast_in_dim3A_16 = vector.shape_cast %reduce_sum3A_15 : vector<32xf32> to vector<1x32xf32>
    %concatenate3A = tpu.concatenate %broadcast_in_dim3A_13, %broadcast_in_dim3A_16 in 0 : vector<1x32xf32>, vector<1x32xf32> -> vector<2x32xf32>
    %eq3A = arith.constant 0 : i32
    %eq3A_17 = arith.cmpi eq, %arg0, %eq3A : i32
    %convert_element_type3A_18 = arith.extui %eq3A_17 : i1 to i32
    %cond3A = arith.constant 0 : i32
    %cond3A_19 = arith.cmpi ne, %convert_element_type3A_18, %cond3A : i32
    scf.if %cond3A_19 {
      %broadcast_in_dim3A_27 = arith.constant 0.000000e+00 : f32
      %broadcast_in_dim3A_28 = vector.broadcast %broadcast_in_dim3A_27 : f32 to vector<2x32xf32>
      %swap3A_29 = arith.constant 0 : index
      %swap3A_30 = arith.constant 0 : index
      %swap3A_31 = vector.load %arg8[%swap3A_29, %swap3A_30] : memref<2x32xf32, #tpu.memory_space<vmem>>, vector<2x32xf32>
      tpu.vector_store %arg8[%swap3A_29, %swap3A_30], %broadcast_in_dim3A_28 {strides = array<i32>} : memref<2x32xf32, #tpu.memory_space<vmem>>, vector<2x32xf32>,
    } else {
    }
    %get3A_20 = arith.constant 0 : index
    %get3A_21 = arith.constant 0 : index
    %get3A_22 = vector.load %arg8[%get3A_20, %get3A_21] : memref<2x32xf32, #tpu.memory_space<vmem>>, vector<2x32xf32>
    %add3A_23 = arith.addf %get3A_22, %concatenate3A : vector<2x32xf32>
    %swap3A_24 = arith.constant 0 : index
    %swap3A_25 = arith.constant 0 : index
    %swap3A_26 = vector.load %arg8[%swap3A_24, %swap3A_25] : memref<2x32xf32, #tpu.memory_space<vmem>>, vector<2x32xf32>
    tpu.vector_store %arg8[%swap3A_24, %swap3A_25], %add3A_23 {strides = array<i32>} : memref<2x32xf32, #tpu.memory_space<vmem>>, vector<2x32xf32>,
    return
  }
  func.func @transform_0(%arg0: i32) -> (i32, i32) {
    %c0_i32 = arith.constant 0 : i32
    %c0_i32_0 = arith.constant 0 : i32
    return %arg0, %c0_i32 : i32, i32
  }
  func.func @transform_1(%arg0: i32) -> (i32, i32) {
    %c0_i32 = arith.constant 0 : i32
    %c0_i32_0 = arith.constant 0 : i32
    %c0_i32_1 = arith.constant 0 : i32
    return %c0_i32, %c0_i32_0 : i32, i32
  }
  func.func @transform_2(%arg0: i32) -> i32 {
    %c0_i32 = arith.constant 0 : i32
    %c0_i32_0 = arith.constant 0 : i32
    return %c0_i32 : i32
  }
  func.func @transform_3(%arg0: i32) -> i32 {
    %c0_i32 = arith.constant 0 : i32
    %c0_i32_0 = arith.constant 0 : i32
    return %c0_i32 : i32
  }
  func.func @transform_4(%arg0: i32) -> (i32, i32) {
    %c0_i32 = arith.constant 0 : i32
    %c0_i32_0 = arith.constant 0 : i32
    %c0_i32_1 = arith.constant 0 : i32
    return %c0_i32, %c0_i32_0 : i32, i32
  }
  func.func @transform_5(%arg0: i32) -> i32 {
    %c0_i32 = arith.constant 0 : i32
    %c0_i32_0 = arith.constant 0 : i32
    return %c0_i32 : i32
  }
  func.func @transform_6(%arg0: i32) -> (i32, i32) {
    %c0_i32 = arith.constant 0 : i32
    %c0_i32_0 = arith.constant 0 : i32
    return %arg0, %c0_i32 : i32, i32
  }
  func.func @transform_7(%arg0: i32) -> (i32, i32) {
    %c0_i32 = arith.constant 0 : i32
    %c0_i32_0 = arith.constant 0 : i32
    %c0_i32_1 = arith.constant 0 : i32
    return %c0_i32, %c0_i32_0 : i32, i32
  }
}

module attributes {stable_mosaic.version = 14 : i64} {
  func.func @_layer_body(%arg0: i32, %arg1: memref<8192x32xf32, #tpu.memory_space<vmem>>, %arg2: memref<2x32xf32, #tpu.memory_space<vmem>>, %arg3: memref<32xf32, #tpu.memory_space<vmem>>, %arg4: memref<32xf32, #tpu.memory_space<vmem>>, %arg5: memref<32x32xf32, #tpu.memory_space<vmem>>, %arg6: memref<32xf32, #tpu.memory_space<vmem>>, %arg7: memref<8192x32xf32, #tpu.memory_space<vmem>>, %arg8: memref<2x32xf32, #tpu.memory_space<vmem>>) attributes {dimension_semantics = [#tpu.dimension_semantics<arbitrary>], iteration_bounds = array<i64: 8>, scalar_prefetch = 0 : i64, scratch_operands = 0 : i64, tpu.core_type = #tpu.core_type<tc>, window_params = [{transform_indices = @transform_0, window_bounds = array<i64: 8192, 32>}, {pipeline_mode = #tpu.pipeline_mode<synchronous>, transform_indices = @transform_1, window_bounds = array<i64: 2, 32>}, {pipeline_mode = #tpu.pipeline_mode<synchronous>, transform_indices = @transform_2, window_bounds = array<i64: 32>}, {pipeline_mode = #tpu.pipeline_mode<synchronous>, transform_indices = @transform_3, window_bounds = array<i64: 32>}, {pipeline_mode = #tpu.pipeline_mode<synchronous>, transform_indices = @transform_4, window_bounds = array<i64: 32, 32>}, {pipeline_mode = #tpu.pipeline_mode<synchronous>, transform_indices = @transform_5, window_bounds = array<i64: 32>}, {transform_indices = @transform_6, window_bounds = array<i64: 8192, 32>}, {pipeline_mode = #tpu.pipeline_mode<synchronous>, transform_indices = @transform_7, window_bounds = array<i64: 2, 32>}]} {
    %get3A = arith.constant 0 : index
    %get3A_0 = arith.constant 0 : index
    %get3A_1 = vector.load %arg1[%get3A, %get3A_0] : memref<8192x32xf32, #tpu.memory_space<vmem>>, vector<8192x32xf32>
    %get3A_2 = arith.constant 0 : index
    %get3A_3 = arith.constant 0 : index
    %get3A_4 = vector.load %arg2[%get3A_2, %get3A_3] : memref<2x32xf32, #tpu.memory_space<vmem>>, vector<2x32xf32>
    %get3A_5 = arith.constant 0 : index
    %get3A_6 = vector.load %arg3[%get3A_5] : memref<32xf32, #tpu.memory_space<vmem>>, vector<32xf32>
    %get3A_7 = arith.constant 0 : index
    %get3A_8 = vector.load %arg4[%get3A_7] : memref<32xf32, #tpu.memory_space<vmem>>, vector<32xf32>
    %slice3A = vector.extract_strided_slice %get3A_4 {offsets = [0, 0], sizes = [1, 32], strides = [1, 1]} : vector<2x32xf32> to vector<1x32xf32>
    %div3A = arith.constant 6.553600e+04 : f32
    %div3A_9 = vector.broadcast %div3A : f32 to vector<1x32xf32>
    %div3A_10 = arith.divf %slice3A, %div3A_9 : vector<1x32xf32>
    %slice3A_11 = vector.extract_strided_slice %get3A_4 {offsets = [1, 0], sizes = [1, 32], strides = [1, 1]} : vector<2x32xf32> to vector<1x32xf32>
    %div3A_12 = arith.constant 6.553600e+04 : f32
    %div3A_13 = vector.broadcast %div3A_12 : f32 to vector<1x32xf32>
    %div3A_14 = arith.divf %slice3A_11, %div3A_13 : vector<1x32xf32>
    %slice3A_15 = vector.extract_strided_slice %get3A_4 {offsets = [0, 0], sizes = [1, 32], strides = [1, 1]} : vector<2x32xf32> to vector<1x32xf32>
    %div3A_16 = arith.constant 6.553600e+04 : f32
    %div3A_17 = vector.broadcast %div3A_16 : f32 to vector<1x32xf32>
    %div3A_18 = arith.divf %slice3A_15, %div3A_17 : vector<1x32xf32>
    %integer_pow3A = arith.mulf %div3A_18, %div3A_18 : vector<1x32xf32>
    %sub3A = arith.subf %div3A_14, %integer_pow3A : vector<1x32xf32>
    %broadcast_in_dim3A = vector.shape_cast %get3A_6 : vector<32xf32> to vector<1x32xf32>
    %add3A = arith.constant 9.99999974E-6 : f32
    %add3A_19 = vector.broadcast %add3A : f32 to vector<1x32xf32>
    %add3A_20 = arith.addf %sub3A, %add3A_19 : vector<1x32xf32>
    %sqrt3A = math.sqrt %add3A_20 : vector<1x32xf32>
    %div3A_21 = arith.divf %broadcast_in_dim3A, %sqrt3A : vector<1x32xf32>
    %broadcast_in_dim3A_22 = vector.shape_cast %get3A_8 : vector<32xf32> to vector<1x32xf32>
    %mul3A = arith.mulf %div3A_10, %div3A_21 : vector<1x32xf32>
    %sub3A_23 = arith.subf %broadcast_in_dim3A_22, %mul3A : vector<1x32xf32>
    %mul3A_24 = vector.broadcast %div3A_21 : vector<1x32xf32> to vector<8192x32xf32>
    %mul3A_25 = arith.mulf %get3A_1, %mul3A_24 : vector<8192x32xf32>
    %add3A_26 = vector.broadcast %sub3A_23 : vector<1x32xf32> to vector<8192x32xf32>
    %add3A_27 = arith.addf %mul3A_25, %add3A_26 : vector<8192x32xf32>
    %max3A = arith.constant 0.000000e+00 : f32
    %max3A_28 = vector.broadcast %max3A : f32 to vector<8192x32xf32>
    %max3A_29 = arith.maximumf %add3A_27, %max3A_28 : vector<8192x32xf32>
    %convert_element_type3A = arith.truncf %max3A_29 : vector<8192x32xf32> to vector<8192x32xbf16>
    %get3A_30 = arith.constant 0 : index
    %get3A_31 = arith.constant 0 : index
    %get3A_32 = vector.load %arg5[%get3A_30, %get3A_31] : memref<32x32xf32, #tpu.memory_space<vmem>>, vector<32x32xf32>
    %convert_element_type3A_33 = arith.truncf %get3A_32 : vector<32x32xf32> to vector<32x32xbf16>
    %dot_general3A = arith.constant dense<0.000000e+00> : vector<8192x32xf32>
    %dot_general3A_34 = tpu.matmul %convert_element_type3A, %convert_element_type3A_33, %dot_general3A {dimension_numbers = #tpu.dot_dimension_numbers<[1], [0], [0], [1], [0, 0, 1, 1], [], []>, transpose_lhs_hint = false} : vector<8192x32xbf16>, vector<32x32xbf16>, vector<8192x32xf32> -> vector<8192x32xf32>
    %get3A_35 = arith.constant 0 : index
    %get3A_36 = vector.load %arg6[%get3A_35] : memref<32xf32, #tpu.memory_space<vmem>>, vector<32xf32>
    %broadcast_in_dim3A_37 = vector.shape_cast %get3A_36 : vector<32xf32> to vector<1x32xf32>
    %add3A_38 = vector.broadcast %broadcast_in_dim3A_37 : vector<1x32xf32> to vector<8192x32xf32>
    %add3A_39 = arith.addf %dot_general3A_34, %add3A_38 : vector<8192x32xf32>
    %swap3A = arith.constant 0 : index
    %swap3A_40 = arith.constant 0 : index
    %swap3A_41 = vector.load %arg7[%swap3A, %swap3A_40] : memref<8192x32xf32, #tpu.memory_space<vmem>>, vector<8192x32xf32>
    tpu.vector_store %arg7[%swap3A, %swap3A_40], %add3A_39 {strides = array<i32>} : memref<8192x32xf32, #tpu.memory_space<vmem>>, vector<8192x32xf32>,
    %reduce_sum3A = arith.constant dense<0.000000e+00> : vector<32xf32>
    %reduce_sum3A_42 = vector.multi_reduction <add>, %add3A_39, %reduce_sum3A [0] : vector<8192x32xf32> to vector<32xf32>
    %broadcast_in_dim3A_43 = vector.shape_cast %reduce_sum3A_42 : vector<32xf32> to vector<1x32xf32>
    %mul3A_44 = arith.mulf %add3A_39, %add3A_39 : vector<8192x32xf32>
    %reduce_sum3A_45 = arith.constant dense<0.000000e+00> : vector<32xf32>
    %reduce_sum3A_46 = vector.multi_reduction <add>, %mul3A_44, %reduce_sum3A_45 [0] : vector<8192x32xf32> to vector<32xf32>
    %broadcast_in_dim3A_47 = vector.shape_cast %reduce_sum3A_46 : vector<32xf32> to vector<1x32xf32>
    %concatenate3A = tpu.concatenate %broadcast_in_dim3A_43, %broadcast_in_dim3A_47 in 0 : vector<1x32xf32>, vector<1x32xf32> -> vector<2x32xf32>
    %eq3A = arith.constant 0 : i32
    %eq3A_48 = arith.cmpi eq, %arg0, %eq3A : i32
    %convert_element_type3A_49 = arith.extui %eq3A_48 : i1 to i32
    %cond3A = arith.constant 0 : i32
    %cond3A_50 = arith.cmpi ne, %convert_element_type3A_49, %cond3A : i32
    scf.if %cond3A_50 {
      %broadcast_in_dim3A_58 = arith.constant 0.000000e+00 : f32
      %broadcast_in_dim3A_59 = vector.broadcast %broadcast_in_dim3A_58 : f32 to vector<2x32xf32>
      %swap3A_60 = arith.constant 0 : index
      %swap3A_61 = arith.constant 0 : index
      %swap3A_62 = vector.load %arg8[%swap3A_60, %swap3A_61] : memref<2x32xf32, #tpu.memory_space<vmem>>, vector<2x32xf32>
      tpu.vector_store %arg8[%swap3A_60, %swap3A_61], %broadcast_in_dim3A_59 {strides = array<i32>} : memref<2x32xf32, #tpu.memory_space<vmem>>, vector<2x32xf32>,
    } else {
    }
    %get3A_51 = arith.constant 0 : index
    %get3A_52 = arith.constant 0 : index
    %get3A_53 = vector.load %arg8[%get3A_51, %get3A_52] : memref<2x32xf32, #tpu.memory_space<vmem>>, vector<2x32xf32>
    %add3A_54 = arith.addf %get3A_53, %concatenate3A : vector<2x32xf32>
    %swap3A_55 = arith.constant 0 : index
    %swap3A_56 = arith.constant 0 : index
    %swap3A_57 = vector.load %arg8[%swap3A_55, %swap3A_56] : memref<2x32xf32, #tpu.memory_space<vmem>>, vector<2x32xf32>
    tpu.vector_store %arg8[%swap3A_55, %swap3A_56], %add3A_54 {strides = array<i32>} : memref<2x32xf32, #tpu.memory_space<vmem>>, vector<2x32xf32>,
    return
  }
  func.func @transform_0(%arg0: i32) -> (i32, i32) {
    %c0_i32 = arith.constant 0 : i32
    %c0_i32_0 = arith.constant 0 : i32
    return %arg0, %c0_i32 : i32, i32
  }
  func.func @transform_1(%arg0: i32) -> (i32, i32) {
    %c0_i32 = arith.constant 0 : i32
    %c0_i32_0 = arith.constant 0 : i32
    %c0_i32_1 = arith.constant 0 : i32
    return %c0_i32, %c0_i32_0 : i32, i32
  }
  func.func @transform_2(%arg0: i32) -> i32 {
    %c0_i32 = arith.constant 0 : i32
    %c0_i32_0 = arith.constant 0 : i32
    return %c0_i32 : i32
  }
  func.func @transform_3(%arg0: i32) -> i32 {
    %c0_i32 = arith.constant 0 : i32
    %c0_i32_0 = arith.constant 0 : i32
    return %c0_i32 : i32
  }
  func.func @transform_4(%arg0: i32) -> (i32, i32) {
    %c0_i32 = arith.constant 0 : i32
    %c0_i32_0 = arith.constant 0 : i32
    %c0_i32_1 = arith.constant 0 : i32
    return %c0_i32, %c0_i32_0 : i32, i32
  }
  func.func @transform_5(%arg0: i32) -> i32 {
    %c0_i32 = arith.constant 0 : i32
    %c0_i32_0 = arith.constant 0 : i32
    return %c0_i32 : i32
  }
  func.func @transform_6(%arg0: i32) -> (i32, i32) {
    %c0_i32 = arith.constant 0 : i32
    %c0_i32_0 = arith.constant 0 : i32
    return %arg0, %c0_i32 : i32, i32
  }
  func.func @transform_7(%arg0: i32) -> (i32, i32) {
    %c0_i32 = arith.constant 0 : i32
    %c0_i32_0 = arith.constant 0 : i32
    %c0_i32_1 = arith.constant 0 : i32
    return %c0_i32, %c0_i32_0 : i32, i32
  }
}

module attributes {stable_mosaic.version = 14 : i64} {
  func.func @_layer_body(%arg0: i32, %arg1: memref<8192x32xf32, #tpu.memory_space<vmem>>, %arg2: memref<2x32xf32, #tpu.memory_space<vmem>>, %arg3: memref<32xf32, #tpu.memory_space<vmem>>, %arg4: memref<32xf32, #tpu.memory_space<vmem>>, %arg5: memref<32x64xf32, #tpu.memory_space<vmem>>, %arg6: memref<64xf32, #tpu.memory_space<vmem>>, %arg7: memref<8192x64xf32, #tpu.memory_space<vmem>>, %arg8: memref<2x64xf32, #tpu.memory_space<vmem>>) attributes {dimension_semantics = [#tpu.dimension_semantics<arbitrary>], iteration_bounds = array<i64: 8>, scalar_prefetch = 0 : i64, scratch_operands = 0 : i64, tpu.core_type = #tpu.core_type<tc>, window_params = [{transform_indices = @transform_0, window_bounds = array<i64: 8192, 32>}, {pipeline_mode = #tpu.pipeline_mode<synchronous>, transform_indices = @transform_1, window_bounds = array<i64: 2, 32>}, {pipeline_mode = #tpu.pipeline_mode<synchronous>, transform_indices = @transform_2, window_bounds = array<i64: 32>}, {pipeline_mode = #tpu.pipeline_mode<synchronous>, transform_indices = @transform_3, window_bounds = array<i64: 32>}, {pipeline_mode = #tpu.pipeline_mode<synchronous>, transform_indices = @transform_4, window_bounds = array<i64: 32, 64>}, {pipeline_mode = #tpu.pipeline_mode<synchronous>, transform_indices = @transform_5, window_bounds = array<i64: 64>}, {transform_indices = @transform_6, window_bounds = array<i64: 8192, 64>}, {pipeline_mode = #tpu.pipeline_mode<synchronous>, transform_indices = @transform_7, window_bounds = array<i64: 2, 64>}]} {
    %get3A = arith.constant 0 : index
    %get3A_0 = arith.constant 0 : index
    %get3A_1 = vector.load %arg1[%get3A, %get3A_0] : memref<8192x32xf32, #tpu.memory_space<vmem>>, vector<8192x32xf32>
    %get3A_2 = arith.constant 0 : index
    %get3A_3 = arith.constant 0 : index
    %get3A_4 = vector.load %arg2[%get3A_2, %get3A_3] : memref<2x32xf32, #tpu.memory_space<vmem>>, vector<2x32xf32>
    %get3A_5 = arith.constant 0 : index
    %get3A_6 = vector.load %arg3[%get3A_5] : memref<32xf32, #tpu.memory_space<vmem>>, vector<32xf32>
    %get3A_7 = arith.constant 0 : index
    %get3A_8 = vector.load %arg4[%get3A_7] : memref<32xf32, #tpu.memory_space<vmem>>, vector<32xf32>
    %slice3A = vector.extract_strided_slice %get3A_4 {offsets = [0, 0], sizes = [1, 32], strides = [1, 1]} : vector<2x32xf32> to vector<1x32xf32>
    %div3A = arith.constant 6.553600e+04 : f32
    %div3A_9 = vector.broadcast %div3A : f32 to vector<1x32xf32>
    %div3A_10 = arith.divf %slice3A, %div3A_9 : vector<1x32xf32>
    %slice3A_11 = vector.extract_strided_slice %get3A_4 {offsets = [1, 0], sizes = [1, 32], strides = [1, 1]} : vector<2x32xf32> to vector<1x32xf32>
    %div3A_12 = arith.constant 6.553600e+04 : f32
    %div3A_13 = vector.broadcast %div3A_12 : f32 to vector<1x32xf32>
    %div3A_14 = arith.divf %slice3A_11, %div3A_13 : vector<1x32xf32>
    %slice3A_15 = vector.extract_strided_slice %get3A_4 {offsets = [0, 0], sizes = [1, 32], strides = [1, 1]} : vector<2x32xf32> to vector<1x32xf32>
    %div3A_16 = arith.constant 6.553600e+04 : f32
    %div3A_17 = vector.broadcast %div3A_16 : f32 to vector<1x32xf32>
    %div3A_18 = arith.divf %slice3A_15, %div3A_17 : vector<1x32xf32>
    %integer_pow3A = arith.mulf %div3A_18, %div3A_18 : vector<1x32xf32>
    %sub3A = arith.subf %div3A_14, %integer_pow3A : vector<1x32xf32>
    %broadcast_in_dim3A = vector.shape_cast %get3A_6 : vector<32xf32> to vector<1x32xf32>
    %add3A = arith.constant 9.99999974E-6 : f32
    %add3A_19 = vector.broadcast %add3A : f32 to vector<1x32xf32>
    %add3A_20 = arith.addf %sub3A, %add3A_19 : vector<1x32xf32>
    %sqrt3A = math.sqrt %add3A_20 : vector<1x32xf32>
    %div3A_21 = arith.divf %broadcast_in_dim3A, %sqrt3A : vector<1x32xf32>
    %broadcast_in_dim3A_22 = vector.shape_cast %get3A_8 : vector<32xf32> to vector<1x32xf32>
    %mul3A = arith.mulf %div3A_10, %div3A_21 : vector<1x32xf32>
    %sub3A_23 = arith.subf %broadcast_in_dim3A_22, %mul3A : vector<1x32xf32>
    %mul3A_24 = vector.broadcast %div3A_21 : vector<1x32xf32> to vector<8192x32xf32>
    %mul3A_25 = arith.mulf %get3A_1, %mul3A_24 : vector<8192x32xf32>
    %add3A_26 = vector.broadcast %sub3A_23 : vector<1x32xf32> to vector<8192x32xf32>
    %add3A_27 = arith.addf %mul3A_25, %add3A_26 : vector<8192x32xf32>
    %max3A = arith.constant 0.000000e+00 : f32
    %max3A_28 = vector.broadcast %max3A : f32 to vector<8192x32xf32>
    %max3A_29 = arith.maximumf %add3A_27, %max3A_28 : vector<8192x32xf32>
    %convert_element_type3A = arith.truncf %max3A_29 : vector<8192x32xf32> to vector<8192x32xbf16>
    %get3A_30 = arith.constant 0 : index
    %get3A_31 = arith.constant 0 : index
    %get3A_32 = vector.load %arg5[%get3A_30, %get3A_31] : memref<32x64xf32, #tpu.memory_space<vmem>>, vector<32x64xf32>
    %convert_element_type3A_33 = arith.truncf %get3A_32 : vector<32x64xf32> to vector<32x64xbf16>
    %dot_general3A = arith.constant dense<0.000000e+00> : vector<8192x64xf32>
    %dot_general3A_34 = tpu.matmul %convert_element_type3A, %convert_element_type3A_33, %dot_general3A {dimension_numbers = #tpu.dot_dimension_numbers<[1], [0], [0], [1], [0, 0, 1, 1], [], []>, transpose_lhs_hint = false} : vector<8192x32xbf16>, vector<32x64xbf16>, vector<8192x64xf32> -> vector<8192x64xf32>
    %get3A_35 = arith.constant 0 : index
    %get3A_36 = vector.load %arg6[%get3A_35] : memref<64xf32, #tpu.memory_space<vmem>>, vector<64xf32>
    %broadcast_in_dim3A_37 = vector.shape_cast %get3A_36 : vector<64xf32> to vector<1x64xf32>
    %add3A_38 = vector.broadcast %broadcast_in_dim3A_37 : vector<1x64xf32> to vector<8192x64xf32>
    %add3A_39 = arith.addf %dot_general3A_34, %add3A_38 : vector<8192x64xf32>
    %swap3A = arith.constant 0 : index
    %swap3A_40 = arith.constant 0 : index
    %swap3A_41 = vector.load %arg7[%swap3A, %swap3A_40] : memref<8192x64xf32, #tpu.memory_space<vmem>>, vector<8192x64xf32>
    tpu.vector_store %arg7[%swap3A, %swap3A_40], %add3A_39 {strides = array<i32>} : memref<8192x64xf32, #tpu.memory_space<vmem>>, vector<8192x64xf32>,
    %reduce_sum3A = arith.constant dense<0.000000e+00> : vector<64xf32>
    %reduce_sum3A_42 = vector.multi_reduction <add>, %add3A_39, %reduce_sum3A [0] : vector<8192x64xf32> to vector<64xf32>
    %broadcast_in_dim3A_43 = vector.shape_cast %reduce_sum3A_42 : vector<64xf32> to vector<1x64xf32>
    %mul3A_44 = arith.mulf %add3A_39, %add3A_39 : vector<8192x64xf32>
    %reduce_sum3A_45 = arith.constant dense<0.000000e+00> : vector<64xf32>
    %reduce_sum3A_46 = vector.multi_reduction <add>, %mul3A_44, %reduce_sum3A_45 [0] : vector<8192x64xf32> to vector<64xf32>
    %broadcast_in_dim3A_47 = vector.shape_cast %reduce_sum3A_46 : vector<64xf32> to vector<1x64xf32>
    %concatenate3A = tpu.concatenate %broadcast_in_dim3A_43, %broadcast_in_dim3A_47 in 0 : vector<1x64xf32>, vector<1x64xf32> -> vector<2x64xf32>
    %eq3A = arith.constant 0 : i32
    %eq3A_48 = arith.cmpi eq, %arg0, %eq3A : i32
    %convert_element_type3A_49 = arith.extui %eq3A_48 : i1 to i32
    %cond3A = arith.constant 0 : i32
    %cond3A_50 = arith.cmpi ne, %convert_element_type3A_49, %cond3A : i32
    scf.if %cond3A_50 {
      %broadcast_in_dim3A_58 = arith.constant 0.000000e+00 : f32
      %broadcast_in_dim3A_59 = vector.broadcast %broadcast_in_dim3A_58 : f32 to vector<2x64xf32>
      %swap3A_60 = arith.constant 0 : index
      %swap3A_61 = arith.constant 0 : index
      %swap3A_62 = vector.load %arg8[%swap3A_60, %swap3A_61] : memref<2x64xf32, #tpu.memory_space<vmem>>, vector<2x64xf32>
      tpu.vector_store %arg8[%swap3A_60, %swap3A_61], %broadcast_in_dim3A_59 {strides = array<i32>} : memref<2x64xf32, #tpu.memory_space<vmem>>, vector<2x64xf32>,
    } else {
    }
    %get3A_51 = arith.constant 0 : index
    %get3A_52 = arith.constant 0 : index
    %get3A_53 = vector.load %arg8[%get3A_51, %get3A_52] : memref<2x64xf32, #tpu.memory_space<vmem>>, vector<2x64xf32>
    %add3A_54 = arith.addf %get3A_53, %concatenate3A : vector<2x64xf32>
    %swap3A_55 = arith.constant 0 : index
    %swap3A_56 = arith.constant 0 : index
    %swap3A_57 = vector.load %arg8[%swap3A_55, %swap3A_56] : memref<2x64xf32, #tpu.memory_space<vmem>>, vector<2x64xf32>
    tpu.vector_store %arg8[%swap3A_55, %swap3A_56], %add3A_54 {strides = array<i32>} : memref<2x64xf32, #tpu.memory_space<vmem>>, vector<2x64xf32>,
    return
  }
  func.func @transform_0(%arg0: i32) -> (i32, i32) {
    %c0_i32 = arith.constant 0 : i32
    %c0_i32_0 = arith.constant 0 : i32
    return %arg0, %c0_i32 : i32, i32
  }
  func.func @transform_1(%arg0: i32) -> (i32, i32) {
    %c0_i32 = arith.constant 0 : i32
    %c0_i32_0 = arith.constant 0 : i32
    %c0_i32_1 = arith.constant 0 : i32
    return %c0_i32, %c0_i32_0 : i32, i32
  }
  func.func @transform_2(%arg0: i32) -> i32 {
    %c0_i32 = arith.constant 0 : i32
    %c0_i32_0 = arith.constant 0 : i32
    return %c0_i32 : i32
  }
  func.func @transform_3(%arg0: i32) -> i32 {
    %c0_i32 = arith.constant 0 : i32
    %c0_i32_0 = arith.constant 0 : i32
    return %c0_i32 : i32
  }
  func.func @transform_4(%arg0: i32) -> (i32, i32) {
    %c0_i32 = arith.constant 0 : i32
    %c0_i32_0 = arith.constant 0 : i32
    %c0_i32_1 = arith.constant 0 : i32
    return %c0_i32, %c0_i32_0 : i32, i32
  }
  func.func @transform_5(%arg0: i32) -> i32 {
    %c0_i32 = arith.constant 0 : i32
    %c0_i32_0 = arith.constant 0 : i32
    return %c0_i32 : i32
  }
  func.func @transform_6(%arg0: i32) -> (i32, i32) {
    %c0_i32 = arith.constant 0 : i32
    %c0_i32_0 = arith.constant 0 : i32
    return %arg0, %c0_i32 : i32, i32
  }
  func.func @transform_7(%arg0: i32) -> (i32, i32) {
    %c0_i32 = arith.constant 0 : i32
    %c0_i32_0 = arith.constant 0 : i32
    %c0_i32_1 = arith.constant 0 : i32
    return %c0_i32, %c0_i32_0 : i32, i32
  }
}

module attributes {stable_mosaic.version = 14 : i64} {
  func.func @_pool_body(%arg0: i32, %arg1: memref<8192x64xf32, #tpu.memory_space<vmem>>, %arg2: memref<2x64xf32, #tpu.memory_space<vmem>>, %arg3: memref<64xf32, #tpu.memory_space<vmem>>, %arg4: memref<64xf32, #tpu.memory_space<vmem>>, %arg5: memref<256x64xf32, #tpu.memory_space<vmem>>) attributes {dimension_semantics = [#tpu.dimension_semantics<arbitrary>], iteration_bounds = array<i64: 8>, scalar_prefetch = 0 : i64, scratch_operands = 0 : i64, tpu.core_type = #tpu.core_type<tc>, window_params = [{transform_indices = @transform_0, window_bounds = array<i64: 8192, 64>}, {pipeline_mode = #tpu.pipeline_mode<synchronous>, transform_indices = @transform_1, window_bounds = array<i64: 2, 64>}, {pipeline_mode = #tpu.pipeline_mode<synchronous>, transform_indices = @transform_2, window_bounds = array<i64: 64>}, {pipeline_mode = #tpu.pipeline_mode<synchronous>, transform_indices = @transform_3, window_bounds = array<i64: 64>}, {transform_indices = @transform_4, window_bounds = array<i64: 256, 64>}]} {
    %get3A = arith.constant 0 : index
    %get3A_0 = arith.constant 0 : index
    %get3A_1 = vector.load %arg2[%get3A, %get3A_0] : memref<2x64xf32, #tpu.memory_space<vmem>>, vector<2x64xf32>
    %get3A_2 = arith.constant 0 : index
    %get3A_3 = vector.load %arg3[%get3A_2] : memref<64xf32, #tpu.memory_space<vmem>>, vector<64xf32>
    %get3A_4 = arith.constant 0 : index
    %get3A_5 = vector.load %arg4[%get3A_4] : memref<64xf32, #tpu.memory_space<vmem>>, vector<64xf32>
    %slice3A = vector.extract_strided_slice %get3A_1 {offsets = [0, 0], sizes = [1, 64], strides = [1, 1]} : vector<2x64xf32> to vector<1x64xf32>
    %div3A = arith.constant 6.553600e+04 : f32
    %div3A_6 = vector.broadcast %div3A : f32 to vector<1x64xf32>
    %div3A_7 = arith.divf %slice3A, %div3A_6 : vector<1x64xf32>
    %slice3A_8 = vector.extract_strided_slice %get3A_1 {offsets = [1, 0], sizes = [1, 64], strides = [1, 1]} : vector<2x64xf32> to vector<1x64xf32>
    %div3A_9 = arith.constant 6.553600e+04 : f32
    %div3A_10 = vector.broadcast %div3A_9 : f32 to vector<1x64xf32>
    %div3A_11 = arith.divf %slice3A_8, %div3A_10 : vector<1x64xf32>
    %slice3A_12 = vector.extract_strided_slice %get3A_1 {offsets = [0, 0], sizes = [1, 64], strides = [1, 1]} : vector<2x64xf32> to vector<1x64xf32>
    %div3A_13 = arith.constant 6.553600e+04 : f32
    %div3A_14 = vector.broadcast %div3A_13 : f32 to vector<1x64xf32>
    %div3A_15 = arith.divf %slice3A_12, %div3A_14 : vector<1x64xf32>
    %integer_pow3A = arith.mulf %div3A_15, %div3A_15 : vector<1x64xf32>
    %sub3A = arith.subf %div3A_11, %integer_pow3A : vector<1x64xf32>
    %broadcast_in_dim3A = vector.shape_cast %get3A_3 : vector<64xf32> to vector<1x64xf32>
    %add3A = arith.constant 9.99999974E-6 : f32
    %add3A_16 = vector.broadcast %add3A : f32 to vector<1x64xf32>
    %add3A_17 = arith.addf %sub3A, %add3A_16 : vector<1x64xf32>
    %sqrt3A = math.sqrt %add3A_17 : vector<1x64xf32>
    %div3A_18 = arith.divf %broadcast_in_dim3A, %sqrt3A : vector<1x64xf32>
    %broadcast_in_dim3A_19 = vector.shape_cast %get3A_5 : vector<64xf32> to vector<1x64xf32>
    %mul3A = arith.mulf %div3A_7, %div3A_18 : vector<1x64xf32>
    %sub3A_20 = arith.subf %broadcast_in_dim3A_19, %mul3A : vector<1x64xf32>
    %get3A_21 = arith.constant 0 : index
    %get3A_22 = arith.constant 0 : index
    %get3A_23 = vector.load %arg1[%get3A_21, %get3A_22] : memref<8192x64xf32, #tpu.memory_space<vmem>>, vector<8192x64xf32>
    %mul3A_24 = vector.broadcast %div3A_18 : vector<1x64xf32> to vector<8192x64xf32>
    %mul3A_25 = arith.mulf %get3A_23, %mul3A_24 : vector<8192x64xf32>
    %add3A_26 = vector.broadcast %sub3A_20 : vector<1x64xf32> to vector<8192x64xf32>
    %add3A_27 = arith.addf %mul3A_25, %add3A_26 : vector<8192x64xf32>
    %max3A = arith.constant 0.000000e+00 : f32
    %max3A_28 = vector.broadcast %max3A : f32 to vector<8192x64xf32>
    %max3A_29 = arith.maximumf %add3A_27, %max3A_28 : vector<8192x64xf32>
    %reshape3A = vector.shape_cast %max3A_29 : vector<8192x64xf32> to vector<256x32x64xf32>
    %reduce_max3A = arith.constant dense<0xFF800000> : vector<256x64xf32>
    %reduce_max3A_30 = vector.multi_reduction <maximumf>, %reshape3A, %reduce_max3A [1] : vector<256x32x64xf32> to vector<256x64xf32>
    %swap3A = arith.constant 0 : index
    %swap3A_31 = arith.constant 0 : index
    %swap3A_32 = vector.load %arg5[%swap3A, %swap3A_31] : memref<256x64xf32, #tpu.memory_space<vmem>>, vector<256x64xf32>
    tpu.vector_store %arg5[%swap3A, %swap3A_31], %reduce_max3A_30 {strides = array<i32>} : memref<256x64xf32, #tpu.memory_space<vmem>>, vector<256x64xf32>,
    return
  }
  func.func @transform_0(%arg0: i32) -> (i32, i32) {
    %c0_i32 = arith.constant 0 : i32
    %c0_i32_0 = arith.constant 0 : i32
    return %arg0, %c0_i32 : i32, i32
  }
  func.func @transform_1(%arg0: i32) -> (i32, i32) {
    %c0_i32 = arith.constant 0 : i32
    %c0_i32_0 = arith.constant 0 : i32
    %c0_i32_1 = arith.constant 0 : i32
    return %c0_i32, %c0_i32_0 : i32, i32
  }
  func.func @transform_2(%arg0: i32) -> i32 {
    %c0_i32 = arith.constant 0 : i32
    %c0_i32_0 = arith.constant 0 : i32
    return %c0_i32 : i32
  }
  func.func @transform_3(%arg0: i32) -> i32 {
    %c0_i32 = arith.constant 0 : i32
    %c0_i32_0 = arith.constant 0 : i32
    return %c0_i32 : i32
  }
  func.func @transform_4(%arg0: i32) -> (i32, i32) {
    %c0_i32 = arith.constant 0 : i32
    %c0_i32_0 = arith.constant 0 : i32
    return %arg0, %c0_i32 : i32, i32
  }
}

</mosaic_0001>

<sc_bundles>
// kernel: kernel.8.cloned.1.call-start
scs
__scs_entry_jumppad:
0x0: {  	(pc) =	sbr.rel $0x88, $3  }
0x1: {  	(tag) =	ssettag $0x0;
	lr =	simm.s32 $0x1  }
0x2: {  	[smem:$0x3F93] =	sst lr;
	_ =	strace $0xD0000000  }
0x3: {  	_ = 	snop  }
0x4: {  	_ = 	snop  }
0x5: {  	_ = 	snop  }
0x6: {  	_ = 	snop  }
0x7: {  	_ = 	snop  }
__scs_overlays_trampoline_lowered:
0x8: {  	[smem:$0x3FA2] =	sst s0  }
0x9: {  	[smem:$0x3FA3] =	sst s1  }
0xa: {  	[smem:$0x3FA4] =	sst s2  }
0xb: {  	[smem:$0x3FA5] =	sst s3  }
0xc: {  	[smem:$0x3FA6] =	sst s4  }
0xd: {  	[smem:$0x3FA7] =	sst s5  }
0xe: {  	[smem:$0x3FA8] =	sst s6  }
0xf: {  	[smem:$0x3FA9] =	sst s7  }
0x10: {  	[smem:$0x3FAA] =	sst s8  }
0x11: {  	[smem:$0x3FAB] =	sst s9;
	s0 =	simm.s32 @!p0 $0x0  }
0x12: {  	s1 =	sld [smem:$0x3F91];
	s0 =	simm.s32 @p0 $0x1  }
0x13: {  	[smem:$0x3FAC] =	sst s0;
	s0 =	simm.s32 @!p1 $0x0  }
0x14: {  	s2 =	sld [smem:$0x3F90];
	s0 =	simm.s32 @p1 $0x1  }
0x15: {  	[smem:$0x3FAD] =	sst s0;
	s0 =	simm.s32 @!p2 $0x0  }
0x16: {  	s3 =	sld [smem:$0x3FDB];
	s0 =	simm.s32 @p2 $0x1  }
0x17: {  	s4 =	simm.s32 $0x1BF5;
	[smem:$0x3FAF] =	sst s0  }
0x18: {  	s0 =	sld [smem:$0x3F92];
	_ =	swait.ge [sflag:s4], $0x0  }
0x19: {  	s7 =	sld [smem:$0x3F93]  }
0x1a: {  	s8 =	sadd.s32 $0xFFFFE003, lr  }
0x1b: {  	s9 =	sadd.s32 $0xFFFFFEF7, lr;
	s5 =	simm.s32 $0xFFFFFFFF;
	p2 =	slt.u32 s8, $0xFFFFF086  }
0x1c: {  	p1 =	slt.u32 s9, $0xF7A;
	s5 =	simm.s32 @!p2 $0x0  }
0x1d: {  	s5 =	simm.s32 @p1 $0x1;
	p0 =	seq.s32 s7, s2  }
0x1e: {  	s7 =	smul.u32 @!p0 $0xF7A, s2;
	p2 =	seq.s32 @!p0 s5, $0x0  }
0x1f: {  	s9 =	smul.u32 $0xF7A, s1;
	s8 =	simm.s32 @!p0 $0x1BF5;
	p2 =	por !p2, p0  }
0x20: {  	[sflag:s8] =	ssyncset.s32 @!p0 $0xFFFFF086;
	s6 =	sadd.s32 @!p0 s3, s7;
	s7 =	simm.s32 @!p0 $0x108  }
0x21: {  	s3 =	sadd.s32 s3, s9;
	s6 =	sadd.s32 @!p0 $0x88, s6;
	s7 =	simm.s32 @p2 $0x1082  }
0x22: {  	[simem:s7], [sflag:s8] =	dma.local @!p0 [hbm:s6], $0xF7A  }
0x23: {  	s9 =	sor.u32 $0xD0000000, s2;
	s6 =	simm.s32 $0x108;
	_ =	swait.ge @!p0 [sflag:s8], $0x0  }
0x24: {  	s3 =	sadd.s32 $0x88, s3;
	s6 =	simm.s32 @!p1 $0x1082;
	[sflag:s4] =	ssyncset.s32 $0xFFFFF086  }
0x25: {  	[simem:s6], [sflag:s4] =	dma.local [hbm:s3], $0xF7A  }
0x26: {  	[smem:$0x3F93] =	sst s1;
	(tag) =	ssettag s2;
	_ =	strace s9  }
0x27: {  	s1 =	sld [smem:$0x3FA3]  }
0x28: {  	s2 =	sld [smem:$0x3FA4]  }
0x29: {  	s4 =	sld [smem:$0x3FA6]  }
0x2a: {  	p0 =	seq.s32 s5, $0x0;
	s5 =	sld [smem:$0x3FA7]  }
0x2b: {  	s6 =	sld [smem:$0x3FA8]  }
0x2c: {  	s7 =	sld [smem:$0x3FA9]  }
0x2d: {  	s3 =	simm.s32 $0x108;
	s8 =	sld [smem:$0x3FAA]  }
0x2e: {  	s3 =	simm.s32 @!p0 $0x1082;
	s9 =	sld [smem:$0x3FAB]  }
0x2f: {  	lr =	sadd.s32 s0, s3;
	s0 =	sld [smem:$0x3FA2]  }
0x30: {  	s3 =	sld [smem:$0x3FA5]  }
0x31: {  	[smem:$0x3FAE] =	sst s10  }
0x32: {  	s10 =	sld [smem:$0x3FAC];
	_ =	sdelay $0x3  }
0x33: {  	p0 =	seq.s32 s10, $0x1;
	s10 =	sld [smem:$0x3FAE];
	_ =	sdelay $0x3  }
0x34: {  	[smem:$0x3FAE] =	sst s10  }
0x35: {  	s10 =	sld [smem:$0x3FAD];
	_ =	sdelay $0x3  }
0x36: {  	p1 =	seq.s32 s10, $0x1;
	s10 =	sld [smem:$0x3FAE];
	_ =	sdelay $0x3  }
0x37: {  	[smem:$0x3FAE] =	sst s10  }
0x38: {  	s10 =	sld [smem:$0x3FAF]  }
0x39: {  	_ = 	snop;
	(pc) =	sbr.ind lr, $3  }
0x3a: {  	_ = 	snop  }
0x3b: {  	_ = 	snop  }
0x3c: {  	p2 =	seq.s32 s10, $0x1;
	s10 =	sld [smem:$0x3FAE]  }
0x3d: {  	_ =	shalt  }
0x3e: {  	_ =	shalt  }
0x3f: {  	_ =	shalt  }
0x40: {  	_ =	shalt  }
0x41: {  	_ =	shalt  }
0x42: {  	_ =	shalt  }
0x43: {  	_ =	shalt  }
0x44: {  	_ =	shalt  }
0x45: {  	_ =	shalt  }
0x46: {  	_ =	shalt  }
0x47: {  	_ =	shalt  }
0x48: {  	_ =	shalt  }
0x49: {  	_ =	shalt  }
0x4a: {  	_ =	shalt  }
0x4b: {  	_ =	shalt  }
0x4c: {  	_ =	shalt  }
0x4d: {  	_ =	shalt  }
0x4e: {  	_ =	shalt  }
0x4f: {  	_ =	shalt  }
0x50: {  	_ =	shalt  }
0x51: {  	_ =	shalt  }
0x52: {  	_ =	shalt  }
0x53: {  	_ =	shalt  }
0x54: {  	_ =	shalt  }
0x55: {  	_ =	shalt  }
0x56: {  	_ =	shalt  }
0x57: {  	_ =	shalt  }
0x58: {  	_ =	shalt  }
0x59: {  	_ =	shalt  }
0x5a: {  	_ =	shalt  }
0x5b: {  	_ =	shalt  }
0x5c: {  	_ =	shalt  }
0x5d: {  	_ =	shalt  }
0x5e: {  	_ =	shalt  }
0x5f: {  	_ =	shalt  }
0x60: {  	_ =	shalt  }
0x61: {  	_ =	shalt  }
0x62: {  	_ =	shalt  }
0x63: {  	_ =	shalt  }
0x64: {  	_ =	shalt  }
0x65: {  	_ =	shalt  }
0x66: {  	_ =	shalt  }
0x67: {  	_ =	shalt  }
0x68: {  	_ =	shalt  }
0x69: {  	_ =	shalt  }
0x6a: {  	_ =	shalt  }
0x6b: {  	_ =	shalt  }
0x6c: {  	_ =	shalt  }
0x6d: {  	_ =	shalt  }
0x6e: {  	_ =	shalt  }
0x6f: {  	_ =	shalt  }
0x70: {  	_ =	shalt  }
0x71: {  	_ =	shalt  }
0x72: {  	_ =	shalt  }
0x73: {  	_ =	shalt  }
0x74: {  	_ =	shalt  }
0x75: {  	_ =	shalt  }
0x76: {  	_ =	shalt  }
0x77: {  	_ =	shalt  }
0x78: {  	_ =	shalt  }
0x79: {  	_ =	shalt  }
0x7a: {  	_ =	shalt  }
0x7b: {  	_ =	shalt  }
0x7c: {  	_ =	shalt  }
0x7d: {  	_ =	shalt  }
0x7e: {  	_ =	shalt  }
0x7f: {  	_ =	shalt  }
0x80: {  	_ =	shalt  }
0x81: {  	_ =	shalt  }
0x82: {  	_ =	shalt  }
0x83: {  	_ =	shalt  }
0x84: {  	_ =	shalt  }
0x85: {  	_ =	shalt  }
0x86: {  	_ =	shalt  }
0x87: {  	_ =	shalt  }
.Lfunc_end0:
.L_simem_size_0:
called_computation_lowered:
.L_overlay_start_0:
0x88: {  	s2 =	sld [smem:$0x3FD9]  }
0x89: {  	s3 =	sld [smem:$0x3FFE];
	_ =	sdelay $0x1  }
0x8a: {  	s1 =	srdreg.scid  }
0x8b: {  	s0 =	sand.u32 $0x1, s1  }
0x8c: {  	s14 =	sshll.u32 s0, $0xA;
	s2 =	sadd.s32 s3, s2  }
0x8d: {  	s2 =	sadd.s32 s2, s14  }
0x8e: {  	[smem:$0x3FBA] =	sst s2  }
0x8f: {  	_ = 	snop  }
0x90: {  	s2 =	sld [smem:$0x3FD0];
	_ =	sdelay $0x2  }
0x91: {  	s15 =	simm.s32 $0xA;
	s4 =	simm.s32 $0x10  }
0x92: {  	[smem:s4], [sflag:s15] =	dma.local [hbm:s2], $0x1  }
0x93: {  	_ =	swait.eq [sflag:s15], $0x1  }
0x94: {  	[sflag:s15] =	ssyncset.done $0x0  }
0x95: {  	[sflag:s15] =	ssyncadd.s32 $0xFFFFFFFF  }
0x96: {  	s16 =	sld [smem:$0x11];
	(tm) =	ssettm $0x1  }
0x97: {  	s17 =	sld [smem:$0x3FFB];
	_ =	sdelay $0x3  }
0x98: {  	_ =	strace s17  }
0x99: {  	s3 =	sld [smem:$0x3FFC];
	_ =	sdelay $0x3  }
0x9a: {  	_ =	strace s3  }
0x9b: {  	s3 =	sld [smem:$0x3FFD];
	_ =	sdelay $0x3  }
0x9c: {  	_ =	strace s3  }
0x9d: {  	_ =	strace $0x8FFFFFFF  }
0x9e: {  	s18 =	sld [smem:$0x3FDB];
	_ =	sdelay $0x1  }
0x9f: {  	s19 =	simm.s32 $_scs_section_size  }
0xa0: {  	s5 =	simm.s32 $_size__tile_overlayer_lowered;
	s6 =	simm.s32 $_tile_overlayer_lowered  }
0xa1: {  	s22 =	simm.s32 $0x1BFF;
	s21 =	sshll.u32 s6, $0x1;
	s3 =	sadd.s32 s19, s18  }
0xa2: {  	s7 =	simm.s32 $0x0;
	s20 =	sshll.u32 s5, $0x1;
	s5 =	sadd.s32 s21, s3  }
0xa3: {  	[timem:s7], [sflag:s22] =	dma.local [hbm:s5], s20  }
0xa4: {  	_ =	swait.ge [sflag:s22], s20  }
0xa5: {  	s4 =	ssub.s32 $0x0, s20;
	[sflag:s22] =	ssyncset.done $0x0  }
0xa6: {  	[sflag:s22] =	ssyncadd.s32 s4;
	_ =	sdelay $0x1  }
0xa7: {  	s23 =	simm.s32 $0x1B8B  }
0xa8: {  	_ =	swait.ge [sflag:s23], $0x1  }
0xa9: {  	[sflag:s23] =	ssyncset.done $0x0  }
0xaa: {  	s25 =	simm.s32 $0x1B8E;
	s24 =	sld [smem:$0x3FFE];
	[sflag:s23] =	ssyncadd.s32 $0xFFFFFFFF  }
0xab: {  	s26 =	simm.s32 $execute0_lowered;
	[smem:$0x3FD2] =	sst s25  }
0xac: {  	s5 =	sshll.u32 s26, $0x1;
	_ =	strace $0x80000046;
	[dreg:$0x1] =	wrdreg $0xFFFFFFFF  }
0xad: {  	s28 =	simm.s32 $_size_execute0_lowered;
	s3 =	sadd.s32 s3, s5;
	[dreg:$0x0] =	wrdreg $0x0  }
0xae: {  	s5 =	sshll.u32 s28, $0x1;
	[dreg:$0x2] =	wrdreg s3  }
0xaf: {  	[dreg:$0x3] =	wrdreg s5  }
0xb0: {  	[dreg:$0x4] =	wrdreg $0xC0  }
0xb1: {  	_ =	task [dreg:s7], $0x5FFFF  }
0xb2: {  	[dreg:$0x1] =	wrdreg $0xFFFFFFFF  }
0xb3: {  	[dreg:$0x0] =	wrdreg $0x60  }
0xb4: {  	[dreg:$0x2] =	wrdreg s16  }
0xb5: {  	[dreg:$0x3] =	wrdreg s24  }
0xb6: {  	[dreg:$0x4] =	wrdreg $0x9  }
0xb7: {  	_ =	task.clear_ibuf [dreg:s7], $0x5FFFF;
	_ =	strace $0x90000046  }
0xb8: {  	s29 =	simm.s32 $0x9;
	_ =	strace $0x80000048  }
0xb9: {  	_ =	swait.ge [sflag:s29], $0x1  }
0xba: {  	[sflag:s29] =	ssyncadd.s32 $0xFFFFFFFF  }
0xbb: {  	_ =	strace $0x90000048  }
0xbc: {  	_ =	sfence  }
0xbd: {  	s30 =	sld [smem:$0x0];
	_ =	sdelay $0x2  }
0xbe: {  	s31 =	sshll.u32 s1, $0xD;
	s1 =	sshrl.u32 s1, $0x2  }
0xbf: {  	s3 =	sand.u32 $0x4000, s31;
	s1 =	sadd.s32 s1, s30  }
0xc0: {  	s0 =	sor.u32 s3, s0;
	s1 =	sshll.u32 s1, $0x11  }
0xc1: {  	s0 =	sor.u32 s1, s0  }
0xc2: {  	s0 =	sadd.s32 $0x8F2B, s0  }
0xc3: {  	[sflag:s0] =	ssyncadd.remote.s32 $0x1  }
0xc4: {  	_ =	sfence.sel $0xFFFF  }
0xc5: {  	[dreg:$0x0] =	wrdreg $0xFFFFFFFF;
	(pc) =	sbr.abs _section_cstart, $3  }
0xc6: {  	[dreg:$0x1] =	wrdreg $0xFFFFFFFF  }
0xc7: {  	_ =	task.clear_ibuf [dreg:s7], $0x2FFFF;
	_ =	strace $0x9FFFFFFF  }
0xc8: {  	(tm) =	ssettm $0x7FFFFFFF  }
0xc9: {  	_ =	shalt  }
tec
execute0_lowered:
.L_overlay_start_1:
0x0: {  	(tag) =	ssettag $0x1  }
0x1: {  	s0 =	rddreg [dreg:$0x0]  }
0x2: {  	s5 =	stileid.u32;
	s1 =	rddreg [dreg:$0x1]  }
0x3: {  	s2 =	srdreg.scid;
	s28 =	simm.s32 $0x80C0;
	s29 =	simm.s32 $0x8100  }
0x4: {  	s30 =	simm.s32 $0x8140;
	s31 =	simm.s32 $0x8180;
	s13 =	simm.s32 $0x94C0  }
0x5: {  	s3 =	sshll.u32 s5, $0x1;
	s4 =	sand.u32 $0x1, s2;
	s2 =	simm.s32 $0x0  }
0x6: {  	s5 =	sshrl.u32 s5, $0x2;
	s3 =	sand.u32 $0x6, s3;
	[smem:$0x7FF] =	sst s2  }
0x7: {  	s7 =	sshll.u32 s5, $0x9;
	s8 =	sshll.u32 s5, $0xA;
	s9 =	ssub.s32 $0x2, s4  }
0x8: {  	s5 =	sshll.u32 s5, $0xD;
	s6 =	sor.u32 s4, s3;
	_ =	strace $0x80000047  }
0x9: {  	s10 =	sadd.s32 s8, s1;
	s12 =	sshrl.u32 s9, $0x1;
	s4 =	sadd.s32 $0x36600, s1  }
0xa: {  	s0 =	sadd.s32 s0, s8;
	s3 =	sshll.u32 s6, $0x6;
	s14 =	ssub.s32 s9, s12  }
0xb: {  	[dreg:$0x3] =	wrdreg s0;
	s15 =	sadd.s32 $0x4600, s10;
	s16 =	sadd.s32 $0x3600, s10  }
0xc: {  	v0 =	vlaneseq.u32;
	vm0 =	vmmov $0x1;
	vm1 =	vcmask $0x308;
	s18 =	sadd.s32 $0x5600, s10;
	s3 =	sor.u32 s7, s3;
	[dreg:$0x4] =	wrdreg s15  }
0xd: {  	vm2 =	vcmask $0x70C;
	v35 =	vimm.s32 $0x3F;
	v1 =	vadd.s32 $0x1, v0;
	s10 =	simm.s32 $0x8EC0;
	[dreg:$0x5] =	wrdreg s16;
	s3 =	sshrl.u32 s3, $0x3  }
0xe: {  	v2 =	vadd.s32 $0x11, v0;
	v3 =	vor.u32 $0x10, v0;
	v4 =	vor.u32 $0x30, v0;
	[dreg:$0x6] =	wrdreg s18;
	s26 =	smax.u32 s14, $0x1;
	s11 =	sadd.s32 s3, s1  }
0xf: {  	v5 =	vor.u32 $0x60, v0;
	v6 =	vor.u32 $0x90, v0;
	v7 =	vor.u32 $0xC0, v0;
	s7 =	sor.u32 s7, s6;
	[dreg:$0xf] =	wrdreg s26;
	s19 =	sadd.s32 $0x3400, s11  }
0x10: {  	v8 =	vor.u32 $0xF0, v0;
	v9 =	vor.u32 $0x120, v0;
	v10 =	vor.u32 $0x150, v0;
	s6 =	simm.s32 $0x88C0;
	s20 =	sadd.s32 $0x3200, s11;
	[dreg:$0x7] =	wrdreg s19  }
0x11: {  	v11 =	vor.u32 $0x180, v0;
	v12 =	vor.u32 $0x1B0, v0;
	v13 =	vor.u32 $0x1E0, v0;
	s17 =	smul.u32 $0x600, s7;
	s21 =	sadd.s32 $0x3000, s11;
	[dreg:$0x8] =	wrdreg s20  }
0x12: {  	v14 =	vor.u32 $0x210, v0;
	v15 =	vor.u32 $0x240, v0;
	v16 =	vor.u32 $0x270, v0;
	s26 =	simm.s32 $0x8080;
	s22 =	sadd.s32 $0x2E00, s11;
	[dreg:$0x9] =	wrdreg s21  }
0x13: {  	v17 =	vor.u32 $0x2A0, v0;
	v18 =	vor.u32 $0x2D0, v0;
	v19 =	vor.u32 $0x300, v0;
	s3 =	sadd.s32 $0x6600, s1;
	s23 =	sadd.s32 $0x2C00, s11;
	[dreg:$0xa] =	wrdreg s22  }
0x14: {  	v20 =	vor.u32 $0x330, v0;
	v21 =	vor.u32 $0x360, v0;
	v22 =	vor.u32 $0x390, v0;
	s1 =	simm.s32 $0x81C0;
	s24 =	sadd.s32 $0x2A00, s11;
	[dreg:$0xb] =	wrdreg s23  }
0x15: {  	v23 =	vor.u32 $0x3C0, v0;
	v24 =	vor.u32 $0x3F0, v0;
	v25 =	vor.u32 $0x420, v0;
	s0 =	sshrl.u32 s17, $0x3;
	s25 =	sadd.s32 $0x2800, s11;
	[dreg:$0xc] =	wrdreg s24  }
0x16: {  	v26 =	vor.u32 $0x450, v0;
	v27 =	vor.u32 $0x480, v0;
	v28 =	vor.u32 $0x4B0, v0;
	s11 =	simm.s32 $0x0;
	s0 =	sadd.s32 s4, s0;
	[dreg:$0xd] =	wrdreg s25  }
0x17: {  	v29 =	vor.u32 $0x4E0, v0;
	v30 =	vor.u32 $0x510, v0;
	v31 =	vor.u32 $0x540, v0;
	s24 =	simm.s32 $0x8000;
	s25 =	simm.s32 $0x8040;
	s0 =	sadd.s32 $0x17A00, s0  }
0x18: {  	v32 =	vor.u32 $0x570, v0;
	v33 =	vor.u32 $0x5A0, v0;
	v34 =	vor.u32 $0x5D0, v0;
	s22 =	simm.s32 $0x82C0;
	[dreg:$0xe] =	wrdreg s0;
	s0 =	simm.s32 $0x20  }
.LBB2_1:
0x19: {  	[dreg:$0x10] =	wrdreg s11  }
0x1a: {  	s8 =	rddreg [dreg:$0x3];
	s9 =	simm.s32 $0x9  }
0x1b: {  	[tilespmem:s2], [sflag:$0x9] =	stream.linear.gather [hbm4b:s8+s2], $0x2000, $0x38;
	[tilespmem:$0x9AC0] =	vst v63  }
0x1c: {  	_ =	swait.ge [sflag:s9], $0x2000  }
0x1d: {  	[sflag:s9] =	ssyncset.done $0x0  }
0x1e: {  	s23 =	simm.s32 $0x2000;
	s21 =	rddreg [dreg:$0x4];
	[sflag:s9] =	ssyncadd.s32 $0xFFFFE000  }
0x1f: {  	[tilespmem:s23], [sflag:$0x9] =	stream.linear.gather [hbm4b:s21+s2], $0x2000, $0x38;
	[tilespmem:$0x9AC0] =	vst v63  }
0x20: {  	_ =	swait.ge [sflag:s9], $0x2000  }
0x21: {  	[sflag:s9] =	ssyncset.done $0x0  }
0x22: {  	s12 =	simm.s32 $0x4000;
	s11 =	rddreg [dreg:$0x5];
	[sflag:s9] =	ssyncadd.s32 $0xFFFFE000  }
0x23: {  	[tilespmem:s12], [sflag:$0x9] =	stream.linear.gather [hbm4b:s11+s2], $0x2000, $0x38;
	[tilespmem:$0x9AC0] =	vst v63  }
0x24: {  	_ =	swait.ge [sflag:s9], $0x2000  }
0x25: {  	[sflag:s9] =	ssyncset.done $0x0  }
0x26: {  	s15 =	simm.s32 $0x6000;
	s14 =	rddreg [dreg:$0x6];
	[sflag:s9] =	ssyncadd.s32 $0xFFFFE000  }
0x27: {  	[tilespmem:s15], [sflag:$0x9] =	stream.linear.gather [hbm4b:s14+s2], $0x2000, $0x38;
	[tilespmem:$0x9AC0] =	vst v63  }
0x28: {  	_ =	swait.ge [sflag:s9], $0x2000  }
0x29: {  	[sflag:s9] =	ssyncset.done $0x0  }
0x2a: {  	s16 =	rddreg [dreg:$0x7];
	[sflag:s9] =	ssyncadd.s32 $0xFFFFE000  }
0x2b: {  	[tilespmem:s24], [sflag:$0x9] =	stream.linear.gather [hbm4b:s16+s2], $0x40, $0x38;
	[tilespmem:$0x9AC0] =	vst v63  }
0x2c: {  	_ =	swait.ge [sflag:s9], $0x40  }
0x2d: {  	[sflag:s9] =	ssyncset.done $0x0  }
0x2e: {  	s17 =	rddreg [dreg:$0x8];
	[sflag:s9] =	ssyncadd.s32 $0xFFFFFFC0  }
0x2f: {  	[tilespmem:s25], [sflag:$0x9] =	stream.linear.gather [hbm4b:s17+s2], $0x40, $0x38;
	[tilespmem:$0x9AC0] =	vst v63  }
0x30: {  	_ =	swait.ge [sflag:s9], $0x40  }
0x31: {  	[sflag:s9] =	ssyncset.done $0x0  }
0x32: {  	s18 =	rddreg [dreg:$0x9];
	[sflag:s9] =	ssyncadd.s32 $0xFFFFFFC0  }
0x33: {  	[tilespmem:s26], [sflag:$0x9] =	stream.linear.gather [hbm4b:s18+s2], $0x40, $0x38;
	[tilespmem:$0x9AC0] =	vst v63  }
0x34: {  	_ =	swait.ge [sflag:s9], $0x40  }
0x35: {  	[sflag:s9] =	ssyncset.done $0x0  }
0x36: {  	s19 =	rddreg [dreg:$0xa];
	[sflag:s9] =	ssyncadd.s32 $0xFFFFFFC0  }
0x37: {  	[tilespmem:s28], [sflag:$0x9] =	stream.linear.gather [hbm4b:s19+s2], $0x40, $0x38;
	[tilespmem:$0x9AC0] =	vst v63  }
0x38: {  	_ =	swait.ge [sflag:s9], $0x40  }
0x39: {  	[sflag:s9] =	ssyncset.done $0x0  }
0x3a: {  	s20 =	rddreg [dreg:$0xb];
	[sflag:s9] =	ssyncadd.s32 $0xFFFFFFC0  }
0x3b: {  	[tilespmem:s29], [sflag:$0x9] =	stream.linear.gather [hbm4b:s20+s2], $0x40, $0x38;
	[tilespmem:$0x9AC0] =	vst v63  }
0x3c: {  	_ =	swait.ge [sflag:s9], $0x40  }
0x3d: {  	[sflag:s9] =	ssyncset.done $0x0  }
0x3e: {  	s21 =	rddreg [dreg:$0xc];
	[sflag:s9] =	ssyncadd.s32 $0xFFFFFFC0  }
0x3f: {  	[tilespmem:s30], [sflag:$0x9] =	stream.linear.gather [hbm4b:s21+s2], $0x40, $0x38;
	[tilespmem:$0x9AC0] =	vst v63  }
0x40: {  	_ =	swait.ge [sflag:s9], $0x40  }
0x41: {  	[sflag:s9] =	ssyncset.done $0x0  }
0x42: {  	s23 =	rddreg [dreg:$0xd];
	[sflag:s9] =	ssyncadd.s32 $0xFFFFFFC0  }
0x43: {  	[tilespmem:s31], [sflag:$0x9] =	stream.linear.gather [hbm4b:s23+s2], $0x40, $0x38;
	[tilespmem:$0x9AC0] =	vst v63  }
0x44: {  	_ =	swait.ge [sflag:s9], $0x40  }
0x45: {  	[sflag:s9] =	ssyncset.done $0x0  }
0x46: {  	s18 =	simm.s32 $0x0;
	[sflag:s9] =	ssyncadd.s32 $0xFFFFFFC0  }
.LBB2_2:
0x47: {  	s19 =	sshll.u32 s18, $0x2  }
0x48: {  	v36 =	vmov s19  }
0x49: {  	v36 =	vand.u32 $0xFFFFFFFC, v36  }
0x4a: {  	v36 =	vbroadcast v36, $0x0  }
0x4b: {  	p0 =	seq.s32 s18, $0x0  }
0x4c: {  	s8 =	simm.s32 @!p0 $0x5  }
0x4d: {  	_ =	swait.ge @!p0 [sflag:s8], $0x600  }
0x4e: {  	[sflag:s8] =	ssyncset.done @!p0 $0x0  }
0x4f: {  	[sflag:s8] =	ssyncadd.s32 @!p0 $0xFFFFFA00  }
0x50: {  	v37 =	vld.idx.msk [tilespmem:v36+s24+$0x0], $0xffff  }
0x51: {  	v38 =	vld.idx.msk [tilespmem:v36+s25+$0x0], $0xffff  }
0x52: {  	s12 =	simm.s32 $0x0;
	s16 =	simm.s32 $0x4020;
	s21 =	simm.s32 $0x6020;
	v39 =	vld.idx.msk [tilespmem:v36+s26+$0x0], $0xffff  }
0x53: {  	s20 =	simm.s32 $0x20;
	s9 =	simm.s32 $0x2020;
	s17 =	simm.s32 $0x0;
	v40 =	vld.idx.msk [tilespmem:v36+s28+$0x0], $0xffff  }
.LBB2_3:
0x54: {  	v41 =	vld [tilespmem:s20+$0xFFFFFFE0]  }
0x55: {  	v42 =	vld [tilespmem:s9+$0xFFFFFFE0];
	_ =	sdelay $0x1  }
0x56: {  	v43 =	vld [tilespmem:s16+$0xFFFFFFE0];
	_ =	sdelay $0x2  }
0x57: {  	v41 =	vmul.f32 v41, v37;
	v42 =	vmul.f32 v42, v38;
	_ =	sdelay $0x1  }
0x58: {  	v62 =	vmul.f32 v43, v39;
	v41 =	vadd.f32 v42, v41;
	_ =	sdelay $0x1  }
0x59: {  	v41 =	vadd.f32 v62, v41  }
0x5a: {  	v63 =	vld [tilespmem:s21+$0xFFFFFFE0]  }
0x5b: {  	v41 =	vadd.f32 v41, v41;
	_ =	sdelay $0x1  }
0x5c: {  	v41 =	vsub.f32 v40, v41;
	_ =	sdelay $0x1  }
0x5d: {  	v41 =	vadd.f32 v41, v63  }
0x5e: {  	s15 =	sadd.s32 s12, s5  }
0x5f: {  	v45 =	vor.u32 s15, v0;
	vm3 =	vle.f32 v41, $3.999999910e-02  }
0x60: {  	[tilespmem:s17+$0x81C0] =	vst.msk vm3, v45  }
0x61: {  	v46 =	vmpcnt.ones.xlane vm3;
	v47 =	vld [tilespmem:s20+$0xFFFFFFF0]  }
0x62: {  	v48 =	vld [tilespmem:s9+$0xFFFFFFF0]  }
0x63: {  	(v2sf) =	vpush v46, $0x0  }
0x64: {  	v49 =	vld [tilespmem:s16+$0xFFFFFFF0];
	_ =	sdelay $0x2  }
0x65: {  	v42 =	vmul.f32 v47, v37;
	v43 =	vmul.f32 v48, v38;
	_ =	sdelay $0x1  }
0x66: {  	v41 =	vmul.f32 v49, v39;
	v42 =	vadd.f32 v43, v42;
	_ =	sdelay $0x1  }
0x67: {  	v41 =	vadd.f32 v41, v42  }
0x68: {  	v50 =	vld [tilespmem:s21+$0xFFFFFFF0]  }
0x69: {  	v41 =	vadd.f32 v41, v41;
	_ =	sdelay $0x1  }
0x6a: {  	v41 =	vsub.f32 v40, v41;
	_ =	sdelay $0x1  }
0x6b: {  	v41 =	vadd.f32 v41, v50  }
0x6c: {  	s23 =	sadd.s32 $0x10, s15;
	s8 =	spop (v2sf)  }
0x6d: {  	v51 =	vor.u32 s23, v0;
	s8 =	sadd.s32 s17, s8;
	vm3 =	vle.f32 v41, $3.999999910e-02  }
0x6e: {  	[tilespmem:s8+$0x81C0] =	vst.msk vm3, v51  }
0x6f: {  	v52 =	vmpcnt.ones.xlane vm3;
	v53 =	vld [tilespmem:s20+$0x0]  }
0x70: {  	v54 =	vld [tilespmem:s9+$0x0]  }
0x71: {  	(v2sf) =	vpush v52, $0x0  }
0x72: {  	v55 =	vld [tilespmem:s16+$0x0];
	_ =	sdelay $0x2  }
0x73: {  	v42 =	vmul.f32 v53, v37;
	v43 =	vmul.f32 v54, v38;
	_ =	sdelay $0x1  }
0x74: {  	v41 =	vmul.f32 v55, v39;
	v42 =	vadd.f32 v43, v42;
	_ =	sdelay $0x1  }
0x75: {  	v41 =	vadd.f32 v41, v42  }
0x76: {  	v56 =	vld [tilespmem:s21+$0x0]  }
0x77: {  	v41 =	vadd.f32 v41, v41;
	_ =	sdelay $0x1  }
0x78: {  	v41 =	vsub.f32 v40, v41;
	_ =	sdelay $0x1  }
0x79: {  	v41 =	vadd.f32 v41, v56  }
0x7a: {  	s11 =	sadd.s32 $0x20, s15;
	s23 =	spop (v2sf)  }
0x7b: {  	v57 =	vor.u32 s11, v0;
	s8 =	sadd.s32 s8, s23;
	vm3 =	vle.f32 v41, $3.999999910e-02  }
0x7c: {  	[tilespmem:s8+$0x81C0] =	vst.msk vm3, v57  }
0x7d: {  	v41 =	vld [tilespmem:s20+$0x10]  }
0x7e: {  	v58 =	vld [tilespmem:s9+$0x10];
	_ =	sdelay $0x1  }
0x7f: {  	v59 =	vld [tilespmem:s16+$0x10];
	_ =	sdelay $0x2  }
0x80: {  	v41 =	vmul.f32 v41, v37;
	v42 =	vmul.f32 v58, v38;
	_ =	sdelay $0x1  }
0x81: {  	v60 =	vmul.f32 v59, v39;
	v41 =	vadd.f32 v42, v41;
	_ =	sdelay $0x1  }
0x82: {  	v41 =	vadd.f32 v60, v41  }
0x83: {  	v61 =	vld [tilespmem:s21+$0x10]  }
0x84: {  	v41 =	vadd.f32 v41, v41;
	_ =	sdelay $0x1  }
0x85: {  	v41 =	vsub.f32 v40, v41;
	_ =	sdelay $0x1  }
0x86: {  	v41 =	vadd.f32 v41, v61;
	_ =	sdelay $0x1  }
0x87: {  	v62 =	vmpcnt.ones.xlane vm3;
	vm3 =	vle.f32 v41, $3.999999910e-02  }
0x88: {  	v41 =	vmpcnt.ones.xlane vm3  }
0x89: {  	(v2sf) =	vpush v62, $0x0  }
0x8a: {  	(v2sf) =	vpush v41, $0x0;
	_ =	sdelay $0xd  }
0x8b: {  	s14 =	spop (v2sf)  }
0x8c: {  	s8 =	sadd.s32 s8, s14;
	s23 =	spop (v2sf)  }
0x8d: {  	p1 =	sgt.u32 s12, $0x1FBF;
	s17 =	sadd.s32 s8, s23  }
0x8e: {  	p2 =	slt.s32 @!p1 s17, $0x20  }
0x8f: {  	p1 =	por p1, !p2  }
.Ltmp0:
0x90: {  	_ = 	snop;
	(pc) =	sbr.rel @!p1 .LBB2_3-.Ltmp0, $4  }
0x91: {  	_ = 	snop  }
0x92: {  	s15 =	sadd.s32 $0x30, s15  }
0x93: {  	s12 =	sadd.s32 $0x40, s12;
	v63 =	vor.u32 s15, v0;
	s16 =	sadd.s32 $0x40, s16  }
0x94: {  	s21 =	sadd.s32 $0x40, s21;
	s20 =	sadd.s32 $0x40, s20;
	s9 =	sadd.s32 $0x40, s9;
	[tilespmem:s8+$0x81C0] =	vst.msk vm3, v63  }
0x95: {  	v37 =	vmov s17  }
0x96: {  	vm3 =	vlt.s32 v37, v1  }
0x97: {  	v38 =	vld.msk [tilespmem:s1+$0x0], $0xffff;
	_ =	sdelay $0x4  }
0x98: {  	[tilespmem:v0+s1+$0x0] =	vst.idx.msk vm3, v38  }
0x99: {  	vm3 =	vlt.s32 v37, v2;
	v39 =	vld [tilespmem:$0x81C0];
	_ =	sdelay $0x4  }
0x9a: {  	[tilespmem:$0x8240] =	vst v39  }
0x9b: {  	[tilespmem:v3+s1+$0x0] =	vst.idx.msk vm3, v38  }
0x9c: {  	v63 =	vld [tilespmem:$0x81D0];
	_ =	sdelay $0x1  }
.Ltmp1:
0x9d: {  	_ = 	snop;
	(pc) =	sbr.rel @p0 .LBB2_5-.Ltmp1, $3  }
0x9e: {  	_ =	sdelay $0x1  }
0x9f: {  	s8 =	simm.s32 $0x8240;
	[tilespmem:$0x8250] =	vst v63  }
0xa0: {  	[tilespmem:s22], [sflag:$0x1] =	stream.indirect.gather [hbm4b:s3+s0], $0x30, s8, s0, $0xb8;
	[tilespmem:$0x9AC0] =	vst v63  }
0xa1: {  	s16 =	sadd.s32 $0xFFFFFFFF, s19  }
0xa2: {  	v37 =	vmov s16  }
0xa3: {  	v37 =	vand.u32 $0x7FFFFFFF, v37  }
0xa4: {  	v37 =	vbroadcast v37, $0x0;
	_ =	sdelay $0x1  }
0xa5: {  	s8 =	simm.s32 $0x4  }
0xa6: {  	_ =	swait.ge [sflag:s8], $0x600  }
0xa7: {  	[sflag:s8] =	ssyncset.done $0x0  }
0xa8: {  	[sflag:s8] =	ssyncadd.s32 $0xFFFFFA00  }
0xa9: {  	v38 =	vld.idx.msk [tilespmem:v37+s29+$0x0], $0xffff  }
0xaa: {  	v39 =	vld.idx.msk [tilespmem:v37+s30+$0x0], $0xffff;
	_ =	sdelay $0x1  }
0xab: {  	v37 =	vld.idx.msk [tilespmem:v37+s31+$0x0], $0xffff;
	_ =	sdelay $0x2  }
0xac: {  	v40 =	vld.idx.msk [tilespmem:v0+s13+$0x0], $0xffff;
	v38 =	vnsel vm0, $0x0, v38;
	v39 =	vsel vm1, $0x0, v39  }
0xad: {  	v38 =	vadd.f32 v39, v38  }
0xae: {  	v37 =	vsel vm2, $0x0, v37  }
0xaf: {  	v37 =	vadd.f32 v37, v38;
	_ =	sdelay $0x1  }
0xb0: {  	v38 =	vsub.f32 v40, v37;
	_ =	sdelay $0x1  }
0xb1: {  	[tilespmem:v0+s13+$0x0] =	vst.idx.msk $0xffff, v38  }
0xb2: {  	v38 =	vld.idx.msk [tilespmem:v4+s13+$0x0], $0xffff;
	_ =	sdelay $0x4  }
0xb3: {  	v38 =	vsub.f32 v38, v37;
	_ =	sdelay $0x1  }
0xb4: {  	[tilespmem:v4+s13+$0x0] =	vst.idx.msk $0xffff, v38  }
0xb5: {  	v38 =	vld.idx.msk [tilespmem:v5+s13+$0x0], $0xffff;
	_ =	sdelay $0x4  }
0xb6: {  	v38 =	vsub.f32 v38, v37;
	_ =	sdelay $0x1  }
0xb7: {  	[tilespmem:v5+s13+$0x0] =	vst.idx.msk $0xffff, v38  }
0xb8: {  	v38 =	vld.idx.msk [tilespmem:v6+s13+$0x0], $0xffff;
	_ =	sdelay $0x4  }
0xb9: {  	v38 =	vsub.f32 v38, v37;
	_ =	sdelay $0x1  }
0xba: {  	[tilespmem:v6+s13+$0x0] =	vst.idx.msk $0xffff, v38  }
0xbb: {  	v38 =	vld.idx.msk [tilespmem:v7+s13+$0x0], $0xffff;
	_ =	sdelay $0x4  }
0xbc: {  	v38 =	vsub.f32 v38, v37;
	_ =	sdelay $0x1  }
0xbd: {  	[tilespmem:v7+s13+$0x0] =	vst.idx.msk $0xffff, v38  }
0xbe: {  	v38 =	vld.idx.msk [tilespmem:v8+s13+$0x0], $0xffff;
	_ =	sdelay $0x4  }
0xbf: {  	v38 =	vsub.f32 v38, v37;
	_ =	sdelay $0x1  }
0xc0: {  	[tilespmem:v8+s13+$0x0] =	vst.idx.msk $0xffff, v38  }
0xc1: {  	v38 =	vld.idx.msk [tilespmem:v9+s13+$0x0], $0xffff;
	_ =	sdelay $0x4  }
0xc2: {  	v38 =	vsub.f32 v38, v37;
	_ =	sdelay $0x1  }
0xc3: {  	[tilespmem:v9+s13+$0x0] =	vst.idx.msk $0xffff, v38  }
0xc4: {  	v38 =	vld.idx.msk [tilespmem:v10+s13+$0x0], $0xffff;
	_ =	sdelay $0x4  }
0xc5: {  	v38 =	vsub.f32 v38, v37;
	_ =	sdelay $0x1  }
0xc6: {  	[tilespmem:v10+s13+$0x0] =	vst.idx.msk $0xffff, v38  }
0xc7: {  	v38 =	vld.idx.msk [tilespmem:v11+s13+$0x0], $0xffff;
	_ =	sdelay $0x4  }
0xc8: {  	v38 =	vsub.f32 v38, v37;
	_ =	sdelay $0x1  }
0xc9: {  	[tilespmem:v11+s13+$0x0] =	vst.idx.msk $0xffff, v38  }
0xca: {  	v38 =	vld.idx.msk [tilespmem:v12+s13+$0x0], $0xffff;
	_ =	sdelay $0x4  }
0xcb: {  	v38 =	vsub.f32 v38, v37;
	_ =	sdelay $0x1  }
0xcc: {  	[tilespmem:v12+s13+$0x0] =	vst.idx.msk $0xffff, v38  }
0xcd: {  	v38 =	vld.idx.msk [tilespmem:v13+s13+$0x0], $0xffff;
	_ =	sdelay $0x4  }
0xce: {  	v38 =	vsub.f32 v38, v37;
	_ =	sdelay $0x1  }
0xcf: {  	[tilespmem:v13+s13+$0x0] =	vst.idx.msk $0xffff, v38  }
0xd0: {  	v38 =	vld.idx.msk [tilespmem:v14+s13+$0x0], $0xffff;
	_ =	sdelay $0x4  }
0xd1: {  	v38 =	vsub.f32 v38, v37;
	_ =	sdelay $0x1  }
0xd2: {  	[tilespmem:v14+s13+$0x0] =	vst.idx.msk $0xffff, v38  }
0xd3: {  	v38 =	vld.idx.msk [tilespmem:v15+s13+$0x0], $0xffff;
	_ =	sdelay $0x4  }
0xd4: {  	v38 =	vsub.f32 v38, v37;
	_ =	sdelay $0x1  }
0xd5: {  	[tilespmem:v15+s13+$0x0] =	vst.idx.msk $0xffff, v38  }
0xd6: {  	v38 =	vld.idx.msk [tilespmem:v16+s13+$0x0], $0xffff;
	_ =	sdelay $0x4  }
0xd7: {  	v38 =	vsub.f32 v38, v37;
	_ =	sdelay $0x1  }
0xd8: {  	[tilespmem:v16+s13+$0x0] =	vst.idx.msk $0xffff, v38  }
0xd9: {  	v38 =	vld.idx.msk [tilespmem:v17+s13+$0x0], $0xffff;
	_ =	sdelay $0x4  }
0xda: {  	v38 =	vsub.f32 v38, v37;
	_ =	sdelay $0x1  }
0xdb: {  	[tilespmem:v17+s13+$0x0] =	vst.idx.msk $0xffff, v38  }
0xdc: {  	v38 =	vld.idx.msk [tilespmem:v18+s13+$0x0], $0xffff;
	_ =	sdelay $0x4  }
0xdd: {  	v38 =	vsub.f32 v38, v37;
	_ =	sdelay $0x1  }
0xde: {  	[tilespmem:v18+s13+$0x0] =	vst.idx.msk $0xffff, v38  }
0xdf: {  	v38 =	vld.idx.msk [tilespmem:v19+s13+$0x0], $0xffff;
	_ =	sdelay $0x4  }
0xe0: {  	v38 =	vsub.f32 v38, v37;
	_ =	sdelay $0x1  }
0xe1: {  	[tilespmem:v19+s13+$0x0] =	vst.idx.msk $0xffff, v38  }
0xe2: {  	v38 =	vld.idx.msk [tilespmem:v20+s13+$0x0], $0xffff;
	_ =	sdelay $0x4  }
0xe3: {  	v38 =	vsub.f32 v38, v37;
	_ =	sdelay $0x1  }
0xe4: {  	[tilespmem:v20+s13+$0x0] =	vst.idx.msk $0xffff, v38  }
0xe5: {  	v38 =	vld.idx.msk [tilespmem:v21+s13+$0x0], $0xffff;
	_ =	sdelay $0x4  }
0xe6: {  	v38 =	vsub.f32 v38, v37;
	_ =	sdelay $0x1  }
0xe7: {  	[tilespmem:v21+s13+$0x0] =	vst.idx.msk $0xffff, v38  }
0xe8: {  	v38 =	vld.idx.msk [tilespmem:v22+s13+$0x0], $0xffff;
	_ =	sdelay $0x4  }
0xe9: {  	v38 =	vsub.f32 v38, v37;
	_ =	sdelay $0x1  }
0xea: {  	[tilespmem:v22+s13+$0x0] =	vst.idx.msk $0xffff, v38  }
0xeb: {  	v38 =	vld.idx.msk [tilespmem:v23+s13+$0x0], $0xffff;
	_ =	sdelay $0x4  }
0xec: {  	v38 =	vsub.f32 v38, v37;
	_ =	sdelay $0x1  }
0xed: {  	[tilespmem:v23+s13+$0x0] =	vst.idx.msk $0xffff, v38  }
0xee: {  	v38 =	vld.idx.msk [tilespmem:v24+s13+$0x0], $0xffff;
	_ =	sdelay $0x4  }
0xef: {  	v38 =	vsub.f32 v38, v37;
	_ =	sdelay $0x1  }
0xf0: {  	[tilespmem:v24+s13+$0x0] =	vst.idx.msk $0xffff, v38  }
0xf1: {  	v38 =	vld.idx.msk [tilespmem:v25+s13+$0x0], $0xffff;
	_ =	sdelay $0x4  }
0xf2: {  	v38 =	vsub.f32 v38, v37;
	_ =	sdelay $0x1  }
0xf3: {  	[tilespmem:v25+s13+$0x0] =	vst.idx.msk $0xffff, v38  }
0xf4: {  	v38 =	vld.idx.msk [tilespmem:v26+s13+$0x0], $0xffff;
	_ =	sdelay $0x4  }
0xf5: {  	v38 =	vsub.f32 v38, v37;
	_ =	sdelay $0x1  }
0xf6: {  	[tilespmem:v26+s13+$0x0] =	vst.idx.msk $0xffff, v38  }
0xf7: {  	v38 =	vld.idx.msk [tilespmem:v27+s13+$0x0], $0xffff;
	_ =	sdelay $0x4  }
0xf8: {  	v38 =	vsub.f32 v38, v37;
	_ =	sdelay $0x1  }
0xf9: {  	[tilespmem:v27+s13+$0x0] =	vst.idx.msk $0xffff, v38  }
0xfa: {  	v38 =	vld.idx.msk [tilespmem:v28+s13+$0x0], $0xffff;
	_ =	sdelay $0x4  }
0xfb: {  	v38 =	vsub.f32 v38, v37;
	_ =	sdelay $0x1  }
0xfc: {  	[tilespmem:v28+s13+$0x0] =	vst.idx.msk $0xffff, v38  }
0xfd: {  	v38 =	vld.idx.msk [tilespmem:v29+s13+$0x0], $0xffff;
	_ =	sdelay $0x4  }
0xfe: {  	v38 =	vsub.f32 v38, v37;
	_ =	sdelay $0x1  }
0xff: {  	[tilespmem:v29+s13+$0x0] =	vst.idx.msk $0xffff, v38  }
0x100: {  	v38 =	vld.idx.msk [tilespmem:v30+s13+$0x0], $0xffff;
	_ =	sdelay $0x4  }
0x101: {  	v38 =	vsub.f32 v38, v37;
	_ =	sdelay $0x1  }
0x102: {  	[tilespmem:v30+s13+$0x0] =	vst.idx.msk $0xffff, v38  }
0x103: {  	v38 =	vld.idx.msk [tilespmem:v31+s13+$0x0], $0xffff;
	_ =	sdelay $0x4  }
0x104: {  	v38 =	vsub.f32 v38, v37;
	_ =	sdelay $0x1  }
0x105: {  	[tilespmem:v31+s13+$0x0] =	vst.idx.msk $0xffff, v38  }
0x106: {  	v38 =	vld.idx.msk [tilespmem:v32+s13+$0x0], $0xffff;
	_ =	sdelay $0x4  }
0x107: {  	v38 =	vsub.f32 v38, v37;
	_ =	sdelay $0x1  }
0x108: {  	[tilespmem:v32+s13+$0x0] =	vst.idx.msk $0xffff, v38  }
0x109: {  	v38 =	vld.idx.msk [tilespmem:v33+s13+$0x0], $0xffff;
	_ =	sdelay $0x4  }
0x10a: {  	v38 =	vsub.f32 v38, v37;
	_ =	sdelay $0x1  }
0x10b: {  	[tilespmem:v33+s13+$0x0] =	vst.idx.msk $0xffff, v38  }
0x10c: {  	v38 =	vld.idx.msk [tilespmem:v34+s13+$0x0], $0xffff;
	_ =	sdelay $0x1  }
0x10d: {  	s21 =	sshll.u32 s16, $0x3  }
0x10e: {  	s8 =	sadd.s32 s21, s7  }
0x10f: {  	s8 =	smul.u32 $0x600, s8  }
0x110: {  	v37 =	vsub.f32 v38, v37  }
0x111: {  	s8 =	sshrl.u32 s8, $0x3  }
.Ltmp2:
0x112: {  	s23 =	simm.s32 $0x6;
	s8 =	sadd.s32 s4, s8;
	[tilespmem:v34+s13+$0x0] =	vst.idx.msk $0xffff, v37;
	(pc) =	sbr.rel .LBB2_7-.Ltmp2, $4  }
0x113: {  	[hbm4b:s8+s2] =	stream.linear.scatter [tilespmem:s13], [sflag:$0x8], $0x600, $0x38;
	[tilespmem:$0x9AC0] =	vst v63  }
0x114: {  	_ =	swait.ge [sflag:s23], $0x600  }
0x115: {  	[sflag:s23] =	ssyncset.done $0x0  }
0x116: {  	s21 =	sor.u32 $0x1, s19;
	[sflag:s23] =	ssyncadd.s32 $0xFFFFFA00  }
.LBB2_5:
0x117: {  	s21 =	simm.s32 $0x1  }
.LBB2_7:
0x118: {  	v37 =	vmov s21  }
0x119: {  	v37 =	vand.u32 $0xFFFFFFFD, v37  }
0x11a: {  	v37 =	vbroadcast v37, $0x0;
	_ =	sdelay $0x5  }
0x11b: {  	v38 =	vld.idx.msk [tilespmem:v37+s24+$0x0], $0xffff  }
0x11c: {  	v39 =	vld.idx.msk [tilespmem:v37+s25+$0x0], $0xffff  }
0x11d: {  	s12 =	simm.s32 $0x0;
	s16 =	simm.s32 $0x4020;
	s23 =	simm.s32 $0x6020;
	v40 =	vld.idx.msk [tilespmem:v37+s26+$0x0], $0xffff  }
0x11e: {  	s20 =	simm.s32 $0x20;
	s9 =	simm.s32 $0x2020;
	s17 =	simm.s32 $0x0;
	v41 =	vld.idx.msk [tilespmem:v37+s28+$0x0], $0xffff  }
.LBB2_8:
0x11f: {  	v42 =	vld [tilespmem:s20+$0xFFFFFFE0]  }
0x120: {  	v43 =	vld [tilespmem:s9+$0xFFFFFFE0];
	_ =	sdelay $0x1  }
0x121: {  	v44 =	vld [tilespmem:s16+$0xFFFFFFE0];
	_ =	sdelay $0x2  }
0x122: {  	v42 =	vmul.f32 v42, v38;
	v43 =	vmul.f32 v43, v39;
	_ =	sdelay $0x1  }
0x123: {  	v59 =	vmul.f32 v44, v40;
	v42 =	vadd.f32 v43, v42;
	_ =	sdelay $0x1  }
0x124: {  	v42 =	vadd.f32 v59, v42  }
0x125: {  	v60 =	vld [tilespmem:s23+$0xFFFFFFE0]  }
0x126: {  	v42 =	vadd.f32 v42, v42;
	_ =	sdelay $0x1  }
0x127: {  	v42 =	vsub.f32 v41, v42;
	_ =	sdelay $0x1  }
0x128: {  	v42 =	vadd.f32 v42, v60  }
0x129: {  	s15 =	sadd.s32 s12, s5  }
0x12a: {  	v61 =	vor.u32 s15, v0;
	vm3 =	vle.f32 v42, $3.999999910e-02  }
0x12b: {  	[tilespmem:s17+$0x81C0] =	vst.msk vm3, v61  }
0x12c: {  	v62 =	vmpcnt.ones.xlane vm3;
	v63 =	vld [tilespmem:s20+$0xFFFFFFF0]  }
0x12d: {  	v48 =	vld [tilespmem:s9+$0xFFFFFFF0]  }
0x12e: {  	(v2sf) =	vpush v62, $0x0  }
0x12f: {  	v49 =	vld [tilespmem:s16+$0xFFFFFFF0];
	_ =	sdelay $0x2  }
0x130: {  	v43 =	vmul.f32 v63, v38;
	v44 =	vmul.f32 v48, v39;
	_ =	sdelay $0x1  }
0x131: {  	v42 =	vmul.f32 v49, v40;
	v43 =	vadd.f32 v44, v43;
	_ =	sdelay $0x1  }
0x132: {  	v42 =	vadd.f32 v42, v43  }
0x133: {  	v50 =	vld [tilespmem:s23+$0xFFFFFFF0]  }
0x134: {  	v42 =	vadd.f32 v42, v42;
	_ =	sdelay $0x1  }
0x135: {  	v42 =	vsub.f32 v41, v42;
	_ =	sdelay $0x1  }
0x136: {  	v42 =	vadd.f32 v42, v50  }
0x137: {  	s11 =	sadd.s32 $0x10, s15;
	s8 =	spop (v2sf)  }
0x138: {  	v51 =	vor.u32 s11, v0;
	s8 =	sadd.s32 s17, s8;
	vm3 =	vle.f32 v42, $3.999999910e-02  }
0x139: {  	[tilespmem:s8+$0x81C0] =	vst.msk vm3, v51  }
0x13a: {  	v52 =	vmpcnt.ones.xlane vm3;
	v53 =	vld [tilespmem:s20+$0x0]  }
0x13b: {  	v54 =	vld [tilespmem:s9+$0x0]  }
0x13c: {  	(v2sf) =	vpush v52, $0x0  }
0x13d: {  	v55 =	vld [tilespmem:s16+$0x0];
	_ =	sdelay $0x2  }
0x13e: {  	v43 =	vmul.f32 v53, v38;
	v44 =	vmul.f32 v54, v39;
	_ =	sdelay $0x1  }
0x13f: {  	v42 =	vmul.f32 v55, v40;
	v43 =	vadd.f32 v44, v43;
	_ =	sdelay $0x1  }
0x140: {  	v42 =	vadd.f32 v42, v43  }
0x141: {  	v56 =	vld [tilespmem:s23+$0x0]  }
0x142: {  	v42 =	vadd.f32 v42, v42;
	_ =	sdelay $0x1  }
0x143: {  	v42 =	vsub.f32 v41, v42;
	_ =	sdelay $0x1  }
0x144: {  	v42 =	vadd.f32 v42, v56  }
0x145: {  	s14 =	sadd.s32 $0x20, s15;
	s17 =	spop (v2sf)  }
0x146: {  	v57 =	vor.u32 s14, v0;
	s8 =	sadd.s32 s8, s17;
	vm3 =	vle.f32 v42, $3.999999910e-02  }
0x147: {  	[tilespmem:s8+$0x81C0] =	vst.msk vm3, v57  }
0x148: {  	v42 =	vld [tilespmem:s20+$0x10]  }
0x149: {  	v58 =	vld [tilespmem:s9+$0x10];
	_ =	sdelay $0x1  }
0x14a: {  	v59 =	vld [tilespmem:s16+$0x10];
	_ =	sdelay $0x2  }
0x14b: {  	v42 =	vmul.f32 v42, v38;
	v43 =	vmul.f32 v58, v39;
	_ =	sdelay $0x1  }
0x14c: {  	v60 =	vmul.f32 v59, v40;
	v42 =	vadd.f32 v43, v42;
	_ =	sdelay $0x1  }
0x14d: {  	v42 =	vadd.f32 v60, v42  }
0x14e: {  	v61 =	vld [tilespmem:s23+$0x10]  }
0x14f: {  	v42 =	vadd.f32 v42, v42;
	_ =	sdelay $0x1  }
0x150: {  	v42 =	vsub.f32 v41, v42;
	_ =	sdelay $0x1  }
0x151: {  	v42 =	vadd.f32 v42, v61;
	_ =	sdelay $0x1  }
0x152: {  	v62 =	vmpcnt.ones.xlane vm3;
	vm3 =	vle.f32 v42, $3.999999910e-02  }
0x153: {  	v42 =	vmpcnt.ones.xlane vm3  }
0x154: {  	(v2sf) =	vpush v62, $0x0  }
0x155: {  	(v2sf) =	vpush v42, $0x0;
	_ =	sdelay $0xd  }
0x156: {  	s17 =	spop (v2sf)  }
0x157: {  	s8 =	sadd.s32 s8, s17;
	s14 =	spop (v2sf)  }
0x158: {  	p1 =	sgt.u32 s12, $0x1FBF;
	s17 =	sadd.s32 s8, s14  }
0x159: {  	p2 =	slt.s32 @!p1 s17, $0x20  }
0x15a: {  	p1 =	por p1, !p2  }
.Ltmp3:
0x15b: {  	_ = 	snop;
	(pc) =	sbr.rel @!p1 .LBB2_8-.Ltmp3, $4  }
0x15c: {  	_ = 	snop  }
0x15d: {  	s15 =	sadd.s32 $0x30, s15  }
0x15e: {  	s12 =	sadd.s32 $0x40, s12;
	v63 =	vor.u32 s15, v0;
	s16 =	sadd.s32 $0x40, s16  }
0x15f: {  	s23 =	sadd.s32 $0x40, s23;
	s20 =	sadd.s32 $0x40, s20;
	s9 =	sadd.s32 $0x40, s9;
	[tilespmem:s8+$0x81C0] =	vst.msk vm3, v63  }
0x160: {  	v38 =	vmov s17  }
0x161: {  	vm3 =	vlt.s32 v38, v1  }
0x162: {  	v39 =	vld.msk [tilespmem:s1+$0x0], $0xffff;
	_ =	sdelay $0x4  }
0x163: {  	[tilespmem:v0+s1+$0x0] =	vst.idx.msk vm3, v39  }
0x164: {  	vm3 =	vlt.s32 v38, v2;
	v40 =	vld [tilespmem:$0x81C0];
	_ =	sdelay $0x4  }
0x165: {  	[tilespmem:$0x8260] =	vst v40  }
0x166: {  	[tilespmem:v3+s1+$0x0] =	vst.idx.msk vm3, v39  }
0x167: {  	v58 =	vld [tilespmem:$0x81D0];
	_ =	sdelay $0x4  }
0x168: {  	s8 =	simm.s32 $0x8260;
	s20 =	simm.s32 $0x1;
	[tilespmem:$0x8270] =	vst v58  }
0x169: {  	[tilespmem:s6], [sflag:$0x2] =	stream.indirect.gather [hbm4b:s3+s0], $0x30, s8, s0, $0xb8;
	[tilespmem:$0x9AC0] =	vst v63  }
0x16a: {  	_ =	swait.ge [sflag:s20], $0x600  }
0x16b: {  	[sflag:s20] =	ssyncset.done $0x0  }
0x16c: {  	[sflag:s20] =	ssyncadd.s32 $0xFFFFFA00  }
0x16d: {  	v59 =	vld.idx.msk [tilespmem:v36+s29+$0x0], $0xffff  }
0x16e: {  	v60 =	vld.idx.msk [tilespmem:v36+s30+$0x0], $0xffff;
	_ =	sdelay $0x1  }
0x16f: {  	v61 =	vld.idx.msk [tilespmem:v36+s31+$0x0], $0xffff;
	_ =	sdelay $0x2  }
0x170: {  	v62 =	vld.idx.msk [tilespmem:v0+s22+$0x0], $0xffff;
	v38 =	vnsel vm0, $0x0, v59;
	v39 =	vsel vm1, $0x0, v60  }
0x171: {  	v38 =	vadd.f32 v39, v38  }
0x172: {  	v36 =	vsel vm2, $0x0, v61  }
0x173: {  	v36 =	vadd.f32 v36, v38;
	_ =	sdelay $0x1  }
0x174: {  	v38 =	vsub.f32 v62, v36;
	_ =	sdelay $0x1  }
0x175: {  	[tilespmem:v0+s22+$0x0] =	vst.idx.msk $0xffff, v38  }
0x176: {  	v38 =	vld.idx.msk [tilespmem:v4+s22+$0x0], $0xffff;
	_ =	sdelay $0x4  }
0x177: {  	v38 =	vsub.f32 v38, v36;
	_ =	sdelay $0x1  }
0x178: {  	[tilespmem:v4+s22+$0x0] =	vst.idx.msk $0xffff, v38  }
0x179: {  	v38 =	vld.idx.msk [tilespmem:v5+s22+$0x0], $0xffff;
	_ =	sdelay $0x4  }
0x17a: {  	v38 =	vsub.f32 v38, v36;
	_ =	sdelay $0x1  }
0x17b: {  	[tilespmem:v5+s22+$0x0] =	vst.idx.msk $0xffff, v38  }
0x17c: {  	v38 =	vld.idx.msk [tilespmem:v6+s22+$0x0], $0xffff;
	_ =	sdelay $0x4  }
0x17d: {  	v38 =	vsub.f32 v38, v36;
	_ =	sdelay $0x1  }
0x17e: {  	[tilespmem:v6+s22+$0x0] =	vst.idx.msk $0xffff, v38  }
0x17f: {  	v38 =	vld.idx.msk [tilespmem:v7+s22+$0x0], $0xffff;
	_ =	sdelay $0x4  }
0x180: {  	v38 =	vsub.f32 v38, v36;
	_ =	sdelay $0x1  }
0x181: {  	[tilespmem:v7+s22+$0x0] =	vst.idx.msk $0xffff, v38  }
0x182: {  	v38 =	vld.idx.msk [tilespmem:v8+s22+$0x0], $0xffff;
	_ =	sdelay $0x4  }
0x183: {  	v38 =	vsub.f32 v38, v36;
	_ =	sdelay $0x1  }
0x184: {  	[tilespmem:v8+s22+$0x0] =	vst.idx.msk $0xffff, v38  }
0x185: {  	v38 =	vld.idx.msk [tilespmem:v9+s22+$0x0], $0xffff;
	_ =	sdelay $0x4  }
0x186: {  	v38 =	vsub.f32 v38, v36;
	_ =	sdelay $0x1  }
0x187: {  	[tilespmem:v9+s22+$0x0] =	vst.idx.msk $0xffff, v38  }
0x188: {  	v38 =	vld.idx.msk [tilespmem:v10+s22+$0x0], $0xffff;
	_ =	sdelay $0x4  }
0x189: {  	v38 =	vsub.f32 v38, v36;
	_ =	sdelay $0x1  }
0x18a: {  	[tilespmem:v10+s22+$0x0] =	vst.idx.msk $0xffff, v38  }
0x18b: {  	v38 =	vld.idx.msk [tilespmem:v11+s22+$0x0], $0xffff;
	_ =	sdelay $0x4  }
0x18c: {  	v38 =	vsub.f32 v38, v36;
	_ =	sdelay $0x1  }
0x18d: {  	[tilespmem:v11+s22+$0x0] =	vst.idx.msk $0xffff, v38  }
0x18e: {  	v38 =	vld.idx.msk [tilespmem:v12+s22+$0x0], $0xffff;
	_ =	sdelay $0x4  }
0x18f: {  	v38 =	vsub.f32 v38, v36;
	_ =	sdelay $0x1  }
0x190: {  	[tilespmem:v12+s22+$0x0] =	vst.idx.msk $0xffff, v38  }
0x191: {  	v38 =	vld.idx.msk [tilespmem:v13+s22+$0x0], $0xffff;
	_ =	sdelay $0x4  }
0x192: {  	v38 =	vsub.f32 v38, v36;
	_ =	sdelay $0x1  }
0x193: {  	[tilespmem:v13+s22+$0x0] =	vst.idx.msk $0xffff, v38  }
0x194: {  	v38 =	vld.idx.msk [tilespmem:v14+s22+$0x0], $0xffff;
	_ =	sdelay $0x4  }
0x195: {  	v38 =	vsub.f32 v38, v36;
	_ =	sdelay $0x1  }
0x196: {  	[tilespmem:v14+s22+$0x0] =	vst.idx.msk $0xffff, v38  }
0x197: {  	v38 =	vld.idx.msk [tilespmem:v15+s22+$0x0], $0xffff;
	_ =	sdelay $0x4  }
0x198: {  	v38 =	vsub.f32 v38, v36;
	_ =	sdelay $0x1  }
0x199: {  	[tilespmem:v15+s22+$0x0] =	vst.idx.msk $0xffff, v38  }
0x19a: {  	v38 =	vld.idx.msk [tilespmem:v16+s22+$0x0], $0xffff;
	_ =	sdelay $0x4  }
0x19b: {  	v38 =	vsub.f32 v38, v36;
	_ =	sdelay $0x1  }
0x19c: {  	[tilespmem:v16+s22+$0x0] =	vst.idx.msk $0xffff, v38  }
0x19d: {  	v38 =	vld.idx.msk [tilespmem:v17+s22+$0x0], $0xffff;
	_ =	sdelay $0x4  }
0x19e: {  	v38 =	vsub.f32 v38, v36;
	_ =	sdelay $0x1  }
0x19f: {  	[tilespmem:v17+s22+$0x0] =	vst.idx.msk $0xffff, v38  }
0x1a0: {  	v38 =	vld.idx.msk [tilespmem:v18+s22+$0x0], $0xffff;
	_ =	sdelay $0x4  }
0x1a1: {  	v38 =	vsub.f32 v38, v36;
	_ =	sdelay $0x1  }
0x1a2: {  	[tilespmem:v18+s22+$0x0] =	vst.idx.msk $0xffff, v38  }
0x1a3: {  	v38 =	vld.idx.msk [tilespmem:v19+s22+$0x0], $0xffff;
	_ =	sdelay $0x4  }
0x1a4: {  	v38 =	vsub.f32 v38, v36;
	_ =	sdelay $0x1  }
0x1a5: {  	[tilespmem:v19+s22+$0x0] =	vst.idx.msk $0xffff, v38  }
0x1a6: {  	v38 =	vld.idx.msk [tilespmem:v20+s22+$0x0], $0xffff;
	_ =	sdelay $0x4  }
0x1a7: {  	v38 =	vsub.f32 v38, v36;
	_ =	sdelay $0x1  }
0x1a8: {  	[tilespmem:v20+s22+$0x0] =	vst.idx.msk $0xffff, v38  }
0x1a9: {  	v38 =	vld.idx.msk [tilespmem:v21+s22+$0x0], $0xffff;
	_ =	sdelay $0x4  }
0x1aa: {  	v38 =	vsub.f32 v38, v36;
	_ =	sdelay $0x1  }
0x1ab: {  	[tilespmem:v21+s22+$0x0] =	vst.idx.msk $0xffff, v38  }
0x1ac: {  	v38 =	vld.idx.msk [tilespmem:v22+s22+$0x0], $0xffff;
	_ =	sdelay $0x4  }
0x1ad: {  	v38 =	vsub.f32 v38, v36;
	_ =	sdelay $0x1  }
0x1ae: {  	[tilespmem:v22+s22+$0x0] =	vst.idx.msk $0xffff, v38  }
0x1af: {  	v38 =	vld.idx.msk [tilespmem:v23+s22+$0x0], $0xffff;
	_ =	sdelay $0x4  }
0x1b0: {  	v38 =	vsub.f32 v38, v36;
	_ =	sdelay $0x1  }
0x1b1: {  	[tilespmem:v23+s22+$0x0] =	vst.idx.msk $0xffff, v38  }
0x1b2: {  	v38 =	vld.idx.msk [tilespmem:v24+s22+$0x0], $0xffff;
	_ =	sdelay $0x4  }
0x1b3: {  	v38 =	vsub.f32 v38, v36;
	_ =	sdelay $0x1  }
0x1b4: {  	[tilespmem:v24+s22+$0x0] =	vst.idx.msk $0xffff, v38  }
0x1b5: {  	v38 =	vld.idx.msk [tilespmem:v25+s22+$0x0], $0xffff;
	_ =	sdelay $0x4  }
0x1b6: {  	v38 =	vsub.f32 v38, v36;
	_ =	sdelay $0x1  }
0x1b7: {  	[tilespmem:v25+s22+$0x0] =	vst.idx.msk $0xffff, v38  }
0x1b8: {  	v38 =	vld.idx.msk [tilespmem:v26+s22+$0x0], $0xffff;
	_ =	sdelay $0x4  }
0x1b9: {  	v38 =	vsub.f32 v38, v36;
	_ =	sdelay $0x1  }
0x1ba: {  	[tilespmem:v26+s22+$0x0] =	vst.idx.msk $0xffff, v38  }
0x1bb: {  	v38 =	vld.idx.msk [tilespmem:v27+s22+$0x0], $0xffff;
	_ =	sdelay $0x4  }
0x1bc: {  	v38 =	vsub.f32 v38, v36;
	_ =	sdelay $0x1  }
0x1bd: {  	[tilespmem:v27+s22+$0x0] =	vst.idx.msk $0xffff, v38  }
0x1be: {  	v38 =	vld.idx.msk [tilespmem:v28+s22+$0x0], $0xffff;
	_ =	sdelay $0x4  }
0x1bf: {  	v38 =	vsub.f32 v38, v36;
	_ =	sdelay $0x1  }
0x1c0: {  	[tilespmem:v28+s22+$0x0] =	vst.idx.msk $0xffff, v38  }
0x1c1: {  	v38 =	vld.idx.msk [tilespmem:v29+s22+$0x0], $0xffff;
	_ =	sdelay $0x4  }
0x1c2: {  	v38 =	vsub.f32 v38, v36;
	_ =	sdelay $0x1  }
0x1c3: {  	[tilespmem:v29+s22+$0x0] =	vst.idx.msk $0xffff, v38  }
0x1c4: {  	v38 =	vld.idx.msk [tilespmem:v30+s22+$0x0], $0xffff;
	_ =	sdelay $0x4  }
0x1c5: {  	v38 =	vsub.f32 v38, v36;
	_ =	sdelay $0x1  }
0x1c6: {  	[tilespmem:v30+s22+$0x0] =	vst.idx.msk $0xffff, v38  }
0x1c7: {  	v38 =	vld.idx.msk [tilespmem:v31+s22+$0x0], $0xffff;
	_ =	sdelay $0x4  }
0x1c8: {  	v38 =	vsub.f32 v38, v36;
	_ =	sdelay $0x1  }
0x1c9: {  	[tilespmem:v31+s22+$0x0] =	vst.idx.msk $0xffff, v38  }
0x1ca: {  	v38 =	vld.idx.msk [tilespmem:v32+s22+$0x0], $0xffff;
	_ =	sdelay $0x4  }
0x1cb: {  	v38 =	vsub.f32 v38, v36;
	_ =	sdelay $0x1  }
0x1cc: {  	[tilespmem:v32+s22+$0x0] =	vst.idx.msk $0xffff, v38  }
0x1cd: {  	v38 =	vld.idx.msk [tilespmem:v33+s22+$0x0], $0xffff;
	_ =	sdelay $0x4  }
0x1ce: {  	v38 =	vsub.f32 v38, v36;
	_ =	sdelay $0x1  }
0x1cf: {  	[tilespmem:v33+s22+$0x0] =	vst.idx.msk $0xffff, v38  }
0x1d0: {  	v38 =	vld.idx.msk [tilespmem:v34+s22+$0x0], $0xffff;
	_ =	sdelay $0x2  }
0x1d1: {  	s23 =	sshll.u32 s18, $0x5  }
0x1d2: {  	s16 =	sor.u32 $0x2, s19;
	s8 =	sadd.s32 s7, s23  }
0x1d3: {  	v63 =	vmov s16;
	s8 =	smul.u32 $0xC0, s8;
	v36 =	vsub.f32 v38, v36  }
0x1d4: {  	v38 =	vand.u32 $0xFFFFFFFE, v63  }
0x1d5: {  	s8 =	sadd.s32 s4, s8;
	[tilespmem:v34+s22+$0x0] =	vst.idx.msk $0xffff, v36;
	v36 =	vbroadcast v38, $0x0  }
0x1d6: {  	[hbm4b:s8+s2] =	stream.linear.scatter [tilespmem:s22], [sflag:$0x5], $0x600, $0x38;
	[tilespmem:$0x9AC0] =	vst v63  }
0x1d7: {  	s8 =	simm.s32 @!p0 $0x7  }
0x1d8: {  	_ =	swait.ge @!p0 [sflag:s8], $0x600  }
0x1d9: {  	[sflag:s8] =	ssyncset.done @!p0 $0x0  }
0x1da: {  	[sflag:s8] =	ssyncadd.s32 @!p0 $0xFFFFFA00  }
0x1db: {  	v38 =	vld.idx.msk [tilespmem:v36+s24+$0x0], $0xffff  }
0x1dc: {  	v39 =	vld.idx.msk [tilespmem:v36+s25+$0x0], $0xffff  }
0x1dd: {  	s15 =	simm.s32 $0x0;
	s9 =	simm.s32 $0x20;
	s12 =	simm.s32 $0x2020;
	v40 =	vld.idx.msk [tilespmem:v36+s26+$0x0], $0xffff  }
0x1de: {  	s23 =	simm.s32 $0x4020;
	s20 =	simm.s32 $0x6020;
	s8 =	simm.s32 $0x0;
	v41 =	vld.idx.msk [tilespmem:v36+s28+$0x0], $0xffff  }
.LBB2_10:
0x1df: {  	v42 =	vld [tilespmem:s9+$0xFFFFFFE0]  }
0x1e0: {  	v43 =	vld [tilespmem:s12+$0xFFFFFFE0];
	_ =	sdelay $0x1  }
0x1e1: {  	v44 =	vld [tilespmem:s23+$0xFFFFFFE0];
	_ =	sdelay $0x2  }
0x1e2: {  	v42 =	vmul.f32 v42, v38;
	v43 =	vmul.f32 v43, v39;
	_ =	sdelay $0x1  }
0x1e3: {  	v59 =	vmul.f32 v44, v40;
	v42 =	vadd.f32 v43, v42;
	_ =	sdelay $0x1  }
0x1e4: {  	v42 =	vadd.f32 v59, v42  }
0x1e5: {  	v60 =	vld [tilespmem:s20+$0xFFFFFFE0]  }
0x1e6: {  	v42 =	vadd.f32 v42, v42;
	_ =	sdelay $0x1  }
0x1e7: {  	v42 =	vsub.f32 v41, v42;
	_ =	sdelay $0x1  }
0x1e8: {  	v42 =	vadd.f32 v42, v60  }
0x1e9: {  	s17 =	sadd.s32 s15, s5  }
0x1ea: {  	v61 =	vor.u32 s17, v0;
	vm3 =	vle.f32 v42, $3.999999910e-02  }
0x1eb: {  	[tilespmem:s8+$0x81C0] =	vst.msk vm3, v61  }
0x1ec: {  	v62 =	vmpcnt.ones.xlane vm3;
	v63 =	vld [tilespmem:s9+$0xFFFFFFF0]  }
0x1ed: {  	v48 =	vld [tilespmem:s12+$0xFFFFFFF0]  }
0x1ee: {  	(v2sf) =	vpush v62, $0x0  }
0x1ef: {  	v49 =	vld [tilespmem:s23+$0xFFFFFFF0];
	_ =	sdelay $0x2  }
0x1f0: {  	v43 =	vmul.f32 v63, v38;
	v44 =	vmul.f32 v48, v39;
	_ =	sdelay $0x1  }
0x1f1: {  	v42 =	vmul.f32 v49, v40;
	v43 =	vadd.f32 v44, v43;
	_ =	sdelay $0x1  }
0x1f2: {  	v42 =	vadd.f32 v42, v43  }
0x1f3: {  	v50 =	vld [tilespmem:s20+$0xFFFFFFF0]  }
0x1f4: {  	v42 =	vadd.f32 v42, v42;
	_ =	sdelay $0x1  }
0x1f5: {  	v42 =	vsub.f32 v41, v42;
	_ =	sdelay $0x1  }
0x1f6: {  	v42 =	vadd.f32 v42, v50  }
0x1f7: {  	s14 =	sadd.s32 $0x10, s17;
	s11 =	spop (v2sf)  }
0x1f8: {  	v51 =	vor.u32 s14, v0;
	s8 =	sadd.s32 s8, s11;
	vm3 =	vle.f32 v42, $3.999999910e-02  }
0x1f9: {  	[tilespmem:s8+$0x81C0] =	vst.msk vm3, v51  }
0x1fa: {  	v52 =	vmpcnt.ones.xlane vm3;
	v53 =	vld [tilespmem:s9+$0x0]  }
0x1fb: {  	v54 =	vld [tilespmem:s12+$0x0]  }
0x1fc: {  	(v2sf) =	vpush v52, $0x0  }
0x1fd: {  	v55 =	vld [tilespmem:s23+$0x0];
	_ =	sdelay $0x2  }
0x1fe: {  	v43 =	vmul.f32 v53, v38;
	v44 =	vmul.f32 v54, v39;
	_ =	sdelay $0x1  }
0x1ff: {  	v42 =	vmul.f32 v55, v40;
	v43 =	vadd.f32 v44, v43;
	_ =	sdelay $0x1  }
0x200: {  	v42 =	vadd.f32 v42, v43  }
0x201: {  	v56 =	vld [tilespmem:s20+$0x0]  }
0x202: {  	v42 =	vadd.f32 v42, v42;
	_ =	sdelay $0x1  }
0x203: {  	v42 =	vsub.f32 v41, v42;
	_ =	sdelay $0x1  }
0x204: {  	v42 =	vadd.f32 v42, v56  }
0x205: {  	s14 =	sadd.s32 $0x20, s17;
	s11 =	spop (v2sf)  }
0x206: {  	v57 =	vor.u32 s14, v0;
	s8 =	sadd.s32 s8, s11;
	vm3 =	vle.f32 v42, $3.999999910e-02  }
0x207: {  	[tilespmem:s8+$0x81C0] =	vst.msk vm3, v57  }
0x208: {  	v42 =	vld [tilespmem:s9+$0x10]  }
0x209: {  	v58 =	vld [tilespmem:s12+$0x10];
	_ =	sdelay $0x1  }
0x20a: {  	v59 =	vld [tilespmem:s23+$0x10];
	_ =	sdelay $0x2  }
0x20b: {  	v42 =	vmul.f32 v42, v38;
	v43 =	vmul.f32 v58, v39;
	_ =	sdelay $0x1  }
0x20c: {  	v60 =	vmul.f32 v59, v40;
	v42 =	vadd.f32 v43, v42;
	_ =	sdelay $0x1  }
0x20d: {  	v42 =	vadd.f32 v60, v42  }
0x20e: {  	v61 =	vld [tilespmem:s20+$0x10]  }
0x20f: {  	v42 =	vadd.f32 v42, v42;
	_ =	sdelay $0x1  }
0x210: {  	v42 =	vsub.f32 v41, v42;
	_ =	sdelay $0x1  }
0x211: {  	v42 =	vadd.f32 v42, v61;
	_ =	sdelay $0x1  }
0x212: {  	v62 =	vmpcnt.ones.xlane vm3;
	vm3 =	vle.f32 v42, $3.999999910e-02  }
0x213: {  	v42 =	vmpcnt.ones.xlane vm3  }
0x214: {  	(v2sf) =	vpush v62, $0x0  }
0x215: {  	(v2sf) =	vpush v42, $0x0;
	_ =	sdelay $0xd  }
0x216: {  	s14 =	spop (v2sf)  }
0x217: {  	s11 =	sadd.s32 s8, s14;
	s14 =	spop (v2sf)  }
0x218: {  	p1 =	sgt.u32 s15, $0x1FBF;
	s8 =	sadd.s32 s11, s14  }
0x219: {  	p2 =	slt.s32 @!p1 s8, $0x20  }
0x21a: {  	p1 =	por p1, !p2  }
.Ltmp4:
0x21b: {  	_ = 	snop;
	(pc) =	sbr.rel @!p1 .LBB2_10-.Ltmp4, $4  }
0x21c: {  	_ = 	snop  }
0x21d: {  	s17 =	sadd.s32 $0x30, s17  }
0x21e: {  	s15 =	sadd.s32 $0x40, s15;
	v63 =	vor.u32 s17, v0;
	s23 =	sadd.s32 $0x40, s23  }
0x21f: {  	s20 =	sadd.s32 $0x40, s20;
	s9 =	sadd.s32 $0x40, s9;
	s12 =	sadd.s32 $0x40, s12;
	[tilespmem:s11+$0x81C0] =	vst.msk vm3, v63  }
0x220: {  	v38 =	vmov s8  }
0x221: {  	vm3 =	vlt.s32 v38, v1  }
0x222: {  	v39 =	vld.msk [tilespmem:s1+$0x0], $0xffff;
	_ =	sdelay $0x4  }
0x223: {  	[tilespmem:v0+s1+$0x0] =	vst.idx.msk vm3, v39  }
0x224: {  	vm3 =	vlt.s32 v38, v2;
	v40 =	vld [tilespmem:$0x81C0];
	_ =	sdelay $0x4  }
0x225: {  	[tilespmem:$0x8280] =	vst v40  }
0x226: {  	[tilespmem:v3+s1+$0x0] =	vst.idx.msk vm3, v39  }
0x227: {  	v58 =	vld [tilespmem:$0x81D0];
	_ =	sdelay $0x4  }
0x228: {  	s17 =	simm.s32 $0x8280;
	s20 =	simm.s32 $0x2;
	[tilespmem:$0x8290] =	vst v58  }
0x229: {  	[tilespmem:s10], [sflag:$0x3] =	stream.indirect.gather [hbm4b:s3+s0], $0x30, s17, s0, $0xb8;
	[tilespmem:$0x9AC0] =	vst v63  }
0x22a: {  	_ =	swait.ge [sflag:s20], $0x600  }
0x22b: {  	[sflag:s20] =	ssyncset.done $0x0  }
0x22c: {  	[sflag:s20] =	ssyncadd.s32 $0xFFFFFA00  }
0x22d: {  	v59 =	vld.idx.msk [tilespmem:v37+s29+$0x0], $0xffff  }
0x22e: {  	v60 =	vld.idx.msk [tilespmem:v37+s30+$0x0], $0xffff;
	_ =	sdelay $0x1  }
0x22f: {  	v61 =	vld.idx.msk [tilespmem:v37+s31+$0x0], $0xffff;
	_ =	sdelay $0x2  }
0x230: {  	v62 =	vld.idx.msk [tilespmem:v0+s6+$0x0], $0xffff;
	v38 =	vnsel vm0, $0x0, v59;
	v39 =	vsel vm1, $0x0, v60  }
0x231: {  	v38 =	vadd.f32 v39, v38  }
0x232: {  	v37 =	vsel vm2, $0x0, v61  }
0x233: {  	v37 =	vadd.f32 v37, v38;
	_ =	sdelay $0x1  }
0x234: {  	v38 =	vsub.f32 v62, v37;
	_ =	sdelay $0x1  }
0x235: {  	[tilespmem:v0+s6+$0x0] =	vst.idx.msk $0xffff, v38  }
0x236: {  	v38 =	vld.idx.msk [tilespmem:v4+s6+$0x0], $0xffff;
	_ =	sdelay $0x4  }
0x237: {  	v38 =	vsub.f32 v38, v37;
	_ =	sdelay $0x1  }
0x238: {  	[tilespmem:v4+s6+$0x0] =	vst.idx.msk $0xffff, v38  }
0x239: {  	v38 =	vld.idx.msk [tilespmem:v5+s6+$0x0], $0xffff;
	_ =	sdelay $0x4  }
0x23a: {  	v38 =	vsub.f32 v38, v37;
	_ =	sdelay $0x1  }
0x23b: {  	[tilespmem:v5+s6+$0x0] =	vst.idx.msk $0xffff, v38  }
0x23c: {  	v38 =	vld.idx.msk [tilespmem:v6+s6+$0x0], $0xffff;
	_ =	sdelay $0x4  }
0x23d: {  	v38 =	vsub.f32 v38, v37;
	_ =	sdelay $0x1  }
0x23e: {  	[tilespmem:v6+s6+$0x0] =	vst.idx.msk $0xffff, v38  }
0x23f: {  	v38 =	vld.idx.msk [tilespmem:v7+s6+$0x0], $0xffff;
	_ =	sdelay $0x4  }
0x240: {  	v38 =	vsub.f32 v38, v37;
	_ =	sdelay $0x1  }
0x241: {  	[tilespmem:v7+s6+$0x0] =	vst.idx.msk $0xffff, v38  }
0x242: {  	v38 =	vld.idx.msk [tilespmem:v8+s6+$0x0], $0xffff;
	_ =	sdelay $0x4  }
0x243: {  	v38 =	vsub.f32 v38, v37;
	_ =	sdelay $0x1  }
0x244: {  	[tilespmem:v8+s6+$0x0] =	vst.idx.msk $0xffff, v38  }
0x245: {  	v38 =	vld.idx.msk [tilespmem:v9+s6+$0x0], $0xffff;
	_ =	sdelay $0x4  }
0x246: {  	v38 =	vsub.f32 v38, v37;
	_ =	sdelay $0x1  }
0x247: {  	[tilespmem:v9+s6+$0x0] =	vst.idx.msk $0xffff, v38  }
0x248: {  	v38 =	vld.idx.msk [tilespmem:v10+s6+$0x0], $0xffff;
	_ =	sdelay $0x4  }
0x249: {  	v38 =	vsub.f32 v38, v37;
	_ =	sdelay $0x1  }
0x24a: {  	[tilespmem:v10+s6+$0x0] =	vst.idx.msk $0xffff, v38  }
0x24b: {  	v38 =	vld.idx.msk [tilespmem:v11+s6+$0x0], $0xffff;
	_ =	sdelay $0x4  }
0x24c: {  	v38 =	vsub.f32 v38, v37;
	_ =	sdelay $0x1  }
0x24d: {  	[tilespmem:v11+s6+$0x0] =	vst.idx.msk $0xffff, v38  }
0x24e: {  	v38 =	vld.idx.msk [tilespmem:v12+s6+$0x0], $0xffff;
	_ =	sdelay $0x4  }
0x24f: {  	v38 =	vsub.f32 v38, v37;
	_ =	sdelay $0x1  }
0x250: {  	[tilespmem:v12+s6+$0x0] =	vst.idx.msk $0xffff, v38  }
0x251: {  	v38 =	vld.idx.msk [tilespmem:v13+s6+$0x0], $0xffff;
	_ =	sdelay $0x4  }
0x252: {  	v38 =	vsub.f32 v38, v37;
	_ =	sdelay $0x1  }
0x253: {  	[tilespmem:v13+s6+$0x0] =	vst.idx.msk $0xffff, v38  }
0x254: {  	v38 =	vld.idx.msk [tilespmem:v14+s6+$0x0], $0xffff;
	_ =	sdelay $0x4  }
0x255: {  	v38 =	vsub.f32 v38, v37;
	_ =	sdelay $0x1  }
0x256: {  	[tilespmem:v14+s6+$0x0] =	vst.idx.msk $0xffff, v38  }
0x257: {  	v38 =	vld.idx.msk [tilespmem:v15+s6+$0x0], $0xffff;
	_ =	sdelay $0x4  }
0x258: {  	v38 =	vsub.f32 v38, v37;
	_ =	sdelay $0x1  }
0x259: {  	[tilespmem:v15+s6+$0x0] =	vst.idx.msk $0xffff, v38  }
0x25a: {  	v38 =	vld.idx.msk [tilespmem:v16+s6+$0x0], $0xffff;
	_ =	sdelay $0x4  }
0x25b: {  	v38 =	vsub.f32 v38, v37;
	_ =	sdelay $0x1  }
0x25c: {  	[tilespmem:v16+s6+$0x0] =	vst.idx.msk $0xffff, v38  }
0x25d: {  	v38 =	vld.idx.msk [tilespmem:v17+s6+$0x0], $0xffff;
	_ =	sdelay $0x4  }
0x25e: {  	v38 =	vsub.f32 v38, v37;
	_ =	sdelay $0x1  }
0x25f: {  	[tilespmem:v17+s6+$0x0] =	vst.idx.msk $0xffff, v38  }
0x260: {  	v38 =	vld.idx.msk [tilespmem:v18+s6+$0x0], $0xffff;
	_ =	sdelay $0x4  }
0x261: {  	v38 =	vsub.f32 v38, v37;
	_ =	sdelay $0x1  }
0x262: {  	[tilespmem:v18+s6+$0x0] =	vst.idx.msk $0xffff, v38  }
0x263: {  	v38 =	vld.idx.msk [tilespmem:v19+s6+$0x0], $0xffff;
	_ =	sdelay $0x4  }
0x264: {  	v38 =	vsub.f32 v38, v37;
	_ =	sdelay $0x1  }
0x265: {  	[tilespmem:v19+s6+$0x0] =	vst.idx.msk $0xffff, v38  }
0x266: {  	v38 =	vld.idx.msk [tilespmem:v20+s6+$0x0], $0xffff;
	_ =	sdelay $0x4  }
0x267: {  	v38 =	vsub.f32 v38, v37;
	_ =	sdelay $0x1  }
0x268: {  	[tilespmem:v20+s6+$0x0] =	vst.idx.msk $0xffff, v38  }
0x269: {  	v38 =	vld.idx.msk [tilespmem:v21+s6+$0x0], $0xffff;
	_ =	sdelay $0x4  }
0x26a: {  	v38 =	vsub.f32 v38, v37;
	_ =	sdelay $0x1  }
0x26b: {  	[tilespmem:v21+s6+$0x0] =	vst.idx.msk $0xffff, v38  }
0x26c: {  	v38 =	vld.idx.msk [tilespmem:v22+s6+$0x0], $0xffff;
	_ =	sdelay $0x4  }
0x26d: {  	v38 =	vsub.f32 v38, v37;
	_ =	sdelay $0x1  }
0x26e: {  	[tilespmem:v22+s6+$0x0] =	vst.idx.msk $0xffff, v38  }
0x26f: {  	v38 =	vld.idx.msk [tilespmem:v23+s6+$0x0], $0xffff;
	_ =	sdelay $0x4  }
0x270: {  	v38 =	vsub.f32 v38, v37;
	_ =	sdelay $0x1  }
0x271: {  	[tilespmem:v23+s6+$0x0] =	vst.idx.msk $0xffff, v38  }
0x272: {  	v38 =	vld.idx.msk [tilespmem:v24+s6+$0x0], $0xffff;
	_ =	sdelay $0x4  }
0x273: {  	v38 =	vsub.f32 v38, v37;
	_ =	sdelay $0x1  }
0x274: {  	[tilespmem:v24+s6+$0x0] =	vst.idx.msk $0xffff, v38  }
0x275: {  	v38 =	vld.idx.msk [tilespmem:v25+s6+$0x0], $0xffff;
	_ =	sdelay $0x4  }
0x276: {  	v38 =	vsub.f32 v38, v37;
	_ =	sdelay $0x1  }
0x277: {  	[tilespmem:v25+s6+$0x0] =	vst.idx.msk $0xffff, v38  }
0x278: {  	v38 =	vld.idx.msk [tilespmem:v26+s6+$0x0], $0xffff;
	_ =	sdelay $0x4  }
0x279: {  	v38 =	vsub.f32 v38, v37;
	_ =	sdelay $0x1  }
0x27a: {  	[tilespmem:v26+s6+$0x0] =	vst.idx.msk $0xffff, v38  }
0x27b: {  	v38 =	vld.idx.msk [tilespmem:v27+s6+$0x0], $0xffff;
	_ =	sdelay $0x4  }
0x27c: {  	v38 =	vsub.f32 v38, v37;
	_ =	sdelay $0x1  }
0x27d: {  	[tilespmem:v27+s6+$0x0] =	vst.idx.msk $0xffff, v38  }
0x27e: {  	v38 =	vld.idx.msk [tilespmem:v28+s6+$0x0], $0xffff;
	_ =	sdelay $0x4  }
0x27f: {  	v38 =	vsub.f32 v38, v37;
	_ =	sdelay $0x1  }
0x280: {  	[tilespmem:v28+s6+$0x0] =	vst.idx.msk $0xffff, v38  }
0x281: {  	v38 =	vld.idx.msk [tilespmem:v29+s6+$0x0], $0xffff;
	_ =	sdelay $0x4  }
0x282: {  	v38 =	vsub.f32 v38, v37;
	_ =	sdelay $0x1  }
0x283: {  	[tilespmem:v29+s6+$0x0] =	vst.idx.msk $0xffff, v38  }
0x284: {  	v38 =	vld.idx.msk [tilespmem:v30+s6+$0x0], $0xffff;
	_ =	sdelay $0x4  }
0x285: {  	v38 =	vsub.f32 v38, v37;
	_ =	sdelay $0x1  }
0x286: {  	[tilespmem:v30+s6+$0x0] =	vst.idx.msk $0xffff, v38  }
0x287: {  	v38 =	vld.idx.msk [tilespmem:v31+s6+$0x0], $0xffff;
	_ =	sdelay $0x4  }
0x288: {  	v38 =	vsub.f32 v38, v37;
	_ =	sdelay $0x1  }
0x289: {  	[tilespmem:v31+s6+$0x0] =	vst.idx.msk $0xffff, v38  }
0x28a: {  	v38 =	vld.idx.msk [tilespmem:v32+s6+$0x0], $0xffff;
	_ =	sdelay $0x4  }
0x28b: {  	v38 =	vsub.f32 v38, v37;
	_ =	sdelay $0x1  }
0x28c: {  	[tilespmem:v32+s6+$0x0] =	vst.idx.msk $0xffff, v38  }
0x28d: {  	v38 =	vld.idx.msk [tilespmem:v33+s6+$0x0], $0xffff;
	_ =	sdelay $0x4  }
0x28e: {  	v38 =	vsub.f32 v38, v37;
	_ =	sdelay $0x1  }
0x28f: {  	[tilespmem:v33+s6+$0x0] =	vst.idx.msk $0xffff, v38  }
0x290: {  	v38 =	vld.idx.msk [tilespmem:v34+s6+$0x0], $0xffff;
	_ =	sdelay $0x2  }
0x291: {  	s23 =	sshll.u32 s21, $0x3  }
0x292: {  	s8 =	sadd.s32 s7, s23  }
0x293: {  	s8 =	smul.u32 $0xC0, s8;
	v37 =	vsub.f32 v38, v37;
	_ =	sdelay $0x1  }
0x294: {  	s9 =	sor.u32 $0x3, s19;
	s8 =	sadd.s32 s4, s8;
	[tilespmem:v34+s6+$0x0] =	vst.idx.msk $0xffff, v37  }
0x295: {  	v63 =	vmov s9;
	[hbm4b:s8+s2] =	stream.linear.scatter [tilespmem:s6], [sflag:$0x6], $0x600, $0x38;
	[tilespmem:$0x9AC0] =	vst v63  }
0x296: {  	s8 =	simm.s32 @!p0 $0x8  }
0x297: {  	_ =	swait.ge @!p0 [sflag:s8], $0x600  }
0x298: {  	[sflag:s8] =	ssyncset.done @!p0 $0x0  }
0x299: {  	[sflag:s8] =	ssyncadd.s32 @!p0 $0xFFFFFA00  }
0x29a: {  	v37 =	vld.idx.msk [tilespmem:v63+s24+$0x0], $0xffff  }
0x29b: {  	v38 =	vld.idx.msk [tilespmem:v63+s25+$0x0], $0xffff  }
0x29c: {  	s15 =	simm.s32 $0x0;
	s19 =	simm.s32 $0x4020;
	s12 =	simm.s32 $0x2020;
	v39 =	vld.idx.msk [tilespmem:v63+s26+$0x0], $0xffff  }
0x29d: {  	s9 =	simm.s32 $0x20;
	s20 =	simm.s32 $0x6020;
	s8 =	simm.s32 $0x0;
	v40 =	vld.idx.msk [tilespmem:v63+s28+$0x0], $0xffff  }
.LBB2_12:
0x29e: {  	v41 =	vld [tilespmem:s9+$0xFFFFFFE0]  }
0x29f: {  	v42 =	vld [tilespmem:s12+$0xFFFFFFE0];
	_ =	sdelay $0x1  }
0x2a0: {  	v43 =	vld [tilespmem:s19+$0xFFFFFFE0];
	_ =	sdelay $0x2  }
0x2a1: {  	v41 =	vmul.f32 v41, v37;
	v42 =	vmul.f32 v42, v38;
	_ =	sdelay $0x1  }
0x2a2: {  	v62 =	vmul.f32 v43, v39;
	v41 =	vadd.f32 v42, v41;
	_ =	sdelay $0x1  }
0x2a3: {  	v41 =	vadd.f32 v62, v41  }
0x2a4: {  	v63 =	vld [tilespmem:s20+$0xFFFFFFE0]  }
0x2a5: {  	v41 =	vadd.f32 v41, v41;
	_ =	sdelay $0x1  }
0x2a6: {  	v41 =	vsub.f32 v40, v41;
	_ =	sdelay $0x1  }
0x2a7: {  	v41 =	vadd.f32 v41, v63  }
0x2a8: {  	s17 =	sadd.s32 s15, s5  }
0x2a9: {  	v45 =	vor.u32 s17, v0;
	vm3 =	vle.f32 v41, $3.999999910e-02  }
0x2aa: {  	[tilespmem:s8+$0x81C0] =	vst.msk vm3, v45  }
0x2ab: {  	v46 =	vmpcnt.ones.xlane vm3;
	v47 =	vld [tilespmem:s9+$0xFFFFFFF0]  }
0x2ac: {  	v48 =	vld [tilespmem:s12+$0xFFFFFFF0]  }
0x2ad: {  	(v2sf) =	vpush v46, $0x0  }
0x2ae: {  	v49 =	vld [tilespmem:s19+$0xFFFFFFF0];
	_ =	sdelay $0x2  }
0x2af: {  	v42 =	vmul.f32 v47, v37;
	v43 =	vmul.f32 v48, v38;
	_ =	sdelay $0x1  }
0x2b0: {  	v41 =	vmul.f32 v49, v39;
	v42 =	vadd.f32 v43, v42;
	_ =	sdelay $0x1  }
0x2b1: {  	v41 =	vadd.f32 v41, v42  }
0x2b2: {  	v50 =	vld [tilespmem:s20+$0xFFFFFFF0]  }
0x2b3: {  	v41 =	vadd.f32 v41, v41;
	_ =	sdelay $0x1  }
0x2b4: {  	v41 =	vsub.f32 v40, v41;
	_ =	sdelay $0x1  }
0x2b5: {  	v41 =	vadd.f32 v41, v50  }
0x2b6: {  	s14 =	sadd.s32 $0x10, s17;
	s11 =	spop (v2sf)  }
0x2b7: {  	v51 =	vor.u32 s14, v0;
	s11 =	sadd.s32 s8, s11;
	vm3 =	vle.f32 v41, $3.999999910e-02  }
0x2b8: {  	[tilespmem:s11+$0x81C0] =	vst.msk vm3, v51  }
0x2b9: {  	v52 =	vmpcnt.ones.xlane vm3;
	v53 =	vld [tilespmem:s9+$0x0]  }
0x2ba: {  	v54 =	vld [tilespmem:s12+$0x0]  }
0x2bb: {  	(v2sf) =	vpush v52, $0x0  }
0x2bc: {  	v55 =	vld [tilespmem:s19+$0x0];
	_ =	sdelay $0x2  }
0x2bd: {  	v42 =	vmul.f32 v53, v37;
	v43 =	vmul.f32 v54, v38;
	_ =	sdelay $0x1  }
0x2be: {  	v41 =	vmul.f32 v55, v39;
	v42 =	vadd.f32 v43, v42;
	_ =	sdelay $0x1  }
0x2bf: {  	v41 =	vadd.f32 v41, v42  }
0x2c0: {  	v56 =	vld [tilespmem:s20+$0x0]  }
0x2c1: {  	v41 =	vadd.f32 v41, v41;
	_ =	sdelay $0x1  }
0x2c2: {  	v41 =	vsub.f32 v40, v41;
	_ =	sdelay $0x1  }
0x2c3: {  	v41 =	vadd.f32 v41, v56  }
0x2c4: {  	s23 =	sadd.s32 $0x20, s17;
	s21 =	spop (v2sf)  }
0x2c5: {  	v57 =	vor.u32 s23, v0;
	s8 =	sadd.s32 s11, s21;
	vm3 =	vle.f32 v41, $3.999999910e-02  }
0x2c6: {  	[tilespmem:s8+$0x81C0] =	vst.msk vm3, v57  }
0x2c7: {  	v41 =	vld [tilespmem:s9+$0x10]  }
0x2c8: {  	v58 =	vld [tilespmem:s12+$0x10];
	_ =	sdelay $0x1  }
0x2c9: {  	v59 =	vld [tilespmem:s19+$0x10];
	_ =	sdelay $0x2  }
0x2ca: {  	v41 =	vmul.f32 v41, v37;
	v42 =	vmul.f32 v58, v38;
	_ =	sdelay $0x1  }
0x2cb: {  	v60 =	vmul.f32 v59, v39;
	v41 =	vadd.f32 v42, v41;
	_ =	sdelay $0x1  }
0x2cc: {  	v41 =	vadd.f32 v60, v41  }
0x2cd: {  	v61 =	vld [tilespmem:s20+$0x10]  }
0x2ce: {  	v41 =	vadd.f32 v41, v41;
	_ =	sdelay $0x1  }
0x2cf: {  	v41 =	vsub.f32 v40, v41;
	_ =	sdelay $0x1  }
0x2d0: {  	v41 =	vadd.f32 v41, v61;
	_ =	sdelay $0x1  }
0x2d1: {  	v62 =	vmpcnt.ones.xlane vm3;
	vm3 =	vle.f32 v41, $3.999999910e-02  }
0x2d2: {  	v41 =	vmpcnt.ones.xlane vm3  }
0x2d3: {  	(v2sf) =	vpush v62, $0x0  }
0x2d4: {  	(v2sf) =	vpush v41, $0x0;
	_ =	sdelay $0xd  }
0x2d5: {  	s14 =	spop (v2sf)  }
0x2d6: {  	s11 =	sadd.s32 s8, s14;
	s21 =	spop (v2sf)  }
0x2d7: {  	p0 =	sgt.u32 s15, $0x1FBF;
	s8 =	sadd.s32 s11, s21  }
0x2d8: {  	p1 =	slt.s32 @!p0 s8, $0x20  }
0x2d9: {  	p0 =	por p0, !p1  }
.Ltmp5:
0x2da: {  	_ = 	snop;
	(pc) =	sbr.rel @!p0 .LBB2_12-.Ltmp5, $4  }
0x2db: {  	_ = 	snop  }
0x2dc: {  	s23 =	sadd.s32 $0x30, s17  }
0x2dd: {  	s15 =	sadd.s32 $0x40, s15;
	v63 =	vor.u32 s23, v0;
	s19 =	sadd.s32 $0x40, s19  }
0x2de: {  	s20 =	sadd.s32 $0x40, s20;
	s9 =	sadd.s32 $0x40, s9;
	s12 =	sadd.s32 $0x40, s12;
	[tilespmem:s11+$0x81C0] =	vst.msk vm3, v63  }
0x2df: {  	v37 =	vmov s8  }
0x2e0: {  	vm3 =	vlt.s32 v37, v1  }
0x2e1: {  	v38 =	vld.msk [tilespmem:s1+$0x0], $0xffff;
	_ =	sdelay $0x4  }
0x2e2: {  	[tilespmem:v0+s1+$0x0] =	vst.idx.msk vm3, v38  }
0x2e3: {  	vm3 =	vlt.s32 v37, v2;
	v39 =	vld [tilespmem:$0x81C0];
	_ =	sdelay $0x4  }
0x2e4: {  	[tilespmem:$0x82A0] =	vst v39  }
0x2e5: {  	[tilespmem:v3+s1+$0x0] =	vst.idx.msk vm3, v38  }
0x2e6: {  	v59 =	vld [tilespmem:$0x81D0];
	_ =	sdelay $0x4  }
0x2e7: {  	s20 =	simm.s32 $0x82A0;
	s21 =	simm.s32 $0x3;
	[tilespmem:$0x82B0] =	vst v59  }
0x2e8: {  	[tilespmem:s13], [sflag:$0x4] =	stream.indirect.gather [hbm4b:s3+s0], $0x30, s20, s0, $0xb8;
	[tilespmem:$0x9AC0] =	vst v63  }
0x2e9: {  	_ =	swait.ge [sflag:s21], $0x600  }
0x2ea: {  	[sflag:s21] =	ssyncset.done $0x0  }
0x2eb: {  	[sflag:s21] =	ssyncadd.s32 $0xFFFFFA00  }
0x2ec: {  	v60 =	vld.idx.msk [tilespmem:v36+s29+$0x0], $0xffff  }
0x2ed: {  	v61 =	vld.idx.msk [tilespmem:v36+s30+$0x0], $0xffff;
	_ =	sdelay $0x1  }
0x2ee: {  	v62 =	vld.idx.msk [tilespmem:v36+s31+$0x0], $0xffff;
	_ =	sdelay $0x2  }
0x2ef: {  	v63 =	vld.idx.msk [tilespmem:v0+s10+$0x0], $0xffff;
	v37 =	vnsel vm0, $0x0, v60;
	v38 =	vsel vm1, $0x0, v61  }
0x2f0: {  	v37 =	vadd.f32 v38, v37  }
0x2f1: {  	v36 =	vsel vm2, $0x0, v62  }
0x2f2: {  	v36 =	vadd.f32 v36, v37;
	_ =	sdelay $0x1  }
0x2f3: {  	v37 =	vsub.f32 v63, v36;
	_ =	sdelay $0x1  }
0x2f4: {  	[tilespmem:v0+s10+$0x0] =	vst.idx.msk $0xffff, v37  }
0x2f5: {  	v37 =	vld.idx.msk [tilespmem:v4+s10+$0x0], $0xffff;
	_ =	sdelay $0x4  }
0x2f6: {  	v37 =	vsub.f32 v37, v36;
	_ =	sdelay $0x1  }
0x2f7: {  	[tilespmem:v4+s10+$0x0] =	vst.idx.msk $0xffff, v37  }
0x2f8: {  	v37 =	vld.idx.msk [tilespmem:v5+s10+$0x0], $0xffff;
	_ =	sdelay $0x4  }
0x2f9: {  	v37 =	vsub.f32 v37, v36;
	_ =	sdelay $0x1  }
0x2fa: {  	[tilespmem:v5+s10+$0x0] =	vst.idx.msk $0xffff, v37  }
0x2fb: {  	v37 =	vld.idx.msk [tilespmem:v6+s10+$0x0], $0xffff;
	_ =	sdelay $0x4  }
0x2fc: {  	v37 =	vsub.f32 v37, v36;
	_ =	sdelay $0x1  }
0x2fd: {  	[tilespmem:v6+s10+$0x0] =	vst.idx.msk $0xffff, v37  }
0x2fe: {  	v37 =	vld.idx.msk [tilespmem:v7+s10+$0x0], $0xffff;
	_ =	sdelay $0x4  }
0x2ff: {  	v37 =	vsub.f32 v37, v36;
	_ =	sdelay $0x1  }
0x300: {  	[tilespmem:v7+s10+$0x0] =	vst.idx.msk $0xffff, v37  }
0x301: {  	v37 =	vld.idx.msk [tilespmem:v8+s10+$0x0], $0xffff;
	_ =	sdelay $0x4  }
0x302: {  	v37 =	vsub.f32 v37, v36;
	_ =	sdelay $0x1  }
0x303: {  	[tilespmem:v8+s10+$0x0] =	vst.idx.msk $0xffff, v37  }
0x304: {  	v37 =	vld.idx.msk [tilespmem:v9+s10+$0x0], $0xffff;
	_ =	sdelay $0x4  }
0x305: {  	v37 =	vsub.f32 v37, v36;
	_ =	sdelay $0x1  }
0x306: {  	[tilespmem:v9+s10+$0x0] =	vst.idx.msk $0xffff, v37  }
0x307: {  	v37 =	vld.idx.msk [tilespmem:v10+s10+$0x0], $0xffff;
	_ =	sdelay $0x4  }
0x308: {  	v37 =	vsub.f32 v37, v36;
	_ =	sdelay $0x1  }
0x309: {  	[tilespmem:v10+s10+$0x0] =	vst.idx.msk $0xffff, v37  }
0x30a: {  	v37 =	vld.idx.msk [tilespmem:v11+s10+$0x0], $0xffff;
	_ =	sdelay $0x4  }
0x30b: {  	v37 =	vsub.f32 v37, v36;
	_ =	sdelay $0x1  }
0x30c: {  	[tilespmem:v11+s10+$0x0] =	vst.idx.msk $0xffff, v37  }
0x30d: {  	v37 =	vld.idx.msk [tilespmem:v12+s10+$0x0], $0xffff;
	_ =	sdelay $0x4  }
0x30e: {  	v37 =	vsub.f32 v37, v36;
	_ =	sdelay $0x1  }
0x30f: {  	[tilespmem:v12+s10+$0x0] =	vst.idx.msk $0xffff, v37  }
0x310: {  	v37 =	vld.idx.msk [tilespmem:v13+s10+$0x0], $0xffff;
	_ =	sdelay $0x4  }
0x311: {  	v37 =	vsub.f32 v37, v36;
	_ =	sdelay $0x1  }
0x312: {  	[tilespmem:v13+s10+$0x0] =	vst.idx.msk $0xffff, v37  }
0x313: {  	v37 =	vld.idx.msk [tilespmem:v14+s10+$0x0], $0xffff;
	_ =	sdelay $0x4  }
0x314: {  	v37 =	vsub.f32 v37, v36;
	_ =	sdelay $0x1  }
0x315: {  	[tilespmem:v14+s10+$0x0] =	vst.idx.msk $0xffff, v37  }
0x316: {  	v37 =	vld.idx.msk [tilespmem:v15+s10+$0x0], $0xffff;
	_ =	sdelay $0x4  }
0x317: {  	v37 =	vsub.f32 v37, v36;
	_ =	sdelay $0x1  }
0x318: {  	[tilespmem:v15+s10+$0x0] =	vst.idx.msk $0xffff, v37  }
0x319: {  	v37 =	vld.idx.msk [tilespmem:v16+s10+$0x0], $0xffff;
	_ =	sdelay $0x4  }
0x31a: {  	v37 =	vsub.f32 v37, v36;
	_ =	sdelay $0x1  }
0x31b: {  	[tilespmem:v16+s10+$0x0] =	vst.idx.msk $0xffff, v37  }
0x31c: {  	v37 =	vld.idx.msk [tilespmem:v17+s10+$0x0], $0xffff;
	_ =	sdelay $0x4  }
0x31d: {  	v37 =	vsub.f32 v37, v36;
	_ =	sdelay $0x1  }
0x31e: {  	[tilespmem:v17+s10+$0x0] =	vst.idx.msk $0xffff, v37  }
0x31f: {  	v37 =	vld.idx.msk [tilespmem:v18+s10+$0x0], $0xffff;
	_ =	sdelay $0x4  }
0x320: {  	v37 =	vsub.f32 v37, v36;
	_ =	sdelay $0x1  }
0x321: {  	[tilespmem:v18+s10+$0x0] =	vst.idx.msk $0xffff, v37  }
0x322: {  	v37 =	vld.idx.msk [tilespmem:v19+s10+$0x0], $0xffff;
	_ =	sdelay $0x4  }
0x323: {  	v37 =	vsub.f32 v37, v36;
	_ =	sdelay $0x1  }
0x324: {  	[tilespmem:v19+s10+$0x0] =	vst.idx.msk $0xffff, v37  }
0x325: {  	v37 =	vld.idx.msk [tilespmem:v20+s10+$0x0], $0xffff;
	_ =	sdelay $0x4  }
0x326: {  	v37 =	vsub.f32 v37, v36;
	_ =	sdelay $0x1  }
0x327: {  	[tilespmem:v20+s10+$0x0] =	vst.idx.msk $0xffff, v37  }
0x328: {  	v37 =	vld.idx.msk [tilespmem:v21+s10+$0x0], $0xffff;
	_ =	sdelay $0x4  }
0x329: {  	v37 =	vsub.f32 v37, v36;
	_ =	sdelay $0x1  }
0x32a: {  	[tilespmem:v21+s10+$0x0] =	vst.idx.msk $0xffff, v37  }
0x32b: {  	v37 =	vld.idx.msk [tilespmem:v22+s10+$0x0], $0xffff;
	_ =	sdelay $0x4  }
0x32c: {  	v37 =	vsub.f32 v37, v36;
	_ =	sdelay $0x1  }
0x32d: {  	[tilespmem:v22+s10+$0x0] =	vst.idx.msk $0xffff, v37  }
0x32e: {  	v37 =	vld.idx.msk [tilespmem:v23+s10+$0x0], $0xffff;
	_ =	sdelay $0x4  }
0x32f: {  	v37 =	vsub.f32 v37, v36;
	_ =	sdelay $0x1  }
0x330: {  	[tilespmem:v23+s10+$0x0] =	vst.idx.msk $0xffff, v37  }
0x331: {  	v37 =	vld.idx.msk [tilespmem:v24+s10+$0x0], $0xffff;
	_ =	sdelay $0x4  }
0x332: {  	v37 =	vsub.f32 v37, v36;
	_ =	sdelay $0x1  }
0x333: {  	[tilespmem:v24+s10+$0x0] =	vst.idx.msk $0xffff, v37  }
0x334: {  	v37 =	vld.idx.msk [tilespmem:v25+s10+$0x0], $0xffff;
	_ =	sdelay $0x4  }
0x335: {  	v37 =	vsub.f32 v37, v36;
	_ =	sdelay $0x1  }
0x336: {  	[tilespmem:v25+s10+$0x0] =	vst.idx.msk $0xffff, v37  }
0x337: {  	v37 =	vld.idx.msk [tilespmem:v26+s10+$0x0], $0xffff;
	_ =	sdelay $0x4  }
0x338: {  	v37 =	vsub.f32 v37, v36;
	_ =	sdelay $0x1  }
0x339: {  	[tilespmem:v26+s10+$0x0] =	vst.idx.msk $0xffff, v37  }
0x33a: {  	v37 =	vld.idx.msk [tilespmem:v27+s10+$0x0], $0xffff;
	_ =	sdelay $0x4  }
0x33b: {  	v37 =	vsub.f32 v37, v36;
	_ =	sdelay $0x1  }
0x33c: {  	[tilespmem:v27+s10+$0x0] =	vst.idx.msk $0xffff, v37  }
0x33d: {  	v37 =	vld.idx.msk [tilespmem:v28+s10+$0x0], $0xffff;
	_ =	sdelay $0x4  }
0x33e: {  	v37 =	vsub.f32 v37, v36;
	_ =	sdelay $0x1  }
0x33f: {  	[tilespmem:v28+s10+$0x0] =	vst.idx.msk $0xffff, v37  }
0x340: {  	v37 =	vld.idx.msk [tilespmem:v29+s10+$0x0], $0xffff;
	_ =	sdelay $0x4  }
0x341: {  	v37 =	vsub.f32 v37, v36;
	_ =	sdelay $0x1  }
0x342: {  	[tilespmem:v29+s10+$0x0] =	vst.idx.msk $0xffff, v37  }
0x343: {  	v37 =	vld.idx.msk [tilespmem:v30+s10+$0x0], $0xffff;
	_ =	sdelay $0x4  }
0x344: {  	v37 =	vsub.f32 v37, v36;
	_ =	sdelay $0x1  }
0x345: {  	[tilespmem:v30+s10+$0x0] =	vst.idx.msk $0xffff, v37  }
0x346: {  	v37 =	vld.idx.msk [tilespmem:v31+s10+$0x0], $0xffff;
	_ =	sdelay $0x4  }
0x347: {  	v37 =	vsub.f32 v37, v36;
	_ =	sdelay $0x1  }
0x348: {  	[tilespmem:v31+s10+$0x0] =	vst.idx.msk $0xffff, v37  }
0x349: {  	v37 =	vld.idx.msk [tilespmem:v32+s10+$0x0], $0xffff;
	_ =	sdelay $0x4  }
0x34a: {  	v37 =	vsub.f32 v37, v36;
	_ =	sdelay $0x1  }
0x34b: {  	[tilespmem:v32+s10+$0x0] =	vst.idx.msk $0xffff, v37  }
0x34c: {  	v37 =	vld.idx.msk [tilespmem:v33+s10+$0x0], $0xffff;
	_ =	sdelay $0x4  }
0x34d: {  	v37 =	vsub.f32 v37, v36;
	_ =	sdelay $0x1  }
0x34e: {  	[tilespmem:v33+s10+$0x0] =	vst.idx.msk $0xffff, v37  }
0x34f: {  	v37 =	vld.idx.msk [tilespmem:v34+s10+$0x0], $0xffff;
	_ =	sdelay $0x1  }
0x350: {  	s18 =	sadd.s32 $0x1, s18  }
0x351: {  	s23 =	sshll.u32 s16, $0x3;
	p0 =	sne.s32 s18, $0x10  }
.Ltmp6:
0x352: {  	s8 =	sadd.s32 s7, s23;
	(pc) =	sbr.rel @p0 .LBB2_2-.Ltmp6, $3  }
0x353: {  	s8 =	smul.u32 $0xC0, s8;
	v36 =	vsub.f32 v37, v36;
	_ =	sdelay $0x1  }
0x354: {  	s8 =	sadd.s32 s4, s8;
	[tilespmem:v34+s10+$0x0] =	vst.idx.msk $0xffff, v36  }
0x355: {  	[hbm4b:s8+s2] =	stream.linear.scatter [tilespmem:s10], [sflag:$0x7], $0x600, $0x38;
	[tilespmem:$0x9AC0] =	vst v63  }
0x356: {  	s8 =	simm.s32 $0x4  }
0x357: {  	_ =	swait.ge [sflag:s8], $0x600  }
0x358: {  	[sflag:s8] =	ssyncset.done $0x0  }
0x359: {  	[sflag:s8] =	ssyncadd.s32 $0xFFFFFA00  }
0x35a: {  	v36 =	vld.idx.msk [tilespmem:v35+s29+$0x0], $0xffff  }
0x35b: {  	v37 =	vld.idx.msk [tilespmem:v35+s30+$0x0], $0xffff;
	_ =	sdelay $0x1  }
0x35c: {  	v38 =	vld.idx.msk [tilespmem:v35+s31+$0x0], $0xffff;
	_ =	sdelay $0x2  }
0x35d: {  	v39 =	vld.idx.msk [tilespmem:v0+s13+$0x0], $0xffff;
	v36 =	vnsel vm0, $0x0, v36;
	v37 =	vsel vm1, $0x0, v37  }
0x35e: {  	v36 =	vadd.f32 v37, v36  }
0x35f: {  	v63 =	vsel vm2, $0x0, v38  }
0x360: {  	v36 =	vadd.f32 v63, v36;
	_ =	sdelay $0x1  }
0x361: {  	v37 =	vsub.f32 v39, v36;
	_ =	sdelay $0x1  }
0x362: {  	[tilespmem:v0+s13+$0x0] =	vst.idx.msk $0xffff, v37  }
0x363: {  	v37 =	vld.idx.msk [tilespmem:v4+s13+$0x0], $0xffff;
	_ =	sdelay $0x4  }
0x364: {  	v37 =	vsub.f32 v37, v36;
	_ =	sdelay $0x1  }
0x365: {  	[tilespmem:v4+s13+$0x0] =	vst.idx.msk $0xffff, v37  }
0x366: {  	v37 =	vld.idx.msk [tilespmem:v5+s13+$0x0], $0xffff;
	_ =	sdelay $0x4  }
0x367: {  	v37 =	vsub.f32 v37, v36;
	_ =	sdelay $0x1  }
0x368: {  	[tilespmem:v5+s13+$0x0] =	vst.idx.msk $0xffff, v37  }
0x369: {  	v37 =	vld.idx.msk [tilespmem:v6+s13+$0x0], $0xffff;
	_ =	sdelay $0x4  }
0x36a: {  	v37 =	vsub.f32 v37, v36;
	_ =	sdelay $0x1  }
0x36b: {  	[tilespmem:v6+s13+$0x0] =	vst.idx.msk $0xffff, v37  }
0x36c: {  	v37 =	vld.idx.msk [tilespmem:v7+s13+$0x0], $0xffff;
	_ =	sdelay $0x4  }
0x36d: {  	v37 =	vsub.f32 v37, v36;
	_ =	sdelay $0x1  }
0x36e: {  	[tilespmem:v7+s13+$0x0] =	vst.idx.msk $0xffff, v37  }
0x36f: {  	v37 =	vld.idx.msk [tilespmem:v8+s13+$0x0], $0xffff;
	_ =	sdelay $0x4  }
0x370: {  	v37 =	vsub.f32 v37, v36;
	_ =	sdelay $0x1  }
0x371: {  	[tilespmem:v8+s13+$0x0] =	vst.idx.msk $0xffff, v37  }
0x372: {  	v37 =	vld.idx.msk [tilespmem:v9+s13+$0x0], $0xffff;
	_ =	sdelay $0x4  }
0x373: {  	v37 =	vsub.f32 v37, v36;
	_ =	sdelay $0x1  }
0x374: {  	[tilespmem:v9+s13+$0x0] =	vst.idx.msk $0xffff, v37  }
0x375: {  	v37 =	vld.idx.msk [tilespmem:v10+s13+$0x0], $0xffff;
	_ =	sdelay $0x4  }
0x376: {  	v37 =	vsub.f32 v37, v36;
	_ =	sdelay $0x1  }
0x377: {  	[tilespmem:v10+s13+$0x0] =	vst.idx.msk $0xffff, v37  }
0x378: {  	v37 =	vld.idx.msk [tilespmem:v11+s13+$0x0], $0xffff;
	_ =	sdelay $0x4  }
0x379: {  	v37 =	vsub.f32 v37, v36;
	_ =	sdelay $0x1  }
0x37a: {  	[tilespmem:v11+s13+$0x0] =	vst.idx.msk $0xffff, v37  }
0x37b: {  	v37 =	vld.idx.msk [tilespmem:v12+s13+$0x0], $0xffff;
	_ =	sdelay $0x4  }
0x37c: {  	v37 =	vsub.f32 v37, v36;
	_ =	sdelay $0x1  }
0x37d: {  	[tilespmem:v12+s13+$0x0] =	vst.idx.msk $0xffff, v37  }
0x37e: {  	v37 =	vld.idx.msk [tilespmem:v13+s13+$0x0], $0xffff;
	_ =	sdelay $0x4  }
0x37f: {  	v37 =	vsub.f32 v37, v36;
	_ =	sdelay $0x1  }
0x380: {  	[tilespmem:v13+s13+$0x0] =	vst.idx.msk $0xffff, v37  }
0x381: {  	v37 =	vld.idx.msk [tilespmem:v14+s13+$0x0], $0xffff;
	_ =	sdelay $0x4  }
0x382: {  	v37 =	vsub.f32 v37, v36;
	_ =	sdelay $0x1  }
0x383: {  	[tilespmem:v14+s13+$0x0] =	vst.idx.msk $0xffff, v37  }
0x384: {  	v37 =	vld.idx.msk [tilespmem:v15+s13+$0x0], $0xffff;
	_ =	sdelay $0x4  }
0x385: {  	v37 =	vsub.f32 v37, v36;
	_ =	sdelay $0x1  }
0x386: {  	[tilespmem:v15+s13+$0x0] =	vst.idx.msk $0xffff, v37  }
0x387: {  	v37 =	vld.idx.msk [tilespmem:v16+s13+$0x0], $0xffff;
	_ =	sdelay $0x4  }
0x388: {  	v37 =	vsub.f32 v37, v36;
	_ =	sdelay $0x1  }
0x389: {  	[tilespmem:v16+s13+$0x0] =	vst.idx.msk $0xffff, v37  }
0x38a: {  	v37 =	vld.idx.msk [tilespmem:v17+s13+$0x0], $0xffff;
	_ =	sdelay $0x4  }
0x38b: {  	v37 =	vsub.f32 v37, v36;
	_ =	sdelay $0x1  }
0x38c: {  	[tilespmem:v17+s13+$0x0] =	vst.idx.msk $0xffff, v37  }
0x38d: {  	v37 =	vld.idx.msk [tilespmem:v18+s13+$0x0], $0xffff;
	_ =	sdelay $0x4  }
0x38e: {  	v37 =	vsub.f32 v37, v36;
	_ =	sdelay $0x1  }
0x38f: {  	[tilespmem:v18+s13+$0x0] =	vst.idx.msk $0xffff, v37  }
0x390: {  	v37 =	vld.idx.msk [tilespmem:v19+s13+$0x0], $0xffff;
	_ =	sdelay $0x4  }
0x391: {  	v37 =	vsub.f32 v37, v36;
	_ =	sdelay $0x1  }
0x392: {  	[tilespmem:v19+s13+$0x0] =	vst.idx.msk $0xffff, v37  }
0x393: {  	v37 =	vld.idx.msk [tilespmem:v20+s13+$0x0], $0xffff;
	_ =	sdelay $0x4  }
0x394: {  	v37 =	vsub.f32 v37, v36;
	_ =	sdelay $0x1  }
0x395: {  	[tilespmem:v20+s13+$0x0] =	vst.idx.msk $0xffff, v37  }
0x396: {  	v37 =	vld.idx.msk [tilespmem:v21+s13+$0x0], $0xffff;
	_ =	sdelay $0x4  }
0x397: {  	v37 =	vsub.f32 v37, v36;
	_ =	sdelay $0x1  }
0x398: {  	[tilespmem:v21+s13+$0x0] =	vst.idx.msk $0xffff, v37  }
0x399: {  	v37 =	vld.idx.msk [tilespmem:v22+s13+$0x0], $0xffff;
	_ =	sdelay $0x4  }
0x39a: {  	v37 =	vsub.f32 v37, v36;
	_ =	sdelay $0x1  }
0x39b: {  	[tilespmem:v22+s13+$0x0] =	vst.idx.msk $0xffff, v37  }
0x39c: {  	v37 =	vld.idx.msk [tilespmem:v23+s13+$0x0], $0xffff;
	_ =	sdelay $0x4  }
0x39d: {  	v37 =	vsub.f32 v37, v36;
	_ =	sdelay $0x1  }
0x39e: {  	[tilespmem:v23+s13+$0x0] =	vst.idx.msk $0xffff, v37  }
0x39f: {  	v37 =	vld.idx.msk [tilespmem:v24+s13+$0x0], $0xffff;
	_ =	sdelay $0x4  }
0x3a0: {  	v37 =	vsub.f32 v37, v36;
	_ =	sdelay $0x1  }
0x3a1: {  	[tilespmem:v24+s13+$0x0] =	vst.idx.msk $0xffff, v37  }
0x3a2: {  	v37 =	vld.idx.msk [tilespmem:v25+s13+$0x0], $0xffff;
	_ =	sdelay $0x4  }
0x3a3: {  	v37 =	vsub.f32 v37, v36;
	_ =	sdelay $0x1  }
0x3a4: {  	[tilespmem:v25+s13+$0x0] =	vst.idx.msk $0xffff, v37  }
0x3a5: {  	v37 =	vld.idx.msk [tilespmem:v26+s13+$0x0], $0xffff;
	_ =	sdelay $0x4  }
0x3a6: {  	v37 =	vsub.f32 v37, v36;
	_ =	sdelay $0x1  }
0x3a7: {  	[tilespmem:v26+s13+$0x0] =	vst.idx.msk $0xffff, v37  }
0x3a8: {  	v37 =	vld.idx.msk [tilespmem:v27+s13+$0x0], $0xffff;
	_ =	sdelay $0x4  }
0x3a9: {  	v37 =	vsub.f32 v37, v36;
	_ =	sdelay $0x1  }
0x3aa: {  	[tilespmem:v27+s13+$0x0] =	vst.idx.msk $0xffff, v37  }
0x3ab: {  	v37 =	vld.idx.msk [tilespmem:v28+s13+$0x0], $0xffff;
	_ =	sdelay $0x4  }
0x3ac: {  	v37 =	vsub.f32 v37, v36;
	_ =	sdelay $0x1  }
0x3ad: {  	[tilespmem:v28+s13+$0x0] =	vst.idx.msk $0xffff, v37  }
0x3ae: {  	v37 =	vld.idx.msk [tilespmem:v29+s13+$0x0], $0xffff;
	_ =	sdelay $0x4  }
0x3af: {  	v37 =	vsub.f32 v37, v36;
	_ =	sdelay $0x1  }
0x3b0: {  	[tilespmem:v29+s13+$0x0] =	vst.idx.msk $0xffff, v37  }
0x3b1: {  	v37 =	vld.idx.msk [tilespmem:v30+s13+$0x0], $0xffff;
	_ =	sdelay $0x4  }
0x3b2: {  	v37 =	vsub.f32 v37, v36;
	_ =	sdelay $0x1  }
0x3b3: {  	[tilespmem:v30+s13+$0x0] =	vst.idx.msk $0xffff, v37  }
0x3b4: {  	v37 =	vld.idx.msk [tilespmem:v31+s13+$0x0], $0xffff;
	_ =	sdelay $0x4  }
0x3b5: {  	v37 =	vsub.f32 v37, v36;
	_ =	sdelay $0x1  }
0x3b6: {  	[tilespmem:v31+s13+$0x0] =	vst.idx.msk $0xffff, v37  }
0x3b7: {  	v37 =	vld.idx.msk [tilespmem:v32+s13+$0x0], $0xffff;
	_ =	sdelay $0x4  }
0x3b8: {  	v37 =	vsub.f32 v37, v36;
	_ =	sdelay $0x1  }
0x3b9: {  	[tilespmem:v32+s13+$0x0] =	vst.idx.msk $0xffff, v37  }
0x3ba: {  	v37 =	vld.idx.msk [tilespmem:v33+s13+$0x0], $0xffff;
	_ =	sdelay $0x4  }
0x3bb: {  	v37 =	vsub.f32 v37, v36;
	_ =	sdelay $0x1  }
0x3bc: {  	[tilespmem:v33+s13+$0x0] =	vst.idx.msk $0xffff, v37  }
0x3bd: {  	v37 =	vld.idx.msk [tilespmem:v34+s13+$0x0], $0xffff;
	_ =	sdelay $0x4  }
0x3be: {  	v36 =	vsub.f32 v37, v36;
	_ =	sdelay $0x1  }
0x3bf: {  	s19 =	simm.s32 $0x5;
	s18 =	rddreg [dreg:$0xe];
	[tilespmem:v34+s13+$0x0] =	vst.idx.msk $0xffff, v36  }
0x3c0: {  	[hbm4b:s18+s2] =	stream.linear.scatter [tilespmem:s13], [sflag:$0x8], $0x600, $0x38;
	[tilespmem:$0x9AC0] =	vst v63  }
0x3c1: {  	_ =	swait.ge [sflag:s19], $0x600  }
0x3c2: {  	[sflag:s19] =	ssyncset.done $0x0  }
0x3c3: {  	s20 =	simm.s32 $0x6;
	[sflag:s19] =	ssyncadd.s32 $0xFFFFFA00  }
0x3c4: {  	_ =	swait.ge [sflag:s20], $0x600  }
0x3c5: {  	[sflag:s20] =	ssyncset.done $0x0  }
0x3c6: {  	s21 =	simm.s32 $0x7;
	[sflag:s20] =	ssyncadd.s32 $0xFFFFFA00  }
0x3c7: {  	_ =	swait.ge [sflag:s21], $0x600  }
0x3c8: {  	[sflag:s21] =	ssyncset.done $0x0  }
0x3c9: {  	s9 =	simm.s32 $0x8;
	[sflag:s21] =	ssyncadd.s32 $0xFFFFFA00  }
0x3ca: {  	_ =	swait.ge [sflag:s9], $0x600  }
0x3cb: {  	s11 =	rddreg [dreg:$0x10]  }
0x3cc: {  	s23 =	rddreg [dreg:$0xf];
	s11 =	sadd.s32 $0x1, s11  }
0x3cd: {  	p0 =	sne.s32 s11, s23  }
.Ltmp7:
0x3ce: {  	_ = 	snop;
	(pc) =	sbr.rel @p0 .LBB2_1-.Ltmp7, $3  }
0x3cf: {  	_ =	sdelay $0x1  }
0x3d0: {  	[sflag:s9] =	ssyncset.done $0x0  }
0x3d1: {  	[sflag:s9] =	ssyncadd.s32 $0xFFFFFA00  }
0x3d2: {  	_ =	sfence.sel $0x180000  }
0x3d3: {  	[bflag:$0x0] =	sbarrier.arrive $0xFFFF  }
0x3d4: {  	_ =	strace $0x90000047  }
0x3d5: {  	s0 =	stileid.u32;
	[bflag:$0x2] =	sbarrier.arrive $0xFFFF  }
0x3d6: {  	p0 =	sne.s32 s0, $0x0;
	s0 =	rddreg [dreg:$0x2]  }
0x3d7: {  	s0 =	sadd.s32 @!p0 $0x100000, s0  }
0x3d8: {  	[sflag:s0] =	ssyncadd.tile.s32 @!p0 $0x1;
	_ =	shalt  }
.Lfunc_end2:
_tile_overlayer_lowered:
.L_overlay_start_2:
0x3d9: {  	(tag) =	ssettag $0x2  }
0x3da: {  	s0 =	rddreg [dreg:$0x0];
	s2 =	stileid.u32  }
0x3db: {  	s1 =	rddreg [dreg:$0x1];
	p0 =	sne.s32 s2, $0x0  }
0x3dc: {  	s3 =	rddreg [dreg:$0x2];
	[bflag:$0x3] =	sbarrier.arrive $0xFFFF;
	s2 =	simm.s32 @!p0 $0x1C09  }
0x3dd: {  	[timem:s3], [sflag:s2] =	dma.local @!p0 [hbm:s0], s1  }
0x3de: {  	s0 =	simm.s32 @!p0 $0x9  }
0x3df: {  	_ =	swait.ge @!p0 [sflag:s0], s1  }
0x3e0: {  	s1 =	ssub.s32 @!p0 $0x0, s1;
	[sflag:s0] =	ssyncset.done @!p0 $0x0  }
0x3e1: {  	[sflag:s0] =	ssyncadd.s32 @!p0 s1  }
0x3e2: {  	[bflag:$0x3] =	sbarrier.arrive $0xFFFF  }
0x3e3: {  	_ =	shalt  }

</sc_bundles>
